<compile_context>
chip_gen: v7x
topology: tpu7x:2x2x1
jax: 0.10.2.dev20260603
libtpu: 0.0.44.dev20260713+nightly
codegen_flags: <defaults>
</compile_context>

<pallas_src>
import functools

import numpy as np
import jax
import jax.numpy as jnp
from jax import lax
from jax.experimental import pallas as pl
from jax.experimental.pallas import tpu as pltpu
from jax.experimental.pallas import tpu_sc as plsc

RADIUS_SQ = np.float32(0.2 * 0.2)
NSAMPLE = 32
NC, NS, L = 2, 16, 16


def _build(B, N, NP, C):
    assert B == 2 * NC
    MPW = NP // 8
    CPW = C // 8
    MCH = 128
    NV = N // L
    CO = 3 + C
    VPC = 16

    mesh = plsc.VectorSubcoreMesh(
        core_axis_name="c", subcore_axis_name="s",
        num_cores=NC, num_subcores=NS)

    @functools.partial(
        pl.kernel,
        out_type=jax.ShapeDtypeStruct((B * (3 + C) * NP * NSAMPLE,),
                                      jnp.float32),
        mesh=mesh,
        compiler_params=pltpu.CompilerParams(use_tc_tiling_on_sc=False,
                                             needs_layout_passes=False),
        scratch_types=dict(
            x_v=pltpu.VMEM((N,), jnp.float32),
            y_v=pltpu.VMEM((N,), jnp.float32),
            z_v=pltpu.VMEM((N,), jnp.float32),
            xb_v=pltpu.VMEM((N,), jnp.bfloat16),
            yb_v=pltpu.VMEM((N,), jnp.bfloat16),
            zb_v=pltpu.VMEM((N,), jnp.bfloat16),
            pp_v=pltpu.VMEM((N,), jnp.float32),
            cen_v=pltpu.VMEM((3, MPW + L), jnp.float32),
            qq_v=pltpu.VMEM((MPW + L,), jnp.float32),
            cand_v=pltpu.VMEM((NSAMPLE + VPC * L + L,), jnp.int32),
            idx_v=pltpu.VMEM((MPW * NSAMPLE,), jnp.int32),
            ox_v=pltpu.VMEM((3, MPW * NSAMPLE), jnp.float32),
            idxb_v=pltpu.VMEM((NP * NSAMPLE,), jnp.int32),
            row_v=pltpu.VMEM((N,), jnp.float32),
            row2_v=pltpu.VMEM((N,), jnp.float32),
            ob_v=pltpu.VMEM((MCH * NSAMPLE,), jnp.float32),
            ob2_v=pltpu.VMEM((MCH * NSAMPLE,), jnp.float32),
            sh_idx=pltpu.VMEM_SHARED((2, NP * NSAMPLE), jnp.int32),
            sem_in=pltpu.SemaphoreType.DMA,
            sem_r=pltpu.SemaphoreType.DMA,
            sem_o1=pltpu.SemaphoreType.DMA,
            sem_o2=pltpu.SemaphoreType.DMA,
            sem_ox=pltpu.SemaphoreType.DMA,
        ),
    )
    def qag(xyz_hbm, new_hbm, pp_hbm, qq_hbm, feat_hbm, out_hbm, *,
            x_v, y_v, z_v, xb_v, yb_v, zb_v, pp_v, cen_v, qq_v, cand_v,
            idx_v, ox_v, idxb_v, row_v, row2_v, ob_v, ob2_v, sh_idx,
            sem_in, sem_r, sem_o1, sem_o2, sem_ox):
        cid = lax.axis_index("c")
        sid = lax.axis_index("s")
        bslot = sid // 8
        b = cid * 2 + bslot
        m0 = (sid % 8) * MPW
        c0 = (sid % 8) * CPW

        din = [
            pltpu.async_copy(xyz_hbm.at[pl.ds((b * 3 + 0) * N, N)], x_v,
                             sem_in),
            pltpu.async_copy(xyz_hbm.at[pl.ds((b * 3 + 1) * N, N)], y_v,
                             sem_in),
            pltpu.async_copy(xyz_hbm.at[pl.ds((b * 3 + 2) * N, N)], z_v,
                             sem_in),
            pltpu.async_copy(pp_hbm.at[pl.ds(b * N, N)], pp_v, sem_in),
            pltpu.async_copy(qq_hbm.at[pl.ds(b * NP + m0, MPW)],
                             qq_v.at[pl.ds(0, MPW)], sem_in),
        ]
        for d in range(3):
            din.append(pltpu.async_copy(
                new_hbm.at[pl.ds((b * 3 + d) * NP + m0, MPW)],
                cen_v.at[d, pl.ds(0, MPW)], sem_in))
        pltpu.async_copy(feat_hbm.at[pl.ds((b * C + c0) * N, N)], row_v,
                         sem_r)
        for dsc in din:
            dsc.wait()

        iota = lax.iota(jnp.int32, L)
        zeros16 = jnp.zeros((L,), jnp.int32)

        def _bf16r(v):
            t = plsc.bitcast(v, jnp.int32)
            r = (t + jnp.int32(0x7FFF) + ((t >> 16) & 1)) & jnp.int32(-65536)
            return plsc.bitcast(r, jnp.float32)

        def pre_round(v, carry):
            off = v * (2 * L)
            for src_v, dst_v in ((x_v, xb_v), (y_v, yb_v), (z_v, zb_v)):
                a0 = _bf16r(src_v[pl.ds(off, L)])
                a1 = _bf16r(src_v[pl.ds(off + L, L)])
                dst_v[pl.ds(off, 2 * L)] = plsc.pack(
                    a0, a1, format=plsc.PackFormat.INTERLEAVED)
            return carry

        lax.fori_loop(0, NV // 2, pre_round, 0)

        def per_center(m, carry):
            cxv = cen_v[0, pl.ds(m, L)]
            cyv = cen_v[1, pl.ds(m, L)]
            czv = cen_v[2, pl.ds(m, L)]
            qqv = qq_v[pl.ds(m, L)]
            cxs = jnp.full((L,), cxv[0], jnp.float32)
            cys = jnp.full((L,), cyv[0], jnp.float32)
            czs = jnp.full((L,), czv[0], jnp.float32)
            cxb = _bf16r(cxs)
            cyb = _bf16r(cys)
            czb = _bf16r(czs)
            qqs = jnp.full((L,), qqv[0], jnp.float32)

            def per_chunk(q, cnt):
                def active(cnt):
                    base = q * (VPC * L)
                    for j in range(0, VPC, 2):
                        off = base + j * L
                        xs = plsc.unpack(xb_v[pl.ds(off, 2 * L)],
                                         format=plsc.PackFormat.INTERLEAVED)
                        ys = plsc.unpack(yb_v[pl.ds(off, 2 * L)],
                                         format=plsc.PackFormat.INTERLEAVED)
                        zs = plsc.unpack(zb_v[pl.ds(off, 2 * L)],
                                         format=plsc.PackFormat.INTERLEAVED)
                        for u in range(2):
                            offu = off + u * L
                            ppv = pp_v[pl.ds(offu, L)]
                            p0 = xs[u] * cxb
                            p1 = ys[u] * cyb
                            p2 = zs[u] * czb
                            dot = (p0 + p1) + p2
                            d2 = (qqs + ppv) - (dot + dot)
                            msk = d2 < RADIUS_SQ
                            plsc.store_compressed(cand_v.at[pl.ds(cnt, L)],
                                                  iota + offu, mask=msk)
                            pc = plsc.all_reduce_population_count(msk)
                            cnt = cnt + pc[0]
                    return cnt

                return lax.cond(cnt < NSAMPLE, active, lambda c: c, cnt)

            cnt = lax.fori_loop(0, NV // VPC, per_chunk, jnp.int32(0))

            c0v = cand_v[pl.ds(0, L)]
            c1v = cand_v[pl.ds(L, L)]
            first = jnp.full((L,), c0v[0], jnp.int32)
            cntv = jnp.full((L,), cnt, jnp.int32)
            nz = cntv > 0
            for h, cv in ((0, c0v), (1, c1v)):
                lane = iota + h * L
                sel = jnp.where(lane < cntv, cv, first)
                sel = jnp.where(nz, sel, zeros16)
                idx_v[pl.ds(m * NSAMPLE + h * L, L)] = sel
                ox_v[0, pl.ds(m * NSAMPLE + h * L, L)] = (
                    plsc.load_gather(x_v, [sel]) - cxs)
                ox_v[1, pl.ds(m * NSAMPLE + h * L, L)] = (
                    plsc.load_gather(y_v, [sel]) - cys)
                ox_v[2, pl.ds(m * NSAMPLE + h * L, L)] = (
                    plsc.load_gather(z_v, [sel]) - czs)
            return carry

        lax.fori_loop(0, MPW, per_center, 0)

        for d in range(3):
            pltpu.async_copy(
                ox_v.at[d],
                out_hbm.at[pl.ds(((b * CO + d) * NP + m0) * NSAMPLE,
                                 MPW * NSAMPLE)], sem_ox)
        pltpu.sync_copy(idx_v,
                        sh_idx.at[bslot, pl.ds(m0 * NSAMPLE, MPW * NSAMPLE)])
        plsc.subcore_barrier()

        pltpu.sync_copy(sh_idx.at[bslot], idxb_v)
        MU = 4
        NQ = NP // MCH
        obufs = (ob_v, ob2_v)
        osems = (sem_o1, sem_o2)

        def do_chan(ch, row):
            for q in range(NQ):
                obuf = obufs[q % 2]
                osem = osems[q % 2]
                mbase = q * MCH
                ibase = mbase * NSAMPLE
                dst = out_hbm.at[pl.ds(
                    ((b * CO + 3 + ch) * NP + mbase) * NSAMPLE,
                    MCH * NSAMPLE)]
                if q >= 2:
                    pltpu.make_async_copy(obuf, dst, osem).wait()
                else:
                    @pl.when(ch > c0)
                    def _():
                        pltpu.make_async_copy(obuf, dst, osem).wait()

                def per_m(t, carry3, obuf=obuf, ibase=ibase):
                    ob = t * MU
                    io = ibase + ob * NSAMPLE
                    for u in range(MU):
                        for h in range(2):
                            o = io + u * NSAMPLE + h * L
                            iv = idxb_v[pl.ds(o, L)]
                            obuf[pl.ds(o - ibase, L)] = plsc.load_gather(
                                row, [iv])
                    return carry3

                lax.fori_loop(0, MCH // MU, per_m, 0)
                pltpu.async_copy(obuf, dst, osem)

        def per_pair(k2, carry):
            ch0 = c0 + 2 * k2
            ch1 = ch0 + 1
            pltpu.make_async_copy(feat_hbm.at[pl.ds((b * C + ch0) * N, N)],
                                  row_v, sem_r).wait()
            pltpu.async_copy(feat_hbm.at[pl.ds((b * C + ch1) * N, N)],
                             row2_v, sem_r)
            do_chan(ch0, row_v)
            pltpu.make_async_copy(feat_hbm.at[pl.ds((b * C + ch1) * N, N)],
                                  row2_v, sem_r).wait()
            ch2 = jnp.minimum(ch0 + 2, c0 + CPW - 1)
            pltpu.async_copy(feat_hbm.at[pl.ds((b * C + ch2) * N, N)], row_v,
                             sem_r)
            do_chan(ch1, row2_v)
            return carry

        lax.fori_loop(0, CPW // 2, per_pair, 0)

        chl = c0 + CPW - 1
        pltpu.make_async_copy(feat_hbm.at[pl.ds((b * C + chl) * N, N)],
                              row_v, sem_r).wait()
        pltpu.make_async_copy(
            ob_v,
            out_hbm.at[pl.ds(((b * CO + 3 + chl) * NP + 2 * MCH) * NSAMPLE,
                             MCH * NSAMPLE)], sem_o1).wait()
        pltpu.make_async_copy(
            ob2_v,
            out_hbm.at[pl.ds(((b * CO + 3 + chl) * NP + 3 * MCH) * NSAMPLE,
                             MCH * NSAMPLE)], sem_o2).wait()
        for d in range(3):
            pltpu.make_async_copy(
                ox_v.at[d],
                out_hbm.at[pl.ds(((b * CO + d) * NP + m0) * NSAMPLE,
                                 MPW * NSAMPLE)], sem_ox).wait()

    return qag


def kernel(xyz, new_xyz, features):
    B, N, _ = xyz.shape
    NP = new_xyz.shape[1]
    C = features.shape[1]
    xyz_soa = jnp.transpose(xyz, (0, 2, 1)).reshape(-1)
    new_soa = jnp.transpose(new_xyz, (0, 2, 1)).reshape(-1)
    pp = jnp.sum(xyz * xyz, axis=-1).reshape(-1)
    qq = jnp.sum(new_xyz * new_xyz, axis=-1).reshape(-1)
    feat = features.reshape(-1)
    out = _build(B, N, NP, C)(xyz_soa, new_soa, pp, qq, feat)
    return out.reshape(B, 3 + C, NP, NSAMPLE)

# --- scband reference (transcript-rebuilt; emitter-appended) ---
"""Pipeline reference for scband-query-and-group-8461085573739 (READ-ONLY COPY).

The authoritative reference and input builder live on the scoring server;
editing this copy changes nothing except your own understanding.
"""

import jax, jax.numpy as jnp
import numpy as np

RADIUS = 0.2
NSAMPLE = 32
USE_XYZ = True


def setup_inputs(seed: int = 0) -> dict:
    key = jax.random.key(seed)
    k1, k2, k3 = jax.random.split(key, 3)
    xyz = jax.random.uniform(k1, (4, 8192, 3), dtype=jnp.float32)
    new_xyz = jax.random.uniform(k2, (4, 1024, 3), dtype=jnp.float32)
    features = jax.random.normal(k3, (4, 128, 8192), dtype=jnp.float32)
    return {"xyz": xyz, "new_xyz": new_xyz, "features": features}


def _ball_query(new_xyz, xyz, radius, nsample):
    # new_xyz: (B, npoint, 3), xyz: (B, N, 3) -> idx (B, npoint, nsample) int32
    N = xyz.shape[1]
    d2 = (jnp.sum(new_xyz * new_xyz, axis=-1, keepdims=True)
          + jnp.sum(xyz * xyz, axis=-1)[:, None, :]
          - 2.0 * jnp.einsum('bmd,bnd->bmn', new_xyz, xyz))
    mask = d2 < (radius * radius)
    cand = jnp.where(mask,
                     jnp.arange(N, dtype=jnp.int32)[None, None, :],
                     jnp.int32(N))
    # smallest `nsample` candidate indices == first nsample points inside the ball
    neg_vals, _ = jax.lax.top_k(-cand, nsample)
    sel = -neg_vals
    first = sel[..., :1]
    # pad empty slots with the first found index (PointNet++ CUDA semantics)
    sel = jnp.where(sel >= N, first, sel)
    # if the ball is completely empty, fall back to index 0
    sel = jnp.where(sel >= N, 0, sel)
    return sel.astype(jnp.int32)


def _group(features, idx):
    # features: (B, C, N), idx: (B, npoint, nsample) -> (B, C, npoint, nsample)
    return jax.vmap(lambda f, i: f[:, i])(features, idx)


def reference(xyz, new_xyz, features):
    idx = _ball_query(new_xyz, xyz, RADIUS, NSAMPLE)
    xyz_t = jnp.transpose(xyz, (0, 2, 1))
    grouped_xyz = _group(xyz_t, idx)
    grouped_xyz = grouped_xyz - jnp.transpose(new_xyz, (0, 2, 1))[..., None]
    grouped_features = _group(features, idx)
    if USE_XYZ:
        new_features = jnp.concatenate([grouped_xyz, grouped_features], axis=1)
    else:
        new_features = grouped_features
    return new_features

if __name__ == "__main__":
    import jax
    _d = setup_inputs()
    print(jax.jit(kernel)(*tuple(_d.values())))

</pallas_src>

<mosaic_0001>
#map = affine_map<(d0, d1) -> (0)>
module attributes {stable_mosaic.version = 14 : i64} {
  func.func @qag(%arg0: i32, %arg1: i32, %arg2: memref<98304xf32, #tpu.memory_space<hbm>>, %arg3: memref<12288xf32, #tpu.memory_space<hbm>>, %arg4: memref<32768xf32, #tpu.memory_space<hbm>>, %arg5: memref<4096xf32, #tpu.memory_space<hbm>>, %arg6: memref<4194304xf32, #tpu.memory_space<hbm>>, %arg7: memref<17170432xf32, #tpu.memory_space<hbm>>, %arg8: memref<304xi32, #tpu.memory_space<vmem>>, %arg9: memref<3x144xf32, #tpu.memory_space<vmem>>, %arg10: memref<4096xi32, #tpu.memory_space<vmem>>, %arg11: memref<32768xi32, #tpu.memory_space<vmem>>, %arg12: memref<4096xf32, #tpu.memory_space<vmem>>, %arg13: memref<4096xf32, #tpu.memory_space<vmem>>, %arg14: memref<3x4096xf32, #tpu.memory_space<vmem>>, %arg15: memref<8192xf32, #tpu.memory_space<vmem>>, %arg16: memref<144xf32, #tpu.memory_space<vmem>>, %arg17: memref<8192xf32, #tpu.memory_space<vmem>>, %arg18: memref<8192xf32, #tpu.memory_space<vmem>>, %arg19: memref<!tpu.dma_semaphore, #tpu.memory_space<semaphore_mem>>, %arg20: memref<!tpu.dma_semaphore, #tpu.memory_space<semaphore_mem>>, %arg21: memref<!tpu.dma_semaphore, #tpu.memory_space<semaphore_mem>>, %arg22: memref<!tpu.dma_semaphore, #tpu.memory_space<semaphore_mem>>, %arg23: memref<!tpu.dma_semaphore, #tpu.memory_space<semaphore_mem>>, %arg24: memref<2x32768xi32, #tpu.memory_space<vmem_shared>>, %arg25: memref<8192xf32, #tpu.memory_space<vmem>>, %arg26: memref<8192xbf16, #tpu.memory_space<vmem>>, %arg27: memref<8192xf32, #tpu.memory_space<vmem>>, %arg28: memref<8192xbf16, #tpu.memory_space<vmem>>, %arg29: memref<8192xf32, #tpu.memory_space<vmem>>, %arg30: memref<8192xbf16, #tpu.memory_space<vmem>>) attributes {dimension_semantics = [#tpu.dimension_semantics<core_parallel>, #tpu.dimension_semantics<subcore_parallel>], iteration_bounds = array<i64: 2, 16>, scalar_prefetch = 0 : i64, scratch_operands = 23 : i64, tpu.core_type = #tpu.core_type<sc_vector_subcore>, window_params = [{transform_indices = #map}, {transform_indices = #map}, {transform_indices = #map}, {transform_indices = #map}, {transform_indices = #map}, {transform_indices = #map}]} {
    %jit3A = arith.constant 8 : i32
    %div3A = arith.divsi %arg1, %jit3A : i32
    %sign3A = arith.constant 0 : i32
    %sign3A_0 = arith.cmpi sgt, %arg1, %sign3A : i32
    %sign3A_1 = arith.extui %sign3A_0 : i1 to i32
    %sign3A_2 = arith.constant 0 : i32
    %sign3A_3 = arith.cmpi slt, %arg1, %sign3A_2 : i32
    %sign3A_4 = arith.extui %sign3A_3 : i1 to i32
    %sign3A_5 = arith.subi %sign3A_1, %sign3A_4 : i32
    %sign3A_6 = arith.constant 0 : i32
    %sign3A_7 = arith.cmpi sgt, %jit3A, %sign3A_6 : i32
    %sign3A_8 = arith.extui %sign3A_7 : i1 to i32
    %sign3A_9 = arith.constant 0 : i32
    %sign3A_10 = arith.cmpi slt, %jit3A, %sign3A_9 : i32
    %sign3A_11 = arith.extui %sign3A_10 : i1 to i32
    %sign3A_12 = arith.subi %sign3A_8, %sign3A_11 : i32
    %ne3A = arith.cmpi ne, %sign3A_5, %sign3A_12 : i32
    %rem3A = arith.remsi %arg1, %jit3A : i32
    %ne3A_13 = arith.constant 0 : i32
    %ne3A_14 = arith.cmpi ne, %rem3A, %ne3A_13 : i32
    %and3A = arith.andi %ne3A, %ne3A_14 : i1
    %sub3A = arith.constant 1 : i32
    %sub3A_15 = arith.subi %div3A, %sub3A : i32
    %select_n3A = arith.select %and3A, %sub3A_15, %div3A : i32
    %mul3A = arith.constant 2 : i32
    %mul3A_16 = arith.muli %arg0, %mul3A : i32
    %add3A = arith.addi %mul3A_16, %select_n3A : i32
    %jit3A_17 = arith.constant 8 : i32
    %eq3A = arith.constant 0 : i32
    %eq3A_18 = arith.cmpi eq, %jit3A_17, %eq3A : i32
    %jit3A_19 = arith.constant 1 : i32
    %select_n3A_20 = arith.select %eq3A_18, %jit3A_19, %jit3A_17 : i32
    %rem3A_21 = arith.remsi %arg1, %select_n3A_20 : i32
    %ne3A_22 = arith.constant 0 : i32
    %ne3A_23 = arith.cmpi ne, %rem3A_21, %ne3A_22 : i32
    %lt3A = arith.constant 0 : i32
    %lt3A_24 = arith.cmpi slt, %rem3A_21, %lt3A : i32
    %lt3A_25 = arith.constant 0 : i32
    %lt3A_26 = arith.cmpi slt, %select_n3A_20, %lt3A_25 : i32
    %ne3A_27 = arith.xori %lt3A_24, %lt3A_26 : i1
    %and3A_28 = arith.andi %ne3A_27, %ne3A_23 : i1
    %add3A_29 = arith.addi %rem3A_21, %select_n3A_20 : i32
    %select_n3A_30 = arith.select %and3A_28, %add3A_29, %rem3A_21 : i32
    %mul3A_31 = arith.constant 128 : i32
    %mul3A_32 = arith.muli %select_n3A_30, %mul3A_31 : i32
    %jit3A_33 = arith.constant 8 : i32
    %eq3A_34 = arith.constant 0 : i32
    %eq3A_35 = arith.cmpi eq, %jit3A_33, %eq3A_34 : i32
    %jit3A_36 = arith.constant 1 : i32
    %select_n3A_37 = arith.select %eq3A_35, %jit3A_36, %jit3A_33 : i32
    %rem3A_38 = arith.remsi %arg1, %select_n3A_37 : i32
    %ne3A_39 = arith.constant 0 : i32
    %ne3A_40 = arith.cmpi ne, %rem3A_38, %ne3A_39 : i32
    %lt3A_41 = arith.constant 0 : i32
    %lt3A_42 = arith.cmpi slt, %rem3A_38, %lt3A_41 : i32
    %lt3A_43 = arith.constant 0 : i32
    %lt3A_44 = arith.cmpi slt, %select_n3A_37, %lt3A_43 : i32
    %ne3A_45 = arith.xori %lt3A_42, %lt3A_44 : i1
    %and3A_46 = arith.andi %ne3A_45, %ne3A_40 : i1
    %add3A_47 = arith.addi %rem3A_38, %select_n3A_37 : i32
    %select_n3A_48 = arith.select %and3A_46, %add3A_47, %rem3A_38 : i32
    %mul3A_49 = arith.constant 16 : i32
    %mul3A_50 = arith.muli %select_n3A_48, %mul3A_49 : i32
    %mul3A_51 = arith.constant 3 : i32
    %mul3A_52 = arith.muli %add3A, %mul3A_51 : i32
    %add3A_53 = arith.constant 0 : i32
    %add3A_54 = arith.addi %mul3A_52, %add3A_53 : i32
    %mul3A_55 = arith.constant 8192 : i32
    %mul3A_56 = arith.muli %add3A_54, %mul3A_55 : i32
    %dma_start3A = tpu.memref_slice %arg2[%mul3A_56] : memref<98304xf32, #tpu.memory_space<hbm>> -> memref<8192xf32, #tpu.memory_space<hbm>>
    %dma_start3A_57 = tpu.memref_slice %arg2[%mul3A_56] : memref<98304xf32, #tpu.memory_space<hbm>> -> memref<8192xf32, #tpu.memory_space<hbm>>
    tpu.enqueue_dma source(%dma_start3A_57 : memref<8192xf32, #tpu.memory_space<hbm>>) target(%arg25 : memref<8192xf32, #tpu.memory_space<vmem>>) target_semaphore(%arg19 : memref<!tpu.dma_semaphore, #tpu.memory_space<semaphore_mem>>)
    %mul3A_58 = arith.constant 3 : i32
    %mul3A_59 = arith.muli %add3A, %mul3A_58 : i32
    %add3A_60 = arith.constant 1 : i32
    %add3A_61 = arith.addi %mul3A_59, %add3A_60 : i32
    %mul3A_62 = arith.constant 8192 : i32
    %mul3A_63 = arith.muli %add3A_61, %mul3A_62 : i32
    %dma_start3A_64 = tpu.memref_slice %arg2[%mul3A_63] : memref<98304xf32, #tpu.memory_space<hbm>> -> memref<8192xf32, #tpu.memory_space<hbm>>
    %dma_start3A_65 = tpu.memref_slice %arg2[%mul3A_63] : memref<98304xf32, #tpu.memory_space<hbm>> -> memref<8192xf32, #tpu.memory_space<hbm>>
    tpu.enqueue_dma source(%dma_start3A_65 : memref<8192xf32, #tpu.memory_space<hbm>>) target(%arg27 : memref<8192xf32, #tpu.memory_space<vmem>>) target_semaphore(%arg19 : memref<!tpu.dma_semaphore, #tpu.memory_space<semaphore_mem>>)
    %mul3A_66 = arith.constant 3 : i32
    %mul3A_67 = arith.muli %add3A, %mul3A_66 : i32
    %add3A_68 = arith.constant 2 : i32
    %add3A_69 = arith.addi %mul3A_67, %add3A_68 : i32
    %mul3A_70 = arith.constant 8192 : i32
    %mul3A_71 = arith.muli %add3A_69, %mul3A_70 : i32
    %dma_start3A_72 = tpu.memref_slice %arg2[%mul3A_71] : memref<98304xf32, #tpu.memory_space<hbm>> -> memref<8192xf32, #tpu.memory_space<hbm>>
    %dma_start3A_73 = tpu.memref_slice %arg2[%mul3A_71] : memref<98304xf32, #tpu.memory_space<hbm>> -> memref<8192xf32, #tpu.memory_space<hbm>>
    tpu.enqueue_dma source(%dma_start3A_73 : memref<8192xf32, #tpu.memory_space<hbm>>) target(%arg29 : memref<8192xf32, #tpu.memory_space<vmem>>) target_semaphore(%arg19 : memref<!tpu.dma_semaphore, #tpu.memory_space<semaphore_mem>>)
    %mul3A_74 = arith.constant 8192 : i32
    %mul3A_75 = arith.muli %add3A, %mul3A_74 : i32
    %dma_start3A_76 = tpu.memref_slice %arg4[%mul3A_75] : memref<32768xf32, #tpu.memory_space<hbm>> -> memref<8192xf32, #tpu.memory_space<hbm>>
    %dma_start3A_77 = tpu.memref_slice %arg4[%mul3A_75] : memref<32768xf32, #tpu.memory_space<hbm>> -> memref<8192xf32, #tpu.memory_space<hbm>>
    tpu.enqueue_dma source(%dma_start3A_77 : memref<8192xf32, #tpu.memory_space<hbm>>) target(%arg15 : memref<8192xf32, #tpu.memory_space<vmem>>) target_semaphore(%arg19 : memref<!tpu.dma_semaphore, #tpu.memory_space<semaphore_mem>>)
    %mul3A_78 = arith.constant 1024 : i32
    %mul3A_79 = arith.muli %add3A, %mul3A_78 : i32
    %add3A_80 = arith.addi %mul3A_79, %mul3A_32 : i32
    %dma_start3A_81 = arith.constant 0 : i32
    %dma_start3A_82 = tpu.memref_slice %arg16[%dma_start3A_81] : memref<144xf32, #tpu.memory_space<vmem>> -> memref<128xf32, #tpu.memory_space<vmem>>
    %dma_start3A_83 = tpu.memref_slice %arg5[%add3A_80] : memref<4096xf32, #tpu.memory_space<hbm>> -> memref<128xf32, #tpu.memory_space<hbm>>
    %dma_start3A_84 = arith.constant 0 : i32
    %dma_start3A_85 = tpu.memref_slice %arg16[%dma_start3A_84] : memref<144xf32, #tpu.memory_space<vmem>> -> memref<128xf32, #tpu.memory_space<vmem>>
    %dma_start3A_86 = tpu.memref_slice %arg5[%add3A_80] : memref<4096xf32, #tpu.memory_space<hbm>> -> memref<128xf32, #tpu.memory_space<hbm>>
    tpu.enqueue_dma source(%dma_start3A_86 : memref<128xf32, #tpu.memory_space<hbm>>) target(%dma_start3A_85 : memref<128xf32, #tpu.memory_space<vmem>>) target_semaphore(%arg19 : memref<!tpu.dma_semaphore, #tpu.memory_space<semaphore_mem>>)
    %mul3A_87 = arith.constant 3 : i32
    %mul3A_88 = arith.muli %add3A, %mul3A_87 : i32
    %add3A_89 = arith.constant 0 : i32
    %add3A_90 = arith.addi %mul3A_88, %add3A_89 : i32
    %mul3A_91 = arith.constant 1024 : i32
    %mul3A_92 = arith.muli %add3A_90, %mul3A_91 : i32
    %add3A_93 = arith.addi %mul3A_92, %mul3A_32 : i32
    %dma_start3A_94 = arith.constant 0 : i32
    %dma_start3A_95 = arith.constant 0 : i32
    %dma_start3A_96 = tpu.memref_slice %arg9[%dma_start3A_94, %dma_start3A_95] : memref<3x144xf32, #tpu.memory_space<vmem>> -> memref<1x128xf32, #tpu.memory_space<vmem>>
    %dma_start3A_97 = tpu.memref_squeeze %dma_start3A_96 : memref<1x128xf32, #tpu.memory_space<vmem>> -> memref<128xf32, #tpu.memory_space<vmem>>
    %dma_start3A_98 = tpu.memref_slice %arg3[%add3A_93] : memref<12288xf32, #tpu.memory_space<hbm>> -> memref<128xf32, #tpu.memory_space<hbm>>
    %dma_start3A_99 = arith.constant 0 : i32
    %dma_start3A_100 = tpu.memref_slice %arg9[%dma_start3A_94, %dma_start3A_99] : memref<3x144xf32, #tpu.memory_space<vmem>> -> memref<1x128xf32, #tpu.memory_space<vmem>>
    %dma_start3A_101 = tpu.memref_squeeze %dma_start3A_100 : memref<1x128xf32, #tpu.memory_space<vmem>> -> memref<128xf32, #tpu.memory_space<vmem>>
    %dma_start3A_102 = tpu.memref_slice %arg3[%add3A_93] : memref<12288xf32, #tpu.memory_space<hbm>> -> memref<128xf32, #tpu.memory_space<hbm>>
    tpu.enqueue_dma source(%dma_start3A_102 : memref<128xf32, #tpu.memory_space<hbm>>) target(%dma_start3A_101 : memref<128xf32, #tpu.memory_space<vmem>>) target_semaphore(%arg19 : memref<!tpu.dma_semaphore, #tpu.memory_space<semaphore_mem>>)
    %mul3A_103 = arith.constant 3 : i32
    %mul3A_104 = arith.muli %add3A, %mul3A_103 : i32
    %add3A_105 = arith.constant 1 : i32
    %add3A_106 = arith.addi %mul3A_104, %add3A_105 : i32
    %mul3A_107 = arith.constant 1024 : i32
    %mul3A_108 = arith.muli %add3A_106, %mul3A_107 : i32
    %add3A_109 = arith.addi %mul3A_108, %mul3A_32 : i32
    %dma_start3A_110 = arith.constant 1 : i32
    %dma_start3A_111 = arith.constant 0 : i32
    %dma_start3A_112 = tpu.memref_slice %arg9[%dma_start3A_110, %dma_start3A_111] : memref<3x144xf32, #tpu.memory_space<vmem>> -> memref<1x128xf32, #tpu.memory_space<vmem>>
    %dma_start3A_113 = tpu.memref_squeeze %dma_start3A_112 : memref<1x128xf32, #tpu.memory_space<vmem>> -> memref<128xf32, #tpu.memory_space<vmem>>
    %dma_start3A_114 = tpu.memref_slice %arg3[%add3A_109] : memref<12288xf32, #tpu.memory_space<hbm>> -> memref<128xf32, #tpu.memory_space<hbm>>
    %dma_start3A_115 = arith.constant 0 : i32
    %dma_start3A_116 = tpu.memref_slice %arg9[%dma_start3A_110, %dma_start3A_115] : memref<3x144xf32, #tpu.memory_space<vmem>> -> memref<1x128xf32, #tpu.memory_space<vmem>>
    %dma_start3A_117 = tpu.memref_squeeze %dma_start3A_116 : memref<1x128xf32, #tpu.memory_space<vmem>> -> memref<128xf32, #tpu.memory_space<vmem>>
    %dma_start3A_118 = tpu.memref_slice %arg3[%add3A_109] : memref<12288xf32, #tpu.memory_space<hbm>> -> memref<128xf32, #tpu.memory_space<hbm>>
    tpu.enqueue_dma source(%dma_start3A_118 : memref<128xf32, #tpu.memory_space<hbm>>) target(%dma_start3A_117 : memref<128xf32, #tpu.memory_space<vmem>>) target_semaphore(%arg19 : memref<!tpu.dma_semaphore, #tpu.memory_space<semaphore_mem>>)
    %mul3A_119 = arith.constant 3 : i32
    %mul3A_120 = arith.muli %add3A, %mul3A_119 : i32
    %add3A_121 = arith.constant 2 : i32
    %add3A_122 = arith.addi %mul3A_120, %add3A_121 : i32
    %mul3A_123 = arith.constant 1024 : i32
    %mul3A_124 = arith.muli %add3A_122, %mul3A_123 : i32
    %add3A_125 = arith.addi %mul3A_124, %mul3A_32 : i32
    %dma_start3A_126 = arith.constant 2 : i32
    %dma_start3A_127 = arith.constant 0 : i32
    %dma_start3A_128 = tpu.memref_slice %arg9[%dma_start3A_126, %dma_start3A_127] : memref<3x144xf32, #tpu.memory_space<vmem>> -> memref<1x128xf32, #tpu.memory_space<vmem>>
    %dma_start3A_129 = tpu.memref_squeeze %dma_start3A_128 : memref<1x128xf32, #tpu.memory_space<vmem>> -> memref<128xf32, #tpu.memory_space<vmem>>
    %dma_start3A_130 = tpu.memref_slice %arg3[%add3A_125] : memref<12288xf32, #tpu.memory_space<hbm>> -> memref<128xf32, #tpu.memory_space<hbm>>
    %dma_start3A_131 = arith.constant 0 : i32
    %dma_start3A_132 = tpu.memref_slice %arg9[%dma_start3A_126, %dma_start3A_131] : memref<3x144xf32, #tpu.memory_space<vmem>> -> memref<1x128xf32, #tpu.memory_space<vmem>>
    %dma_start3A_133 = tpu.memref_squeeze %dma_start3A_132 : memref<1x128xf32, #tpu.memory_space<vmem>> -> memref<128xf32, #tpu.memory_space<vmem>>
    %dma_start3A_134 = tpu.memref_slice %arg3[%add3A_125] : memref<12288xf32, #tpu.memory_space<hbm>> -> memref<128xf32, #tpu.memory_space<hbm>>
    tpu.enqueue_dma source(%dma_start3A_134 : memref<128xf32, #tpu.memory_space<hbm>>) target(%dma_start3A_133 : memref<128xf32, #tpu.memory_space<vmem>>) target_semaphore(%arg19 : memref<!tpu.dma_semaphore, #tpu.memory_space<semaphore_mem>>)
    %mul3A_135 = arith.constant 128 : i32
    %mul3A_136 = arith.muli %add3A, %mul3A_135 : i32
    %add3A_137 = arith.addi %mul3A_136, %mul3A_50 : i32
    %mul3A_138 = arith.constant 8192 : i32
    %mul3A_139 = arith.muli %add3A_137, %mul3A_138 : i32
    %dma_start3A_140 = tpu.memref_slice %arg6[%mul3A_139] : memref<4194304xf32, #tpu.memory_space<hbm>> -> memref<8192xf32, #tpu.memory_space<hbm>>
    %dma_start3A_141 = tpu.memref_slice %arg6[%mul3A_139] : memref<4194304xf32, #tpu.memory_space<hbm>> -> memref<8192xf32, #tpu.memory_space<hbm>>
    tpu.enqueue_dma source(%dma_start3A_141 : memref<8192xf32, #tpu.memory_space<hbm>>) target(%arg18 : memref<8192xf32, #tpu.memory_space<vmem>>) target_semaphore(%arg23 : memref<!tpu.dma_semaphore, #tpu.memory_space<semaphore_mem>>)
    %dma_wait3A = tpu.memref_slice %arg2[%mul3A_56] : memref<98304xf32, #tpu.memory_space<hbm>> -> memref<8192xf32, #tpu.memory_space<hbm>>
    %dma_wait3A_142 = tpu.memref_slice %arg2[%mul3A_56] : memref<98304xf32, #tpu.memory_space<hbm>> -> memref<8192xf32, #tpu.memory_space<hbm>>
    tpu.wait_dma2 semaphore(%arg19 : memref<!tpu.dma_semaphore, #tpu.memory_space<semaphore_mem>>) src(%dma_wait3A_142 : memref<8192xf32, #tpu.memory_space<hbm>>) dst(%arg25 : memref<8192xf32, #tpu.memory_space<vmem>>)
    %dma_wait3A_143 = tpu.memref_slice %arg2[%mul3A_63] : memref<98304xf32, #tpu.memory_space<hbm>> -> memref<8192xf32, #tpu.memory_space<hbm>>
    %dma_wait3A_144 = tpu.memref_slice %arg2[%mul3A_63] : memref<98304xf32, #tpu.memory_space<hbm>> -> memref<8192xf32, #tpu.memory_space<hbm>>
    tpu.wait_dma2 semaphore(%arg19 : memref<!tpu.dma_semaphore, #tpu.memory_space<semaphore_mem>>) src(%dma_wait3A_144 : memref<8192xf32, #tpu.memory_space<hbm>>) dst(%arg27 : memref<8192xf32, #tpu.memory_space<vmem>>)
    %dma_wait3A_145 = tpu.memref_slice %arg2[%mul3A_71] : memref<98304xf32, #tpu.memory_space<hbm>> -> memref<8192xf32, #tpu.memory_space<hbm>>
    %dma_wait3A_146 = tpu.memref_slice %arg2[%mul3A_71] : memref<98304xf32, #tpu.memory_space<hbm>> -> memref<8192xf32, #tpu.memory_space<hbm>>
    tpu.wait_dma2 semaphore(%arg19 : memref<!tpu.dma_semaphore, #tpu.memory_space<semaphore_mem>>) src(%dma_wait3A_146 : memref<8192xf32, #tpu.memory_space<hbm>>) dst(%arg29 : memref<8192xf32, #tpu.memory_space<vmem>>)
    %dma_wait3A_147 = tpu.memref_slice %arg4[%mul3A_75] : memref<32768xf32, #tpu.memory_space<hbm>> -> memref<8192xf32, #tpu.memory_space<hbm>>
    %dma_wait3A_148 = tpu.memref_slice %arg4[%mul3A_75] : memref<32768xf32, #tpu.memory_space<hbm>> -> memref<8192xf32, #tpu.memory_space<hbm>>
    tpu.wait_dma2 semaphore(%arg19 : memref<!tpu.dma_semaphore, #tpu.memory_space<semaphore_mem>>) src(%dma_wait3A_148 : memref<8192xf32, #tpu.memory_space<hbm>>) dst(%arg15 : memref<8192xf32, #tpu.memory_space<vmem>>)
    %dma_wait3A_149 = arith.constant 0 : i32
    %dma_wait3A_150 = tpu.memref_slice %arg16[%dma_wait3A_149] : memref<144xf32, #tpu.memory_space<vmem>> -> memref<128xf32, #tpu.memory_space<vmem>>
    %dma_wait3A_151 = tpu.memref_slice %arg5[%add3A_80] : memref<4096xf32, #tpu.memory_space<hbm>> -> memref<128xf32, #tpu.memory_space<hbm>>
    %dma_wait3A_152 = arith.constant 0 : i32
    %dma_wait3A_153 = tpu.memref_slice %arg16[%dma_wait3A_152] : memref<144xf32, #tpu.memory_space<vmem>> -> memref<128xf32, #tpu.memory_space<vmem>>
    %dma_wait3A_154 = tpu.memref_slice %arg5[%add3A_80] : memref<4096xf32, #tpu.memory_space<hbm>> -> memref<128xf32, #tpu.memory_space<hbm>>
    tpu.wait_dma2 semaphore(%arg19 : memref<!tpu.dma_semaphore, #tpu.memory_space<semaphore_mem>>) src(%dma_wait3A_154 : memref<128xf32, #tpu.memory_space<hbm>>) dst(%dma_wait3A_153 : memref<128xf32, #tpu.memory_space<vmem>>)
    %dma_wait3A_155 = arith.constant 0 : i32
    %dma_wait3A_156 = arith.constant 0 : i32
    %dma_wait3A_157 = tpu.memref_slice %arg9[%dma_wait3A_155, %dma_wait3A_156] : memref<3x144xf32, #tpu.memory_space<vmem>> -> memref<1x128xf32, #tpu.memory_space<vmem>>
    %dma_wait3A_158 = tpu.memref_squeeze %dma_wait3A_157 : memref<1x128xf32, #tpu.memory_space<vmem>> -> memref<128xf32, #tpu.memory_space<vmem>>
    %dma_wait3A_159 = tpu.memref_slice %arg3[%add3A_93] : memref<12288xf32, #tpu.memory_space<hbm>> -> memref<128xf32, #tpu.memory_space<hbm>>
    %dma_wait3A_160 = arith.constant 0 : i32
    %dma_wait3A_161 = tpu.memref_slice %arg9[%dma_wait3A_155, %dma_wait3A_160] : memref<3x144xf32, #tpu.memory_space<vmem>> -> memref<1x128xf32, #tpu.memory_space<vmem>>
    %dma_wait3A_162 = tpu.memref_squeeze %dma_wait3A_161 : memref<1x128xf32, #tpu.memory_space<vmem>> -> memref<128xf32, #tpu.memory_space<vmem>>
    %dma_wait3A_163 = tpu.memref_slice %arg3[%add3A_93] : memref<12288xf32, #tpu.memory_space<hbm>> -> memref<128xf32, #tpu.memory_space<hbm>>
    tpu.wait_dma2 semaphore(%arg19 : memref<!tpu.dma_semaphore, #tpu.memory_space<semaphore_mem>>) src(%dma_wait3A_163 : memref<128xf32, #tpu.memory_space<hbm>>) dst(%dma_wait3A_162 : memref<128xf32, #tpu.memory_space<vmem>>)
    %dma_wait3A_164 = arith.constant 1 : i32
    %dma_wait3A_165 = arith.constant 0 : i32
    %dma_wait3A_166 = tpu.memref_slice %arg9[%dma_wait3A_164, %dma_wait3A_165] : memref<3x144xf32, #tpu.memory_space<vmem>> -> memref<1x128xf32, #tpu.memory_space<vmem>>
    %dma_wait3A_167 = tpu.memref_squeeze %dma_wait3A_166 : memref<1x128xf32, #tpu.memory_space<vmem>> -> memref<128xf32, #tpu.memory_space<vmem>>
    %dma_wait3A_168 = tpu.memref_slice %arg3[%add3A_109] : memref<12288xf32, #tpu.memory_space<hbm>> -> memref<128xf32, #tpu.memory_space<hbm>>
    %dma_wait3A_169 = arith.constant 0 : i32
    %dma_wait3A_170 = tpu.memref_slice %arg9[%dma_wait3A_164, %dma_wait3A_169] : memref<3x144xf32, #tpu.memory_space<vmem>> -> memref<1x128xf32, #tpu.memory_space<vmem>>
    %dma_wait3A_171 = tpu.memref_squeeze %dma_wait3A_170 : memref<1x128xf32, #tpu.memory_space<vmem>> -> memref<128xf32, #tpu.memory_space<vmem>>
    %dma_wait3A_172 = tpu.memref_slice %arg3[%add3A_109] : memref<12288xf32, #tpu.memory_space<hbm>> -> memref<128xf32, #tpu.memory_space<hbm>>
    tpu.wait_dma2 semaphore(%arg19 : memref<!tpu.dma_semaphore, #tpu.memory_space<semaphore_mem>>) src(%dma_wait3A_172 : memref<128xf32, #tpu.memory_space<hbm>>) dst(%dma_wait3A_171 : memref<128xf32, #tpu.memory_space<vmem>>)
    %dma_wait3A_173 = arith.constant 2 : i32
    %dma_wait3A_174 = arith.constant 0 : i32
    %dma_wait3A_175 = tpu.memref_slice %arg9[%dma_wait3A_173, %dma_wait3A_174] : memref<3x144xf32, #tpu.memory_space<vmem>> -> memref<1x128xf32, #tpu.memory_space<vmem>>
    %dma_wait3A_176 = tpu.memref_squeeze %dma_wait3A_175 : memref<1x128xf32, #tpu.memory_space<vmem>> -> memref<128xf32, #tpu.memory_space<vmem>>
    %dma_wait3A_177 = tpu.memref_slice %arg3[%add3A_125] : memref<12288xf32, #tpu.memory_space<hbm>> -> memref<128xf32, #tpu.memory_space<hbm>>
    %dma_wait3A_178 = arith.constant 0 : i32
    %dma_wait3A_179 = tpu.memref_slice %arg9[%dma_wait3A_173, %dma_wait3A_178] : memref<3x144xf32, #tpu.memory_space<vmem>> -> memref<1x128xf32, #tpu.memory_space<vmem>>
    %dma_wait3A_180 = tpu.memref_squeeze %dma_wait3A_179 : memref<1x128xf32, #tpu.memory_space<vmem>> -> memref<128xf32, #tpu.memory_space<vmem>>
    %dma_wait3A_181 = tpu.memref_slice %arg3[%add3A_125] : memref<12288xf32, #tpu.memory_space<hbm>> -> memref<128xf32, #tpu.memory_space<hbm>>
    tpu.wait_dma2 semaphore(%arg19 : memref<!tpu.dma_semaphore, #tpu.memory_space<semaphore_mem>>) src(%dma_wait3A_181 : memref<128xf32, #tpu.memory_space<hbm>>) dst(%dma_wait3A_180 : memref<128xf32, #tpu.memory_space<vmem>>)
    %iota3A = tpu.iota {dimensions = array<i32: 0>} : vector<16xi32>
    %broadcast_in_dim3A = arith.constant 0 : i32
    %broadcast_in_dim3A_182 = vector.broadcast %broadcast_in_dim3A : i32 to vector<16xi32>
    %scan3A = arith.constant 0 : i32
    %scan3A_183 = arith.constant 0 : i32
    %scan3A_184 = arith.constant 256 : i32
    %scan3A_185 = arith.addi %scan3A_183, %scan3A_184 : i32
    %scan3A_186 = arith.constant 1 : i32
    scf.for %scan3A_347 = %scan3A_183 to %scan3A_185 step %scan3A_186  : i32 {
      %mul3A_348 = arith.constant 32 : i32
      %mul3A_349 = arith.muli %scan3A_347, %mul3A_348 : i32
      %get3A = arith.index_cast %mul3A_349 : i32 to index
      %get3A_350 = tpu.vector_load %arg25[%get3A] {strides = array<i32>} : memref<8192xf32, #tpu.memory_space<vmem>>, vector<16xf32>,
      %bitcast3A = vector.bitcast %get3A_350 : vector<16xf32> to vector<16xi32>
      %add3A_351 = arith.constant 32767 : i32
      %add3A_352 = vector.broadcast %add3A_351 : i32 to vector<16xi32>
      %add3A_353 = arith.addi %bitcast3A, %add3A_352 : vector<16xi32>
      %shift_right_arithmetic3A = arith.constant 16 : i32
      %shift_right_arithmetic3A_354 = vector.broadcast %shift_right_arithmetic3A : i32 to vector<16xi32>
      %shift_right_arithmetic3A_355 = arith.shrsi %bitcast3A, %shift_right_arithmetic3A_354 : vector<16xi32>
      %and3A_356 = arith.constant 1 : i32
      %and3A_357 = vector.broadcast %and3A_356 : i32 to vector<16xi32>
      %and3A_358 = arith.andi %shift_right_arithmetic3A_355, %and3A_357 : vector<16xi32>
      %add3A_359 = arith.addi %add3A_353, %and3A_358 : vector<16xi32>
      %and3A_360 = arith.constant -65536 : i32
      %and3A_361 = vector.broadcast %and3A_360 : i32 to vector<16xi32>
      %and3A_362 = arith.andi %add3A_359, %and3A_361 : vector<16xi32>
      %bitcast3A_363 = vector.bitcast %and3A_362 : vector<16xi32> to vector<16xf32>
      %add3A_364 = arith.constant 16 : i32
      %add3A_365 = arith.addi %mul3A_349, %add3A_364 : i32
      %get3A_366 = arith.index_cast %add3A_365 : i32 to index
      %get3A_367 = tpu.vector_load %arg25[%get3A_366] {strides = array<i32>} : memref<8192xf32, #tpu.memory_space<vmem>>, vector<16xf32>,
      %bitcast3A_368 = vector.bitcast %get3A_367 : vector<16xf32> to vector<16xi32>
      %add3A_369 = arith.constant 32767 : i32
      %add3A_370 = vector.broadcast %add3A_369 : i32 to vector<16xi32>
      %add3A_371 = arith.addi %bitcast3A_368, %add3A_370 : vector<16xi32>
      %shift_right_arithmetic3A_372 = arith.constant 16 : i32
      %shift_right_arithmetic3A_373 = vector.broadcast %shift_right_arithmetic3A_372 : i32 to vector<16xi32>
      %shift_right_arithmetic3A_374 = arith.shrsi %bitcast3A_368, %shift_right_arithmetic3A_373 : vector<16xi32>
      %and3A_375 = arith.constant 1 : i32
      %and3A_376 = vector.broadcast %and3A_375 : i32 to vector<16xi32>
      %and3A_377 = arith.andi %shift_right_arithmetic3A_374, %and3A_376 : vector<16xi32>
      %add3A_378 = arith.addi %add3A_371, %and3A_377 : vector<16xi32>
      %and3A_379 = arith.constant -65536 : i32
      %and3A_380 = vector.broadcast %and3A_379 : i32 to vector<16xi32>
      %and3A_381 = arith.andi %add3A_378, %and3A_380 : vector<16xi32>
      %bitcast3A_382 = vector.bitcast %and3A_381 : vector<16xi32> to vector<16xf32>
      %pack3A = tpu.pack_subelements %bitcast3A_363, %bitcast3A_382 {pack_format = #tpu.pack_format<interleaved>, positions = array<i32: 0, 1>} : vector<16xf32>, vector<16xf32> -> vector<32xbf16>
      %swap3A = arith.index_cast %mul3A_349 : i32 to index
      %swap3A_383 = tpu.vector_load %arg26[%swap3A] {strides = array<i32>} : memref<8192xbf16, #tpu.memory_space<vmem>>, vector<32xbf16>,
      tpu.vector_store %arg26[%swap3A], %pack3A {strides = array<i32>} : memref<8192xbf16, #tpu.memory_space<vmem>>, vector<32xbf16>,
      %get3A_384 = arith.index_cast %mul3A_349 : i32 to index
      %get3A_385 = tpu.vector_load %arg27[%get3A_384] {strides = array<i32>} : memref<8192xf32, #tpu.memory_space<vmem>>, vector<16xf32>,
      %bitcast3A_386 = vector.bitcast %get3A_385 : vector<16xf32> to vector<16xi32>
      %add3A_387 = arith.constant 32767 : i32
      %add3A_388 = vector.broadcast %add3A_387 : i32 to vector<16xi32>
      %add3A_389 = arith.addi %bitcast3A_386, %add3A_388 : vector<16xi32>
      %shift_right_arithmetic3A_390 = arith.constant 16 : i32
      %shift_right_arithmetic3A_391 = vector.broadcast %shift_right_arithmetic3A_390 : i32 to vector<16xi32>
      %shift_right_arithmetic3A_392 = arith.shrsi %bitcast3A_386, %shift_right_arithmetic3A_391 : vector<16xi32>
      %and3A_393 = arith.constant 1 : i32
      %and3A_394 = vector.broadcast %and3A_393 : i32 to vector<16xi32>
      %and3A_395 = arith.andi %shift_right_arithmetic3A_392, %and3A_394 : vector<16xi32>
      %add3A_396 = arith.addi %add3A_389, %and3A_395 : vector<16xi32>
      %and3A_397 = arith.constant -65536 : i32
      %and3A_398 = vector.broadcast %and3A_397 : i32 to vector<16xi32>
      %and3A_399 = arith.andi %add3A_396, %and3A_398 : vector<16xi32>
      %bitcast3A_400 = vector.bitcast %and3A_399 : vector<16xi32> to vector<16xf32>
      %add3A_401 = arith.constant 16 : i32
      %add3A_402 = arith.addi %mul3A_349, %add3A_401 : i32
      %get3A_403 = arith.index_cast %add3A_402 : i32 to index
      %get3A_404 = tpu.vector_load %arg27[%get3A_403] {strides = array<i32>} : memref<8192xf32, #tpu.memory_space<vmem>>, vector<16xf32>,
      %bitcast3A_405 = vector.bitcast %get3A_404 : vector<16xf32> to vector<16xi32>
      %add3A_406 = arith.constant 32767 : i32
      %add3A_407 = vector.broadcast %add3A_406 : i32 to vector<16xi32>
      %add3A_408 = arith.addi %bitcast3A_405, %add3A_407 : vector<16xi32>
      %shift_right_arithmetic3A_409 = arith.constant 16 : i32
      %shift_right_arithmetic3A_410 = vector.broadcast %shift_right_arithmetic3A_409 : i32 to vector<16xi32>
      %shift_right_arithmetic3A_411 = arith.shrsi %bitcast3A_405, %shift_right_arithmetic3A_410 : vector<16xi32>
      %and3A_412 = arith.constant 1 : i32
      %and3A_413 = vector.broadcast %and3A_412 : i32 to vector<16xi32>
      %and3A_414 = arith.andi %shift_right_arithmetic3A_411, %and3A_413 : vector<16xi32>
      %add3A_415 = arith.addi %add3A_408, %and3A_414 : vector<16xi32>
      %and3A_416 = arith.constant -65536 : i32
      %and3A_417 = vector.broadcast %and3A_416 : i32 to vector<16xi32>
      %and3A_418 = arith.andi %add3A_415, %and3A_417 : vector<16xi32>
      %bitcast3A_419 = vector.bitcast %and3A_418 : vector<16xi32> to vector<16xf32>
      %pack3A_420 = tpu.pack_subelements %bitcast3A_400, %bitcast3A_419 {pack_format = #tpu.pack_format<interleaved>, positions = array<i32: 0, 1>} : vector<16xf32>, vector<16xf32> -> vector<32xbf16>
      %swap3A_421 = arith.index_cast %mul3A_349 : i32 to index
      %swap3A_422 = tpu.vector_load %arg28[%swap3A_421] {strides = array<i32>} : memref<8192xbf16, #tpu.memory_space<vmem>>, vector<32xbf16>,
      tpu.vector_store %arg28[%swap3A_421], %pack3A_420 {strides = array<i32>} : memref<8192xbf16, #tpu.memory_space<vmem>>, vector<32xbf16>,
      %get3A_423 = arith.index_cast %mul3A_349 : i32 to index
      %get3A_424 = tpu.vector_load %arg29[%get3A_423] {strides = array<i32>} : memref<8192xf32, #tpu.memory_space<vmem>>, vector<16xf32>,
      %bitcast3A_425 = vector.bitcast %get3A_424 : vector<16xf32> to vector<16xi32>
      %add3A_426 = arith.constant 32767 : i32
      %add3A_427 = vector.broadcast %add3A_426 : i32 to vector<16xi32>
      %add3A_428 = arith.addi %bitcast3A_425, %add3A_427 : vector<16xi32>
      %shift_right_arithmetic3A_429 = arith.constant 16 : i32
      %shift_right_arithmetic3A_430 = vector.broadcast %shift_right_arithmetic3A_429 : i32 to vector<16xi32>
      %shift_right_arithmetic3A_431 = arith.shrsi %bitcast3A_425, %shift_right_arithmetic3A_430 : vector<16xi32>
      %and3A_432 = arith.constant 1 : i32
      %and3A_433 = vector.broadcast %and3A_432 : i32 to vector<16xi32>
      %and3A_434 = arith.andi %shift_right_arithmetic3A_431, %and3A_433 : vector<16xi32>
      %add3A_435 = arith.addi %add3A_428, %and3A_434 : vector<16xi32>
      %and3A_436 = arith.constant -65536 : i32
      %and3A_437 = vector.broadcast %and3A_436 : i32 to vector<16xi32>
      %and3A_438 = arith.andi %add3A_435, %and3A_437 : vector<16xi32>
      %bitcast3A_439 = vector.bitcast %and3A_438 : vector<16xi32> to vector<16xf32>
      %add3A_440 = arith.constant 16 : i32
      %add3A_441 = arith.addi %mul3A_349, %add3A_440 : i32
      %get3A_442 = arith.index_cast %add3A_441 : i32 to index
      %get3A_443 = tpu.vector_load %arg29[%get3A_442] {strides = array<i32>} : memref<8192xf32, #tpu.memory_space<vmem>>, vector<16xf32>,
      %bitcast3A_444 = vector.bitcast %get3A_443 : vector<16xf32> to vector<16xi32>
      %add3A_445 = arith.constant 32767 : i32
      %add3A_446 = vector.broadcast %add3A_445 : i32 to vector<16xi32>
      %add3A_447 = arith.addi %bitcast3A_444, %add3A_446 : vector<16xi32>
      %shift_right_arithmetic3A_448 = arith.constant 16 : i32
      %shift_right_arithmetic3A_449 = vector.broadcast %shift_right_arithmetic3A_448 : i32 to vector<16xi32>
      %shift_right_arithmetic3A_450 = arith.shrsi %bitcast3A_444, %shift_right_arithmetic3A_449 : vector<16xi32>
      %and3A_451 = arith.constant 1 : i32
      %and3A_452 = vector.broadcast %and3A_451 : i32 to vector<16xi32>
      %and3A_453 = arith.andi %shift_right_arithmetic3A_450, %and3A_452 : vector<16xi32>
      %add3A_454 = arith.addi %add3A_447, %and3A_453 : vector<16xi32>
      %and3A_455 = arith.constant -65536 : i32
      %and3A_456 = vector.broadcast %and3A_455 : i32 to vector<16xi32>
      %and3A_457 = arith.andi %add3A_454, %and3A_456 : vector<16xi32>
      %bitcast3A_458 = vector.bitcast %and3A_457 : vector<16xi32> to vector<16xf32>
      %pack3A_459 = tpu.pack_subelements %bitcast3A_439, %bitcast3A_458 {pack_format = #tpu.pack_format<interleaved>, positions = array<i32: 0, 1>} : vector<16xf32>, vector<16xf32> -> vector<32xbf16>
      %swap3A_460 = arith.index_cast %mul3A_349 : i32 to index
      %swap3A_461 = tpu.vector_load %arg30[%swap3A_460] {strides = array<i32>} : memref<8192xbf16, #tpu.memory_space<vmem>>, vector<32xbf16>,
      tpu.vector_store %arg30[%swap3A_460], %pack3A_459 {strides = array<i32>} : memref<8192xbf16, #tpu.memory_space<vmem>>, vector<32xbf16>,
    }
    %scan3A_187 = arith.constant 256 : i32
    %scan3A_188 = arith.constant 0 : i32
    %scan3A_189 = arith.constant 0 : i32
    %scan3A_190 = arith.constant 128 : i32
    %scan3A_191 = arith.addi %scan3A_189, %scan3A_190 : i32
    %scan3A_192 = arith.constant 1 : i32
    scf.for %scan3A_347 = %scan3A_189 to %scan3A_191 step %scan3A_192  : i32 {
      %get3A = arith.constant 0 : i32
      %get3A_348 = arith.index_cast %get3A : i32 to index
      %get3A_349 = arith.index_cast %scan3A_347 : i32 to index
      %get3A_350 = tpu.vector_load %arg9[%get3A_348, %get3A_349] {strides = array<i32>} : memref<3x144xf32, #tpu.memory_space<vmem>>, vector<16xf32>,
      %get3A_351 = arith.constant 1 : i32
      %get3A_352 = arith.index_cast %get3A_351 : i32 to index
      %get3A_353 = arith.index_cast %scan3A_347 : i32 to index
      %get3A_354 = tpu.vector_load %arg9[%get3A_352, %get3A_353] {strides = array<i32>} : memref<3x144xf32, #tpu.memory_space<vmem>>, vector<16xf32>,
      %get3A_355 = arith.constant 2 : i32
      %get3A_356 = arith.index_cast %get3A_355 : i32 to index
      %get3A_357 = arith.index_cast %scan3A_347 : i32 to index
      %get3A_358 = tpu.vector_load %arg9[%get3A_356, %get3A_357] {strides = array<i32>} : memref<3x144xf32, #tpu.memory_space<vmem>>, vector<16xf32>,
      %get3A_359 = arith.index_cast %scan3A_347 : i32 to index
      %get3A_360 = tpu.vector_load %arg16[%get3A_359] {strides = array<i32>} : memref<144xf32, #tpu.memory_space<vmem>>, vector<16xf32>,
      %slice3A = vector.extract_strided_slice %get3A_350 {offsets = [0], sizes = [1], strides = [1]} : vector<16xf32> to vector<1xf32>
      %squeeze3A = vector.extract %slice3A[0] : f32 from vector<1xf32>
      %broadcast_in_dim3A_361 = vector.broadcast %squeeze3A : f32 to vector<16xf32>
      %slice3A_362 = vector.extract_strided_slice %get3A_354 {offsets = [0], sizes = [1], strides = [1]} : vector<16xf32> to vector<1xf32>
      %squeeze3A_363 = vector.extract %slice3A_362[0] : f32 from vector<1xf32>
      %broadcast_in_dim3A_364 = vector.broadcast %squeeze3A_363 : f32 to vector<16xf32>
      %slice3A_365 = vector.extract_strided_slice %get3A_358 {offsets = [0], sizes = [1], strides = [1]} : vector<16xf32> to vector<1xf32>
      %squeeze3A_366 = vector.extract %slice3A_365[0] : f32 from vector<1xf32>
      %broadcast_in_dim3A_367 = vector.broadcast %squeeze3A_366 : f32 to vector<16xf32>
      %bitcast3A = vector.bitcast %broadcast_in_dim3A_361 : vector<16xf32> to vector<16xi32>
      %add3A_368 = arith.constant 32767 : i32
      %add3A_369 = vector.broadcast %add3A_368 : i32 to vector<16xi32>
      %add3A_370 = arith.addi %bitcast3A, %add3A_369 : vector<16xi32>
      %shift_right_arithmetic3A = arith.constant 16 : i32
      %shift_right_arithmetic3A_371 = vector.broadcast %shift_right_arithmetic3A : i32 to vector<16xi32>
      %shift_right_arithmetic3A_372 = arith.shrsi %bitcast3A, %shift_right_arithmetic3A_371 : vector<16xi32>
      %and3A_373 = arith.constant 1 : i32
      %and3A_374 = vector.broadcast %and3A_373 : i32 to vector<16xi32>
      %and3A_375 = arith.andi %shift_right_arithmetic3A_372, %and3A_374 : vector<16xi32>
      %add3A_376 = arith.addi %add3A_370, %and3A_375 : vector<16xi32>
      %and3A_377 = arith.constant -65536 : i32
      %and3A_378 = vector.broadcast %and3A_377 : i32 to vector<16xi32>
      %and3A_379 = arith.andi %add3A_376, %and3A_378 : vector<16xi32>
      %bitcast3A_380 = vector.bitcast %and3A_379 : vector<16xi32> to vector<16xf32>
      %bitcast3A_381 = vector.bitcast %broadcast_in_dim3A_364 : vector<16xf32> to vector<16xi32>
      %add3A_382 = arith.constant 32767 : i32
      %add3A_383 = vector.broadcast %add3A_382 : i32 to vector<16xi32>
      %add3A_384 = arith.addi %bitcast3A_381, %add3A_383 : vector<16xi32>
      %shift_right_arithmetic3A_385 = arith.constant 16 : i32
      %shift_right_arithmetic3A_386 = vector.broadcast %shift_right_arithmetic3A_385 : i32 to vector<16xi32>
      %shift_right_arithmetic3A_387 = arith.shrsi %bitcast3A_381, %shift_right_arithmetic3A_386 : vector<16xi32>
      %and3A_388 = arith.constant 1 : i32
      %and3A_389 = vector.broadcast %and3A_388 : i32 to vector<16xi32>
      %and3A_390 = arith.andi %shift_right_arithmetic3A_387, %and3A_389 : vector<16xi32>
      %add3A_391 = arith.addi %add3A_384, %and3A_390 : vector<16xi32>
      %and3A_392 = arith.constant -65536 : i32
      %and3A_393 = vector.broadcast %and3A_392 : i32 to vector<16xi32>
      %and3A_394 = arith.andi %add3A_391, %and3A_393 : vector<16xi32>
      %bitcast3A_395 = vector.bitcast %and3A_394 : vector<16xi32> to vector<16xf32>
      %bitcast3A_396 = vector.bitcast %broadcast_in_dim3A_367 : vector<16xf32> to vector<16xi32>
      %add3A_397 = arith.constant 32767 : i32
      %add3A_398 = vector.broadcast %add3A_397 : i32 to vector<16xi32>
      %add3A_399 = arith.addi %bitcast3A_396, %add3A_398 : vector<16xi32>
      %shift_right_arithmetic3A_400 = arith.constant 16 : i32
      %shift_right_arithmetic3A_401 = vector.broadcast %shift_right_arithmetic3A_400 : i32 to vector<16xi32>
      %shift_right_arithmetic3A_402 = arith.shrsi %bitcast3A_396, %shift_right_arithmetic3A_401 : vector<16xi32>
      %and3A_403 = arith.constant 1 : i32
      %and3A_404 = vector.broadcast %and3A_403 : i32 to vector<16xi32>
      %and3A_405 = arith.andi %shift_right_arithmetic3A_402, %and3A_404 : vector<16xi32>
      %add3A_406 = arith.addi %add3A_399, %and3A_405 : vector<16xi32>
      %and3A_407 = arith.constant -65536 : i32
      %and3A_408 = vector.broadcast %and3A_407 : i32 to vector<16xi32>
      %and3A_409 = arith.andi %add3A_406, %and3A_408 : vector<16xi32>
      %bitcast3A_410 = vector.bitcast %and3A_409 : vector<16xi32> to vector<16xf32>
      %slice3A_411 = vector.extract_strided_slice %get3A_360 {offsets = [0], sizes = [1], strides = [1]} : vector<16xf32> to vector<1xf32>
      %squeeze3A_412 = vector.extract %slice3A_411[0] : f32 from vector<1xf32>
      %broadcast_in_dim3A_413 = vector.broadcast %squeeze3A_412 : f32 to vector<16xf32>
      %scan3A_414 = arith.constant 0 : i32
      %scan3A_415 = arith.constant 0 : i32
      %scan3A_416 = arith.constant 32 : i32
      %scan3A_417 = arith.addi %scan3A_415, %scan3A_416 : i32
      %scan3A_418 = arith.constant 1 : i32
      %scan3A_419 = scf.for %scan3A_513 = %scan3A_415 to %scan3A_417 step %scan3A_418 iter_args(%scan3A_514 = %scan3A_414) -> (i32)  : i32 {
        %lt3A_515 = arith.constant 32 : i32
        %lt3A_516 = arith.cmpi slt, %scan3A_514, %lt3A_515 : i32
        %convert_element_type3A = arith.extui %lt3A_516 : i1 to i32
        %cond3A = arith.constant 0 : i32
        %cond3A_517 = arith.cmpi ne, %convert_element_type3A, %cond3A : i32
        %cond3A_518 = scf.if %cond3A_517 -> (i32) {
          %mul3A_519 = arith.constant 256 : i32
          %mul3A_520 = arith.muli %scan3A_513, %mul3A_519 : i32
          %add3A_521 = arith.constant 0 : i32
          %add3A_522 = arith.addi %mul3A_520, %add3A_521 : i32
          %get3A_523 = arith.index_cast %add3A_522 : i32 to index
          %get3A_524 = tpu.vector_load %arg26[%get3A_523] {strides = array<i32>} : memref<8192xbf16, #tpu.memory_space<vmem>>, vector<32xbf16>,
          %unpack3A = tpu.unpack_subelements %get3A_524, 0 {pack_format = #tpu.pack_format<interleaved>} : vector<32xbf16> -> vector<16xf32>
          %unpack3A_525 = tpu.unpack_subelements %get3A_524, 1 {pack_format = #tpu.pack_format<interleaved>} : vector<32xbf16> -> vector<16xf32>
          %get3A_526 = arith.index_cast %add3A_522 : i32 to index
          %get3A_527 = tpu.vector_load %arg28[%get3A_526] {strides = array<i32>} : memref<8192xbf16, #tpu.memory_space<vmem>>, vector<32xbf16>,
          %unpack3A_528 = tpu.unpack_subelements %get3A_527, 0 {pack_format = #tpu.pack_format<interleaved>} : vector<32xbf16> -> vector<16xf32>
          %unpack3A_529 = tpu.unpack_subelements %get3A_527, 1 {pack_format = #tpu.pack_format<interleaved>} : vector<32xbf16> -> vector<16xf32>
          %get3A_530 = arith.index_cast %add3A_522 : i32 to index
          %get3A_531 = tpu.vector_load %arg30[%get3A_530] {strides = array<i32>} : memref<8192xbf16, #tpu.memory_space<vmem>>, vector<32xbf16>,
          %unpack3A_532 = tpu.unpack_subelements %get3A_531, 0 {pack_format = #tpu.pack_format<interleaved>} : vector<32xbf16> -> vector<16xf32>
          %unpack3A_533 = tpu.unpack_subelements %get3A_531, 1 {pack_format = #tpu.pack_format<interleaved>} : vector<32xbf16> -> vector<16xf32>
          %add3A_534 = arith.constant 0 : i32
          %add3A_535 = arith.addi %add3A_522, %add3A_534 : i32
          %get3A_536 = arith.index_cast %add3A_535 : i32 to index
          %get3A_537 = tpu.vector_load %arg15[%get3A_536] {strides = array<i32>} : memref<8192xf32, #tpu.memory_space<vmem>>, vector<16xf32>,
          %mul3A_538 = arith.mulf %unpack3A, %bitcast3A_380 : vector<16xf32>
          %mul3A_539 = arith.mulf %unpack3A_528, %bitcast3A_395 : vector<16xf32>
          %mul3A_540 = arith.mulf %unpack3A_532, %bitcast3A_410 : vector<16xf32>
          %add3A_541 = arith.addf %mul3A_538, %mul3A_539 : vector<16xf32>
          %add3A_542 = arith.addf %add3A_541, %mul3A_540 : vector<16xf32>
          %add3A_543 = arith.addf %broadcast_in_dim3A_413, %get3A_537 : vector<16xf32>
          %add3A_544 = arith.addf %add3A_542, %add3A_542 : vector<16xf32>
          %sub3A_545 = arith.subf %add3A_543, %add3A_544 : vector<16xf32>
          %lt3A_546 = arith.constant 4.000000e-02 : f32
          %lt3A_547 = vector.broadcast %lt3A_546 : f32 to vector<16xf32>
          %lt3A_548 = arith.cmpf olt, %sub3A_545, %lt3A_547 : vector<16xf32>
          %add3A_549 = vector.broadcast %add3A_535 : i32 to vector<16xi32>
          %add3A_550 = arith.addi %iota3A, %add3A_549 : vector<16xi32>
          %swap3A_551 = arith.index_cast %scan3A_514 : i32 to index
          %swap3A_552 = tpu.vector_load %arg8[%swap3A_551] masked %lt3A_548 {strides = array<i32>} : memref<304xi32, #tpu.memory_space<vmem>>, vector<16xi32>, vector<16xi1>
          tpu.vector_store %arg8[%swap3A_551], %add3A_550 masked %lt3A_548 {strides = array<i32>} : memref<304xi32, #tpu.memory_space<vmem>>, vector<16xi32>, vector<16xi1>
          %all_reduce_population_count3A = tpu.all_reduce %lt3A_548 {dim = 0 : i64, kind = #tpu.reduction_kind<sum>} : vector<16xi1> -> vector<16xi32>
          %slice3A_553 = vector.extract_strided_slice %all_reduce_population_count3A {offsets = [0], sizes = [1], strides = [1]} : vector<16xi32> to vector<1xi32>
          %squeeze3A_554 = vector.extract %slice3A_553[0] : i32 from vector<1xi32>
          %add3A_555 = arith.addi %scan3A_514, %squeeze3A_554 : i32
          %add3A_556 = arith.constant 16 : i32
          %add3A_557 = arith.addi %add3A_522, %add3A_556 : i32
          %get3A_558 = arith.index_cast %add3A_557 : i32 to index
          %get3A_559 = tpu.vector_load %arg15[%get3A_558] {strides = array<i32>} : memref<8192xf32, #tpu.memory_space<vmem>>, vector<16xf32>,
          %mul3A_560 = arith.mulf %unpack3A_525, %bitcast3A_380 : vector<16xf32>
          %mul3A_561 = arith.mulf %unpack3A_529, %bitcast3A_395 : vector<16xf32>
          %mul3A_562 = arith.mulf %unpack3A_533, %bitcast3A_410 : vector<16xf32>
          %add3A_563 = arith.addf %mul3A_560, %mul3A_561 : vector<16xf32>
          %add3A_564 = arith.addf %add3A_563, %mul3A_562 : vector<16xf32>
          %add3A_565 = arith.addf %broadcast_in_dim3A_413, %get3A_559 : vector<16xf32>
          %add3A_566 = arith.addf %add3A_564, %add3A_564 : vector<16xf32>
          %sub3A_567 = arith.subf %add3A_565, %add3A_566 : vector<16xf32>
          %lt3A_568 = arith.constant 4.000000e-02 : f32
          %lt3A_569 = vector.broadcast %lt3A_568 : f32 to vector<16xf32>
          %lt3A_570 = arith.cmpf olt, %sub3A_567, %lt3A_569 : vector<16xf32>
          %add3A_571 = vector.broadcast %add3A_557 : i32 to vector<16xi32>
          %add3A_572 = arith.addi %iota3A, %add3A_571 : vector<16xi32>
          %swap3A_573 = arith.index_cast %add3A_555 : i32 to index
          %swap3A_574 = tpu.vector_load %arg8[%swap3A_573] masked %lt3A_570 {strides = array<i32>} : memref<304xi32, #tpu.memory_space<vmem>>, vector<16xi32>, vector<16xi1>
          tpu.vector_store %arg8[%swap3A_573], %add3A_572 masked %lt3A_570 {strides = array<i32>} : memref<304xi32, #tpu.memory_space<vmem>>, vector<16xi32>, vector<16xi1>
          %all_reduce_population_count3A_575 = tpu.all_reduce %lt3A_570 {dim = 0 : i64, kind = #tpu.reduction_kind<sum>} : vector<16xi1> -> vector<16xi32>
          %slice3A_576 = vector.extract_strided_slice %all_reduce_population_count3A_575 {offsets = [0], sizes = [1], strides = [1]} : vector<16xi32> to vector<1xi32>
          %squeeze3A_577 = vector.extract %slice3A_576[0] : i32 from vector<1xi32>
          %add3A_578 = arith.addi %add3A_555, %squeeze3A_577 : i32
          %add3A_579 = arith.constant 32 : i32
          %add3A_580 = arith.addi %mul3A_520, %add3A_579 : i32
          %get3A_581 = arith.index_cast %add3A_580 : i32 to index
          %get3A_582 = tpu.vector_load %arg26[%get3A_581] {strides = array<i32>} : memref<8192xbf16, #tpu.memory_space<vmem>>, vector<32xbf16>,
          %unpack3A_583 = tpu.unpack_subelements %get3A_582, 0 {pack_format = #tpu.pack_format<interleaved>} : vector<32xbf16> -> vector<16xf32>
          %unpack3A_584 = tpu.unpack_subelements %get3A_582, 1 {pack_format = #tpu.pack_format<interleaved>} : vector<32xbf16> -> vector<16xf32>
          %get3A_585 = arith.index_cast %add3A_580 : i32 to index
          %get3A_586 = tpu.vector_load %arg28[%get3A_585] {strides = array<i32>} : memref<8192xbf16, #tpu.memory_space<vmem>>, vector<32xbf16>,
          %unpack3A_587 = tpu.unpack_subelements %get3A_586, 0 {pack_format = #tpu.pack_format<interleaved>} : vector<32xbf16> -> vector<16xf32>
          %unpack3A_588 = tpu.unpack_subelements %get3A_586, 1 {pack_format = #tpu.pack_format<interleaved>} : vector<32xbf16> -> vector<16xf32>
          %get3A_589 = arith.index_cast %add3A_580 : i32 to index
          %get3A_590 = tpu.vector_load %arg30[%get3A_589] {strides = array<i32>} : memref<8192xbf16, #tpu.memory_space<vmem>>, vector<32xbf16>,
          %unpack3A_591 = tpu.unpack_subelements %get3A_590, 0 {pack_format = #tpu.pack_format<interleaved>} : vector<32xbf16> -> vector<16xf32>
          %unpack3A_592 = tpu.unpack_subelements %get3A_590, 1 {pack_format = #tpu.pack_format<interleaved>} : vector<32xbf16> -> vector<16xf32>
          %add3A_593 = arith.constant 0 : i32
          %add3A_594 = arith.addi %add3A_580, %add3A_593 : i32
          %get3A_595 = arith.index_cast %add3A_594 : i32 to index
          %get3A_596 = tpu.vector_load %arg15[%get3A_595] {strides = array<i32>} : memref<8192xf32, #tpu.memory_space<vmem>>, vector<16xf32>,
          %mul3A_597 = arith.mulf %unpack3A_583, %bitcast3A_380 : vector<16xf32>
          %mul3A_598 = arith.mulf %unpack3A_587, %bitcast3A_395 : vector<16xf32>
          %mul3A_599 = arith.mulf %unpack3A_591, %bitcast3A_410 : vector<16xf32>
          %add3A_600 = arith.addf %mul3A_597, %mul3A_598 : vector<16xf32>
          %add3A_601 = arith.addf %add3A_600, %mul3A_599 : vector<16xf32>
          %add3A_602 = arith.addf %broadcast_in_dim3A_413, %get3A_596 : vector<16xf32>
          %add3A_603 = arith.addf %add3A_601, %add3A_601 : vector<16xf32>
          %sub3A_604 = arith.subf %add3A_602, %add3A_603 : vector<16xf32>
          %lt3A_605 = arith.constant 4.000000e-02 : f32
          %lt3A_606 = vector.broadcast %lt3A_605 : f32 to vector<16xf32>
          %lt3A_607 = arith.cmpf olt, %sub3A_604, %lt3A_606 : vector<16xf32>
          %add3A_608 = vector.broadcast %add3A_594 : i32 to vector<16xi32>
          %add3A_609 = arith.addi %iota3A, %add3A_608 : vector<16xi32>
          %swap3A_610 = arith.index_cast %add3A_578 : i32 to index
          %swap3A_611 = tpu.vector_load %arg8[%swap3A_610] masked %lt3A_607 {strides = array<i32>} : memref<304xi32, #tpu.memory_space<vmem>>, vector<16xi32>, vector<16xi1>
          tpu.vector_store %arg8[%swap3A_610], %add3A_609 masked %lt3A_607 {strides = array<i32>} : memref<304xi32, #tpu.memory_space<vmem>>, vector<16xi32>, vector<16xi1>
          %all_reduce_population_count3A_612 = tpu.all_reduce %lt3A_607 {dim = 0 : i64, kind = #tpu.reduction_kind<sum>} : vector<16xi1> -> vector<16xi32>
          %slice3A_613 = vector.extract_strided_slice %all_reduce_population_count3A_612 {offsets = [0], sizes = [1], strides = [1]} : vector<16xi32> to vector<1xi32>
          %squeeze3A_614 = vector.extract %slice3A_613[0] : i32 from vector<1xi32>
          %add3A_615 = arith.addi %add3A_578, %squeeze3A_614 : i32
          %add3A_616 = arith.constant 16 : i32
          %add3A_617 = arith.addi %add3A_580, %add3A_616 : i32
          %get3A_618 = arith.index_cast %add3A_617 : i32 to index
          %get3A_619 = tpu.vector_load %arg15[%get3A_618] {strides = array<i32>} : memref<8192xf32, #tpu.memory_space<vmem>>, vector<16xf32>,
          %mul3A_620 = arith.mulf %unpack3A_584, %bitcast3A_380 : vector<16xf32>
          %mul3A_621 = arith.mulf %unpack3A_588, %bitcast3A_395 : vector<16xf32>
          %mul3A_622 = arith.mulf %unpack3A_592, %bitcast3A_410 : vector<16xf32>
          %add3A_623 = arith.addf %mul3A_620, %mul3A_621 : vector<16xf32>
          %add3A_624 = arith.addf %add3A_623, %mul3A_622 : vector<16xf32>
          %add3A_625 = arith.addf %broadcast_in_dim3A_413, %get3A_619 : vector<16xf32>
          %add3A_626 = arith.addf %add3A_624, %add3A_624 : vector<16xf32>
          %sub3A_627 = arith.subf %add3A_625, %add3A_626 : vector<16xf32>
          %lt3A_628 = arith.constant 4.000000e-02 : f32
          %lt3A_629 = vector.broadcast %lt3A_628 : f32 to vector<16xf32>
          %lt3A_630 = arith.cmpf olt, %sub3A_627, %lt3A_629 : vector<16xf32>
          %add3A_631 = vector.broadcast %add3A_617 : i32 to vector<16xi32>
          %add3A_632 = arith.addi %iota3A, %add3A_631 : vector<16xi32>
          %swap3A_633 = arith.index_cast %add3A_615 : i32 to index
          %swap3A_634 = tpu.vector_load %arg8[%swap3A_633] masked %lt3A_630 {strides = array<i32>} : memref<304xi32, #tpu.memory_space<vmem>>, vector<16xi32>, vector<16xi1>
          tpu.vector_store %arg8[%swap3A_633], %add3A_632 masked %lt3A_630 {strides = array<i32>} : memref<304xi32, #tpu.memory_space<vmem>>, vector<16xi32>, vector<16xi1>
          %all_reduce_population_count3A_635 = tpu.all_reduce %lt3A_630 {dim = 0 : i64, kind = #tpu.reduction_kind<sum>} : vector<16xi1> -> vector<16xi32>
          %slice3A_636 = vector.extract_strided_slice %all_reduce_population_count3A_635 {offsets = [0], sizes = [1], strides = [1]} : vector<16xi32> to vector<1xi32>
          %squeeze3A_637 = vector.extract %slice3A_636[0] : i32 from vector<1xi32>
          %add3A_638 = arith.addi %add3A_615, %squeeze3A_637 : i32
          %add3A_639 = arith.constant 64 : i32
          %add3A_640 = arith.addi %mul3A_520, %add3A_639 : i32
          %get3A_641 = arith.index_cast %add3A_640 : i32 to index
          %get3A_642 = tpu.vector_load %arg26[%get3A_641] {strides = array<i32>} : memref<8192xbf16, #tpu.memory_space<vmem>>, vector<32xbf16>,
          %unpack3A_643 = tpu.unpack_subelements %get3A_642, 0 {pack_format = #tpu.pack_format<interleaved>} : vector<32xbf16> -> vector<16xf32>
          %unpack3A_644 = tpu.unpack_subelements %get3A_642, 1 {pack_format = #tpu.pack_format<interleaved>} : vector<32xbf16> -> vector<16xf32>
          %get3A_645 = arith.index_cast %add3A_640 : i32 to index
          %get3A_646 = tpu.vector_load %arg28[%get3A_645] {strides = array<i32>} : memref<8192xbf16, #tpu.memory_space<vmem>>, vector<32xbf16>,
          %unpack3A_647 = tpu.unpack_subelements %get3A_646, 0 {pack_format = #tpu.pack_format<interleaved>} : vector<32xbf16> -> vector<16xf32>
          %unpack3A_648 = tpu.unpack_subelements %get3A_646, 1 {pack_format = #tpu.pack_format<interleaved>} : vector<32xbf16> -> vector<16xf32>
          %get3A_649 = arith.index_cast %add3A_640 : i32 to index
          %get3A_650 = tpu.vector_load %arg30[%get3A_649] {strides = array<i32>} : memref<8192xbf16, #tpu.memory_space<vmem>>, vector<32xbf16>,
          %unpack3A_651 = tpu.unpack_subelements %get3A_650, 0 {pack_format = #tpu.pack_format<interleaved>} : vector<32xbf16> -> vector<16xf32>
          %unpack3A_652 = tpu.unpack_subelements %get3A_650, 1 {pack_format = #tpu.pack_format<interleaved>} : vector<32xbf16> -> vector<16xf32>
          %add3A_653 = arith.constant 0 : i32
          %add3A_654 = arith.addi %add3A_640, %add3A_653 : i32
          %get3A_655 = arith.index_cast %add3A_654 : i32 to index
          %get3A_656 = tpu.vector_load %arg15[%get3A_655] {strides = array<i32>} : memref<8192xf32, #tpu.memory_space<vmem>>, vector<16xf32>,
          %mul3A_657 = arith.mulf %unpack3A_643, %bitcast3A_380 : vector<16xf32>
          %mul3A_658 = arith.mulf %unpack3A_647, %bitcast3A_395 : vector<16xf32>
          %mul3A_659 = arith.mulf %unpack3A_651, %bitcast3A_410 : vector<16xf32>
          %add3A_660 = arith.addf %mul3A_657, %mul3A_658 : vector<16xf32>
          %add3A_661 = arith.addf %add3A_660, %mul3A_659 : vector<16xf32>
          %add3A_662 = arith.addf %broadcast_in_dim3A_413, %get3A_656 : vector<16xf32>
          %add3A_663 = arith.addf %add3A_661, %add3A_661 : vector<16xf32>
          %sub3A_664 = arith.subf %add3A_662, %add3A_663 : vector<16xf32>
          %lt3A_665 = arith.constant 4.000000e-02 : f32
          %lt3A_666 = vector.broadcast %lt3A_665 : f32 to vector<16xf32>
          %lt3A_667 = arith.cmpf olt, %sub3A_664, %lt3A_666 : vector<16xf32>
          %add3A_668 = vector.broadcast %add3A_654 : i32 to vector<16xi32>
          %add3A_669 = arith.addi %iota3A, %add3A_668 : vector<16xi32>
          %swap3A_670 = arith.index_cast %add3A_638 : i32 to index
          %swap3A_671 = tpu.vector_load %arg8[%swap3A_670] masked %lt3A_667 {strides = array<i32>} : memref<304xi32, #tpu.memory_space<vmem>>, vector<16xi32>, vector<16xi1>
          tpu.vector_store %arg8[%swap3A_670], %add3A_669 masked %lt3A_667 {strides = array<i32>} : memref<304xi32, #tpu.memory_space<vmem>>, vector<16xi32>, vector<16xi1>
          %all_reduce_population_count3A_672 = tpu.all_reduce %lt3A_667 {dim = 0 : i64, kind = #tpu.reduction_kind<sum>} : vector<16xi1> -> vector<16xi32>
          %slice3A_673 = vector.extract_strided_slice %all_reduce_population_count3A_672 {offsets = [0], sizes = [1], strides = [1]} : vector<16xi32> to vector<1xi32>
          %squeeze3A_674 = vector.extract %slice3A_673[0] : i32 from vector<1xi32>
          %add3A_675 = arith.addi %add3A_638, %squeeze3A_674 : i32
          %add3A_676 = arith.constant 16 : i32
          %add3A_677 = arith.addi %add3A_640, %add3A_676 : i32
          %get3A_678 = arith.index_cast %add3A_677 : i32 to index
          %get3A_679 = tpu.vector_load %arg15[%get3A_678] {strides = array<i32>} : memref<8192xf32, #tpu.memory_space<vmem>>, vector<16xf32>,
          %mul3A_680 = arith.mulf %unpack3A_644, %bitcast3A_380 : vector<16xf32>
          %mul3A_681 = arith.mulf %unpack3A_648, %bitcast3A_395 : vector<16xf32>
          %mul3A_682 = arith.mulf %unpack3A_652, %bitcast3A_410 : vector<16xf32>
          %add3A_683 = arith.addf %mul3A_680, %mul3A_681 : vector<16xf32>
          %add3A_684 = arith.addf %add3A_683, %mul3A_682 : vector<16xf32>
          %add3A_685 = arith.addf %broadcast_in_dim3A_413, %get3A_679 : vector<16xf32>
          %add3A_686 = arith.addf %add3A_684, %add3A_684 : vector<16xf32>
          %sub3A_687 = arith.subf %add3A_685, %add3A_686 : vector<16xf32>
          %lt3A_688 = arith.constant 4.000000e-02 : f32
          %lt3A_689 = vector.broadcast %lt3A_688 : f32 to vector<16xf32>
          %lt3A_690 = arith.cmpf olt, %sub3A_687, %lt3A_689 : vector<16xf32>
          %add3A_691 = vector.broadcast %add3A_677 : i32 to vector<16xi32>
          %add3A_692 = arith.addi %iota3A, %add3A_691 : vector<16xi32>
          %swap3A_693 = arith.index_cast %add3A_675 : i32 to index
          %swap3A_694 = tpu.vector_load %arg8[%swap3A_693] masked %lt3A_690 {strides = array<i32>} : memref<304xi32, #tpu.memory_space<vmem>>, vector<16xi32>, vector<16xi1>
          tpu.vector_store %arg8[%swap3A_693], %add3A_692 masked %lt3A_690 {strides = array<i32>} : memref<304xi32, #tpu.memory_space<vmem>>, vector<16xi32>, vector<16xi1>
          %all_reduce_population_count3A_695 = tpu.all_reduce %lt3A_690 {dim = 0 : i64, kind = #tpu.reduction_kind<sum>} : vector<16xi1> -> vector<16xi32>
          %slice3A_696 = vector.extract_strided_slice %all_reduce_population_count3A_695 {offsets = [0], sizes = [1], strides = [1]} : vector<16xi32> to vector<1xi32>
          %squeeze3A_697 = vector.extract %slice3A_696[0] : i32 from vector<1xi32>
          %add3A_698 = arith.addi %add3A_675, %squeeze3A_697 : i32
          %add3A_699 = arith.constant 96 : i32
          %add3A_700 = arith.addi %mul3A_520, %add3A_699 : i32
          %get3A_701 = arith.index_cast %add3A_700 : i32 to index
          %get3A_702 = tpu.vector_load %arg26[%get3A_701] {strides = array<i32>} : memref<8192xbf16, #tpu.memory_space<vmem>>, vector<32xbf16>,
          %unpack3A_703 = tpu.unpack_subelements %get3A_702, 0 {pack_format = #tpu.pack_format<interleaved>} : vector<32xbf16> -> vector<16xf32>
          %unpack3A_704 = tpu.unpack_subelements %get3A_702, 1 {pack_format = #tpu.pack_format<interleaved>} : vector<32xbf16> -> vector<16xf32>
          %get3A_705 = arith.index_cast %add3A_700 : i32 to index
          %get3A_706 = tpu.vector_load %arg28[%get3A_705] {strides = array<i32>} : memref<8192xbf16, #tpu.memory_space<vmem>>, vector<32xbf16>,
          %unpack3A_707 = tpu.unpack_subelements %get3A_706, 0 {pack_format = #tpu.pack_format<interleaved>} : vector<32xbf16> -> vector<16xf32>
          %unpack3A_708 = tpu.unpack_subelements %get3A_706, 1 {pack_format = #tpu.pack_format<interleaved>} : vector<32xbf16> -> vector<16xf32>
          %get3A_709 = arith.index_cast %add3A_700 : i32 to index
          %get3A_710 = tpu.vector_load %arg30[%get3A_709] {strides = array<i32>} : memref<8192xbf16, #tpu.memory_space<vmem>>, vector<32xbf16>,
          %unpack3A_711 = tpu.unpack_subelements %get3A_710, 0 {pack_format = #tpu.pack_format<interleaved>} : vector<32xbf16> -> vector<16xf32>
          %unpack3A_712 = tpu.unpack_subelements %get3A_710, 1 {pack_format = #tpu.pack_format<interleaved>} : vector<32xbf16> -> vector<16xf32>
          %add3A_713 = arith.constant 0 : i32
          %add3A_714 = arith.addi %add3A_700, %add3A_713 : i32
          %get3A_715 = arith.index_cast %add3A_714 : i32 to index
          %get3A_716 = tpu.vector_load %arg15[%get3A_715] {strides = array<i32>} : memref<8192xf32, #tpu.memory_space<vmem>>, vector<16xf32>,
          %mul3A_717 = arith.mulf %unpack3A_703, %bitcast3A_380 : vector<16xf32>
          %mul3A_718 = arith.mulf %unpack3A_707, %bitcast3A_395 : vector<16xf32>
          %mul3A_719 = arith.mulf %unpack3A_711, %bitcast3A_410 : vector<16xf32>
          %add3A_720 = arith.addf %mul3A_717, %mul3A_718 : vector<16xf32>
          %add3A_721 = arith.addf %add3A_720, %mul3A_719 : vector<16xf32>
          %add3A_722 = arith.addf %broadcast_in_dim3A_413, %get3A_716 : vector<16xf32>
          %add3A_723 = arith.addf %add3A_721, %add3A_721 : vector<16xf32>
          %sub3A_724 = arith.subf %add3A_722, %add3A_723 : vector<16xf32>
          %lt3A_725 = arith.constant 4.000000e-02 : f32
          %lt3A_726 = vector.broadcast %lt3A_725 : f32 to vector<16xf32>
          %lt3A_727 = arith.cmpf olt, %sub3A_724, %lt3A_726 : vector<16xf32>
          %add3A_728 = vector.broadcast %add3A_714 : i32 to vector<16xi32>
          %add3A_729 = arith.addi %iota3A, %add3A_728 : vector<16xi32>
          %swap3A_730 = arith.index_cast %add3A_698 : i32 to index
          %swap3A_731 = tpu.vector_load %arg8[%swap3A_730] masked %lt3A_727 {strides = array<i32>} : memref<304xi32, #tpu.memory_space<vmem>>, vector<16xi32>, vector<16xi1>
          tpu.vector_store %arg8[%swap3A_730], %add3A_729 masked %lt3A_727 {strides = array<i32>} : memref<304xi32, #tpu.memory_space<vmem>>, vector<16xi32>, vector<16xi1>
          %all_reduce_population_count3A_732 = tpu.all_reduce %lt3A_727 {dim = 0 : i64, kind = #tpu.reduction_kind<sum>} : vector<16xi1> -> vector<16xi32>
          %slice3A_733 = vector.extract_strided_slice %all_reduce_population_count3A_732 {offsets = [0], sizes = [1], strides = [1]} : vector<16xi32> to vector<1xi32>
          %squeeze3A_734 = vector.extract %slice3A_733[0] : i32 from vector<1xi32>
          %add3A_735 = arith.addi %add3A_698, %squeeze3A_734 : i32
          %add3A_736 = arith.constant 16 : i32
          %add3A_737 = arith.addi %add3A_700, %add3A_736 : i32
          %get3A_738 = arith.index_cast %add3A_737 : i32 to index
          %get3A_739 = tpu.vector_load %arg15[%get3A_738] {strides = array<i32>} : memref<8192xf32, #tpu.memory_space<vmem>>, vector<16xf32>,
          %mul3A_740 = arith.mulf %unpack3A_704, %bitcast3A_380 : vector<16xf32>
          %mul3A_741 = arith.mulf %unpack3A_708, %bitcast3A_395 : vector<16xf32>
          %mul3A_742 = arith.mulf %unpack3A_712, %bitcast3A_410 : vector<16xf32>
          %add3A_743 = arith.addf %mul3A_740, %mul3A_741 : vector<16xf32>
          %add3A_744 = arith.addf %add3A_743, %mul3A_742 : vector<16xf32>
          %add3A_745 = arith.addf %broadcast_in_dim3A_413, %get3A_739 : vector<16xf32>
          %add3A_746 = arith.addf %add3A_744, %add3A_744 : vector<16xf32>
          %sub3A_747 = arith.subf %add3A_745, %add3A_746 : vector<16xf32>
          %lt3A_748 = arith.constant 4.000000e-02 : f32
          %lt3A_749 = vector.broadcast %lt3A_748 : f32 to vector<16xf32>
          %lt3A_750 = arith.cmpf olt, %sub3A_747, %lt3A_749 : vector<16xf32>
          %add3A_751 = vector.broadcast %add3A_737 : i32 to vector<16xi32>
          %add3A_752 = arith.addi %iota3A, %add3A_751 : vector<16xi32>
          %swap3A_753 = arith.index_cast %add3A_735 : i32 to index
          %swap3A_754 = tpu.vector_load %arg8[%swap3A_753] masked %lt3A_750 {strides = array<i32>} : memref<304xi32, #tpu.memory_space<vmem>>, vector<16xi32>, vector<16xi1>
          tpu.vector_store %arg8[%swap3A_753], %add3A_752 masked %lt3A_750 {strides = array<i32>} : memref<304xi32, #tpu.memory_space<vmem>>, vector<16xi32>, vector<16xi1>
          %all_reduce_population_count3A_755 = tpu.all_reduce %lt3A_750 {dim = 0 : i64, kind = #tpu.reduction_kind<sum>} : vector<16xi1> -> vector<16xi32>
          %slice3A_756 = vector.extract_strided_slice %all_reduce_population_count3A_755 {offsets = [0], sizes = [1], strides = [1]} : vector<16xi32> to vector<1xi32>
          %squeeze3A_757 = vector.extract %slice3A_756[0] : i32 from vector<1xi32>
          %add3A_758 = arith.addi %add3A_735, %squeeze3A_757 : i32
          %add3A_759 = arith.constant 128 : i32
          %add3A_760 = arith.addi %mul3A_520, %add3A_759 : i32
          %get3A_761 = arith.index_cast %add3A_760 : i32 to index
          %get3A_762 = tpu.vector_load %arg26[%get3A_761] {strides = array<i32>} : memref<8192xbf16, #tpu.memory_space<vmem>>, vector<32xbf16>,
          %unpack3A_763 = tpu.unpack_subelements %get3A_762, 0 {pack_format = #tpu.pack_format<interleaved>} : vector<32xbf16> -> vector<16xf32>
          %unpack3A_764 = tpu.unpack_subelements %get3A_762, 1 {pack_format = #tpu.pack_format<interleaved>} : vector<32xbf16> -> vector<16xf32>
          %get3A_765 = arith.index_cast %add3A_760 : i32 to index
          %get3A_766 = tpu.vector_load %arg28[%get3A_765] {strides = array<i32>} : memref<8192xbf16, #tpu.memory_space<vmem>>, vector<32xbf16>,
          %unpack3A_767 = tpu.unpack_subelements %get3A_766, 0 {pack_format = #tpu.pack_format<interleaved>} : vector<32xbf16> -> vector<16xf32>
          %unpack3A_768 = tpu.unpack_subelements %get3A_766, 1 {pack_format = #tpu.pack_format<interleaved>} : vector<32xbf16> -> vector<16xf32>
          %get3A_769 = arith.index_cast %add3A_760 : i32 to index
          %get3A_770 = tpu.vector_load %arg30[%get3A_769] {strides = array<i32>} : memref<8192xbf16, #tpu.memory_space<vmem>>, vector<32xbf16>,
          %unpack3A_771 = tpu.unpack_subelements %get3A_770, 0 {pack_format = #tpu.pack_format<interleaved>} : vector<32xbf16> -> vector<16xf32>
          %unpack3A_772 = tpu.unpack_subelements %get3A_770, 1 {pack_format = #tpu.pack_format<interleaved>} : vector<32xbf16> -> vector<16xf32>
          %add3A_773 = arith.constant 0 : i32
          %add3A_774 = arith.addi %add3A_760, %add3A_773 : i32
          %get3A_775 = arith.index_cast %add3A_774 : i32 to index
          %get3A_776 = tpu.vector_load %arg15[%get3A_775] {strides = array<i32>} : memref<8192xf32, #tpu.memory_space<vmem>>, vector<16xf32>,
          %mul3A_777 = arith.mulf %unpack3A_763, %bitcast3A_380 : vector<16xf32>
          %mul3A_778 = arith.mulf %unpack3A_767, %bitcast3A_395 : vector<16xf32>
          %mul3A_779 = arith.mulf %unpack3A_771, %bitcast3A_410 : vector<16xf32>
          %add3A_780 = arith.addf %mul3A_777, %mul3A_778 : vector<16xf32>
          %add3A_781 = arith.addf %add3A_780, %mul3A_779 : vector<16xf32>
          %add3A_782 = arith.addf %broadcast_in_dim3A_413, %get3A_776 : vector<16xf32>
          %add3A_783 = arith.addf %add3A_781, %add3A_781 : vector<16xf32>
          %sub3A_784 = arith.subf %add3A_782, %add3A_783 : vector<16xf32>
          %lt3A_785 = arith.constant 4.000000e-02 : f32
          %lt3A_786 = vector.broadcast %lt3A_785 : f32 to vector<16xf32>
          %lt3A_787 = arith.cmpf olt, %sub3A_784, %lt3A_786 : vector<16xf32>
          %add3A_788 = vector.broadcast %add3A_774 : i32 to vector<16xi32>
          %add3A_789 = arith.addi %iota3A, %add3A_788 : vector<16xi32>
          %swap3A_790 = arith.index_cast %add3A_758 : i32 to index
          %swap3A_791 = tpu.vector_load %arg8[%swap3A_790] masked %lt3A_787 {strides = array<i32>} : memref<304xi32, #tpu.memory_space<vmem>>, vector<16xi32>, vector<16xi1>
          tpu.vector_store %arg8[%swap3A_790], %add3A_789 masked %lt3A_787 {strides = array<i32>} : memref<304xi32, #tpu.memory_space<vmem>>, vector<16xi32>, vector<16xi1>
          %all_reduce_population_count3A_792 = tpu.all_reduce %lt3A_787 {dim = 0 : i64, kind = #tpu.reduction_kind<sum>} : vector<16xi1> -> vector<16xi32>
          %slice3A_793 = vector.extract_strided_slice %all_reduce_population_count3A_792 {offsets = [0], sizes = [1], strides = [1]} : vector<16xi32> to vector<1xi32>
          %squeeze3A_794 = vector.extract %slice3A_793[0] : i32 from vector<1xi32>
          %add3A_795 = arith.addi %add3A_758, %squeeze3A_794 : i32
          %add3A_796 = arith.constant 16 : i32
          %add3A_797 = arith.addi %add3A_760, %add3A_796 : i32
          %get3A_798 = arith.index_cast %add3A_797 : i32 to index
          %get3A_799 = tpu.vector_load %arg15[%get3A_798] {strides = array<i32>} : memref<8192xf32, #tpu.memory_space<vmem>>, vector<16xf32>,
          %mul3A_800 = arith.mulf %unpack3A_764, %bitcast3A_380 : vector<16xf32>
          %mul3A_801 = arith.mulf %unpack3A_768, %bitcast3A_395 : vector<16xf32>
          %mul3A_802 = arith.mulf %unpack3A_772, %bitcast3A_410 : vector<16xf32>
          %add3A_803 = arith.addf %mul3A_800, %mul3A_801 : vector<16xf32>
          %add3A_804 = arith.addf %add3A_803, %mul3A_802 : vector<16xf32>
          %add3A_805 = arith.addf %broadcast_in_dim3A_413, %get3A_799 : vector<16xf32>
          %add3A_806 = arith.addf %add3A_804, %add3A_804 : vector<16xf32>
          %sub3A_807 = arith.subf %add3A_805, %add3A_806 : vector<16xf32>
          %lt3A_808 = arith.constant 4.000000e-02 : f32
          %lt3A_809 = vector.broadcast %lt3A_808 : f32 to vector<16xf32>
          %lt3A_810 = arith.cmpf olt, %sub3A_807, %lt3A_809 : vector<16xf32>
          %add3A_811 = vector.broadcast %add3A_797 : i32 to vector<16xi32>
          %add3A_812 = arith.addi %iota3A, %add3A_811 : vector<16xi32>
          %swap3A_813 = arith.index_cast %add3A_795 : i32 to index
          %swap3A_814 = tpu.vector_load %arg8[%swap3A_813] masked %lt3A_810 {strides = array<i32>} : memref<304xi32, #tpu.memory_space<vmem>>, vector<16xi32>, vector<16xi1>
          tpu.vector_store %arg8[%swap3A_813], %add3A_812 masked %lt3A_810 {strides = array<i32>} : memref<304xi32, #tpu.memory_space<vmem>>, vector<16xi32>, vector<16xi1>
          %all_reduce_population_count3A_815 = tpu.all_reduce %lt3A_810 {dim = 0 : i64, kind = #tpu.reduction_kind<sum>} : vector<16xi1> -> vector<16xi32>
          %slice3A_816 = vector.extract_strided_slice %all_reduce_population_count3A_815 {offsets = [0], sizes = [1], strides = [1]} : vector<16xi32> to vector<1xi32>
          %squeeze3A_817 = vector.extract %slice3A_816[0] : i32 from vector<1xi32>
          %add3A_818 = arith.addi %add3A_795, %squeeze3A_817 : i32
          %add3A_819 = arith.constant 160 : i32
          %add3A_820 = arith.addi %mul3A_520, %add3A_819 : i32
          %get3A_821 = arith.index_cast %add3A_820 : i32 to index
          %get3A_822 = tpu.vector_load %arg26[%get3A_821] {strides = array<i32>} : memref<8192xbf16, #tpu.memory_space<vmem>>, vector<32xbf16>,
          %unpack3A_823 = tpu.unpack_subelements %get3A_822, 0 {pack_format = #tpu.pack_format<interleaved>} : vector<32xbf16> -> vector<16xf32>
          %unpack3A_824 = tpu.unpack_subelements %get3A_822, 1 {pack_format = #tpu.pack_format<interleaved>} : vector<32xbf16> -> vector<16xf32>
          %get3A_825 = arith.index_cast %add3A_820 : i32 to index
          %get3A_826 = tpu.vector_load %arg28[%get3A_825] {strides = array<i32>} : memref<8192xbf16, #tpu.memory_space<vmem>>, vector<32xbf16>,
          %unpack3A_827 = tpu.unpack_subelements %get3A_826, 0 {pack_format = #tpu.pack_format<interleaved>} : vector<32xbf16> -> vector<16xf32>
          %unpack3A_828 = tpu.unpack_subelements %get3A_826, 1 {pack_format = #tpu.pack_format<interleaved>} : vector<32xbf16> -> vector<16xf32>
          %get3A_829 = arith.index_cast %add3A_820 : i32 to index
          %get3A_830 = tpu.vector_load %arg30[%get3A_829] {strides = array<i32>} : memref<8192xbf16, #tpu.memory_space<vmem>>, vector<32xbf16>,
          %unpack3A_831 = tpu.unpack_subelements %get3A_830, 0 {pack_format = #tpu.pack_format<interleaved>} : vector<32xbf16> -> vector<16xf32>
          %unpack3A_832 = tpu.unpack_subelements %get3A_830, 1 {pack_format = #tpu.pack_format<interleaved>} : vector<32xbf16> -> vector<16xf32>
          %add3A_833 = arith.constant 0 : i32
          %add3A_834 = arith.addi %add3A_820, %add3A_833 : i32
          %get3A_835 = arith.index_cast %add3A_834 : i32 to index
          %get3A_836 = tpu.vector_load %arg15[%get3A_835] {strides = array<i32>} : memref<8192xf32, #tpu.memory_space<vmem>>, vector<16xf32>,
          %mul3A_837 = arith.mulf %unpack3A_823, %bitcast3A_380 : vector<16xf32>
          %mul3A_838 = arith.mulf %unpack3A_827, %bitcast3A_395 : vector<16xf32>
          %mul3A_839 = arith.mulf %unpack3A_831, %bitcast3A_410 : vector<16xf32>
          %add3A_840 = arith.addf %mul3A_837, %mul3A_838 : vector<16xf32>
          %add3A_841 = arith.addf %add3A_840, %mul3A_839 : vector<16xf32>
          %add3A_842 = arith.addf %broadcast_in_dim3A_413, %get3A_836 : vector<16xf32>
          %add3A_843 = arith.addf %add3A_841, %add3A_841 : vector<16xf32>
          %sub3A_844 = arith.subf %add3A_842, %add3A_843 : vector<16xf32>
          %lt3A_845 = arith.constant 4.000000e-02 : f32
          %lt3A_846 = vector.broadcast %lt3A_845 : f32 to vector<16xf32>
          %lt3A_847 = arith.cmpf olt, %sub3A_844, %lt3A_846 : vector<16xf32>
          %add3A_848 = vector.broadcast %add3A_834 : i32 to vector<16xi32>
          %add3A_849 = arith.addi %iota3A, %add3A_848 : vector<16xi32>
          %swap3A_850 = arith.index_cast %add3A_818 : i32 to index
          %swap3A_851 = tpu.vector_load %arg8[%swap3A_850] masked %lt3A_847 {strides = array<i32>} : memref<304xi32, #tpu.memory_space<vmem>>, vector<16xi32>, vector<16xi1>
          tpu.vector_store %arg8[%swap3A_850], %add3A_849 masked %lt3A_847 {strides = array<i32>} : memref<304xi32, #tpu.memory_space<vmem>>, vector<16xi32>, vector<16xi1>
          %all_reduce_population_count3A_852 = tpu.all_reduce %lt3A_847 {dim = 0 : i64, kind = #tpu.reduction_kind<sum>} : vector<16xi1> -> vector<16xi32>
          %slice3A_853 = vector.extract_strided_slice %all_reduce_population_count3A_852 {offsets = [0], sizes = [1], strides = [1]} : vector<16xi32> to vector<1xi32>
          %squeeze3A_854 = vector.extract %slice3A_853[0] : i32 from vector<1xi32>
          %add3A_855 = arith.addi %add3A_818, %squeeze3A_854 : i32
          %add3A_856 = arith.constant 16 : i32
          %add3A_857 = arith.addi %add3A_820, %add3A_856 : i32
          %get3A_858 = arith.index_cast %add3A_857 : i32 to index
          %get3A_859 = tpu.vector_load %arg15[%get3A_858] {strides = array<i32>} : memref<8192xf32, #tpu.memory_space<vmem>>, vector<16xf32>,
          %mul3A_860 = arith.mulf %unpack3A_824, %bitcast3A_380 : vector<16xf32>
          %mul3A_861 = arith.mulf %unpack3A_828, %bitcast3A_395 : vector<16xf32>
          %mul3A_862 = arith.mulf %unpack3A_832, %bitcast3A_410 : vector<16xf32>
          %add3A_863 = arith.addf %mul3A_860, %mul3A_861 : vector<16xf32>
          %add3A_864 = arith.addf %add3A_863, %mul3A_862 : vector<16xf32>
          %add3A_865 = arith.addf %broadcast_in_dim3A_413, %get3A_859 : vector<16xf32>
          %add3A_866 = arith.addf %add3A_864, %add3A_864 : vector<16xf32>
          %sub3A_867 = arith.subf %add3A_865, %add3A_866 : vector<16xf32>
          %lt3A_868 = arith.constant 4.000000e-02 : f32
          %lt3A_869 = vector.broadcast %lt3A_868 : f32 to vector<16xf32>
          %lt3A_870 = arith.cmpf olt, %sub3A_867, %lt3A_869 : vector<16xf32>
          %add3A_871 = vector.broadcast %add3A_857 : i32 to vector<16xi32>
          %add3A_872 = arith.addi %iota3A, %add3A_871 : vector<16xi32>
          %swap3A_873 = arith.index_cast %add3A_855 : i32 to index
          %swap3A_874 = tpu.vector_load %arg8[%swap3A_873] masked %lt3A_870 {strides = array<i32>} : memref<304xi32, #tpu.memory_space<vmem>>, vector<16xi32>, vector<16xi1>
          tpu.vector_store %arg8[%swap3A_873], %add3A_872 masked %lt3A_870 {strides = array<i32>} : memref<304xi32, #tpu.memory_space<vmem>>, vector<16xi32>, vector<16xi1>
          %all_reduce_population_count3A_875 = tpu.all_reduce %lt3A_870 {dim = 0 : i64, kind = #tpu.reduction_kind<sum>} : vector<16xi1> -> vector<16xi32>
          %slice3A_876 = vector.extract_strided_slice %all_reduce_population_count3A_875 {offsets = [0], sizes = [1], strides = [1]} : vector<16xi32> to vector<1xi32>
          %squeeze3A_877 = vector.extract %slice3A_876[0] : i32 from vector<1xi32>
          %add3A_878 = arith.addi %add3A_855, %squeeze3A_877 : i32
          %add3A_879 = arith.constant 192 : i32
          %add3A_880 = arith.addi %mul3A_520, %add3A_879 : i32
          %get3A_881 = arith.index_cast %add3A_880 : i32 to index
          %get3A_882 = tpu.vector_load %arg26[%get3A_881] {strides = array<i32>} : memref<8192xbf16, #tpu.memory_space<vmem>>, vector<32xbf16>,
          %unpack3A_883 = tpu.unpack_subelements %get3A_882, 0 {pack_format = #tpu.pack_format<interleaved>} : vector<32xbf16> -> vector<16xf32>
          %unpack3A_884 = tpu.unpack_subelements %get3A_882, 1 {pack_format = #tpu.pack_format<interleaved>} : vector<32xbf16> -> vector<16xf32>
          %get3A_885 = arith.index_cast %add3A_880 : i32 to index
          %get3A_886 = tpu.vector_load %arg28[%get3A_885] {strides = array<i32>} : memref<8192xbf16, #tpu.memory_space<vmem>>, vector<32xbf16>,
          %unpack3A_887 = tpu.unpack_subelements %get3A_886, 0 {pack_format = #tpu.pack_format<interleaved>} : vector<32xbf16> -> vector<16xf32>
          %unpack3A_888 = tpu.unpack_subelements %get3A_886, 1 {pack_format = #tpu.pack_format<interleaved>} : vector<32xbf16> -> vector<16xf32>
          %get3A_889 = arith.index_cast %add3A_880 : i32 to index
          %get3A_890 = tpu.vector_load %arg30[%get3A_889] {strides = array<i32>} : memref<8192xbf16, #tpu.memory_space<vmem>>, vector<32xbf16>,
          %unpack3A_891 = tpu.unpack_subelements %get3A_890, 0 {pack_format = #tpu.pack_format<interleaved>} : vector<32xbf16> -> vector<16xf32>
          %unpack3A_892 = tpu.unpack_subelements %get3A_890, 1 {pack_format = #tpu.pack_format<interleaved>} : vector<32xbf16> -> vector<16xf32>
          %add3A_893 = arith.constant 0 : i32
          %add3A_894 = arith.addi %add3A_880, %add3A_893 : i32
          %get3A_895 = arith.index_cast %add3A_894 : i32 to index
          %get3A_896 = tpu.vector_load %arg15[%get3A_895] {strides = array<i32>} : memref<8192xf32, #tpu.memory_space<vmem>>, vector<16xf32>,
          %mul3A_897 = arith.mulf %unpack3A_883, %bitcast3A_380 : vector<16xf32>
          %mul3A_898 = arith.mulf %unpack3A_887, %bitcast3A_395 : vector<16xf32>
          %mul3A_899 = arith.mulf %unpack3A_891, %bitcast3A_410 : vector<16xf32>
          %add3A_900 = arith.addf %mul3A_897, %mul3A_898 : vector<16xf32>
          %add3A_901 = arith.addf %add3A_900, %mul3A_899 : vector<16xf32>
          %add3A_902 = arith.addf %broadcast_in_dim3A_413, %get3A_896 : vector<16xf32>
          %add3A_903 = arith.addf %add3A_901, %add3A_901 : vector<16xf32>
          %sub3A_904 = arith.subf %add3A_902, %add3A_903 : vector<16xf32>
          %lt3A_905 = arith.constant 4.000000e-02 : f32
          %lt3A_906 = vector.broadcast %lt3A_905 : f32 to vector<16xf32>
          %lt3A_907 = arith.cmpf olt, %sub3A_904, %lt3A_906 : vector<16xf32>
          %add3A_908 = vector.broadcast %add3A_894 : i32 to vector<16xi32>
          %add3A_909 = arith.addi %iota3A, %add3A_908 : vector<16xi32>
          %swap3A_910 = arith.index_cast %add3A_878 : i32 to index
          %swap3A_911 = tpu.vector_load %arg8[%swap3A_910] masked %lt3A_907 {strides = array<i32>} : memref<304xi32, #tpu.memory_space<vmem>>, vector<16xi32>, vector<16xi1>
          tpu.vector_store %arg8[%swap3A_910], %add3A_909 masked %lt3A_907 {strides = array<i32>} : memref<304xi32, #tpu.memory_space<vmem>>, vector<16xi32>, vector<16xi1>
          %all_reduce_population_count3A_912 = tpu.all_reduce %lt3A_907 {dim = 0 : i64, kind = #tpu.reduction_kind<sum>} : vector<16xi1> -> vector<16xi32>
          %slice3A_913 = vector.extract_strided_slice %all_reduce_population_count3A_912 {offsets = [0], sizes = [1], strides = [1]} : vector<16xi32> to vector<1xi32>
          %squeeze3A_914 = vector.extract %slice3A_913[0] : i32 from vector<1xi32>
          %add3A_915 = arith.addi %add3A_878, %squeeze3A_914 : i32
          %add3A_916 = arith.constant 16 : i32
          %add3A_917 = arith.addi %add3A_880, %add3A_916 : i32
          %get3A_918 = arith.index_cast %add3A_917 : i32 to index
          %get3A_919 = tpu.vector_load %arg15[%get3A_918] {strides = array<i32>} : memref<8192xf32, #tpu.memory_space<vmem>>, vector<16xf32>,
          %mul3A_920 = arith.mulf %unpack3A_884, %bitcast3A_380 : vector<16xf32>
          %mul3A_921 = arith.mulf %unpack3A_888, %bitcast3A_395 : vector<16xf32>
          %mul3A_922 = arith.mulf %unpack3A_892, %bitcast3A_410 : vector<16xf32>
          %add3A_923 = arith.addf %mul3A_920, %mul3A_921 : vector<16xf32>
          %add3A_924 = arith.addf %add3A_923, %mul3A_922 : vector<16xf32>
          %add3A_925 = arith.addf %broadcast_in_dim3A_413, %get3A_919 : vector<16xf32>
          %add3A_926 = arith.addf %add3A_924, %add3A_924 : vector<16xf32>
          %sub3A_927 = arith.subf %add3A_925, %add3A_926 : vector<16xf32>
          %lt3A_928 = arith.constant 4.000000e-02 : f32
          %lt3A_929 = vector.broadcast %lt3A_928 : f32 to vector<16xf32>
          %lt3A_930 = arith.cmpf olt, %sub3A_927, %lt3A_929 : vector<16xf32>
          %add3A_931 = vector.broadcast %add3A_917 : i32 to vector<16xi32>
          %add3A_932 = arith.addi %iota3A, %add3A_931 : vector<16xi32>
          %swap3A_933 = arith.index_cast %add3A_915 : i32 to index
          %swap3A_934 = tpu.vector_load %arg8[%swap3A_933] masked %lt3A_930 {strides = array<i32>} : memref<304xi32, #tpu.memory_space<vmem>>, vector<16xi32>, vector<16xi1>
          tpu.vector_store %arg8[%swap3A_933], %add3A_932 masked %lt3A_930 {strides = array<i32>} : memref<304xi32, #tpu.memory_space<vmem>>, vector<16xi32>, vector<16xi1>
          %all_reduce_population_count3A_935 = tpu.all_reduce %lt3A_930 {dim = 0 : i64, kind = #tpu.reduction_kind<sum>} : vector<16xi1> -> vector<16xi32>
          %slice3A_936 = vector.extract_strided_slice %all_reduce_population_count3A_935 {offsets = [0], sizes = [1], strides = [1]} : vector<16xi32> to vector<1xi32>
          %squeeze3A_937 = vector.extract %slice3A_936[0] : i32 from vector<1xi32>
          %add3A_938 = arith.addi %add3A_915, %squeeze3A_937 : i32
          %add3A_939 = arith.constant 224 : i32
          %add3A_940 = arith.addi %mul3A_520, %add3A_939 : i32
          %get3A_941 = arith.index_cast %add3A_940 : i32 to index
          %get3A_942 = tpu.vector_load %arg26[%get3A_941] {strides = array<i32>} : memref<8192xbf16, #tpu.memory_space<vmem>>, vector<32xbf16>,
          %unpack3A_943 = tpu.unpack_subelements %get3A_942, 0 {pack_format = #tpu.pack_format<interleaved>} : vector<32xbf16> -> vector<16xf32>
          %unpack3A_944 = tpu.unpack_subelements %get3A_942, 1 {pack_format = #tpu.pack_format<interleaved>} : vector<32xbf16> -> vector<16xf32>
          %get3A_945 = arith.index_cast %add3A_940 : i32 to index
          %get3A_946 = tpu.vector_load %arg28[%get3A_945] {strides = array<i32>} : memref<8192xbf16, #tpu.memory_space<vmem>>, vector<32xbf16>,
          %unpack3A_947 = tpu.unpack_subelements %get3A_946, 0 {pack_format = #tpu.pack_format<interleaved>} : vector<32xbf16> -> vector<16xf32>
          %unpack3A_948 = tpu.unpack_subelements %get3A_946, 1 {pack_format = #tpu.pack_format<interleaved>} : vector<32xbf16> -> vector<16xf32>
          %get3A_949 = arith.index_cast %add3A_940 : i32 to index
          %get3A_950 = tpu.vector_load %arg30[%get3A_949] {strides = array<i32>} : memref<8192xbf16, #tpu.memory_space<vmem>>, vector<32xbf16>,
          %unpack3A_951 = tpu.unpack_subelements %get3A_950, 0 {pack_format = #tpu.pack_format<interleaved>} : vector<32xbf16> -> vector<16xf32>
          %unpack3A_952 = tpu.unpack_subelements %get3A_950, 1 {pack_format = #tpu.pack_format<interleaved>} : vector<32xbf16> -> vector<16xf32>
          %add3A_953 = arith.constant 0 : i32
          %add3A_954 = arith.addi %add3A_940, %add3A_953 : i32
          %get3A_955 = arith.index_cast %add3A_954 : i32 to index
          %get3A_956 = tpu.vector_load %arg15[%get3A_955] {strides = array<i32>} : memref<8192xf32, #tpu.memory_space<vmem>>, vector<16xf32>,
          %mul3A_957 = arith.mulf %unpack3A_943, %bitcast3A_380 : vector<16xf32>
          %mul3A_958 = arith.mulf %unpack3A_947, %bitcast3A_395 : vector<16xf32>
          %mul3A_959 = arith.mulf %unpack3A_951, %bitcast3A_410 : vector<16xf32>
          %add3A_960 = arith.addf %mul3A_957, %mul3A_958 : vector<16xf32>
          %add3A_961 = arith.addf %add3A_960, %mul3A_959 : vector<16xf32>
          %add3A_962 = arith.addf %broadcast_in_dim3A_413, %get3A_956 : vector<16xf32>
          %add3A_963 = arith.addf %add3A_961, %add3A_961 : vector<16xf32>
          %sub3A_964 = arith.subf %add3A_962, %add3A_963 : vector<16xf32>
          %lt3A_965 = arith.constant 4.000000e-02 : f32
          %lt3A_966 = vector.broadcast %lt3A_965 : f32 to vector<16xf32>
          %lt3A_967 = arith.cmpf olt, %sub3A_964, %lt3A_966 : vector<16xf32>
          %add3A_968 = vector.broadcast %add3A_954 : i32 to vector<16xi32>
          %add3A_969 = arith.addi %iota3A, %add3A_968 : vector<16xi32>
          %swap3A_970 = arith.index_cast %add3A_938 : i32 to index
          %swap3A_971 = tpu.vector_load %arg8[%swap3A_970] masked %lt3A_967 {strides = array<i32>} : memref<304xi32, #tpu.memory_space<vmem>>, vector<16xi32>, vector<16xi1>
          tpu.vector_store %arg8[%swap3A_970], %add3A_969 masked %lt3A_967 {strides = array<i32>} : memref<304xi32, #tpu.memory_space<vmem>>, vector<16xi32>, vector<16xi1>
          %all_reduce_population_count3A_972 = tpu.all_reduce %lt3A_967 {dim = 0 : i64, kind = #tpu.reduction_kind<sum>} : vector<16xi1> -> vector<16xi32>
          %slice3A_973 = vector.extract_strided_slice %all_reduce_population_count3A_972 {offsets = [0], sizes = [1], strides = [1]} : vector<16xi32> to vector<1xi32>
          %squeeze3A_974 = vector.extract %slice3A_973[0] : i32 from vector<1xi32>
          %add3A_975 = arith.addi %add3A_938, %squeeze3A_974 : i32
          %add3A_976 = arith.constant 16 : i32
          %add3A_977 = arith.addi %add3A_940, %add3A_976 : i32
          %get3A_978 = arith.index_cast %add3A_977 : i32 to index
          %get3A_979 = tpu.vector_load %arg15[%get3A_978] {strides = array<i32>} : memref<8192xf32, #tpu.memory_space<vmem>>, vector<16xf32>,
          %mul3A_980 = arith.mulf %unpack3A_944, %bitcast3A_380 : vector<16xf32>
          %mul3A_981 = arith.mulf %unpack3A_948, %bitcast3A_395 : vector<16xf32>
          %mul3A_982 = arith.mulf %unpack3A_952, %bitcast3A_410 : vector<16xf32>
          %add3A_983 = arith.addf %mul3A_980, %mul3A_981 : vector<16xf32>
          %add3A_984 = arith.addf %add3A_983, %mul3A_982 : vector<16xf32>
          %add3A_985 = arith.addf %broadcast_in_dim3A_413, %get3A_979 : vector<16xf32>
          %add3A_986 = arith.addf %add3A_984, %add3A_984 : vector<16xf32>
          %sub3A_987 = arith.subf %add3A_985, %add3A_986 : vector<16xf32>
          %lt3A_988 = arith.constant 4.000000e-02 : f32
          %lt3A_989 = vector.broadcast %lt3A_988 : f32 to vector<16xf32>
          %lt3A_990 = arith.cmpf olt, %sub3A_987, %lt3A_989 : vector<16xf32>
          %add3A_991 = vector.broadcast %add3A_977 : i32 to vector<16xi32>
          %add3A_992 = arith.addi %iota3A, %add3A_991 : vector<16xi32>
          %swap3A_993 = arith.index_cast %add3A_975 : i32 to index
          %swap3A_994 = tpu.vector_load %arg8[%swap3A_993] masked %lt3A_990 {strides = array<i32>} : memref<304xi32, #tpu.memory_space<vmem>>, vector<16xi32>, vector<16xi1>
          tpu.vector_store %arg8[%swap3A_993], %add3A_992 masked %lt3A_990 {strides = array<i32>} : memref<304xi32, #tpu.memory_space<vmem>>, vector<16xi32>, vector<16xi1>
          %all_reduce_population_count3A_995 = tpu.all_reduce %lt3A_990 {dim = 0 : i64, kind = #tpu.reduction_kind<sum>} : vector<16xi1> -> vector<16xi32>
          %slice3A_996 = vector.extract_strided_slice %all_reduce_population_count3A_995 {offsets = [0], sizes = [1], strides = [1]} : vector<16xi32> to vector<1xi32>
          %squeeze3A_997 = vector.extract %slice3A_996[0] : i32 from vector<1xi32>
          %add3A_998 = arith.addi %add3A_975, %squeeze3A_997 : i32
          scf.yield %add3A_998 : i32
        } else {
          scf.yield %scan3A_514 : i32
        }
        scf.yield %cond3A_518 : i32
      }
      %scan3A_420 = arith.constant 32 : i32
      %get3A_421 = arith.constant 0 : index
      %get3A_422 = tpu.vector_load %arg8[%get3A_421] {strides = array<i32>} : memref<304xi32, #tpu.memory_space<vmem>>, vector<16xi32>,
      %get3A_423 = arith.constant 16 : index
      %get3A_424 = tpu.vector_load %arg8[%get3A_423] {strides = array<i32>} : memref<304xi32, #tpu.memory_space<vmem>>, vector<16xi32>,
      %slice3A_425 = vector.extract_strided_slice %get3A_422 {offsets = [0], sizes = [1], strides = [1]} : vector<16xi32> to vector<1xi32>
      %squeeze3A_426 = vector.extract %slice3A_425[0] : i32 from vector<1xi32>
      %broadcast_in_dim3A_427 = vector.broadcast %squeeze3A_426 : i32 to vector<16xi32>
      %broadcast_in_dim3A_428 = vector.broadcast %scan3A_419 : i32 to vector<16xi32>
      %gt3A = arith.constant 0 : i32
      %gt3A_429 = vector.broadcast %gt3A : i32 to vector<16xi32>
      %gt3A_430 = arith.cmpi sgt, %broadcast_in_dim3A_428, %gt3A_429 : vector<16xi32>
      %add3A_431 = arith.constant 0 : i32
      %add3A_432 = vector.broadcast %add3A_431 : i32 to vector<16xi32>
      %add3A_433 = arith.addi %iota3A, %add3A_432 : vector<16xi32>
      %lt3A_434 = arith.cmpi slt, %add3A_433, %broadcast_in_dim3A_428 : vector<16xi32>
      %select_n3A_435 = arith.select %lt3A_434, %get3A_422, %broadcast_in_dim3A_427 : vector<16xi1>, vector<16xi32>
      %select_n3A_436 = arith.select %gt3A_430, %select_n3A_435, %broadcast_in_dim3A_182 : vector<16xi1>, vector<16xi32>
      %mul3A_437 = arith.constant 32 : i32
      %mul3A_438 = arith.muli %scan3A_347, %mul3A_437 : i32
      %add3A_439 = arith.constant 0 : i32
      %add3A_440 = arith.addi %mul3A_438, %add3A_439 : i32
      %swap3A = arith.index_cast %add3A_440 : i32 to index
      %swap3A_441 = tpu.vector_load %arg10[%swap3A] {strides = array<i32>} : memref<4096xi32, #tpu.memory_space<vmem>>, vector<16xi32>,
      tpu.vector_store %arg10[%swap3A], %select_n3A_436 {strides = array<i32>} : memref<4096xi32, #tpu.memory_space<vmem>>, vector<16xi32>,
      %gather3A = tpu.vector_load_idx %arg25[%select_n3A_436] : memref<8192xf32, #tpu.memory_space<vmem>>[vector<16xi32>], vector<16xf32>,
      %sub3A_442 = arith.subf %gather3A, %broadcast_in_dim3A_361 : vector<16xf32>
      %mul3A_443 = arith.constant 32 : i32
      %mul3A_444 = arith.muli %scan3A_347, %mul3A_443 : i32
      %add3A_445 = arith.constant 0 : i32
      %add3A_446 = arith.addi %mul3A_444, %add3A_445 : i32
      %swap3A_447 = arith.constant 0 : i32
      %swap3A_448 = arith.index_cast %swap3A_447 : i32 to index
      %swap3A_449 = arith.index_cast %add3A_446 : i32 to index
      %swap3A_450 = tpu.vector_load %arg14[%swap3A_448, %swap3A_449] {strides = array<i32>} : memref<3x4096xf32, #tpu.memory_space<vmem>>, vector<16xf32>,
      tpu.vector_store %arg14[%swap3A_448, %swap3A_449], %sub3A_442 {strides = array<i32>} : memref<3x4096xf32, #tpu.memory_space<vmem>>, vector<16xf32>,
      %gather3A_451 = tpu.vector_load_idx %arg27[%select_n3A_436] : memref<8192xf32, #tpu.memory_space<vmem>>[vector<16xi32>], vector<16xf32>,
      %sub3A_452 = arith.subf %gather3A_451, %broadcast_in_dim3A_364 : vector<16xf32>
      %mul3A_453 = arith.constant 32 : i32
      %mul3A_454 = arith.muli %scan3A_347, %mul3A_453 : i32
      %add3A_455 = arith.constant 0 : i32
      %add3A_456 = arith.addi %mul3A_454, %add3A_455 : i32
      %swap3A_457 = arith.constant 1 : i32
      %swap3A_458 = arith.index_cast %swap3A_457 : i32 to index
      %swap3A_459 = arith.index_cast %add3A_456 : i32 to index
      %swap3A_460 = tpu.vector_load %arg14[%swap3A_458, %swap3A_459] {strides = array<i32>} : memref<3x4096xf32, #tpu.memory_space<vmem>>, vector<16xf32>,
      tpu.vector_store %arg14[%swap3A_458, %swap3A_459], %sub3A_452 {strides = array<i32>} : memref<3x4096xf32, #tpu.memory_space<vmem>>, vector<16xf32>,
      %gather3A_461 = tpu.vector_load_idx %arg29[%select_n3A_436] : memref<8192xf32, #tpu.memory_space<vmem>>[vector<16xi32>], vector<16xf32>,
      %sub3A_462 = arith.subf %gather3A_461, %broadcast_in_dim3A_367 : vector<16xf32>
      %mul3A_463 = arith.constant 32 : i32
      %mul3A_464 = arith.muli %scan3A_347, %mul3A_463 : i32
      %add3A_465 = arith.constant 0 : i32
      %add3A_466 = arith.addi %mul3A_464, %add3A_465 : i32
      %swap3A_467 = arith.constant 2 : i32
      %swap3A_468 = arith.index_cast %swap3A_467 : i32 to index
      %swap3A_469 = arith.index_cast %add3A_466 : i32 to index
      %swap3A_470 = tpu.vector_load %arg14[%swap3A_468, %swap3A_469] {strides = array<i32>} : memref<3x4096xf32, #tpu.memory_space<vmem>>, vector<16xf32>,
      tpu.vector_store %arg14[%swap3A_468, %swap3A_469], %sub3A_462 {strides = array<i32>} : memref<3x4096xf32, #tpu.memory_space<vmem>>, vector<16xf32>,
      %add3A_471 = arith.constant 16 : i32
      %add3A_472 = vector.broadcast %add3A_471 : i32 to vector<16xi32>
      %add3A_473 = arith.addi %iota3A, %add3A_472 : vector<16xi32>
      %lt3A_474 = arith.cmpi slt, %add3A_473, %broadcast_in_dim3A_428 : vector<16xi32>
      %select_n3A_475 = arith.select %lt3A_474, %get3A_424, %broadcast_in_dim3A_427 : vector<16xi1>, vector<16xi32>
      %select_n3A_476 = arith.select %gt3A_430, %select_n3A_475, %broadcast_in_dim3A_182 : vector<16xi1>, vector<16xi32>
      %mul3A_477 = arith.constant 32 : i32
      %mul3A_478 = arith.muli %scan3A_347, %mul3A_477 : i32
      %add3A_479 = arith.constant 16 : i32
      %add3A_480 = arith.addi %mul3A_478, %add3A_479 : i32
      %swap3A_481 = arith.index_cast %add3A_480 : i32 to index
      %swap3A_482 = tpu.vector_load %arg10[%swap3A_481] {strides = array<i32>} : memref<4096xi32, #tpu.memory_space<vmem>>, vector<16xi32>,
      tpu.vector_store %arg10[%swap3A_481], %select_n3A_476 {strides = array<i32>} : memref<4096xi32, #tpu.memory_space<vmem>>, vector<16xi32>,
      %gather3A_483 = tpu.vector_load_idx %arg25[%select_n3A_476] : memref<8192xf32, #tpu.memory_space<vmem>>[vector<16xi32>], vector<16xf32>,
      %sub3A_484 = arith.subf %gather3A_483, %broadcast_in_dim3A_361 : vector<16xf32>
      %mul3A_485 = arith.constant 32 : i32
      %mul3A_486 = arith.muli %scan3A_347, %mul3A_485 : i32
      %add3A_487 = arith.constant 16 : i32
      %add3A_488 = arith.addi %mul3A_486, %add3A_487 : i32
      %swap3A_489 = arith.constant 0 : i32
      %swap3A_490 = arith.index_cast %swap3A_489 : i32 to index
      %swap3A_491 = arith.index_cast %add3A_488 : i32 to index
      %swap3A_492 = tpu.vector_load %arg14[%swap3A_490, %swap3A_491] {strides = array<i32>} : memref<3x4096xf32, #tpu.memory_space<vmem>>, vector<16xf32>,
      tpu.vector_store %arg14[%swap3A_490, %swap3A_491], %sub3A_484 {strides = array<i32>} : memref<3x4096xf32, #tpu.memory_space<vmem>>, vector<16xf32>,
      %gather3A_493 = tpu.vector_load_idx %arg27[%select_n3A_476] : memref<8192xf32, #tpu.memory_space<vmem>>[vector<16xi32>], vector<16xf32>,
      %sub3A_494 = arith.subf %gather3A_493, %broadcast_in_dim3A_364 : vector<16xf32>
      %mul3A_495 = arith.constant 32 : i32
      %mul3A_496 = arith.muli %scan3A_347, %mul3A_495 : i32
      %add3A_497 = arith.constant 16 : i32
      %add3A_498 = arith.addi %mul3A_496, %add3A_497 : i32
      %swap3A_499 = arith.constant 1 : i32
      %swap3A_500 = arith.index_cast %swap3A_499 : i32 to index
      %swap3A_501 = arith.index_cast %add3A_498 : i32 to index
      %swap3A_502 = tpu.vector_load %arg14[%swap3A_500, %swap3A_501] {strides = array<i32>} : memref<3x4096xf32, #tpu.memory_space<vmem>>, vector<16xf32>,
      tpu.vector_store %arg14[%swap3A_500, %swap3A_501], %sub3A_494 {strides = array<i32>} : memref<3x4096xf32, #tpu.memory_space<vmem>>, vector<16xf32>,
      %gather3A_503 = tpu.vector_load_idx %arg29[%select_n3A_476] : memref<8192xf32, #tpu.memory_space<vmem>>[vector<16xi32>], vector<16xf32>,
      %sub3A_504 = arith.subf %gather3A_503, %broadcast_in_dim3A_367 : vector<16xf32>
      %mul3A_505 = arith.constant 32 : i32
      %mul3A_506 = arith.muli %scan3A_347, %mul3A_505 : i32
      %add3A_507 = arith.constant 16 : i32
      %add3A_508 = arith.addi %mul3A_506, %add3A_507 : i32
      %swap3A_509 = arith.constant 2 : i32
      %swap3A_510 = arith.index_cast %swap3A_509 : i32 to index
      %swap3A_511 = arith.index_cast %add3A_508 : i32 to index
      %swap3A_512 = tpu.vector_load %arg14[%swap3A_510, %swap3A_511] {strides = array<i32>} : memref<3x4096xf32, #tpu.memory_space<vmem>>, vector<16xf32>,
      tpu.vector_store %arg14[%swap3A_510, %swap3A_511], %sub3A_504 {strides = array<i32>} : memref<3x4096xf32, #tpu.memory_space<vmem>>, vector<16xf32>,
    }
    %scan3A_193 = arith.constant 128 : i32
    %mul3A_194 = arith.constant 131 : i32
    %mul3A_195 = arith.muli %add3A, %mul3A_194 : i32
    %add3A_196 = arith.constant 0 : i32
    %add3A_197 = arith.addi %mul3A_195, %add3A_196 : i32
    %mul3A_198 = arith.constant 1024 : i32
    %mul3A_199 = arith.muli %add3A_197, %mul3A_198 : i32
    %add3A_200 = arith.addi %mul3A_199, %mul3A_32 : i32
    %mul3A_201 = arith.constant 32 : i32
    %mul3A_202 = arith.muli %add3A_200, %mul3A_201 : i32
    %dma_start3A_203 = arith.constant 0 : i32
    %dma_start3A_204 = arith.constant 0 : i32
    %dma_start3A_205 = tpu.memref_slice %arg14[%dma_start3A_203, %dma_start3A_204] : memref<3x4096xf32, #tpu.memory_space<vmem>> -> memref<1x4096xf32, #tpu.memory_space<vmem>>
    %dma_start3A_206 = tpu.memref_squeeze %dma_start3A_205 : memref<1x4096xf32, #tpu.memory_space<vmem>> -> memref<4096xf32, #tpu.memory_space<vmem>>
    %dma_start3A_207 = tpu.memref_slice %arg7[%mul3A_202] : memref<17170432xf32, #tpu.memory_space<hbm>> -> memref<4096xf32, #tpu.memory_space<hbm>>
    %dma_start3A_208 = tpu.memref_slice %arg7[%mul3A_202] : memref<17170432xf32, #tpu.memory_space<hbm>> -> memref<4096xf32, #tpu.memory_space<hbm>>
    %dma_start3A_209 = arith.constant 0 : i32
    %dma_start3A_210 = tpu.memref_slice %arg14[%dma_start3A_203, %dma_start3A_209] : memref<3x4096xf32, #tpu.memory_space<vmem>> -> memref<1x4096xf32, #tpu.memory_space<vmem>>
    %dma_start3A_211 = tpu.memref_squeeze %dma_start3A_210 : memref<1x4096xf32, #tpu.memory_space<vmem>> -> memref<4096xf32, #tpu.memory_space<vmem>>
    tpu.enqueue_dma source(%dma_start3A_211 : memref<4096xf32, #tpu.memory_space<vmem>>) target(%dma_start3A_208 : memref<4096xf32, #tpu.memory_space<hbm>>) target_semaphore(%arg22 : memref<!tpu.dma_semaphore, #tpu.memory_space<semaphore_mem>>)
    %mul3A_212 = arith.constant 131 : i32
    %mul3A_213 = arith.muli %add3A, %mul3A_212 : i32
    %add3A_214 = arith.constant 1 : i32
    %add3A_215 = arith.addi %mul3A_213, %add3A_214 : i32
    %mul3A_216 = arith.constant 1024 : i32
    %mul3A_217 = arith.muli %add3A_215, %mul3A_216 : i32
    %add3A_218 = arith.addi %mul3A_217, %mul3A_32 : i32
    %mul3A_219 = arith.constant 32 : i32
    %mul3A_220 = arith.muli %add3A_218, %mul3A_219 : i32
    %dma_start3A_221 = arith.constant 1 : i32
    %dma_start3A_222 = arith.constant 0 : i32
    %dma_start3A_223 = tpu.memref_slice %arg14[%dma_start3A_221, %dma_start3A_222] : memref<3x4096xf32, #tpu.memory_space<vmem>> -> memref<1x4096xf32, #tpu.memory_space<vmem>>
    %dma_start3A_224 = tpu.memref_squeeze %dma_start3A_223 : memref<1x4096xf32, #tpu.memory_space<vmem>> -> memref<4096xf32, #tpu.memory_space<vmem>>
    %dma_start3A_225 = tpu.memref_slice %arg7[%mul3A_220] : memref<17170432xf32, #tpu.memory_space<hbm>> -> memref<4096xf32, #tpu.memory_space<hbm>>
    %dma_start3A_226 = tpu.memref_slice %arg7[%mul3A_220] : memref<17170432xf32, #tpu.memory_space<hbm>> -> memref<4096xf32, #tpu.memory_space<hbm>>
    %dma_start3A_227 = arith.constant 0 : i32
    %dma_start3A_228 = tpu.memref_slice %arg14[%dma_start3A_221, %dma_start3A_227] : memref<3x4096xf32, #tpu.memory_space<vmem>> -> memref<1x4096xf32, #tpu.memory_space<vmem>>
    %dma_start3A_229 = tpu.memref_squeeze %dma_start3A_228 : memref<1x4096xf32, #tpu.memory_space<vmem>> -> memref<4096xf32, #tpu.memory_space<vmem>>
    tpu.enqueue_dma source(%dma_start3A_229 : memref<4096xf32, #tpu.memory_space<vmem>>) target(%dma_start3A_226 : memref<4096xf32, #tpu.memory_space<hbm>>) target_semaphore(%arg22 : memref<!tpu.dma_semaphore, #tpu.memory_space<semaphore_mem>>)
    %mul3A_230 = arith.constant 131 : i32
    %mul3A_231 = arith.muli %add3A, %mul3A_230 : i32
    %add3A_232 = arith.constant 2 : i32
    %add3A_233 = arith.addi %mul3A_231, %add3A_232 : i32
    %mul3A_234 = arith.constant 1024 : i32
    %mul3A_235 = arith.muli %add3A_233, %mul3A_234 : i32
    %add3A_236 = arith.addi %mul3A_235, %mul3A_32 : i32
    %mul3A_237 = arith.constant 32 : i32
    %mul3A_238 = arith.muli %add3A_236, %mul3A_237 : i32
    %dma_start3A_239 = arith.constant 2 : i32
    %dma_start3A_240 = arith.constant 0 : i32
    %dma_start3A_241 = tpu.memref_slice %arg14[%dma_start3A_239, %dma_start3A_240] : memref<3x4096xf32, #tpu.memory_space<vmem>> -> memref<1x4096xf32, #tpu.memory_space<vmem>>
    %dma_start3A_242 = tpu.memref_squeeze %dma_start3A_241 : memref<1x4096xf32, #tpu.memory_space<vmem>> -> memref<4096xf32, #tpu.memory_space<vmem>>
    %dma_start3A_243 = tpu.memref_slice %arg7[%mul3A_238] : memref<17170432xf32, #tpu.memory_space<hbm>> -> memref<4096xf32, #tpu.memory_space<hbm>>
    %dma_start3A_244 = tpu.memref_slice %arg7[%mul3A_238] : memref<17170432xf32, #tpu.memory_space<hbm>> -> memref<4096xf32, #tpu.memory_space<hbm>>
    %dma_start3A_245 = arith.constant 0 : i32
    %dma_start3A_246 = tpu.memref_slice %arg14[%dma_start3A_239, %dma_start3A_245] : memref<3x4096xf32, #tpu.memory_space<vmem>> -> memref<1x4096xf32, #tpu.memory_space<vmem>>
    %dma_start3A_247 = tpu.memref_squeeze %dma_start3A_246 : memref<1x4096xf32, #tpu.memory_space<vmem>> -> memref<4096xf32, #tpu.memory_space<vmem>>
    tpu.enqueue_dma source(%dma_start3A_247 : memref<4096xf32, #tpu.memory_space<vmem>>) target(%dma_start3A_244 : memref<4096xf32, #tpu.memory_space<hbm>>) target_semaphore(%arg22 : memref<!tpu.dma_semaphore, #tpu.memory_space<semaphore_mem>>)
    %mul3A_248 = arith.constant 32 : i32
    %mul3A_249 = arith.muli %mul3A_32, %mul3A_248 : i32
    "tpu.region"() ({
      %run_scoped3A = tpu.sem_alloc : memref<!tpu.dma_semaphore, #tpu.memory_space<semaphore_mem>>
      %dma_start3A_347 = tpu.memref_slice %arg24[%select_n3A, %mul3A_249] : memref<2x32768xi32, #tpu.memory_space<vmem_shared>> -> memref<1x4096xi32, #tpu.memory_space<vmem_shared>>
      %dma_start3A_348 = tpu.memref_squeeze %dma_start3A_347 : memref<1x4096xi32, #tpu.memory_space<vmem_shared>> -> memref<4096xi32, #tpu.memory_space<vmem_shared>>
      %dma_start3A_349 = tpu.memref_slice %arg24[%select_n3A, %mul3A_249] : memref<2x32768xi32, #tpu.memory_space<vmem_shared>> -> memref<1x4096xi32, #tpu.memory_space<vmem_shared>>
      %dma_start3A_350 = tpu.memref_squeeze %dma_start3A_349 : memref<1x4096xi32, #tpu.memory_space<vmem_shared>> -> memref<4096xi32, #tpu.memory_space<vmem_shared>>
      tpu.enqueue_dma source(%arg10 : memref<4096xi32, #tpu.memory_space<vmem>>) target(%dma_start3A_350 : memref<4096xi32, #tpu.memory_space<vmem_shared>>) target_semaphore(%run_scoped3A : memref<!tpu.dma_semaphore, #tpu.memory_space<semaphore_mem>>)
      %dma_wait3A_351 = tpu.memref_slice %arg24[%select_n3A, %mul3A_249] : memref<2x32768xi32, #tpu.memory_space<vmem_shared>> -> memref<1x4096xi32, #tpu.memory_space<vmem_shared>>
      %dma_wait3A_352 = tpu.memref_squeeze %dma_wait3A_351 : memref<1x4096xi32, #tpu.memory_space<vmem_shared>> -> memref<4096xi32, #tpu.memory_space<vmem_shared>>
      %dma_wait3A_353 = tpu.memref_slice %arg24[%select_n3A, %mul3A_249] : memref<2x32768xi32, #tpu.memory_space<vmem_shared>> -> memref<1x4096xi32, #tpu.memory_space<vmem_shared>>
      %dma_wait3A_354 = tpu.memref_squeeze %dma_wait3A_353 : memref<1x4096xi32, #tpu.memory_space<vmem_shared>> -> memref<4096xi32, #tpu.memory_space<vmem_shared>>
      tpu.wait_dma2 semaphore(%run_scoped3A : memref<!tpu.dma_semaphore, #tpu.memory_space<semaphore_mem>>) src(%arg10 : memref<4096xi32, #tpu.memory_space<vmem>>) dst(%dma_wait3A_354 : memref<4096xi32, #tpu.memory_space<vmem_shared>>)
      tpu.yield
    }) : () -> ()
    %barrier3A = arith.constant 0 : index
    tpu.barrier barrier_id(%barrier3A)
    "tpu.region"() ({
      %run_scoped3A = tpu.sem_alloc : memref<!tpu.dma_semaphore, #tpu.memory_space<semaphore_mem>>
      %dma_start3A_347 = arith.constant 0 : i32
      %dma_start3A_348 = tpu.memref_slice %arg24[%select_n3A, %dma_start3A_347] : memref<2x32768xi32, #tpu.memory_space<vmem_shared>> -> memref<1x32768xi32, #tpu.memory_space<vmem_shared>>
      %dma_start3A_349 = tpu.memref_squeeze %dma_start3A_348 : memref<1x32768xi32, #tpu.memory_space<vmem_shared>> -> memref<32768xi32, #tpu.memory_space<vmem_shared>>
      %dma_start3A_350 = arith.constant 0 : i32
      %dma_start3A_351 = tpu.memref_slice %arg24[%select_n3A, %dma_start3A_350] : memref<2x32768xi32, #tpu.memory_space<vmem_shared>> -> memref<1x32768xi32, #tpu.memory_space<vmem_shared>>
      %dma_start3A_352 = tpu.memref_squeeze %dma_start3A_351 : memref<1x32768xi32, #tpu.memory_space<vmem_shared>> -> memref<32768xi32, #tpu.memory_space<vmem_shared>>
      tpu.enqueue_dma source(%dma_start3A_352 : memref<32768xi32, #tpu.memory_space<vmem_shared>>) target(%arg11 : memref<32768xi32, #tpu.memory_space<vmem>>) target_semaphore(%run_scoped3A : memref<!tpu.dma_semaphore, #tpu.memory_space<semaphore_mem>>)
      %dma_wait3A_353 = arith.constant 0 : i32
      %dma_wait3A_354 = tpu.memref_slice %arg24[%select_n3A, %dma_wait3A_353] : memref<2x32768xi32, #tpu.memory_space<vmem_shared>> -> memref<1x32768xi32, #tpu.memory_space<vmem_shared>>
      %dma_wait3A_355 = tpu.memref_squeeze %dma_wait3A_354 : memref<1x32768xi32, #tpu.memory_space<vmem_shared>> -> memref<32768xi32, #tpu.memory_space<vmem_shared>>
      %dma_wait3A_356 = arith.constant 0 : i32
      %dma_wait3A_357 = tpu.memref_slice %arg24[%select_n3A, %dma_wait3A_356] : memref<2x32768xi32, #tpu.memory_space<vmem_shared>> -> memref<1x32768xi32, #tpu.memory_space<vmem_shared>>
      %dma_wait3A_358 = tpu.memref_squeeze %dma_wait3A_357 : memref<1x32768xi32, #tpu.memory_space<vmem_shared>> -> memref<32768xi32, #tpu.memory_space<vmem_shared>>
      tpu.wait_dma2 semaphore(%run_scoped3A : memref<!tpu.dma_semaphore, #tpu.memory_space<semaphore_mem>>) src(%dma_wait3A_358 : memref<32768xi32, #tpu.memory_space<vmem_shared>>) dst(%arg11 : memref<32768xi32, #tpu.memory_space<vmem>>)
      tpu.yield
    }) : () -> ()
    %scan3A_250 = arith.constant 0 : i32
    %scan3A_251 = arith.constant 0 : i32
    %scan3A_252 = arith.constant 8 : i32
    %scan3A_253 = arith.addi %scan3A_251, %scan3A_252 : i32
    %scan3A_254 = arith.constant 1 : i32
    scf.for %scan3A_347 = %scan3A_251 to %scan3A_253 step %scan3A_254  : i32 {
      %mul3A_348 = arith.constant 2 : i32
      %mul3A_349 = arith.muli %mul3A_348, %scan3A_347 : i32
      %add3A_350 = arith.addi %mul3A_50, %mul3A_349 : i32
      %add3A_351 = arith.constant 1 : i32
      %add3A_352 = arith.addi %add3A_350, %add3A_351 : i32
      %mul3A_353 = arith.constant 128 : i32
      %mul3A_354 = arith.muli %add3A, %mul3A_353 : i32
      %add3A_355 = arith.addi %mul3A_354, %add3A_350 : i32
      %mul3A_356 = arith.constant 8192 : i32
      %mul3A_357 = arith.muli %add3A_355, %mul3A_356 : i32
      %dma_wait3A_358 = tpu.memref_slice %arg6[%mul3A_357] : memref<4194304xf32, #tpu.memory_space<hbm>> -> memref<8192xf32, #tpu.memory_space<hbm>>
      %dma_wait3A_359 = tpu.memref_slice %arg6[%mul3A_357] : memref<4194304xf32, #tpu.memory_space<hbm>> -> memref<8192xf32, #tpu.memory_space<hbm>>
      tpu.wait_dma2 semaphore(%arg23 : memref<!tpu.dma_semaphore, #tpu.memory_space<semaphore_mem>>) src(%dma_wait3A_359 : memref<8192xf32, #tpu.memory_space<hbm>>) dst(%arg18 : memref<8192xf32, #tpu.memory_space<vmem>>)
      %mul3A_360 = arith.constant 128 : i32
      %mul3A_361 = arith.muli %add3A, %mul3A_360 : i32
      %add3A_362 = arith.addi %mul3A_361, %add3A_352 : i32
      %mul3A_363 = arith.constant 8192 : i32
      %mul3A_364 = arith.muli %add3A_362, %mul3A_363 : i32
      %dma_start3A_365 = tpu.memref_slice %arg6[%mul3A_364] : memref<4194304xf32, #tpu.memory_space<hbm>> -> memref<8192xf32, #tpu.memory_space<hbm>>
      %dma_start3A_366 = tpu.memref_slice %arg6[%mul3A_364] : memref<4194304xf32, #tpu.memory_space<hbm>> -> memref<8192xf32, #tpu.memory_space<hbm>>
      tpu.enqueue_dma source(%dma_start3A_366 : memref<8192xf32, #tpu.memory_space<hbm>>) target(%arg17 : memref<8192xf32, #tpu.memory_space<vmem>>) target_semaphore(%arg23 : memref<!tpu.dma_semaphore, #tpu.memory_space<semaphore_mem>>)
      %mul3A_367 = arith.constant 131 : i32
      %mul3A_368 = arith.muli %add3A, %mul3A_367 : i32
      %add3A_369 = arith.constant 3 : i32
      %add3A_370 = arith.addi %mul3A_368, %add3A_369 : i32
      %add3A_371 = arith.addi %add3A_370, %add3A_350 : i32
      %mul3A_372 = arith.constant 1024 : i32
      %mul3A_373 = arith.muli %add3A_371, %mul3A_372 : i32
      %add3A_374 = arith.constant 0 : i32
      %add3A_375 = arith.addi %mul3A_373, %add3A_374 : i32
      %mul3A_376 = arith.constant 32 : i32
      %mul3A_377 = arith.muli %add3A_375, %mul3A_376 : i32
      %gt3A = arith.cmpi sgt, %add3A_350, %mul3A_50 : i32
      %convert_element_type3A = arith.extui %gt3A : i1 to i32
      %cond3A = arith.constant 0 : i32
      %cond3A_378 = arith.cmpi ne, %convert_element_type3A, %cond3A : i32
      scf.if %cond3A_378 {
        %dma_wait3A_728 = tpu.memref_slice %arg7[%mul3A_377] : memref<17170432xf32, #tpu.memory_space<hbm>> -> memref<4096xf32, #tpu.memory_space<hbm>>
        %dma_wait3A_729 = tpu.memref_slice %arg7[%mul3A_377] : memref<17170432xf32, #tpu.memory_space<hbm>> -> memref<4096xf32, #tpu.memory_space<hbm>>
        tpu.wait_dma2 semaphore(%arg20 : memref<!tpu.dma_semaphore, #tpu.memory_space<semaphore_mem>>) src(%arg13 : memref<4096xf32, #tpu.memory_space<vmem>>) dst(%dma_wait3A_729 : memref<4096xf32, #tpu.memory_space<hbm>>)
      } else {
      }
      %scan3A_379 = arith.constant 0 : i32
      %scan3A_380 = arith.constant 0 : i32
      %scan3A_381 = arith.constant 32 : i32
      %scan3A_382 = arith.addi %scan3A_380, %scan3A_381 : i32
      %scan3A_383 = arith.constant 1 : i32
      scf.for %scan3A_728 = %scan3A_380 to %scan3A_382 step %scan3A_383  : i32 {
        %mul3A_729 = arith.constant 4 : i32
        %mul3A_730 = arith.muli %scan3A_728, %mul3A_729 : i32
        %mul3A_731 = arith.constant 32 : i32
        %mul3A_732 = arith.muli %mul3A_730, %mul3A_731 : i32
        %add3A_733 = arith.constant 0 : i32
        %add3A_734 = arith.addi %add3A_733, %mul3A_732 : i32
        %add3A_735 = arith.constant 0 : i32
        %add3A_736 = arith.addi %add3A_734, %add3A_735 : i32
        %add3A_737 = arith.constant 0 : i32
        %add3A_738 = arith.addi %add3A_736, %add3A_737 : i32
        %get3A = arith.index_cast %add3A_738 : i32 to index
        %get3A_739 = tpu.vector_load %arg11[%get3A] {strides = array<i32>} : memref<32768xi32, #tpu.memory_space<vmem>>, vector<16xi32>,
        %gather3A = tpu.vector_load_idx %arg18[%get3A_739] : memref<8192xf32, #tpu.memory_space<vmem>>[vector<16xi32>], vector<16xf32>,
        %sub3A_740 = arith.constant 0 : i32
        %sub3A_741 = arith.subi %add3A_738, %sub3A_740 : i32
        %swap3A = arith.index_cast %sub3A_741 : i32 to index
        %swap3A_742 = tpu.vector_load %arg13[%swap3A] {strides = array<i32>} : memref<4096xf32, #tpu.memory_space<vmem>>, vector<16xf32>,
        tpu.vector_store %arg13[%swap3A], %gather3A {strides = array<i32>} : memref<4096xf32, #tpu.memory_space<vmem>>, vector<16xf32>,
        %add3A_743 = arith.constant 0 : i32
        %add3A_744 = arith.addi %add3A_734, %add3A_743 : i32
        %add3A_745 = arith.constant 16 : i32
        %add3A_746 = arith.addi %add3A_744, %add3A_745 : i32
        %get3A_747 = arith.index_cast %add3A_746 : i32 to index
        %get3A_748 = tpu.vector_load %arg11[%get3A_747] {strides = array<i32>} : memref<32768xi32, #tpu.memory_space<vmem>>, vector<16xi32>,
        %gather3A_749 = tpu.vector_load_idx %arg18[%get3A_748] : memref<8192xf32, #tpu.memory_space<vmem>>[vector<16xi32>], vector<16xf32>,
        %sub3A_750 = arith.constant 0 : i32
        %sub3A_751 = arith.subi %add3A_746, %sub3A_750 : i32
        %swap3A_752 = arith.index_cast %sub3A_751 : i32 to index
        %swap3A_753 = tpu.vector_load %arg13[%swap3A_752] {strides = array<i32>} : memref<4096xf32, #tpu.memory_space<vmem>>, vector<16xf32>,
        tpu.vector_store %arg13[%swap3A_752], %gather3A_749 {strides = array<i32>} : memref<4096xf32, #tpu.memory_space<vmem>>, vector<16xf32>,
        %add3A_754 = arith.constant 32 : i32
        %add3A_755 = arith.addi %add3A_734, %add3A_754 : i32
        %add3A_756 = arith.constant 0 : i32
        %add3A_757 = arith.addi %add3A_755, %add3A_756 : i32
        %get3A_758 = arith.index_cast %add3A_757 : i32 to index
        %get3A_759 = tpu.vector_load %arg11[%get3A_758] {strides = array<i32>} : memref<32768xi32, #tpu.memory_space<vmem>>, vector<16xi32>,
        %gather3A_760 = tpu.vector_load_idx %arg18[%get3A_759] : memref<8192xf32, #tpu.memory_space<vmem>>[vector<16xi32>], vector<16xf32>,
        %sub3A_761 = arith.constant 0 : i32
        %sub3A_762 = arith.subi %add3A_757, %sub3A_761 : i32
        %swap3A_763 = arith.index_cast %sub3A_762 : i32 to index
        %swap3A_764 = tpu.vector_load %arg13[%swap3A_763] {strides = array<i32>} : memref<4096xf32, #tpu.memory_space<vmem>>, vector<16xf32>,
        tpu.vector_store %arg13[%swap3A_763], %gather3A_760 {strides = array<i32>} : memref<4096xf32, #tpu.memory_space<vmem>>, vector<16xf32>,
        %add3A_765 = arith.constant 32 : i32
        %add3A_766 = arith.addi %add3A_734, %add3A_765 : i32
        %add3A_767 = arith.constant 16 : i32
        %add3A_768 = arith.addi %add3A_766, %add3A_767 : i32
        %get3A_769 = arith.index_cast %add3A_768 : i32 to index
        %get3A_770 = tpu.vector_load %arg11[%get3A_769] {strides = array<i32>} : memref<32768xi32, #tpu.memory_space<vmem>>, vector<16xi32>,
        %gather3A_771 = tpu.vector_load_idx %arg18[%get3A_770] : memref<8192xf32, #tpu.memory_space<vmem>>[vector<16xi32>], vector<16xf32>,
        %sub3A_772 = arith.constant 0 : i32
        %sub3A_773 = arith.subi %add3A_768, %sub3A_772 : i32
        %swap3A_774 = arith.index_cast %sub3A_773 : i32 to index
        %swap3A_775 = tpu.vector_load %arg13[%swap3A_774] {strides = array<i32>} : memref<4096xf32, #tpu.memory_space<vmem>>, vector<16xf32>,
        tpu.vector_store %arg13[%swap3A_774], %gather3A_771 {strides = array<i32>} : memref<4096xf32, #tpu.memory_space<vmem>>, vector<16xf32>,
        %add3A_776 = arith.constant 64 : i32
        %add3A_777 = arith.addi %add3A_734, %add3A_776 : i32
        %add3A_778 = arith.constant 0 : i32
        %add3A_779 = arith.addi %add3A_777, %add3A_778 : i32
        %get3A_780 = arith.index_cast %add3A_779 : i32 to index
        %get3A_781 = tpu.vector_load %arg11[%get3A_780] {strides = array<i32>} : memref<32768xi32, #tpu.memory_space<vmem>>, vector<16xi32>,
        %gather3A_782 = tpu.vector_load_idx %arg18[%get3A_781] : memref<8192xf32, #tpu.memory_space<vmem>>[vector<16xi32>], vector<16xf32>,
        %sub3A_783 = arith.constant 0 : i32
        %sub3A_784 = arith.subi %add3A_779, %sub3A_783 : i32
        %swap3A_785 = arith.index_cast %sub3A_784 : i32 to index
        %swap3A_786 = tpu.vector_load %arg13[%swap3A_785] {strides = array<i32>} : memref<4096xf32, #tpu.memory_space<vmem>>, vector<16xf32>,
        tpu.vector_store %arg13[%swap3A_785], %gather3A_782 {strides = array<i32>} : memref<4096xf32, #tpu.memory_space<vmem>>, vector<16xf32>,
        %add3A_787 = arith.constant 64 : i32
        %add3A_788 = arith.addi %add3A_734, %add3A_787 : i32
        %add3A_789 = arith.constant 16 : i32
        %add3A_790 = arith.addi %add3A_788, %add3A_789 : i32
        %get3A_791 = arith.index_cast %add3A_790 : i32 to index
        %get3A_792 = tpu.vector_load %arg11[%get3A_791] {strides = array<i32>} : memref<32768xi32, #tpu.memory_space<vmem>>, vector<16xi32>,
        %gather3A_793 = tpu.vector_load_idx %arg18[%get3A_792] : memref<8192xf32, #tpu.memory_space<vmem>>[vector<16xi32>], vector<16xf32>,
        %sub3A_794 = arith.constant 0 : i32
        %sub3A_795 = arith.subi %add3A_790, %sub3A_794 : i32
        %swap3A_796 = arith.index_cast %sub3A_795 : i32 to index
        %swap3A_797 = tpu.vector_load %arg13[%swap3A_796] {strides = array<i32>} : memref<4096xf32, #tpu.memory_space<vmem>>, vector<16xf32>,
        tpu.vector_store %arg13[%swap3A_796], %gather3A_793 {strides = array<i32>} : memref<4096xf32, #tpu.memory_space<vmem>>, vector<16xf32>,
        %add3A_798 = arith.constant 96 : i32
        %add3A_799 = arith.addi %add3A_734, %add3A_798 : i32
        %add3A_800 = arith.constant 0 : i32
        %add3A_801 = arith.addi %add3A_799, %add3A_800 : i32
        %get3A_802 = arith.index_cast %add3A_801 : i32 to index
        %get3A_803 = tpu.vector_load %arg11[%get3A_802] {strides = array<i32>} : memref<32768xi32, #tpu.memory_space<vmem>>, vector<16xi32>,
        %gather3A_804 = tpu.vector_load_idx %arg18[%get3A_803] : memref<8192xf32, #tpu.memory_space<vmem>>[vector<16xi32>], vector<16xf32>,
        %sub3A_805 = arith.constant 0 : i32
        %sub3A_806 = arith.subi %add3A_801, %sub3A_805 : i32
        %swap3A_807 = arith.index_cast %sub3A_806 : i32 to index
        %swap3A_808 = tpu.vector_load %arg13[%swap3A_807] {strides = array<i32>} : memref<4096xf32, #tpu.memory_space<vmem>>, vector<16xf32>,
        tpu.vector_store %arg13[%swap3A_807], %gather3A_804 {strides = array<i32>} : memref<4096xf32, #tpu.memory_space<vmem>>, vector<16xf32>,
        %add3A_809 = arith.constant 96 : i32
        %add3A_810 = arith.addi %add3A_734, %add3A_809 : i32
        %add3A_811 = arith.constant 16 : i32
        %add3A_812 = arith.addi %add3A_810, %add3A_811 : i32
        %get3A_813 = arith.index_cast %add3A_812 : i32 to index
        %get3A_814 = tpu.vector_load %arg11[%get3A_813] {strides = array<i32>} : memref<32768xi32, #tpu.memory_space<vmem>>, vector<16xi32>,
        %gather3A_815 = tpu.vector_load_idx %arg18[%get3A_814] : memref<8192xf32, #tpu.memory_space<vmem>>[vector<16xi32>], vector<16xf32>,
        %sub3A_816 = arith.constant 0 : i32
        %sub3A_817 = arith.subi %add3A_812, %sub3A_816 : i32
        %swap3A_818 = arith.index_cast %sub3A_817 : i32 to index
        %swap3A_819 = tpu.vector_load %arg13[%swap3A_818] {strides = array<i32>} : memref<4096xf32, #tpu.memory_space<vmem>>, vector<16xf32>,
        tpu.vector_store %arg13[%swap3A_818], %gather3A_815 {strides = array<i32>} : memref<4096xf32, #tpu.memory_space<vmem>>, vector<16xf32>,
      }
      %scan3A_384 = arith.constant 32 : i32
      %dma_start3A_385 = tpu.memref_slice %arg7[%mul3A_377] : memref<17170432xf32, #tpu.memory_space<hbm>> -> memref<4096xf32, #tpu.memory_space<hbm>>
      %dma_start3A_386 = tpu.memref_slice %arg7[%mul3A_377] : memref<17170432xf32, #tpu.memory_space<hbm>> -> memref<4096xf32, #tpu.memory_space<hbm>>
      tpu.enqueue_dma source(%arg13 : memref<4096xf32, #tpu.memory_space<vmem>>) target(%dma_start3A_386 : memref<4096xf32, #tpu.memory_space<hbm>>) target_semaphore(%arg20 : memref<!tpu.dma_semaphore, #tpu.memory_space<semaphore_mem>>)
      %mul3A_387 = arith.constant 131 : i32
      %mul3A_388 = arith.muli %add3A, %mul3A_387 : i32
      %add3A_389 = arith.constant 3 : i32
      %add3A_390 = arith.addi %mul3A_388, %add3A_389 : i32
      %add3A_391 = arith.addi %add3A_390, %add3A_350 : i32
      %mul3A_392 = arith.constant 1024 : i32
      %mul3A_393 = arith.muli %add3A_391, %mul3A_392 : i32
      %add3A_394 = arith.constant 128 : i32
      %add3A_395 = arith.addi %mul3A_393, %add3A_394 : i32
      %mul3A_396 = arith.constant 32 : i32
      %mul3A_397 = arith.muli %add3A_395, %mul3A_396 : i32
      %gt3A_398 = arith.cmpi sgt, %add3A_350, %mul3A_50 : i32
      %convert_element_type3A_399 = arith.extui %gt3A_398 : i1 to i32
      %cond3A_400 = arith.constant 0 : i32
      %cond3A_401 = arith.cmpi ne, %convert_element_type3A_399, %cond3A_400 : i32
      scf.if %cond3A_401 {
        %dma_wait3A_728 = tpu.memref_slice %arg7[%mul3A_397] : memref<17170432xf32, #tpu.memory_space<hbm>> -> memref<4096xf32, #tpu.memory_space<hbm>>
        %dma_wait3A_729 = tpu.memref_slice %arg7[%mul3A_397] : memref<17170432xf32, #tpu.memory_space<hbm>> -> memref<4096xf32, #tpu.memory_space<hbm>>
        tpu.wait_dma2 semaphore(%arg21 : memref<!tpu.dma_semaphore, #tpu.memory_space<semaphore_mem>>) src(%arg12 : memref<4096xf32, #tpu.memory_space<vmem>>) dst(%dma_wait3A_729 : memref<4096xf32, #tpu.memory_space<hbm>>)
      } else {
      }
      %scan3A_402 = arith.constant 0 : i32
      %scan3A_403 = arith.constant 0 : i32
      %scan3A_404 = arith.constant 32 : i32
      %scan3A_405 = arith.addi %scan3A_403, %scan3A_404 : i32
      %scan3A_406 = arith.constant 1 : i32
      scf.for %scan3A_728 = %scan3A_403 to %scan3A_405 step %scan3A_406  : i32 {
        %mul3A_729 = arith.constant 4 : i32
        %mul3A_730 = arith.muli %scan3A_728, %mul3A_729 : i32
        %mul3A_731 = arith.constant 32 : i32
        %mul3A_732 = arith.muli %mul3A_730, %mul3A_731 : i32
        %add3A_733 = arith.constant 4096 : i32
        %add3A_734 = arith.addi %add3A_733, %mul3A_732 : i32
        %add3A_735 = arith.constant 0 : i32
        %add3A_736 = arith.addi %add3A_734, %add3A_735 : i32
        %add3A_737 = arith.constant 0 : i32
        %add3A_738 = arith.addi %add3A_736, %add3A_737 : i32
        %get3A = arith.index_cast %add3A_738 : i32 to index
        %get3A_739 = tpu.vector_load %arg11[%get3A] {strides = array<i32>} : memref<32768xi32, #tpu.memory_space<vmem>>, vector<16xi32>,
        %gather3A = tpu.vector_load_idx %arg18[%get3A_739] : memref<8192xf32, #tpu.memory_space<vmem>>[vector<16xi32>], vector<16xf32>,
        %sub3A_740 = arith.constant 4096 : i32
        %sub3A_741 = arith.subi %add3A_738, %sub3A_740 : i32
        %swap3A = arith.index_cast %sub3A_741 : i32 to index
        %swap3A_742 = tpu.vector_load %arg12[%swap3A] {strides = array<i32>} : memref<4096xf32, #tpu.memory_space<vmem>>, vector<16xf32>,
        tpu.vector_store %arg12[%swap3A], %gather3A {strides = array<i32>} : memref<4096xf32, #tpu.memory_space<vmem>>, vector<16xf32>,
        %add3A_743 = arith.constant 0 : i32
        %add3A_744 = arith.addi %add3A_734, %add3A_743 : i32
        %add3A_745 = arith.constant 16 : i32
        %add3A_746 = arith.addi %add3A_744, %add3A_745 : i32
        %get3A_747 = arith.index_cast %add3A_746 : i32 to index
        %get3A_748 = tpu.vector_load %arg11[%get3A_747] {strides = array<i32>} : memref<32768xi32, #tpu.memory_space<vmem>>, vector<16xi32>,
        %gather3A_749 = tpu.vector_load_idx %arg18[%get3A_748] : memref<8192xf32, #tpu.memory_space<vmem>>[vector<16xi32>], vector<16xf32>,
        %sub3A_750 = arith.constant 4096 : i32
        %sub3A_751 = arith.subi %add3A_746, %sub3A_750 : i32
        %swap3A_752 = arith.index_cast %sub3A_751 : i32 to index
        %swap3A_753 = tpu.vector_load %arg12[%swap3A_752] {strides = array<i32>} : memref<4096xf32, #tpu.memory_space<vmem>>, vector<16xf32>,
        tpu.vector_store %arg12[%swap3A_752], %gather3A_749 {strides = array<i32>} : memref<4096xf32, #tpu.memory_space<vmem>>, vector<16xf32>,
        %add3A_754 = arith.constant 32 : i32
        %add3A_755 = arith.addi %add3A_734, %add3A_754 : i32
        %add3A_756 = arith.constant 0 : i32
        %add3A_757 = arith.addi %add3A_755, %add3A_756 : i32
        %get3A_758 = arith.index_cast %add3A_757 : i32 to index
        %get3A_759 = tpu.vector_load %arg11[%get3A_758] {strides = array<i32>} : memref<32768xi32, #tpu.memory_space<vmem>>, vector<16xi32>,
        %gather3A_760 = tpu.vector_load_idx %arg18[%get3A_759] : memref<8192xf32, #tpu.memory_space<vmem>>[vector<16xi32>], vector<16xf32>,
        %sub3A_761 = arith.constant 4096 : i32
        %sub3A_762 = arith.subi %add3A_757, %sub3A_761 : i32
        %swap3A_763 = arith.index_cast %sub3A_762 : i32 to index
        %swap3A_764 = tpu.vector_load %arg12[%swap3A_763] {strides = array<i32>} : memref<4096xf32, #tpu.memory_space<vmem>>, vector<16xf32>,
        tpu.vector_store %arg12[%swap3A_763], %gather3A_760 {strides = array<i32>} : memref<4096xf32, #tpu.memory_space<vmem>>, vector<16xf32>,
        %add3A_765 = arith.constant 32 : i32
        %add3A_766 = arith.addi %add3A_734, %add3A_765 : i32
        %add3A_767 = arith.constant 16 : i32
        %add3A_768 = arith.addi %add3A_766, %add3A_767 : i32
        %get3A_769 = arith.index_cast %add3A_768 : i32 to index
        %get3A_770 = tpu.vector_load %arg11[%get3A_769] {strides = array<i32>} : memref<32768xi32, #tpu.memory_space<vmem>>, vector<16xi32>,
        %gather3A_771 = tpu.vector_load_idx %arg18[%get3A_770] : memref<8192xf32, #tpu.memory_space<vmem>>[vector<16xi32>], vector<16xf32>,
        %sub3A_772 = arith.constant 4096 : i32
        %sub3A_773 = arith.subi %add3A_768, %sub3A_772 : i32
        %swap3A_774 = arith.index_cast %sub3A_773 : i32 to index
        %swap3A_775 = tpu.vector_load %arg12[%swap3A_774] {strides = array<i32>} : memref<4096xf32, #tpu.memory_space<vmem>>, vector<16xf32>,
        tpu.vector_store %arg12[%swap3A_774], %gather3A_771 {strides = array<i32>} : memref<4096xf32, #tpu.memory_space<vmem>>, vector<16xf32>,
        %add3A_776 = arith.constant 64 : i32
        %add3A_777 = arith.addi %add3A_734, %add3A_776 : i32
        %add3A_778 = arith.constant 0 : i32
        %add3A_779 = arith.addi %add3A_777, %add3A_778 : i32
        %get3A_780 = arith.index_cast %add3A_779 : i32 to index
        %get3A_781 = tpu.vector_load %arg11[%get3A_780] {strides = array<i32>} : memref<32768xi32, #tpu.memory_space<vmem>>, vector<16xi32>,
        %gather3A_782 = tpu.vector_load_idx %arg18[%get3A_781] : memref<8192xf32, #tpu.memory_space<vmem>>[vector<16xi32>], vector<16xf32>,
        %sub3A_783 = arith.constant 4096 : i32
        %sub3A_784 = arith.subi %add3A_779, %sub3A_783 : i32
        %swap3A_785 = arith.index_cast %sub3A_784 : i32 to index
        %swap3A_786 = tpu.vector_load %arg12[%swap3A_785] {strides = array<i32>} : memref<4096xf32, #tpu.memory_space<vmem>>, vector<16xf32>,
        tpu.vector_store %arg12[%swap3A_785], %gather3A_782 {strides = array<i32>} : memref<4096xf32, #tpu.memory_space<vmem>>, vector<16xf32>,
        %add3A_787 = arith.constant 64 : i32
        %add3A_788 = arith.addi %add3A_734, %add3A_787 : i32
        %add3A_789 = arith.constant 16 : i32
        %add3A_790 = arith.addi %add3A_788, %add3A_789 : i32
        %get3A_791 = arith.index_cast %add3A_790 : i32 to index
        %get3A_792 = tpu.vector_load %arg11[%get3A_791] {strides = array<i32>} : memref<32768xi32, #tpu.memory_space<vmem>>, vector<16xi32>,
        %gather3A_793 = tpu.vector_load_idx %arg18[%get3A_792] : memref<8192xf32, #tpu.memory_space<vmem>>[vector<16xi32>], vector<16xf32>,
        %sub3A_794 = arith.constant 4096 : i32
        %sub3A_795 = arith.subi %add3A_790, %sub3A_794 : i32
        %swap3A_796 = arith.index_cast %sub3A_795 : i32 to index
        %swap3A_797 = tpu.vector_load %arg12[%swap3A_796] {strides = array<i32>} : memref<4096xf32, #tpu.memory_space<vmem>>, vector<16xf32>,
        tpu.vector_store %arg12[%swap3A_796], %gather3A_793 {strides = array<i32>} : memref<4096xf32, #tpu.memory_space<vmem>>, vector<16xf32>,
        %add3A_798 = arith.constant 96 : i32
        %add3A_799 = arith.addi %add3A_734, %add3A_798 : i32
        %add3A_800 = arith.constant 0 : i32
        %add3A_801 = arith.addi %add3A_799, %add3A_800 : i32
        %get3A_802 = arith.index_cast %add3A_801 : i32 to index
        %get3A_803 = tpu.vector_load %arg11[%get3A_802] {strides = array<i32>} : memref<32768xi32, #tpu.memory_space<vmem>>, vector<16xi32>,
        %gather3A_804 = tpu.vector_load_idx %arg18[%get3A_803] : memref<8192xf32, #tpu.memory_space<vmem>>[vector<16xi32>], vector<16xf32>,
        %sub3A_805 = arith.constant 4096 : i32
        %sub3A_806 = arith.subi %add3A_801, %sub3A_805 : i32
        %swap3A_807 = arith.index_cast %sub3A_806 : i32 to index
        %swap3A_808 = tpu.vector_load %arg12[%swap3A_807] {strides = array<i32>} : memref<4096xf32, #tpu.memory_space<vmem>>, vector<16xf32>,
        tpu.vector_store %arg12[%swap3A_807], %gather3A_804 {strides = array<i32>} : memref<4096xf32, #tpu.memory_space<vmem>>, vector<16xf32>,
        %add3A_809 = arith.constant 96 : i32
        %add3A_810 = arith.addi %add3A_734, %add3A_809 : i32
        %add3A_811 = arith.constant 16 : i32
        %add3A_812 = arith.addi %add3A_810, %add3A_811 : i32
        %get3A_813 = arith.index_cast %add3A_812 : i32 to index
        %get3A_814 = tpu.vector_load %arg11[%get3A_813] {strides = array<i32>} : memref<32768xi32, #tpu.memory_space<vmem>>, vector<16xi32>,
        %gather3A_815 = tpu.vector_load_idx %arg18[%get3A_814] : memref<8192xf32, #tpu.memory_space<vmem>>[vector<16xi32>], vector<16xf32>,
        %sub3A_816 = arith.constant 4096 : i32
        %sub3A_817 = arith.subi %add3A_812, %sub3A_816 : i32
        %swap3A_818 = arith.index_cast %sub3A_817 : i32 to index
        %swap3A_819 = tpu.vector_load %arg12[%swap3A_818] {strides = array<i32>} : memref<4096xf32, #tpu.memory_space<vmem>>, vector<16xf32>,
        tpu.vector_store %arg12[%swap3A_818], %gather3A_815 {strides = array<i32>} : memref<4096xf32, #tpu.memory_space<vmem>>, vector<16xf32>,
      }
      %scan3A_407 = arith.constant 32 : i32
      %dma_start3A_408 = tpu.memref_slice %arg7[%mul3A_397] : memref<17170432xf32, #tpu.memory_space<hbm>> -> memref<4096xf32, #tpu.memory_space<hbm>>
      %dma_start3A_409 = tpu.memref_slice %arg7[%mul3A_397] : memref<17170432xf32, #tpu.memory_space<hbm>> -> memref<4096xf32, #tpu.memory_space<hbm>>
      tpu.enqueue_dma source(%arg12 : memref<4096xf32, #tpu.memory_space<vmem>>) target(%dma_start3A_409 : memref<4096xf32, #tpu.memory_space<hbm>>) target_semaphore(%arg21 : memref<!tpu.dma_semaphore, #tpu.memory_space<semaphore_mem>>)
      %mul3A_410 = arith.constant 131 : i32
      %mul3A_411 = arith.muli %add3A, %mul3A_410 : i32
      %add3A_412 = arith.constant 3 : i32
      %add3A_413 = arith.addi %mul3A_411, %add3A_412 : i32
      %add3A_414 = arith.addi %add3A_413, %add3A_350 : i32
      %mul3A_415 = arith.constant 1024 : i32
      %mul3A_416 = arith.muli %add3A_414, %mul3A_415 : i32
      %add3A_417 = arith.constant 256 : i32
      %add3A_418 = arith.addi %mul3A_416, %add3A_417 : i32
      %mul3A_419 = arith.constant 32 : i32
      %mul3A_420 = arith.muli %add3A_418, %mul3A_419 : i32
      %dma_wait3A_421 = tpu.memref_slice %arg7[%mul3A_420] : memref<17170432xf32, #tpu.memory_space<hbm>> -> memref<4096xf32, #tpu.memory_space<hbm>>
      %dma_wait3A_422 = tpu.memref_slice %arg7[%mul3A_420] : memref<17170432xf32, #tpu.memory_space<hbm>> -> memref<4096xf32, #tpu.memory_space<hbm>>
      tpu.wait_dma2 semaphore(%arg20 : memref<!tpu.dma_semaphore, #tpu.memory_space<semaphore_mem>>) src(%arg13 : memref<4096xf32, #tpu.memory_space<vmem>>) dst(%dma_wait3A_422 : memref<4096xf32, #tpu.memory_space<hbm>>)
      %scan3A_423 = arith.constant 0 : i32
      %scan3A_424 = arith.constant 0 : i32
      %scan3A_425 = arith.constant 32 : i32
      %scan3A_426 = arith.addi %scan3A_424, %scan3A_425 : i32
      %scan3A_427 = arith.constant 1 : i32
      scf.for %scan3A_728 = %scan3A_424 to %scan3A_426 step %scan3A_427  : i32 {
        %mul3A_729 = arith.constant 4 : i32
        %mul3A_730 = arith.muli %scan3A_728, %mul3A_729 : i32
        %mul3A_731 = arith.constant 32 : i32
        %mul3A_732 = arith.muli %mul3A_730, %mul3A_731 : i32
        %add3A_733 = arith.constant 8192 : i32
        %add3A_734 = arith.addi %add3A_733, %mul3A_732 : i32
        %add3A_735 = arith.constant 0 : i32
        %add3A_736 = arith.addi %add3A_734, %add3A_735 : i32
        %add3A_737 = arith.constant 0 : i32
        %add3A_738 = arith.addi %add3A_736, %add3A_737 : i32
        %get3A = arith.index_cast %add3A_738 : i32 to index
        %get3A_739 = tpu.vector_load %arg11[%get3A] {strides = array<i32>} : memref<32768xi32, #tpu.memory_space<vmem>>, vector<16xi32>,
        %gather3A = tpu.vector_load_idx %arg18[%get3A_739] : memref<8192xf32, #tpu.memory_space<vmem>>[vector<16xi32>], vector<16xf32>,
        %sub3A_740 = arith.constant 8192 : i32
        %sub3A_741 = arith.subi %add3A_738, %sub3A_740 : i32
        %swap3A = arith.index_cast %sub3A_741 : i32 to index
        %swap3A_742 = tpu.vector_load %arg13[%swap3A] {strides = array<i32>} : memref<4096xf32, #tpu.memory_space<vmem>>, vector<16xf32>,
        tpu.vector_store %arg13[%swap3A], %gather3A {strides = array<i32>} : memref<4096xf32, #tpu.memory_space<vmem>>, vector<16xf32>,
        %add3A_743 = arith.constant 0 : i32
        %add3A_744 = arith.addi %add3A_734, %add3A_743 : i32
        %add3A_745 = arith.constant 16 : i32
        %add3A_746 = arith.addi %add3A_744, %add3A_745 : i32
        %get3A_747 = arith.index_cast %add3A_746 : i32 to index
        %get3A_748 = tpu.vector_load %arg11[%get3A_747] {strides = array<i32>} : memref<32768xi32, #tpu.memory_space<vmem>>, vector<16xi32>,
        %gather3A_749 = tpu.vector_load_idx %arg18[%get3A_748] : memref<8192xf32, #tpu.memory_space<vmem>>[vector<16xi32>], vector<16xf32>,
        %sub3A_750 = arith.constant 8192 : i32
        %sub3A_751 = arith.subi %add3A_746, %sub3A_750 : i32
        %swap3A_752 = arith.index_cast %sub3A_751 : i32 to index
        %swap3A_753 = tpu.vector_load %arg13[%swap3A_752] {strides = array<i32>} : memref<4096xf32, #tpu.memory_space<vmem>>, vector<16xf32>,
        tpu.vector_store %arg13[%swap3A_752], %gather3A_749 {strides = array<i32>} : memref<4096xf32, #tpu.memory_space<vmem>>, vector<16xf32>,
        %add3A_754 = arith.constant 32 : i32
        %add3A_755 = arith.addi %add3A_734, %add3A_754 : i32
        %add3A_756 = arith.constant 0 : i32
        %add3A_757 = arith.addi %add3A_755, %add3A_756 : i32
        %get3A_758 = arith.index_cast %add3A_757 : i32 to index
        %get3A_759 = tpu.vector_load %arg11[%get3A_758] {strides = array<i32>} : memref<32768xi32, #tpu.memory_space<vmem>>, vector<16xi32>,
        %gather3A_760 = tpu.vector_load_idx %arg18[%get3A_759] : memref<8192xf32, #tpu.memory_space<vmem>>[vector<16xi32>], vector<16xf32>,
        %sub3A_761 = arith.constant 8192 : i32
        %sub3A_762 = arith.subi %add3A_757, %sub3A_761 : i32
        %swap3A_763 = arith.index_cast %sub3A_762 : i32 to index
        %swap3A_764 = tpu.vector_load %arg13[%swap3A_763] {strides = array<i32>} : memref<4096xf32, #tpu.memory_space<vmem>>, vector<16xf32>,
        tpu.vector_store %arg13[%swap3A_763], %gather3A_760 {strides = array<i32>} : memref<4096xf32, #tpu.memory_space<vmem>>, vector<16xf32>,
        %add3A_765 = arith.constant 32 : i32
        %add3A_766 = arith.addi %add3A_734, %add3A_765 : i32
        %add3A_767 = arith.constant 16 : i32
        %add3A_768 = arith.addi %add3A_766, %add3A_767 : i32
        %get3A_769 = arith.index_cast %add3A_768 : i32 to index
        %get3A_770 = tpu.vector_load %arg11[%get3A_769] {strides = array<i32>} : memref<32768xi32, #tpu.memory_space<vmem>>, vector<16xi32>,
        %gather3A_771 = tpu.vector_load_idx %arg18[%get3A_770] : memref<8192xf32, #tpu.memory_space<vmem>>[vector<16xi32>], vector<16xf32>,
        %sub3A_772 = arith.constant 8192 : i32
        %sub3A_773 = arith.subi %add3A_768, %sub3A_772 : i32
        %swap3A_774 = arith.index_cast %sub3A_773 : i32 to index
        %swap3A_775 = tpu.vector_load %arg13[%swap3A_774] {strides = array<i32>} : memref<4096xf32, #tpu.memory_space<vmem>>, vector<16xf32>,
        tpu.vector_store %arg13[%swap3A_774], %gather3A_771 {strides = array<i32>} : memref<4096xf32, #tpu.memory_space<vmem>>, vector<16xf32>,
        %add3A_776 = arith.constant 64 : i32
        %add3A_777 = arith.addi %add3A_734, %add3A_776 : i32
        %add3A_778 = arith.constant 0 : i32
        %add3A_779 = arith.addi %add3A_777, %add3A_778 : i32
        %get3A_780 = arith.index_cast %add3A_779 : i32 to index
        %get3A_781 = tpu.vector_load %arg11[%get3A_780] {strides = array<i32>} : memref<32768xi32, #tpu.memory_space<vmem>>, vector<16xi32>,
        %gather3A_782 = tpu.vector_load_idx %arg18[%get3A_781] : memref<8192xf32, #tpu.memory_space<vmem>>[vector<16xi32>], vector<16xf32>,
        %sub3A_783 = arith.constant 8192 : i32
        %sub3A_784 = arith.subi %add3A_779, %sub3A_783 : i32
        %swap3A_785 = arith.index_cast %sub3A_784 : i32 to index
        %swap3A_786 = tpu.vector_load %arg13[%swap3A_785] {strides = array<i32>} : memref<4096xf32, #tpu.memory_space<vmem>>, vector<16xf32>,
        tpu.vector_store %arg13[%swap3A_785], %gather3A_782 {strides = array<i32>} : memref<4096xf32, #tpu.memory_space<vmem>>, vector<16xf32>,
        %add3A_787 = arith.constant 64 : i32
        %add3A_788 = arith.addi %add3A_734, %add3A_787 : i32
        %add3A_789 = arith.constant 16 : i32
        %add3A_790 = arith.addi %add3A_788, %add3A_789 : i32
        %get3A_791 = arith.index_cast %add3A_790 : i32 to index
        %get3A_792 = tpu.vector_load %arg11[%get3A_791] {strides = array<i32>} : memref<32768xi32, #tpu.memory_space<vmem>>, vector<16xi32>,
        %gather3A_793 = tpu.vector_load_idx %arg18[%get3A_792] : memref<8192xf32, #tpu.memory_space<vmem>>[vector<16xi32>], vector<16xf32>,
        %sub3A_794 = arith.constant 8192 : i32
        %sub3A_795 = arith.subi %add3A_790, %sub3A_794 : i32
        %swap3A_796 = arith.index_cast %sub3A_795 : i32 to index
        %swap3A_797 = tpu.vector_load %arg13[%swap3A_796] {strides = array<i32>} : memref<4096xf32, #tpu.memory_space<vmem>>, vector<16xf32>,
        tpu.vector_store %arg13[%swap3A_796], %gather3A_793 {strides = array<i32>} : memref<4096xf32, #tpu.memory_space<vmem>>, vector<16xf32>,
        %add3A_798 = arith.constant 96 : i32
        %add3A_799 = arith.addi %add3A_734, %add3A_798 : i32
        %add3A_800 = arith.constant 0 : i32
        %add3A_801 = arith.addi %add3A_799, %add3A_800 : i32
        %get3A_802 = arith.index_cast %add3A_801 : i32 to index
        %get3A_803 = tpu.vector_load %arg11[%get3A_802] {strides = array<i32>} : memref<32768xi32, #tpu.memory_space<vmem>>, vector<16xi32>,
        %gather3A_804 = tpu.vector_load_idx %arg18[%get3A_803] : memref<8192xf32, #tpu.memory_space<vmem>>[vector<16xi32>], vector<16xf32>,
        %sub3A_805 = arith.constant 8192 : i32
        %sub3A_806 = arith.subi %add3A_801, %sub3A_805 : i32
        %swap3A_807 = arith.index_cast %sub3A_806 : i32 to index
        %swap3A_808 = tpu.vector_load %arg13[%swap3A_807] {strides = array<i32>} : memref<4096xf32, #tpu.memory_space<vmem>>, vector<16xf32>,
        tpu.vector_store %arg13[%swap3A_807], %gather3A_804 {strides = array<i32>} : memref<4096xf32, #tpu.memory_space<vmem>>, vector<16xf32>,
        %add3A_809 = arith.constant 96 : i32
        %add3A_810 = arith.addi %add3A_734, %add3A_809 : i32
        %add3A_811 = arith.constant 16 : i32
        %add3A_812 = arith.addi %add3A_810, %add3A_811 : i32
        %get3A_813 = arith.index_cast %add3A_812 : i32 to index
        %get3A_814 = tpu.vector_load %arg11[%get3A_813] {strides = array<i32>} : memref<32768xi32, #tpu.memory_space<vmem>>, vector<16xi32>,
        %gather3A_815 = tpu.vector_load_idx %arg18[%get3A_814] : memref<8192xf32, #tpu.memory_space<vmem>>[vector<16xi32>], vector<16xf32>,
        %sub3A_816 = arith.constant 8192 : i32
        %sub3A_817 = arith.subi %add3A_812, %sub3A_816 : i32
        %swap3A_818 = arith.index_cast %sub3A_817 : i32 to index
        %swap3A_819 = tpu.vector_load %arg13[%swap3A_818] {strides = array<i32>} : memref<4096xf32, #tpu.memory_space<vmem>>, vector<16xf32>,
        tpu.vector_store %arg13[%swap3A_818], %gather3A_815 {strides = array<i32>} : memref<4096xf32, #tpu.memory_space<vmem>>, vector<16xf32>,
      }
      %scan3A_428 = arith.constant 32 : i32
      %dma_start3A_429 = tpu.memref_slice %arg7[%mul3A_420] : memref<17170432xf32, #tpu.memory_space<hbm>> -> memref<4096xf32, #tpu.memory_space<hbm>>
      %dma_start3A_430 = tpu.memref_slice %arg7[%mul3A_420] : memref<17170432xf32, #tpu.memory_space<hbm>> -> memref<4096xf32, #tpu.memory_space<hbm>>
      tpu.enqueue_dma source(%arg13 : memref<4096xf32, #tpu.memory_space<vmem>>) target(%dma_start3A_430 : memref<4096xf32, #tpu.memory_space<hbm>>) target_semaphore(%arg20 : memref<!tpu.dma_semaphore, #tpu.memory_space<semaphore_mem>>)
      %mul3A_431 = arith.constant 131 : i32
      %mul3A_432 = arith.muli %add3A, %mul3A_431 : i32
      %add3A_433 = arith.constant 3 : i32
      %add3A_434 = arith.addi %mul3A_432, %add3A_433 : i32
      %add3A_435 = arith.addi %add3A_434, %add3A_350 : i32
      %mul3A_436 = arith.constant 1024 : i32
      %mul3A_437 = arith.muli %add3A_435, %mul3A_436 : i32
      %add3A_438 = arith.constant 384 : i32
      %add3A_439 = arith.addi %mul3A_437, %add3A_438 : i32
      %mul3A_440 = arith.constant 32 : i32
      %mul3A_441 = arith.muli %add3A_439, %mul3A_440 : i32
      %dma_wait3A_442 = tpu.memref_slice %arg7[%mul3A_441] : memref<17170432xf32, #tpu.memory_space<hbm>> -> memref<4096xf32, #tpu.memory_space<hbm>>
      %dma_wait3A_443 = tpu.memref_slice %arg7[%mul3A_441] : memref<17170432xf32, #tpu.memory_space<hbm>> -> memref<4096xf32, #tpu.memory_space<hbm>>
      tpu.wait_dma2 semaphore(%arg21 : memref<!tpu.dma_semaphore, #tpu.memory_space<semaphore_mem>>) src(%arg12 : memref<4096xf32, #tpu.memory_space<vmem>>) dst(%dma_wait3A_443 : memref<4096xf32, #tpu.memory_space<hbm>>)
      %scan3A_444 = arith.constant 0 : i32
      %scan3A_445 = arith.constant 0 : i32
      %scan3A_446 = arith.constant 32 : i32
      %scan3A_447 = arith.addi %scan3A_445, %scan3A_446 : i32
      %scan3A_448 = arith.constant 1 : i32
      scf.for %scan3A_728 = %scan3A_445 to %scan3A_447 step %scan3A_448  : i32 {
        %mul3A_729 = arith.constant 4 : i32
        %mul3A_730 = arith.muli %scan3A_728, %mul3A_729 : i32
        %mul3A_731 = arith.constant 32 : i32
        %mul3A_732 = arith.muli %mul3A_730, %mul3A_731 : i32
        %add3A_733 = arith.constant 12288 : i32
        %add3A_734 = arith.addi %add3A_733, %mul3A_732 : i32
        %add3A_735 = arith.constant 0 : i32
        %add3A_736 = arith.addi %add3A_734, %add3A_735 : i32
        %add3A_737 = arith.constant 0 : i32
        %add3A_738 = arith.addi %add3A_736, %add3A_737 : i32
        %get3A = arith.index_cast %add3A_738 : i32 to index
        %get3A_739 = tpu.vector_load %arg11[%get3A] {strides = array<i32>} : memref<32768xi32, #tpu.memory_space<vmem>>, vector<16xi32>,
        %gather3A = tpu.vector_load_idx %arg18[%get3A_739] : memref<8192xf32, #tpu.memory_space<vmem>>[vector<16xi32>], vector<16xf32>,
        %sub3A_740 = arith.constant 12288 : i32
        %sub3A_741 = arith.subi %add3A_738, %sub3A_740 : i32
        %swap3A = arith.index_cast %sub3A_741 : i32 to index
        %swap3A_742 = tpu.vector_load %arg12[%swap3A] {strides = array<i32>} : memref<4096xf32, #tpu.memory_space<vmem>>, vector<16xf32>,
        tpu.vector_store %arg12[%swap3A], %gather3A {strides = array<i32>} : memref<4096xf32, #tpu.memory_space<vmem>>, vector<16xf32>,
        %add3A_743 = arith.constant 0 : i32
        %add3A_744 = arith.addi %add3A_734, %add3A_743 : i32
        %add3A_745 = arith.constant 16 : i32
        %add3A_746 = arith.addi %add3A_744, %add3A_745 : i32
        %get3A_747 = arith.index_cast %add3A_746 : i32 to index
        %get3A_748 = tpu.vector_load %arg11[%get3A_747] {strides = array<i32>} : memref<32768xi32, #tpu.memory_space<vmem>>, vector<16xi32>,
        %gather3A_749 = tpu.vector_load_idx %arg18[%get3A_748] : memref<8192xf32, #tpu.memory_space<vmem>>[vector<16xi32>], vector<16xf32>,
        %sub3A_750 = arith.constant 12288 : i32
        %sub3A_751 = arith.subi %add3A_746, %sub3A_750 : i32
        %swap3A_752 = arith.index_cast %sub3A_751 : i32 to index
        %swap3A_753 = tpu.vector_load %arg12[%swap3A_752] {strides = array<i32>} : memref<4096xf32, #tpu.memory_space<vmem>>, vector<16xf32>,
        tpu.vector_store %arg12[%swap3A_752], %gather3A_749 {strides = array<i32>} : memref<4096xf32, #tpu.memory_space<vmem>>, vector<16xf32>,
        %add3A_754 = arith.constant 32 : i32
        %add3A_755 = arith.addi %add3A_734, %add3A_754 : i32
        %add3A_756 = arith.constant 0 : i32
        %add3A_757 = arith.addi %add3A_755, %add3A_756 : i32
        %get3A_758 = arith.index_cast %add3A_757 : i32 to index
        %get3A_759 = tpu.vector_load %arg11[%get3A_758] {strides = array<i32>} : memref<32768xi32, #tpu.memory_space<vmem>>, vector<16xi32>,
        %gather3A_760 = tpu.vector_load_idx %arg18[%get3A_759] : memref<8192xf32, #tpu.memory_space<vmem>>[vector<16xi32>], vector<16xf32>,
        %sub3A_761 = arith.constant 12288 : i32
        %sub3A_762 = arith.subi %add3A_757, %sub3A_761 : i32
        %swap3A_763 = arith.index_cast %sub3A_762 : i32 to index
        %swap3A_764 = tpu.vector_load %arg12[%swap3A_763] {strides = array<i32>} : memref<4096xf32, #tpu.memory_space<vmem>>, vector<16xf32>,
        tpu.vector_store %arg12[%swap3A_763], %gather3A_760 {strides = array<i32>} : memref<4096xf32, #tpu.memory_space<vmem>>, vector<16xf32>,
        %add3A_765 = arith.constant 32 : i32
        %add3A_766 = arith.addi %add3A_734, %add3A_765 : i32
        %add3A_767 = arith.constant 16 : i32
        %add3A_768 = arith.addi %add3A_766, %add3A_767 : i32
        %get3A_769 = arith.index_cast %add3A_768 : i32 to index
        %get3A_770 = tpu.vector_load %arg11[%get3A_769] {strides = array<i32>} : memref<32768xi32, #tpu.memory_space<vmem>>, vector<16xi32>,
        %gather3A_771 = tpu.vector_load_idx %arg18[%get3A_770] : memref<8192xf32, #tpu.memory_space<vmem>>[vector<16xi32>], vector<16xf32>,
        %sub3A_772 = arith.constant 12288 : i32
        %sub3A_773 = arith.subi %add3A_768, %sub3A_772 : i32
        %swap3A_774 = arith.index_cast %sub3A_773 : i32 to index
        %swap3A_775 = tpu.vector_load %arg12[%swap3A_774] {strides = array<i32>} : memref<4096xf32, #tpu.memory_space<vmem>>, vector<16xf32>,
        tpu.vector_store %arg12[%swap3A_774], %gather3A_771 {strides = array<i32>} : memref<4096xf32, #tpu.memory_space<vmem>>, vector<16xf32>,
        %add3A_776 = arith.constant 64 : i32
        %add3A_777 = arith.addi %add3A_734, %add3A_776 : i32
        %add3A_778 = arith.constant 0 : i32
        %add3A_779 = arith.addi %add3A_777, %add3A_778 : i32
        %get3A_780 = arith.index_cast %add3A_779 : i32 to index
        %get3A_781 = tpu.vector_load %arg11[%get3A_780] {strides = array<i32>} : memref<32768xi32, #tpu.memory_space<vmem>>, vector<16xi32>,
        %gather3A_782 = tpu.vector_load_idx %arg18[%get3A_781] : memref<8192xf32, #tpu.memory_space<vmem>>[vector<16xi32>], vector<16xf32>,
        %sub3A_783 = arith.constant 12288 : i32
        %sub3A_784 = arith.subi %add3A_779, %sub3A_783 : i32
        %swap3A_785 = arith.index_cast %sub3A_784 : i32 to index
        %swap3A_786 = tpu.vector_load %arg12[%swap3A_785] {strides = array<i32>} : memref<4096xf32, #tpu.memory_space<vmem>>, vector<16xf32>,
        tpu.vector_store %arg12[%swap3A_785], %gather3A_782 {strides = array<i32>} : memref<4096xf32, #tpu.memory_space<vmem>>, vector<16xf32>,
        %add3A_787 = arith.constant 64 : i32
        %add3A_788 = arith.addi %add3A_734, %add3A_787 : i32
        %add3A_789 = arith.constant 16 : i32
        %add3A_790 = arith.addi %add3A_788, %add3A_789 : i32
        %get3A_791 = arith.index_cast %add3A_790 : i32 to index
        %get3A_792 = tpu.vector_load %arg11[%get3A_791] {strides = array<i32>} : memref<32768xi32, #tpu.memory_space<vmem>>, vector<16xi32>,
        %gather3A_793 = tpu.vector_load_idx %arg18[%get3A_792] : memref<8192xf32, #tpu.memory_space<vmem>>[vector<16xi32>], vector<16xf32>,
        %sub3A_794 = arith.constant 12288 : i32
        %sub3A_795 = arith.subi %add3A_790, %sub3A_794 : i32
        %swap3A_796 = arith.index_cast %sub3A_795 : i32 to index
        %swap3A_797 = tpu.vector_load %arg12[%swap3A_796] {strides = array<i32>} : memref<4096xf32, #tpu.memory_space<vmem>>, vector<16xf32>,
        tpu.vector_store %arg12[%swap3A_796], %gather3A_793 {strides = array<i32>} : memref<4096xf32, #tpu.memory_space<vmem>>, vector<16xf32>,
        %add3A_798 = arith.constant 96 : i32
        %add3A_799 = arith.addi %add3A_734, %add3A_798 : i32
        %add3A_800 = arith.constant 0 : i32
        %add3A_801 = arith.addi %add3A_799, %add3A_800 : i32
        %get3A_802 = arith.index_cast %add3A_801 : i32 to index
        %get3A_803 = tpu.vector_load %arg11[%get3A_802] {strides = array<i32>} : memref<32768xi32, #tpu.memory_space<vmem>>, vector<16xi32>,
        %gather3A_804 = tpu.vector_load_idx %arg18[%get3A_803] : memref<8192xf32, #tpu.memory_space<vmem>>[vector<16xi32>], vector<16xf32>,
        %sub3A_805 = arith.constant 12288 : i32
        %sub3A_806 = arith.subi %add3A_801, %sub3A_805 : i32
        %swap3A_807 = arith.index_cast %sub3A_806 : i32 to index
        %swap3A_808 = tpu.vector_load %arg12[%swap3A_807] {strides = array<i32>} : memref<4096xf32, #tpu.memory_space<vmem>>, vector<16xf32>,
        tpu.vector_store %arg12[%swap3A_807], %gather3A_804 {strides = array<i32>} : memref<4096xf32, #tpu.memory_space<vmem>>, vector<16xf32>,
        %add3A_809 = arith.constant 96 : i32
        %add3A_810 = arith.addi %add3A_734, %add3A_809 : i32
        %add3A_811 = arith.constant 16 : i32
        %add3A_812 = arith.addi %add3A_810, %add3A_811 : i32
        %get3A_813 = arith.index_cast %add3A_812 : i32 to index
        %get3A_814 = tpu.vector_load %arg11[%get3A_813] {strides = array<i32>} : memref<32768xi32, #tpu.memory_space<vmem>>, vector<16xi32>,
        %gather3A_815 = tpu.vector_load_idx %arg18[%get3A_814] : memref<8192xf32, #tpu.memory_space<vmem>>[vector<16xi32>], vector<16xf32>,
        %sub3A_816 = arith.constant 12288 : i32
        %sub3A_817 = arith.subi %add3A_812, %sub3A_816 : i32
        %swap3A_818 = arith.index_cast %sub3A_817 : i32 to index
        %swap3A_819 = tpu.vector_load %arg12[%swap3A_818] {strides = array<i32>} : memref<4096xf32, #tpu.memory_space<vmem>>, vector<16xf32>,
        tpu.vector_store %arg12[%swap3A_818], %gather3A_815 {strides = array<i32>} : memref<4096xf32, #tpu.memory_space<vmem>>, vector<16xf32>,
      }
      %scan3A_449 = arith.constant 32 : i32
      %dma_start3A_450 = tpu.memref_slice %arg7[%mul3A_441] : memref<17170432xf32, #tpu.memory_space<hbm>> -> memref<4096xf32, #tpu.memory_space<hbm>>
      %dma_start3A_451 = tpu.memref_slice %arg7[%mul3A_441] : memref<17170432xf32, #tpu.memory_space<hbm>> -> memref<4096xf32, #tpu.memory_space<hbm>>
      tpu.enqueue_dma source(%arg12 : memref<4096xf32, #tpu.memory_space<vmem>>) target(%dma_start3A_451 : memref<4096xf32, #tpu.memory_space<hbm>>) target_semaphore(%arg21 : memref<!tpu.dma_semaphore, #tpu.memory_space<semaphore_mem>>)
      %mul3A_452 = arith.constant 131 : i32
      %mul3A_453 = arith.muli %add3A, %mul3A_452 : i32
      %add3A_454 = arith.constant 3 : i32
      %add3A_455 = arith.addi %mul3A_453, %add3A_454 : i32
      %add3A_456 = arith.addi %add3A_455, %add3A_350 : i32
      %mul3A_457 = arith.constant 1024 : i32
      %mul3A_458 = arith.muli %add3A_456, %mul3A_457 : i32
      %add3A_459 = arith.constant 512 : i32
      %add3A_460 = arith.addi %mul3A_458, %add3A_459 : i32
      %mul3A_461 = arith.constant 32 : i32
      %mul3A_462 = arith.muli %add3A_460, %mul3A_461 : i32
      %dma_wait3A_463 = tpu.memref_slice %arg7[%mul3A_462] : memref<17170432xf32, #tpu.memory_space<hbm>> -> memref<4096xf32, #tpu.memory_space<hbm>>
      %dma_wait3A_464 = tpu.memref_slice %arg7[%mul3A_462] : memref<17170432xf32, #tpu.memory_space<hbm>> -> memref<4096xf32, #tpu.memory_space<hbm>>
      tpu.wait_dma2 semaphore(%arg20 : memref<!tpu.dma_semaphore, #tpu.memory_space<semaphore_mem>>) src(%arg13 : memref<4096xf32, #tpu.memory_space<vmem>>) dst(%dma_wait3A_464 : memref<4096xf32, #tpu.memory_space<hbm>>)
      %scan3A_465 = arith.constant 0 : i32
      %scan3A_466 = arith.constant 0 : i32
      %scan3A_467 = arith.constant 32 : i32
      %scan3A_468 = arith.addi %scan3A_466, %scan3A_467 : i32
      %scan3A_469 = arith.constant 1 : i32
      scf.for %scan3A_728 = %scan3A_466 to %scan3A_468 step %scan3A_469  : i32 {
        %mul3A_729 = arith.constant 4 : i32
        %mul3A_730 = arith.muli %scan3A_728, %mul3A_729 : i32
        %mul3A_731 = arith.constant 32 : i32
        %mul3A_732 = arith.muli %mul3A_730, %mul3A_731 : i32
        %add3A_733 = arith.constant 16384 : i32
        %add3A_734 = arith.addi %add3A_733, %mul3A_732 : i32
        %add3A_735 = arith.constant 0 : i32
        %add3A_736 = arith.addi %add3A_734, %add3A_735 : i32
        %add3A_737 = arith.constant 0 : i32
        %add3A_738 = arith.addi %add3A_736, %add3A_737 : i32
        %get3A = arith.index_cast %add3A_738 : i32 to index
        %get3A_739 = tpu.vector_load %arg11[%get3A] {strides = array<i32>} : memref<32768xi32, #tpu.memory_space<vmem>>, vector<16xi32>,
        %gather3A = tpu.vector_load_idx %arg18[%get3A_739] : memref<8192xf32, #tpu.memory_space<vmem>>[vector<16xi32>], vector<16xf32>,
        %sub3A_740 = arith.constant 16384 : i32
        %sub3A_741 = arith.subi %add3A_738, %sub3A_740 : i32
        %swap3A = arith.index_cast %sub3A_741 : i32 to index
        %swap3A_742 = tpu.vector_load %arg13[%swap3A] {strides = array<i32>} : memref<4096xf32, #tpu.memory_space<vmem>>, vector<16xf32>,
        tpu.vector_store %arg13[%swap3A], %gather3A {strides = array<i32>} : memref<4096xf32, #tpu.memory_space<vmem>>, vector<16xf32>,
        %add3A_743 = arith.constant 0 : i32
        %add3A_744 = arith.addi %add3A_734, %add3A_743 : i32
        %add3A_745 = arith.constant 16 : i32
        %add3A_746 = arith.addi %add3A_744, %add3A_745 : i32
        %get3A_747 = arith.index_cast %add3A_746 : i32 to index
        %get3A_748 = tpu.vector_load %arg11[%get3A_747] {strides = array<i32>} : memref<32768xi32, #tpu.memory_space<vmem>>, vector<16xi32>,
        %gather3A_749 = tpu.vector_load_idx %arg18[%get3A_748] : memref<8192xf32, #tpu.memory_space<vmem>>[vector<16xi32>], vector<16xf32>,
        %sub3A_750 = arith.constant 16384 : i32
        %sub3A_751 = arith.subi %add3A_746, %sub3A_750 : i32
        %swap3A_752 = arith.index_cast %sub3A_751 : i32 to index
        %swap3A_753 = tpu.vector_load %arg13[%swap3A_752] {strides = array<i32>} : memref<4096xf32, #tpu.memory_space<vmem>>, vector<16xf32>,
        tpu.vector_store %arg13[%swap3A_752], %gather3A_749 {strides = array<i32>} : memref<4096xf32, #tpu.memory_space<vmem>>, vector<16xf32>,
        %add3A_754 = arith.constant 32 : i32
        %add3A_755 = arith.addi %add3A_734, %add3A_754 : i32
        %add3A_756 = arith.constant 0 : i32
        %add3A_757 = arith.addi %add3A_755, %add3A_756 : i32
        %get3A_758 = arith.index_cast %add3A_757 : i32 to index
        %get3A_759 = tpu.vector_load %arg11[%get3A_758] {strides = array<i32>} : memref<32768xi32, #tpu.memory_space<vmem>>, vector<16xi32>,
        %gather3A_760 = tpu.vector_load_idx %arg18[%get3A_759] : memref<8192xf32, #tpu.memory_space<vmem>>[vector<16xi32>], vector<16xf32>,
        %sub3A_761 = arith.constant 16384 : i32
        %sub3A_762 = arith.subi %add3A_757, %sub3A_761 : i32
        %swap3A_763 = arith.index_cast %sub3A_762 : i32 to index
        %swap3A_764 = tpu.vector_load %arg13[%swap3A_763] {strides = array<i32>} : memref<4096xf32, #tpu.memory_space<vmem>>, vector<16xf32>,
        tpu.vector_store %arg13[%swap3A_763], %gather3A_760 {strides = array<i32>} : memref<4096xf32, #tpu.memory_space<vmem>>, vector<16xf32>,
        %add3A_765 = arith.constant 32 : i32
        %add3A_766 = arith.addi %add3A_734, %add3A_765 : i32
        %add3A_767 = arith.constant 16 : i32
        %add3A_768 = arith.addi %add3A_766, %add3A_767 : i32
        %get3A_769 = arith.index_cast %add3A_768 : i32 to index
        %get3A_770 = tpu.vector_load %arg11[%get3A_769] {strides = array<i32>} : memref<32768xi32, #tpu.memory_space<vmem>>, vector<16xi32>,
        %gather3A_771 = tpu.vector_load_idx %arg18[%get3A_770] : memref<8192xf32, #tpu.memory_space<vmem>>[vector<16xi32>], vector<16xf32>,
        %sub3A_772 = arith.constant 16384 : i32
        %sub3A_773 = arith.subi %add3A_768, %sub3A_772 : i32
        %swap3A_774 = arith.index_cast %sub3A_773 : i32 to index
        %swap3A_775 = tpu.vector_load %arg13[%swap3A_774] {strides = array<i32>} : memref<4096xf32, #tpu.memory_space<vmem>>, vector<16xf32>,
        tpu.vector_store %arg13[%swap3A_774], %gather3A_771 {strides = array<i32>} : memref<4096xf32, #tpu.memory_space<vmem>>, vector<16xf32>,
        %add3A_776 = arith.constant 64 : i32
        %add3A_777 = arith.addi %add3A_734, %add3A_776 : i32
        %add3A_778 = arith.constant 0 : i32
        %add3A_779 = arith.addi %add3A_777, %add3A_778 : i32
        %get3A_780 = arith.index_cast %add3A_779 : i32 to index
        %get3A_781 = tpu.vector_load %arg11[%get3A_780] {strides = array<i32>} : memref<32768xi32, #tpu.memory_space<vmem>>, vector<16xi32>,
        %gather3A_782 = tpu.vector_load_idx %arg18[%get3A_781] : memref<8192xf32, #tpu.memory_space<vmem>>[vector<16xi32>], vector<16xf32>,
        %sub3A_783 = arith.constant 16384 : i32
        %sub3A_784 = arith.subi %add3A_779, %sub3A_783 : i32
        %swap3A_785 = arith.index_cast %sub3A_784 : i32 to index
        %swap3A_786 = tpu.vector_load %arg13[%swap3A_785] {strides = array<i32>} : memref<4096xf32, #tpu.memory_space<vmem>>, vector<16xf32>,
        tpu.vector_store %arg13[%swap3A_785], %gather3A_782 {strides = array<i32>} : memref<4096xf32, #tpu.memory_space<vmem>>, vector<16xf32>,
        %add3A_787 = arith.constant 64 : i32
        %add3A_788 = arith.addi %add3A_734, %add3A_787 : i32
        %add3A_789 = arith.constant 16 : i32
        %add3A_790 = arith.addi %add3A_788, %add3A_789 : i32
        %get3A_791 = arith.index_cast %add3A_790 : i32 to index
        %get3A_792 = tpu.vector_load %arg11[%get3A_791] {strides = array<i32>} : memref<32768xi32, #tpu.memory_space<vmem>>, vector<16xi32>,
        %gather3A_793 = tpu.vector_load_idx %arg18[%get3A_792] : memref<8192xf32, #tpu.memory_space<vmem>>[vector<16xi32>], vector<16xf32>,
        %sub3A_794 = arith.constant 16384 : i32
        %sub3A_795 = arith.subi %add3A_790, %sub3A_794 : i32
        %swap3A_796 = arith.index_cast %sub3A_795 : i32 to index
        %swap3A_797 = tpu.vector_load %arg13[%swap3A_796] {strides = array<i32>} : memref<4096xf32, #tpu.memory_space<vmem>>, vector<16xf32>,
        tpu.vector_store %arg13[%swap3A_796], %gather3A_793 {strides = array<i32>} : memref<4096xf32, #tpu.memory_space<vmem>>, vector<16xf32>,
        %add3A_798 = arith.constant 96 : i32
        %add3A_799 = arith.addi %add3A_734, %add3A_798 : i32
        %add3A_800 = arith.constant 0 : i32
        %add3A_801 = arith.addi %add3A_799, %add3A_800 : i32
        %get3A_802 = arith.index_cast %add3A_801 : i32 to index
        %get3A_803 = tpu.vector_load %arg11[%get3A_802] {strides = array<i32>} : memref<32768xi32, #tpu.memory_space<vmem>>, vector<16xi32>,
        %gather3A_804 = tpu.vector_load_idx %arg18[%get3A_803] : memref<8192xf32, #tpu.memory_space<vmem>>[vector<16xi32>], vector<16xf32>,
        %sub3A_805 = arith.constant 16384 : i32
        %sub3A_806 = arith.subi %add3A_801, %sub3A_805 : i32
        %swap3A_807 = arith.index_cast %sub3A_806 : i32 to index
        %swap3A_808 = tpu.vector_load %arg13[%swap3A_807] {strides = array<i32>} : memref<4096xf32, #tpu.memory_space<vmem>>, vector<16xf32>,
        tpu.vector_store %arg13[%swap3A_807], %gather3A_804 {strides = array<i32>} : memref<4096xf32, #tpu.memory_space<vmem>>, vector<16xf32>,
        %add3A_809 = arith.constant 96 : i32
        %add3A_810 = arith.addi %add3A_734, %add3A_809 : i32
        %add3A_811 = arith.constant 16 : i32
        %add3A_812 = arith.addi %add3A_810, %add3A_811 : i32
        %get3A_813 = arith.index_cast %add3A_812 : i32 to index
        %get3A_814 = tpu.vector_load %arg11[%get3A_813] {strides = array<i32>} : memref<32768xi32, #tpu.memory_space<vmem>>, vector<16xi32>,
        %gather3A_815 = tpu.vector_load_idx %arg18[%get3A_814] : memref<8192xf32, #tpu.memory_space<vmem>>[vector<16xi32>], vector<16xf32>,
        %sub3A_816 = arith.constant 16384 : i32
        %sub3A_817 = arith.subi %add3A_812, %sub3A_816 : i32
        %swap3A_818 = arith.index_cast %sub3A_817 : i32 to index
        %swap3A_819 = tpu.vector_load %arg13[%swap3A_818] {strides = array<i32>} : memref<4096xf32, #tpu.memory_space<vmem>>, vector<16xf32>,
        tpu.vector_store %arg13[%swap3A_818], %gather3A_815 {strides = array<i32>} : memref<4096xf32, #tpu.memory_space<vmem>>, vector<16xf32>,
      }
      %scan3A_470 = arith.constant 32 : i32
      %dma_start3A_471 = tpu.memref_slice %arg7[%mul3A_462] : memref<17170432xf32, #tpu.memory_space<hbm>> -> memref<4096xf32, #tpu.memory_space<hbm>>
      %dma_start3A_472 = tpu.memref_slice %arg7[%mul3A_462] : memref<17170432xf32, #tpu.memory_space<hbm>> -> memref<4096xf32, #tpu.memory_space<hbm>>
      tpu.enqueue_dma source(%arg13 : memref<4096xf32, #tpu.memory_space<vmem>>) target(%dma_start3A_472 : memref<4096xf32, #tpu.memory_space<hbm>>) target_semaphore(%arg20 : memref<!tpu.dma_semaphore, #tpu.memory_space<semaphore_mem>>)
      %mul3A_473 = arith.constant 131 : i32
      %mul3A_474 = arith.muli %add3A, %mul3A_473 : i32
      %add3A_475 = arith.constant 3 : i32
      %add3A_476 = arith.addi %mul3A_474, %add3A_475 : i32
      %add3A_477 = arith.addi %add3A_476, %add3A_350 : i32
      %mul3A_478 = arith.constant 1024 : i32
      %mul3A_479 = arith.muli %add3A_477, %mul3A_478 : i32
      %add3A_480 = arith.constant 640 : i32
      %add3A_481 = arith.addi %mul3A_479, %add3A_480 : i32
      %mul3A_482 = arith.constant 32 : i32
      %mul3A_483 = arith.muli %add3A_481, %mul3A_482 : i32
      %dma_wait3A_484 = tpu.memref_slice %arg7[%mul3A_483] : memref<17170432xf32, #tpu.memory_space<hbm>> -> memref<4096xf32, #tpu.memory_space<hbm>>
      %dma_wait3A_485 = tpu.memref_slice %arg7[%mul3A_483] : memref<17170432xf32, #tpu.memory_space<hbm>> -> memref<4096xf32, #tpu.memory_space<hbm>>
      tpu.wait_dma2 semaphore(%arg21 : memref<!tpu.dma_semaphore, #tpu.memory_space<semaphore_mem>>) src(%arg12 : memref<4096xf32, #tpu.memory_space<vmem>>) dst(%dma_wait3A_485 : memref<4096xf32, #tpu.memory_space<hbm>>)
      %scan3A_486 = arith.constant 0 : i32
      %scan3A_487 = arith.constant 0 : i32
      %scan3A_488 = arith.constant 32 : i32
      %scan3A_489 = arith.addi %scan3A_487, %scan3A_488 : i32
      %scan3A_490 = arith.constant 1 : i32
      scf.for %scan3A_728 = %scan3A_487 to %scan3A_489 step %scan3A_490  : i32 {
        %mul3A_729 = arith.constant 4 : i32
        %mul3A_730 = arith.muli %scan3A_728, %mul3A_729 : i32
        %mul3A_731 = arith.constant 32 : i32
        %mul3A_732 = arith.muli %mul3A_730, %mul3A_731 : i32
        %add3A_733 = arith.constant 20480 : i32
        %add3A_734 = arith.addi %add3A_733, %mul3A_732 : i32
        %add3A_735 = arith.constant 0 : i32
        %add3A_736 = arith.addi %add3A_734, %add3A_735 : i32
        %add3A_737 = arith.constant 0 : i32
        %add3A_738 = arith.addi %add3A_736, %add3A_737 : i32
        %get3A = arith.index_cast %add3A_738 : i32 to index
        %get3A_739 = tpu.vector_load %arg11[%get3A] {strides = array<i32>} : memref<32768xi32, #tpu.memory_space<vmem>>, vector<16xi32>,
        %gather3A = tpu.vector_load_idx %arg18[%get3A_739] : memref<8192xf32, #tpu.memory_space<vmem>>[vector<16xi32>], vector<16xf32>,
        %sub3A_740 = arith.constant 20480 : i32
        %sub3A_741 = arith.subi %add3A_738, %sub3A_740 : i32
        %swap3A = arith.index_cast %sub3A_741 : i32 to index
        %swap3A_742 = tpu.vector_load %arg12[%swap3A] {strides = array<i32>} : memref<4096xf32, #tpu.memory_space<vmem>>, vector<16xf32>,
        tpu.vector_store %arg12[%swap3A], %gather3A {strides = array<i32>} : memref<4096xf32, #tpu.memory_space<vmem>>, vector<16xf32>,
        %add3A_743 = arith.constant 0 : i32
        %add3A_744 = arith.addi %add3A_734, %add3A_743 : i32
        %add3A_745 = arith.constant 16 : i32
        %add3A_746 = arith.addi %add3A_744, %add3A_745 : i32
        %get3A_747 = arith.index_cast %add3A_746 : i32 to index
        %get3A_748 = tpu.vector_load %arg11[%get3A_747] {strides = array<i32>} : memref<32768xi32, #tpu.memory_space<vmem>>, vector<16xi32>,
        %gather3A_749 = tpu.vector_load_idx %arg18[%get3A_748] : memref<8192xf32, #tpu.memory_space<vmem>>[vector<16xi32>], vector<16xf32>,
        %sub3A_750 = arith.constant 20480 : i32
        %sub3A_751 = arith.subi %add3A_746, %sub3A_750 : i32
        %swap3A_752 = arith.index_cast %sub3A_751 : i32 to index
        %swap3A_753 = tpu.vector_load %arg12[%swap3A_752] {strides = array<i32>} : memref<4096xf32, #tpu.memory_space<vmem>>, vector<16xf32>,
        tpu.vector_store %arg12[%swap3A_752], %gather3A_749 {strides = array<i32>} : memref<4096xf32, #tpu.memory_space<vmem>>, vector<16xf32>,
        %add3A_754 = arith.constant 32 : i32
        %add3A_755 = arith.addi %add3A_734, %add3A_754 : i32
        %add3A_756 = arith.constant 0 : i32
        %add3A_757 = arith.addi %add3A_755, %add3A_756 : i32
        %get3A_758 = arith.index_cast %add3A_757 : i32 to index
        %get3A_759 = tpu.vector_load %arg11[%get3A_758] {strides = array<i32>} : memref<32768xi32, #tpu.memory_space<vmem>>, vector<16xi32>,
        %gather3A_760 = tpu.vector_load_idx %arg18[%get3A_759] : memref<8192xf32, #tpu.memory_space<vmem>>[vector<16xi32>], vector<16xf32>,
        %sub3A_761 = arith.constant 20480 : i32
        %sub3A_762 = arith.subi %add3A_757, %sub3A_761 : i32
        %swap3A_763 = arith.index_cast %sub3A_762 : i32 to index
        %swap3A_764 = tpu.vector_load %arg12[%swap3A_763] {strides = array<i32>} : memref<4096xf32, #tpu.memory_space<vmem>>, vector<16xf32>,
        tpu.vector_store %arg12[%swap3A_763], %gather3A_760 {strides = array<i32>} : memref<4096xf32, #tpu.memory_space<vmem>>, vector<16xf32>,
        %add3A_765 = arith.constant 32 : i32
        %add3A_766 = arith.addi %add3A_734, %add3A_765 : i32
        %add3A_767 = arith.constant 16 : i32
        %add3A_768 = arith.addi %add3A_766, %add3A_767 : i32
        %get3A_769 = arith.index_cast %add3A_768 : i32 to index
        %get3A_770 = tpu.vector_load %arg11[%get3A_769] {strides = array<i32>} : memref<32768xi32, #tpu.memory_space<vmem>>, vector<16xi32>,
        %gather3A_771 = tpu.vector_load_idx %arg18[%get3A_770] : memref<8192xf32, #tpu.memory_space<vmem>>[vector<16xi32>], vector<16xf32>,
        %sub3A_772 = arith.constant 20480 : i32
        %sub3A_773 = arith.subi %add3A_768, %sub3A_772 : i32
        %swap3A_774 = arith.index_cast %sub3A_773 : i32 to index
        %swap3A_775 = tpu.vector_load %arg12[%swap3A_774] {strides = array<i32>} : memref<4096xf32, #tpu.memory_space<vmem>>, vector<16xf32>,
        tpu.vector_store %arg12[%swap3A_774], %gather3A_771 {strides = array<i32>} : memref<4096xf32, #tpu.memory_space<vmem>>, vector<16xf32>,
        %add3A_776 = arith.constant 64 : i32
        %add3A_777 = arith.addi %add3A_734, %add3A_776 : i32
        %add3A_778 = arith.constant 0 : i32
        %add3A_779 = arith.addi %add3A_777, %add3A_778 : i32
        %get3A_780 = arith.index_cast %add3A_779 : i32 to index
        %get3A_781 = tpu.vector_load %arg11[%get3A_780] {strides = array<i32>} : memref<32768xi32, #tpu.memory_space<vmem>>, vector<16xi32>,
        %gather3A_782 = tpu.vector_load_idx %arg18[%get3A_781] : memref<8192xf32, #tpu.memory_space<vmem>>[vector<16xi32>], vector<16xf32>,
        %sub3A_783 = arith.constant 20480 : i32
        %sub3A_784 = arith.subi %add3A_779, %sub3A_783 : i32
        %swap3A_785 = arith.index_cast %sub3A_784 : i32 to index
        %swap3A_786 = tpu.vector_load %arg12[%swap3A_785] {strides = array<i32>} : memref<4096xf32, #tpu.memory_space<vmem>>, vector<16xf32>,
        tpu.vector_store %arg12[%swap3A_785], %gather3A_782 {strides = array<i32>} : memref<4096xf32, #tpu.memory_space<vmem>>, vector<16xf32>,
        %add3A_787 = arith.constant 64 : i32
        %add3A_788 = arith.addi %add3A_734, %add3A_787 : i32
        %add3A_789 = arith.constant 16 : i32
        %add3A_790 = arith.addi %add3A_788, %add3A_789 : i32
        %get3A_791 = arith.index_cast %add3A_790 : i32 to index
        %get3A_792 = tpu.vector_load %arg11[%get3A_791] {strides = array<i32>} : memref<32768xi32, #tpu.memory_space<vmem>>, vector<16xi32>,
        %gather3A_793 = tpu.vector_load_idx %arg18[%get3A_792] : memref<8192xf32, #tpu.memory_space<vmem>>[vector<16xi32>], vector<16xf32>,
        %sub3A_794 = arith.constant 20480 : i32
        %sub3A_795 = arith.subi %add3A_790, %sub3A_794 : i32
        %swap3A_796 = arith.index_cast %sub3A_795 : i32 to index
        %swap3A_797 = tpu.vector_load %arg12[%swap3A_796] {strides = array<i32>} : memref<4096xf32, #tpu.memory_space<vmem>>, vector<16xf32>,
        tpu.vector_store %arg12[%swap3A_796], %gather3A_793 {strides = array<i32>} : memref<4096xf32, #tpu.memory_space<vmem>>, vector<16xf32>,
        %add3A_798 = arith.constant 96 : i32
        %add3A_799 = arith.addi %add3A_734, %add3A_798 : i32
        %add3A_800 = arith.constant 0 : i32
        %add3A_801 = arith.addi %add3A_799, %add3A_800 : i32
        %get3A_802 = arith.index_cast %add3A_801 : i32 to index
        %get3A_803 = tpu.vector_load %arg11[%get3A_802] {strides = array<i32>} : memref<32768xi32, #tpu.memory_space<vmem>>, vector<16xi32>,
        %gather3A_804 = tpu.vector_load_idx %arg18[%get3A_803] : memref<8192xf32, #tpu.memory_space<vmem>>[vector<16xi32>], vector<16xf32>,
        %sub3A_805 = arith.constant 20480 : i32
        %sub3A_806 = arith.subi %add3A_801, %sub3A_805 : i32
        %swap3A_807 = arith.index_cast %sub3A_806 : i32 to index
        %swap3A_808 = tpu.vector_load %arg12[%swap3A_807] {strides = array<i32>} : memref<4096xf32, #tpu.memory_space<vmem>>, vector<16xf32>,
        tpu.vector_store %arg12[%swap3A_807], %gather3A_804 {strides = array<i32>} : memref<4096xf32, #tpu.memory_space<vmem>>, vector<16xf32>,
        %add3A_809 = arith.constant 96 : i32
        %add3A_810 = arith.addi %add3A_734, %add3A_809 : i32
        %add3A_811 = arith.constant 16 : i32
        %add3A_812 = arith.addi %add3A_810, %add3A_811 : i32
        %get3A_813 = arith.index_cast %add3A_812 : i32 to index
        %get3A_814 = tpu.vector_load %arg11[%get3A_813] {strides = array<i32>} : memref<32768xi32, #tpu.memory_space<vmem>>, vector<16xi32>,
        %gather3A_815 = tpu.vector_load_idx %arg18[%get3A_814] : memref<8192xf32, #tpu.memory_space<vmem>>[vector<16xi32>], vector<16xf32>,
        %sub3A_816 = arith.constant 20480 : i32
        %sub3A_817 = arith.subi %add3A_812, %sub3A_816 : i32
        %swap3A_818 = arith.index_cast %sub3A_817 : i32 to index
        %swap3A_819 = tpu.vector_load %arg12[%swap3A_818] {strides = array<i32>} : memref<4096xf32, #tpu.memory_space<vmem>>, vector<16xf32>,
        tpu.vector_store %arg12[%swap3A_818], %gather3A_815 {strides = array<i32>} : memref<4096xf32, #tpu.memory_space<vmem>>, vector<16xf32>,
      }
      %scan3A_491 = arith.constant 32 : i32
      %dma_start3A_492 = tpu.memref_slice %arg7[%mul3A_483] : memref<17170432xf32, #tpu.memory_space<hbm>> -> memref<4096xf32, #tpu.memory_space<hbm>>
      %dma_start3A_493 = tpu.memref_slice %arg7[%mul3A_483] : memref<17170432xf32, #tpu.memory_space<hbm>> -> memref<4096xf32, #tpu.memory_space<hbm>>
      tpu.enqueue_dma source(%arg12 : memref<4096xf32, #tpu.memory_space<vmem>>) target(%dma_start3A_493 : memref<4096xf32, #tpu.memory_space<hbm>>) target_semaphore(%arg21 : memref<!tpu.dma_semaphore, #tpu.memory_space<semaphore_mem>>)
      %mul3A_494 = arith.constant 131 : i32
      %mul3A_495 = arith.muli %add3A, %mul3A_494 : i32
      %add3A_496 = arith.constant 3 : i32
      %add3A_497 = arith.addi %mul3A_495, %add3A_496 : i32
      %add3A_498 = arith.addi %add3A_497, %add3A_350 : i32
      %mul3A_499 = arith.constant 1024 : i32
      %mul3A_500 = arith.muli %add3A_498, %mul3A_499 : i32
      %add3A_501 = arith.constant 768 : i32
      %add3A_502 = arith.addi %mul3A_500, %add3A_501 : i32
      %mul3A_503 = arith.constant 32 : i32
      %mul3A_504 = arith.muli %add3A_502, %mul3A_503 : i32
      %dma_wait3A_505 = tpu.memref_slice %arg7[%mul3A_504] : memref<17170432xf32, #tpu.memory_space<hbm>> -> memref<4096xf32, #tpu.memory_space<hbm>>
      %dma_wait3A_506 = tpu.memref_slice %arg7[%mul3A_504] : memref<17170432xf32, #tpu.memory_space<hbm>> -> memref<4096xf32, #tpu.memory_space<hbm>>
      tpu.wait_dma2 semaphore(%arg20 : memref<!tpu.dma_semaphore, #tpu.memory_space<semaphore_mem>>) src(%arg13 : memref<4096xf32, #tpu.memory_space<vmem>>) dst(%dma_wait3A_506 : memref<4096xf32, #tpu.memory_space<hbm>>)
      %scan3A_507 = arith.constant 0 : i32
      %scan3A_508 = arith.constant 0 : i32
      %scan3A_509 = arith.constant 32 : i32
      %scan3A_510 = arith.addi %scan3A_508, %scan3A_509 : i32
      %scan3A_511 = arith.constant 1 : i32
      scf.for %scan3A_728 = %scan3A_508 to %scan3A_510 step %scan3A_511  : i32 {
        %mul3A_729 = arith.constant 4 : i32
        %mul3A_730 = arith.muli %scan3A_728, %mul3A_729 : i32
        %mul3A_731 = arith.constant 32 : i32
        %mul3A_732 = arith.muli %mul3A_730, %mul3A_731 : i32
        %add3A_733 = arith.constant 24576 : i32
        %add3A_734 = arith.addi %add3A_733, %mul3A_732 : i32
        %add3A_735 = arith.constant 0 : i32
        %add3A_736 = arith.addi %add3A_734, %add3A_735 : i32
        %add3A_737 = arith.constant 0 : i32
        %add3A_738 = arith.addi %add3A_736, %add3A_737 : i32
        %get3A = arith.index_cast %add3A_738 : i32 to index
        %get3A_739 = tpu.vector_load %arg11[%get3A] {strides = array<i32>} : memref<32768xi32, #tpu.memory_space<vmem>>, vector<16xi32>,
        %gather3A = tpu.vector_load_idx %arg18[%get3A_739] : memref<8192xf32, #tpu.memory_space<vmem>>[vector<16xi32>], vector<16xf32>,
        %sub3A_740 = arith.constant 24576 : i32
        %sub3A_741 = arith.subi %add3A_738, %sub3A_740 : i32
        %swap3A = arith.index_cast %sub3A_741 : i32 to index
        %swap3A_742 = tpu.vector_load %arg13[%swap3A] {strides = array<i32>} : memref<4096xf32, #tpu.memory_space<vmem>>, vector<16xf32>,
        tpu.vector_store %arg13[%swap3A], %gather3A {strides = array<i32>} : memref<4096xf32, #tpu.memory_space<vmem>>, vector<16xf32>,
        %add3A_743 = arith.constant 0 : i32
        %add3A_744 = arith.addi %add3A_734, %add3A_743 : i32
        %add3A_745 = arith.constant 16 : i32
        %add3A_746 = arith.addi %add3A_744, %add3A_745 : i32
        %get3A_747 = arith.index_cast %add3A_746 : i32 to index
        %get3A_748 = tpu.vector_load %arg11[%get3A_747] {strides = array<i32>} : memref<32768xi32, #tpu.memory_space<vmem>>, vector<16xi32>,
        %gather3A_749 = tpu.vector_load_idx %arg18[%get3A_748] : memref<8192xf32, #tpu.memory_space<vmem>>[vector<16xi32>], vector<16xf32>,
        %sub3A_750 = arith.constant 24576 : i32
        %sub3A_751 = arith.subi %add3A_746, %sub3A_750 : i32
        %swap3A_752 = arith.index_cast %sub3A_751 : i32 to index
        %swap3A_753 = tpu.vector_load %arg13[%swap3A_752] {strides = array<i32>} : memref<4096xf32, #tpu.memory_space<vmem>>, vector<16xf32>,
        tpu.vector_store %arg13[%swap3A_752], %gather3A_749 {strides = array<i32>} : memref<4096xf32, #tpu.memory_space<vmem>>, vector<16xf32>,
        %add3A_754 = arith.constant 32 : i32
        %add3A_755 = arith.addi %add3A_734, %add3A_754 : i32
        %add3A_756 = arith.constant 0 : i32
        %add3A_757 = arith.addi %add3A_755, %add3A_756 : i32
        %get3A_758 = arith.index_cast %add3A_757 : i32 to index
        %get3A_759 = tpu.vector_load %arg11[%get3A_758] {strides = array<i32>} : memref<32768xi32, #tpu.memory_space<vmem>>, vector<16xi32>,
        %gather3A_760 = tpu.vector_load_idx %arg18[%get3A_759] : memref<8192xf32, #tpu.memory_space<vmem>>[vector<16xi32>], vector<16xf32>,
        %sub3A_761 = arith.constant 24576 : i32
        %sub3A_762 = arith.subi %add3A_757, %sub3A_761 : i32
        %swap3A_763 = arith.index_cast %sub3A_762 : i32 to index
        %swap3A_764 = tpu.vector_load %arg13[%swap3A_763] {strides = array<i32>} : memref<4096xf32, #tpu.memory_space<vmem>>, vector<16xf32>,
        tpu.vector_store %arg13[%swap3A_763], %gather3A_760 {strides = array<i32>} : memref<4096xf32, #tpu.memory_space<vmem>>, vector<16xf32>,
        %add3A_765 = arith.constant 32 : i32
        %add3A_766 = arith.addi %add3A_734, %add3A_765 : i32
        %add3A_767 = arith.constant 16 : i32
        %add3A_768 = arith.addi %add3A_766, %add3A_767 : i32
        %get3A_769 = arith.index_cast %add3A_768 : i32 to index
        %get3A_770 = tpu.vector_load %arg11[%get3A_769] {strides = array<i32>} : memref<32768xi32, #tpu.memory_space<vmem>>, vector<16xi32>,
        %gather3A_771 = tpu.vector_load_idx %arg18[%get3A_770] : memref<8192xf32, #tpu.memory_space<vmem>>[vector<16xi32>], vector<16xf32>,
        %sub3A_772 = arith.constant 24576 : i32
        %sub3A_773 = arith.subi %add3A_768, %sub3A_772 : i32
        %swap3A_774 = arith.index_cast %sub3A_773 : i32 to index
        %swap3A_775 = tpu.vector_load %arg13[%swap3A_774] {strides = array<i32>} : memref<4096xf32, #tpu.memory_space<vmem>>, vector<16xf32>,
        tpu.vector_store %arg13[%swap3A_774], %gather3A_771 {strides = array<i32>} : memref<4096xf32, #tpu.memory_space<vmem>>, vector<16xf32>,
        %add3A_776 = arith.constant 64 : i32
        %add3A_777 = arith.addi %add3A_734, %add3A_776 : i32
        %add3A_778 = arith.constant 0 : i32
        %add3A_779 = arith.addi %add3A_777, %add3A_778 : i32
        %get3A_780 = arith.index_cast %add3A_779 : i32 to index
        %get3A_781 = tpu.vector_load %arg11[%get3A_780] {strides = array<i32>} : memref<32768xi32, #tpu.memory_space<vmem>>, vector<16xi32>,
        %gather3A_782 = tpu.vector_load_idx %arg18[%get3A_781] : memref<8192xf32, #tpu.memory_space<vmem>>[vector<16xi32>], vector<16xf32>,
        %sub3A_783 = arith.constant 24576 : i32
        %sub3A_784 = arith.subi %add3A_779, %sub3A_783 : i32
        %swap3A_785 = arith.index_cast %sub3A_784 : i32 to index
        %swap3A_786 = tpu.vector_load %arg13[%swap3A_785] {strides = array<i32>} : memref<4096xf32, #tpu.memory_space<vmem>>, vector<16xf32>,
        tpu.vector_store %arg13[%swap3A_785], %gather3A_782 {strides = array<i32>} : memref<4096xf32, #tpu.memory_space<vmem>>, vector<16xf32>,
        %add3A_787 = arith.constant 64 : i32
        %add3A_788 = arith.addi %add3A_734, %add3A_787 : i32
        %add3A_789 = arith.constant 16 : i32
        %add3A_790 = arith.addi %add3A_788, %add3A_789 : i32
        %get3A_791 = arith.index_cast %add3A_790 : i32 to index
        %get3A_792 = tpu.vector_load %arg11[%get3A_791] {strides = array<i32>} : memref<32768xi32, #tpu.memory_space<vmem>>, vector<16xi32>,
        %gather3A_793 = tpu.vector_load_idx %arg18[%get3A_792] : memref<8192xf32, #tpu.memory_space<vmem>>[vector<16xi32>], vector<16xf32>,
        %sub3A_794 = arith.constant 24576 : i32
        %sub3A_795 = arith.subi %add3A_790, %sub3A_794 : i32
        %swap3A_796 = arith.index_cast %sub3A_795 : i32 to index
        %swap3A_797 = tpu.vector_load %arg13[%swap3A_796] {strides = array<i32>} : memref<4096xf32, #tpu.memory_space<vmem>>, vector<16xf32>,
        tpu.vector_store %arg13[%swap3A_796], %gather3A_793 {strides = array<i32>} : memref<4096xf32, #tpu.memory_space<vmem>>, vector<16xf32>,
        %add3A_798 = arith.constant 96 : i32
        %add3A_799 = arith.addi %add3A_734, %add3A_798 : i32
        %add3A_800 = arith.constant 0 : i32
        %add3A_801 = arith.addi %add3A_799, %add3A_800 : i32
        %get3A_802 = arith.index_cast %add3A_801 : i32 to index
        %get3A_803 = tpu.vector_load %arg11[%get3A_802] {strides = array<i32>} : memref<32768xi32, #tpu.memory_space<vmem>>, vector<16xi32>,
        %gather3A_804 = tpu.vector_load_idx %arg18[%get3A_803] : memref<8192xf32, #tpu.memory_space<vmem>>[vector<16xi32>], vector<16xf32>,
        %sub3A_805 = arith.constant 24576 : i32
        %sub3A_806 = arith.subi %add3A_801, %sub3A_805 : i32
        %swap3A_807 = arith.index_cast %sub3A_806 : i32 to index
        %swap3A_808 = tpu.vector_load %arg13[%swap3A_807] {strides = array<i32>} : memref<4096xf32, #tpu.memory_space<vmem>>, vector<16xf32>,
        tpu.vector_store %arg13[%swap3A_807], %gather3A_804 {strides = array<i32>} : memref<4096xf32, #tpu.memory_space<vmem>>, vector<16xf32>,
        %add3A_809 = arith.constant 96 : i32
        %add3A_810 = arith.addi %add3A_734, %add3A_809 : i32
        %add3A_811 = arith.constant 16 : i32
        %add3A_812 = arith.addi %add3A_810, %add3A_811 : i32
        %get3A_813 = arith.index_cast %add3A_812 : i32 to index
        %get3A_814 = tpu.vector_load %arg11[%get3A_813] {strides = array<i32>} : memref<32768xi32, #tpu.memory_space<vmem>>, vector<16xi32>,
        %gather3A_815 = tpu.vector_load_idx %arg18[%get3A_814] : memref<8192xf32, #tpu.memory_space<vmem>>[vector<16xi32>], vector<16xf32>,
        %sub3A_816 = arith.constant 24576 : i32
        %sub3A_817 = arith.subi %add3A_812, %sub3A_816 : i32
        %swap3A_818 = arith.index_cast %sub3A_817 : i32 to index
        %swap3A_819 = tpu.vector_load %arg13[%swap3A_818] {strides = array<i32>} : memref<4096xf32, #tpu.memory_space<vmem>>, vector<16xf32>,
        tpu.vector_store %arg13[%swap3A_818], %gather3A_815 {strides = array<i32>} : memref<4096xf32, #tpu.memory_space<vmem>>, vector<16xf32>,
      }
      %scan3A_512 = arith.constant 32 : i32
      %dma_start3A_513 = tpu.memref_slice %arg7[%mul3A_504] : memref<17170432xf32, #tpu.memory_space<hbm>> -> memref<4096xf32, #tpu.memory_space<hbm>>
      %dma_start3A_514 = tpu.memref_slice %arg7[%mul3A_504] : memref<17170432xf32, #tpu.memory_space<hbm>> -> memref<4096xf32, #tpu.memory_space<hbm>>
      tpu.enqueue_dma source(%arg13 : memref<4096xf32, #tpu.memory_space<vmem>>) target(%dma_start3A_514 : memref<4096xf32, #tpu.memory_space<hbm>>) target_semaphore(%arg20 : memref<!tpu.dma_semaphore, #tpu.memory_space<semaphore_mem>>)
      %mul3A_515 = arith.constant 131 : i32
      %mul3A_516 = arith.muli %add3A, %mul3A_515 : i32
      %add3A_517 = arith.constant 3 : i32
      %add3A_518 = arith.addi %mul3A_516, %add3A_517 : i32
      %add3A_519 = arith.addi %add3A_518, %add3A_350 : i32
      %mul3A_520 = arith.constant 1024 : i32
      %mul3A_521 = arith.muli %add3A_519, %mul3A_520 : i32
      %add3A_522 = arith.constant 896 : i32
      %add3A_523 = arith.addi %mul3A_521, %add3A_522 : i32
      %mul3A_524 = arith.constant 32 : i32
      %mul3A_525 = arith.muli %add3A_523, %mul3A_524 : i32
      %dma_wait3A_526 = tpu.memref_slice %arg7[%mul3A_525] : memref<17170432xf32, #tpu.memory_space<hbm>> -> memref<4096xf32, #tpu.memory_space<hbm>>
      %dma_wait3A_527 = tpu.memref_slice %arg7[%mul3A_525] : memref<17170432xf32, #tpu.memory_space<hbm>> -> memref<4096xf32, #tpu.memory_space<hbm>>
      tpu.wait_dma2 semaphore(%arg21 : memref<!tpu.dma_semaphore, #tpu.memory_space<semaphore_mem>>) src(%arg12 : memref<4096xf32, #tpu.memory_space<vmem>>) dst(%dma_wait3A_527 : memref<4096xf32, #tpu.memory_space<hbm>>)
      %scan3A_528 = arith.constant 0 : i32
      %scan3A_529 = arith.constant 0 : i32
      %scan3A_530 = arith.constant 32 : i32
      %scan3A_531 = arith.addi %scan3A_529, %scan3A_530 : i32
      %scan3A_532 = arith.constant 1 : i32
      scf.for %scan3A_728 = %scan3A_529 to %scan3A_531 step %scan3A_532  : i32 {
        %mul3A_729 = arith.constant 4 : i32
        %mul3A_730 = arith.muli %scan3A_728, %mul3A_729 : i32
        %mul3A_731 = arith.constant 32 : i32
        %mul3A_732 = arith.muli %mul3A_730, %mul3A_731 : i32
        %add3A_733 = arith.constant 28672 : i32
        %add3A_734 = arith.addi %add3A_733, %mul3A_732 : i32
        %add3A_735 = arith.constant 0 : i32
        %add3A_736 = arith.addi %add3A_734, %add3A_735 : i32
        %add3A_737 = arith.constant 0 : i32
        %add3A_738 = arith.addi %add3A_736, %add3A_737 : i32
        %get3A = arith.index_cast %add3A_738 : i32 to index
        %get3A_739 = tpu.vector_load %arg11[%get3A] {strides = array<i32>} : memref<32768xi32, #tpu.memory_space<vmem>>, vector<16xi32>,
        %gather3A = tpu.vector_load_idx %arg18[%get3A_739] : memref<8192xf32, #tpu.memory_space<vmem>>[vector<16xi32>], vector<16xf32>,
        %sub3A_740 = arith.constant 28672 : i32
        %sub3A_741 = arith.subi %add3A_738, %sub3A_740 : i32
        %swap3A = arith.index_cast %sub3A_741 : i32 to index
        %swap3A_742 = tpu.vector_load %arg12[%swap3A] {strides = array<i32>} : memref<4096xf32, #tpu.memory_space<vmem>>, vector<16xf32>,
        tpu.vector_store %arg12[%swap3A], %gather3A {strides = array<i32>} : memref<4096xf32, #tpu.memory_space<vmem>>, vector<16xf32>,
        %add3A_743 = arith.constant 0 : i32
        %add3A_744 = arith.addi %add3A_734, %add3A_743 : i32
        %add3A_745 = arith.constant 16 : i32
        %add3A_746 = arith.addi %add3A_744, %add3A_745 : i32
        %get3A_747 = arith.index_cast %add3A_746 : i32 to index
        %get3A_748 = tpu.vector_load %arg11[%get3A_747] {strides = array<i32>} : memref<32768xi32, #tpu.memory_space<vmem>>, vector<16xi32>,
        %gather3A_749 = tpu.vector_load_idx %arg18[%get3A_748] : memref<8192xf32, #tpu.memory_space<vmem>>[vector<16xi32>], vector<16xf32>,
        %sub3A_750 = arith.constant 28672 : i32
        %sub3A_751 = arith.subi %add3A_746, %sub3A_750 : i32
        %swap3A_752 = arith.index_cast %sub3A_751 : i32 to index
        %swap3A_753 = tpu.vector_load %arg12[%swap3A_752] {strides = array<i32>} : memref<4096xf32, #tpu.memory_space<vmem>>, vector<16xf32>,
        tpu.vector_store %arg12[%swap3A_752], %gather3A_749 {strides = array<i32>} : memref<4096xf32, #tpu.memory_space<vmem>>, vector<16xf32>,
        %add3A_754 = arith.constant 32 : i32
        %add3A_755 = arith.addi %add3A_734, %add3A_754 : i32
        %add3A_756 = arith.constant 0 : i32
        %add3A_757 = arith.addi %add3A_755, %add3A_756 : i32
        %get3A_758 = arith.index_cast %add3A_757 : i32 to index
        %get3A_759 = tpu.vector_load %arg11[%get3A_758] {strides = array<i32>} : memref<32768xi32, #tpu.memory_space<vmem>>, vector<16xi32>,
        %gather3A_760 = tpu.vector_load_idx %arg18[%get3A_759] : memref<8192xf32, #tpu.memory_space<vmem>>[vector<16xi32>], vector<16xf32>,
        %sub3A_761 = arith.constant 28672 : i32
        %sub3A_762 = arith.subi %add3A_757, %sub3A_761 : i32
        %swap3A_763 = arith.index_cast %sub3A_762 : i32 to index
        %swap3A_764 = tpu.vector_load %arg12[%swap3A_763] {strides = array<i32>} : memref<4096xf32, #tpu.memory_space<vmem>>, vector<16xf32>,
        tpu.vector_store %arg12[%swap3A_763], %gather3A_760 {strides = array<i32>} : memref<4096xf32, #tpu.memory_space<vmem>>, vector<16xf32>,
        %add3A_765 = arith.constant 32 : i32
        %add3A_766 = arith.addi %add3A_734, %add3A_765 : i32
        %add3A_767 = arith.constant 16 : i32
        %add3A_768 = arith.addi %add3A_766, %add3A_767 : i32
        %get3A_769 = arith.index_cast %add3A_768 : i32 to index
        %get3A_770 = tpu.vector_load %arg11[%get3A_769] {strides = array<i32>} : memref<32768xi32, #tpu.memory_space<vmem>>, vector<16xi32>,
        %gather3A_771 = tpu.vector_load_idx %arg18[%get3A_770] : memref<8192xf32, #tpu.memory_space<vmem>>[vector<16xi32>], vector<16xf32>,
        %sub3A_772 = arith.constant 28672 : i32
        %sub3A_773 = arith.subi %add3A_768, %sub3A_772 : i32
        %swap3A_774 = arith.index_cast %sub3A_773 : i32 to index
        %swap3A_775 = tpu.vector_load %arg12[%swap3A_774] {strides = array<i32>} : memref<4096xf32, #tpu.memory_space<vmem>>, vector<16xf32>,
        tpu.vector_store %arg12[%swap3A_774], %gather3A_771 {strides = array<i32>} : memref<4096xf32, #tpu.memory_space<vmem>>, vector<16xf32>,
        %add3A_776 = arith.constant 64 : i32
        %add3A_777 = arith.addi %add3A_734, %add3A_776 : i32
        %add3A_778 = arith.constant 0 : i32
        %add3A_779 = arith.addi %add3A_777, %add3A_778 : i32
        %get3A_780 = arith.index_cast %add3A_779 : i32 to index
        %get3A_781 = tpu.vector_load %arg11[%get3A_780] {strides = array<i32>} : memref<32768xi32, #tpu.memory_space<vmem>>, vector<16xi32>,
        %gather3A_782 = tpu.vector_load_idx %arg18[%get3A_781] : memref<8192xf32, #tpu.memory_space<vmem>>[vector<16xi32>], vector<16xf32>,
        %sub3A_783 = arith.constant 28672 : i32
        %sub3A_784 = arith.subi %add3A_779, %sub3A_783 : i32
        %swap3A_785 = arith.index_cast %sub3A_784 : i32 to index
        %swap3A_786 = tpu.vector_load %arg12[%swap3A_785] {strides = array<i32>} : memref<4096xf32, #tpu.memory_space<vmem>>, vector<16xf32>,
        tpu.vector_store %arg12[%swap3A_785], %gather3A_782 {strides = array<i32>} : memref<4096xf32, #tpu.memory_space<vmem>>, vector<16xf32>,
        %add3A_787 = arith.constant 64 : i32
        %add3A_788 = arith.addi %add3A_734, %add3A_787 : i32
        %add3A_789 = arith.constant 16 : i32
        %add3A_790 = arith.addi %add3A_788, %add3A_789 : i32
        %get3A_791 = arith.index_cast %add3A_790 : i32 to index
        %get3A_792 = tpu.vector_load %arg11[%get3A_791] {strides = array<i32>} : memref<32768xi32, #tpu.memory_space<vmem>>, vector<16xi32>,
        %gather3A_793 = tpu.vector_load_idx %arg18[%get3A_792] : memref<8192xf32, #tpu.memory_space<vmem>>[vector<16xi32>], vector<16xf32>,
        %sub3A_794 = arith.constant 28672 : i32
        %sub3A_795 = arith.subi %add3A_790, %sub3A_794 : i32
        %swap3A_796 = arith.index_cast %sub3A_795 : i32 to index
        %swap3A_797 = tpu.vector_load %arg12[%swap3A_796] {strides = array<i32>} : memref<4096xf32, #tpu.memory_space<vmem>>, vector<16xf32>,
        tpu.vector_store %arg12[%swap3A_796], %gather3A_793 {strides = array<i32>} : memref<4096xf32, #tpu.memory_space<vmem>>, vector<16xf32>,
        %add3A_798 = arith.constant 96 : i32
        %add3A_799 = arith.addi %add3A_734, %add3A_798 : i32
        %add3A_800 = arith.constant 0 : i32
        %add3A_801 = arith.addi %add3A_799, %add3A_800 : i32
        %get3A_802 = arith.index_cast %add3A_801 : i32 to index
        %get3A_803 = tpu.vector_load %arg11[%get3A_802] {strides = array<i32>} : memref<32768xi32, #tpu.memory_space<vmem>>, vector<16xi32>,
        %gather3A_804 = tpu.vector_load_idx %arg18[%get3A_803] : memref<8192xf32, #tpu.memory_space<vmem>>[vector<16xi32>], vector<16xf32>,
        %sub3A_805 = arith.constant 28672 : i32
        %sub3A_806 = arith.subi %add3A_801, %sub3A_805 : i32
        %swap3A_807 = arith.index_cast %sub3A_806 : i32 to index
        %swap3A_808 = tpu.vector_load %arg12[%swap3A_807] {strides = array<i32>} : memref<4096xf32, #tpu.memory_space<vmem>>, vector<16xf32>,
        tpu.vector_store %arg12[%swap3A_807], %gather3A_804 {strides = array<i32>} : memref<4096xf32, #tpu.memory_space<vmem>>, vector<16xf32>,
        %add3A_809 = arith.constant 96 : i32
        %add3A_810 = arith.addi %add3A_734, %add3A_809 : i32
        %add3A_811 = arith.constant 16 : i32
        %add3A_812 = arith.addi %add3A_810, %add3A_811 : i32
        %get3A_813 = arith.index_cast %add3A_812 : i32 to index
        %get3A_814 = tpu.vector_load %arg11[%get3A_813] {strides = array<i32>} : memref<32768xi32, #tpu.memory_space<vmem>>, vector<16xi32>,
        %gather3A_815 = tpu.vector_load_idx %arg18[%get3A_814] : memref<8192xf32, #tpu.memory_space<vmem>>[vector<16xi32>], vector<16xf32>,
        %sub3A_816 = arith.constant 28672 : i32
        %sub3A_817 = arith.subi %add3A_812, %sub3A_816 : i32
        %swap3A_818 = arith.index_cast %sub3A_817 : i32 to index
        %swap3A_819 = tpu.vector_load %arg12[%swap3A_818] {strides = array<i32>} : memref<4096xf32, #tpu.memory_space<vmem>>, vector<16xf32>,
        tpu.vector_store %arg12[%swap3A_818], %gather3A_815 {strides = array<i32>} : memref<4096xf32, #tpu.memory_space<vmem>>, vector<16xf32>,
      }
      %scan3A_533 = arith.constant 32 : i32
      %dma_start3A_534 = tpu.memref_slice %arg7[%mul3A_525] : memref<17170432xf32, #tpu.memory_space<hbm>> -> memref<4096xf32, #tpu.memory_space<hbm>>
      %dma_start3A_535 = tpu.memref_slice %arg7[%mul3A_525] : memref<17170432xf32, #tpu.memory_space<hbm>> -> memref<4096xf32, #tpu.memory_space<hbm>>
      tpu.enqueue_dma source(%arg12 : memref<4096xf32, #tpu.memory_space<vmem>>) target(%dma_start3A_535 : memref<4096xf32, #tpu.memory_space<hbm>>) target_semaphore(%arg21 : memref<!tpu.dma_semaphore, #tpu.memory_space<semaphore_mem>>)
      %mul3A_536 = arith.constant 128 : i32
      %mul3A_537 = arith.muli %add3A, %mul3A_536 : i32
      %add3A_538 = arith.addi %mul3A_537, %add3A_352 : i32
      %mul3A_539 = arith.constant 8192 : i32
      %mul3A_540 = arith.muli %add3A_538, %mul3A_539 : i32
      %dma_wait3A_541 = tpu.memref_slice %arg6[%mul3A_540] : memref<4194304xf32, #tpu.memory_space<hbm>> -> memref<8192xf32, #tpu.memory_space<hbm>>
      %dma_wait3A_542 = tpu.memref_slice %arg6[%mul3A_540] : memref<4194304xf32, #tpu.memory_space<hbm>> -> memref<8192xf32, #tpu.memory_space<hbm>>
      tpu.wait_dma2 semaphore(%arg23 : memref<!tpu.dma_semaphore, #tpu.memory_space<semaphore_mem>>) src(%dma_wait3A_542 : memref<8192xf32, #tpu.memory_space<hbm>>) dst(%arg17 : memref<8192xf32, #tpu.memory_space<vmem>>)
      %add3A_543 = arith.constant 2 : i32
      %add3A_544 = arith.addi %add3A_350, %add3A_543 : i32
      %add3A_545 = arith.constant 16 : i32
      %add3A_546 = arith.addi %mul3A_50, %add3A_545 : i32
      %sub3A_547 = arith.constant 1 : i32
      %sub3A_548 = arith.subi %add3A_546, %sub3A_547 : i32
      %min3A = arith.minsi %add3A_544, %sub3A_548 : i32
      %mul3A_549 = arith.constant 128 : i32
      %mul3A_550 = arith.muli %add3A, %mul3A_549 : i32
      %add3A_551 = arith.addi %mul3A_550, %min3A : i32
      %mul3A_552 = arith.constant 8192 : i32
      %mul3A_553 = arith.muli %add3A_551, %mul3A_552 : i32
      %dma_start3A_554 = tpu.memref_slice %arg6[%mul3A_553] : memref<4194304xf32, #tpu.memory_space<hbm>> -> memref<8192xf32, #tpu.memory_space<hbm>>
      %dma_start3A_555 = tpu.memref_slice %arg6[%mul3A_553] : memref<4194304xf32, #tpu.memory_space<hbm>> -> memref<8192xf32, #tpu.memory_space<hbm>>
      tpu.enqueue_dma source(%dma_start3A_555 : memref<8192xf32, #tpu.memory_space<hbm>>) target(%arg18 : memref<8192xf32, #tpu.memory_space<vmem>>) target_semaphore(%arg23 : memref<!tpu.dma_semaphore, #tpu.memory_space<semaphore_mem>>)
      %mul3A_556 = arith.constant 131 : i32
      %mul3A_557 = arith.muli %add3A, %mul3A_556 : i32
      %add3A_558 = arith.constant 3 : i32
      %add3A_559 = arith.addi %mul3A_557, %add3A_558 : i32
      %add3A_560 = arith.addi %add3A_559, %add3A_352 : i32
      %mul3A_561 = arith.constant 1024 : i32
      %mul3A_562 = arith.muli %add3A_560, %mul3A_561 : i32
      %add3A_563 = arith.constant 0 : i32
      %add3A_564 = arith.addi %mul3A_562, %add3A_563 : i32
      %mul3A_565 = arith.constant 32 : i32
      %mul3A_566 = arith.muli %add3A_564, %mul3A_565 : i32
      %gt3A_567 = arith.cmpi sgt, %add3A_352, %mul3A_50 : i32
      %convert_element_type3A_568 = arith.extui %gt3A_567 : i1 to i32
      %cond3A_569 = arith.constant 0 : i32
      %cond3A_570 = arith.cmpi ne, %convert_element_type3A_568, %cond3A_569 : i32
      scf.if %cond3A_570 {
        %dma_wait3A_728 = tpu.memref_slice %arg7[%mul3A_566] : memref<17170432xf32, #tpu.memory_space<hbm>> -> memref<4096xf32, #tpu.memory_space<hbm>>
        %dma_wait3A_729 = tpu.memref_slice %arg7[%mul3A_566] : memref<17170432xf32, #tpu.memory_space<hbm>> -> memref<4096xf32, #tpu.memory_space<hbm>>
        tpu.wait_dma2 semaphore(%arg20 : memref<!tpu.dma_semaphore, #tpu.memory_space<semaphore_mem>>) src(%arg13 : memref<4096xf32, #tpu.memory_space<vmem>>) dst(%dma_wait3A_729 : memref<4096xf32, #tpu.memory_space<hbm>>)
      } else {
      }
      %scan3A_571 = arith.constant 0 : i32
      %scan3A_572 = arith.constant 0 : i32
      %scan3A_573 = arith.constant 32 : i32
      %scan3A_574 = arith.addi %scan3A_572, %scan3A_573 : i32
      %scan3A_575 = arith.constant 1 : i32
      scf.for %scan3A_728 = %scan3A_572 to %scan3A_574 step %scan3A_575  : i32 {
        %mul3A_729 = arith.constant 4 : i32
        %mul3A_730 = arith.muli %scan3A_728, %mul3A_729 : i32
        %mul3A_731 = arith.constant 32 : i32
        %mul3A_732 = arith.muli %mul3A_730, %mul3A_731 : i32
        %add3A_733 = arith.constant 0 : i32
        %add3A_734 = arith.addi %add3A_733, %mul3A_732 : i32
        %add3A_735 = arith.constant 0 : i32
        %add3A_736 = arith.addi %add3A_734, %add3A_735 : i32
        %add3A_737 = arith.constant 0 : i32
        %add3A_738 = arith.addi %add3A_736, %add3A_737 : i32
        %get3A = arith.index_cast %add3A_738 : i32 to index
        %get3A_739 = tpu.vector_load %arg11[%get3A] {strides = array<i32>} : memref<32768xi32, #tpu.memory_space<vmem>>, vector<16xi32>,
        %gather3A = tpu.vector_load_idx %arg17[%get3A_739] : memref<8192xf32, #tpu.memory_space<vmem>>[vector<16xi32>], vector<16xf32>,
        %sub3A_740 = arith.constant 0 : i32
        %sub3A_741 = arith.subi %add3A_738, %sub3A_740 : i32
        %swap3A = arith.index_cast %sub3A_741 : i32 to index
        %swap3A_742 = tpu.vector_load %arg13[%swap3A] {strides = array<i32>} : memref<4096xf32, #tpu.memory_space<vmem>>, vector<16xf32>,
        tpu.vector_store %arg13[%swap3A], %gather3A {strides = array<i32>} : memref<4096xf32, #tpu.memory_space<vmem>>, vector<16xf32>,
        %add3A_743 = arith.constant 0 : i32
        %add3A_744 = arith.addi %add3A_734, %add3A_743 : i32
        %add3A_745 = arith.constant 16 : i32
        %add3A_746 = arith.addi %add3A_744, %add3A_745 : i32
        %get3A_747 = arith.index_cast %add3A_746 : i32 to index
        %get3A_748 = tpu.vector_load %arg11[%get3A_747] {strides = array<i32>} : memref<32768xi32, #tpu.memory_space<vmem>>, vector<16xi32>,
        %gather3A_749 = tpu.vector_load_idx %arg17[%get3A_748] : memref<8192xf32, #tpu.memory_space<vmem>>[vector<16xi32>], vector<16xf32>,
        %sub3A_750 = arith.constant 0 : i32
        %sub3A_751 = arith.subi %add3A_746, %sub3A_750 : i32
        %swap3A_752 = arith.index_cast %sub3A_751 : i32 to index
        %swap3A_753 = tpu.vector_load %arg13[%swap3A_752] {strides = array<i32>} : memref<4096xf32, #tpu.memory_space<vmem>>, vector<16xf32>,
        tpu.vector_store %arg13[%swap3A_752], %gather3A_749 {strides = array<i32>} : memref<4096xf32, #tpu.memory_space<vmem>>, vector<16xf32>,
        %add3A_754 = arith.constant 32 : i32
        %add3A_755 = arith.addi %add3A_734, %add3A_754 : i32
        %add3A_756 = arith.constant 0 : i32
        %add3A_757 = arith.addi %add3A_755, %add3A_756 : i32
        %get3A_758 = arith.index_cast %add3A_757 : i32 to index
        %get3A_759 = tpu.vector_load %arg11[%get3A_758] {strides = array<i32>} : memref<32768xi32, #tpu.memory_space<vmem>>, vector<16xi32>,
        %gather3A_760 = tpu.vector_load_idx %arg17[%get3A_759] : memref<8192xf32, #tpu.memory_space<vmem>>[vector<16xi32>], vector<16xf32>,
        %sub3A_761 = arith.constant 0 : i32
        %sub3A_762 = arith.subi %add3A_757, %sub3A_761 : i32
        %swap3A_763 = arith.index_cast %sub3A_762 : i32 to index
        %swap3A_764 = tpu.vector_load %arg13[%swap3A_763] {strides = array<i32>} : memref<4096xf32, #tpu.memory_space<vmem>>, vector<16xf32>,
        tpu.vector_store %arg13[%swap3A_763], %gather3A_760 {strides = array<i32>} : memref<4096xf32, #tpu.memory_space<vmem>>, vector<16xf32>,
        %add3A_765 = arith.constant 32 : i32
        %add3A_766 = arith.addi %add3A_734, %add3A_765 : i32
        %add3A_767 = arith.constant 16 : i32
        %add3A_768 = arith.addi %add3A_766, %add3A_767 : i32
        %get3A_769 = arith.index_cast %add3A_768 : i32 to index
        %get3A_770 = tpu.vector_load %arg11[%get3A_769] {strides = array<i32>} : memref<32768xi32, #tpu.memory_space<vmem>>, vector<16xi32>,
        %gather3A_771 = tpu.vector_load_idx %arg17[%get3A_770] : memref<8192xf32, #tpu.memory_space<vmem>>[vector<16xi32>], vector<16xf32>,
        %sub3A_772 = arith.constant 0 : i32
        %sub3A_773 = arith.subi %add3A_768, %sub3A_772 : i32
        %swap3A_774 = arith.index_cast %sub3A_773 : i32 to index
        %swap3A_775 = tpu.vector_load %arg13[%swap3A_774] {strides = array<i32>} : memref<4096xf32, #tpu.memory_space<vmem>>, vector<16xf32>,
        tpu.vector_store %arg13[%swap3A_774], %gather3A_771 {strides = array<i32>} : memref<4096xf32, #tpu.memory_space<vmem>>, vector<16xf32>,
        %add3A_776 = arith.constant 64 : i32
        %add3A_777 = arith.addi %add3A_734, %add3A_776 : i32
        %add3A_778 = arith.constant 0 : i32
        %add3A_779 = arith.addi %add3A_777, %add3A_778 : i32
        %get3A_780 = arith.index_cast %add3A_779 : i32 to index
        %get3A_781 = tpu.vector_load %arg11[%get3A_780] {strides = array<i32>} : memref<32768xi32, #tpu.memory_space<vmem>>, vector<16xi32>,
        %gather3A_782 = tpu.vector_load_idx %arg17[%get3A_781] : memref<8192xf32, #tpu.memory_space<vmem>>[vector<16xi32>], vector<16xf32>,
        %sub3A_783 = arith.constant 0 : i32
        %sub3A_784 = arith.subi %add3A_779, %sub3A_783 : i32
        %swap3A_785 = arith.index_cast %sub3A_784 : i32 to index
        %swap3A_786 = tpu.vector_load %arg13[%swap3A_785] {strides = array<i32>} : memref<4096xf32, #tpu.memory_space<vmem>>, vector<16xf32>,
        tpu.vector_store %arg13[%swap3A_785], %gather3A_782 {strides = array<i32>} : memref<4096xf32, #tpu.memory_space<vmem>>, vector<16xf32>,
        %add3A_787 = arith.constant 64 : i32
        %add3A_788 = arith.addi %add3A_734, %add3A_787 : i32
        %add3A_789 = arith.constant 16 : i32
        %add3A_790 = arith.addi %add3A_788, %add3A_789 : i32
        %get3A_791 = arith.index_cast %add3A_790 : i32 to index
        %get3A_792 = tpu.vector_load %arg11[%get3A_791] {strides = array<i32>} : memref<32768xi32, #tpu.memory_space<vmem>>, vector<16xi32>,
        %gather3A_793 = tpu.vector_load_idx %arg17[%get3A_792] : memref<8192xf32, #tpu.memory_space<vmem>>[vector<16xi32>], vector<16xf32>,
        %sub3A_794 = arith.constant 0 : i32
        %sub3A_795 = arith.subi %add3A_790, %sub3A_794 : i32
        %swap3A_796 = arith.index_cast %sub3A_795 : i32 to index
        %swap3A_797 = tpu.vector_load %arg13[%swap3A_796] {strides = array<i32>} : memref<4096xf32, #tpu.memory_space<vmem>>, vector<16xf32>,
        tpu.vector_store %arg13[%swap3A_796], %gather3A_793 {strides = array<i32>} : memref<4096xf32, #tpu.memory_space<vmem>>, vector<16xf32>,
        %add3A_798 = arith.constant 96 : i32
        %add3A_799 = arith.addi %add3A_734, %add3A_798 : i32
        %add3A_800 = arith.constant 0 : i32
        %add3A_801 = arith.addi %add3A_799, %add3A_800 : i32
        %get3A_802 = arith.index_cast %add3A_801 : i32 to index
        %get3A_803 = tpu.vector_load %arg11[%get3A_802] {strides = array<i32>} : memref<32768xi32, #tpu.memory_space<vmem>>, vector<16xi32>,
        %gather3A_804 = tpu.vector_load_idx %arg17[%get3A_803] : memref<8192xf32, #tpu.memory_space<vmem>>[vector<16xi32>], vector<16xf32>,
        %sub3A_805 = arith.constant 0 : i32
        %sub3A_806 = arith.subi %add3A_801, %sub3A_805 : i32
        %swap3A_807 = arith.index_cast %sub3A_806 : i32 to index
        %swap3A_808 = tpu.vector_load %arg13[%swap3A_807] {strides = array<i32>} : memref<4096xf32, #tpu.memory_space<vmem>>, vector<16xf32>,
        tpu.vector_store %arg13[%swap3A_807], %gather3A_804 {strides = array<i32>} : memref<4096xf32, #tpu.memory_space<vmem>>, vector<16xf32>,
        %add3A_809 = arith.constant 96 : i32
        %add3A_810 = arith.addi %add3A_734, %add3A_809 : i32
        %add3A_811 = arith.constant 16 : i32
        %add3A_812 = arith.addi %add3A_810, %add3A_811 : i32
        %get3A_813 = arith.index_cast %add3A_812 : i32 to index
        %get3A_814 = tpu.vector_load %arg11[%get3A_813] {strides = array<i32>} : memref<32768xi32, #tpu.memory_space<vmem>>, vector<16xi32>,
        %gather3A_815 = tpu.vector_load_idx %arg17[%get3A_814] : memref<8192xf32, #tpu.memory_space<vmem>>[vector<16xi32>], vector<16xf32>,
        %sub3A_816 = arith.constant 0 : i32
        %sub3A_817 = arith.subi %add3A_812, %sub3A_816 : i32
        %swap3A_818 = arith.index_cast %sub3A_817 : i32 to index
        %swap3A_819 = tpu.vector_load %arg13[%swap3A_818] {strides = array<i32>} : memref<4096xf32, #tpu.memory_space<vmem>>, vector<16xf32>,
        tpu.vector_store %arg13[%swap3A_818], %gather3A_815 {strides = array<i32>} : memref<4096xf32, #tpu.memory_space<vmem>>, vector<16xf32>,
      }
      %scan3A_576 = arith.constant 32 : i32
      %dma_start3A_577 = tpu.memref_slice %arg7[%mul3A_566] : memref<17170432xf32, #tpu.memory_space<hbm>> -> memref<4096xf32, #tpu.memory_space<hbm>>
      %dma_start3A_578 = tpu.memref_slice %arg7[%mul3A_566] : memref<17170432xf32, #tpu.memory_space<hbm>> -> memref<4096xf32, #tpu.memory_space<hbm>>
      tpu.enqueue_dma source(%arg13 : memref<4096xf32, #tpu.memory_space<vmem>>) target(%dma_start3A_578 : memref<4096xf32, #tpu.memory_space<hbm>>) target_semaphore(%arg20 : memref<!tpu.dma_semaphore, #tpu.memory_space<semaphore_mem>>)
      %mul3A_579 = arith.constant 131 : i32
      %mul3A_580 = arith.muli %add3A, %mul3A_579 : i32
      %add3A_581 = arith.constant 3 : i32
      %add3A_582 = arith.addi %mul3A_580, %add3A_581 : i32
      %add3A_583 = arith.addi %add3A_582, %add3A_352 : i32
      %mul3A_584 = arith.constant 1024 : i32
      %mul3A_585 = arith.muli %add3A_583, %mul3A_584 : i32
      %add3A_586 = arith.constant 128 : i32
      %add3A_587 = arith.addi %mul3A_585, %add3A_586 : i32
      %mul3A_588 = arith.constant 32 : i32
      %mul3A_589 = arith.muli %add3A_587, %mul3A_588 : i32
      %gt3A_590 = arith.cmpi sgt, %add3A_352, %mul3A_50 : i32
      %convert_element_type3A_591 = arith.extui %gt3A_590 : i1 to i32
      %cond3A_592 = arith.constant 0 : i32
      %cond3A_593 = arith.cmpi ne, %convert_element_type3A_591, %cond3A_592 : i32
      scf.if %cond3A_593 {
        %dma_wait3A_728 = tpu.memref_slice %arg7[%mul3A_589] : memref<17170432xf32, #tpu.memory_space<hbm>> -> memref<4096xf32, #tpu.memory_space<hbm>>
        %dma_wait3A_729 = tpu.memref_slice %arg7[%mul3A_589] : memref<17170432xf32, #tpu.memory_space<hbm>> -> memref<4096xf32, #tpu.memory_space<hbm>>
        tpu.wait_dma2 semaphore(%arg21 : memref<!tpu.dma_semaphore, #tpu.memory_space<semaphore_mem>>) src(%arg12 : memref<4096xf32, #tpu.memory_space<vmem>>) dst(%dma_wait3A_729 : memref<4096xf32, #tpu.memory_space<hbm>>)
      } else {
      }
      %scan3A_594 = arith.constant 0 : i32
      %scan3A_595 = arith.constant 0 : i32
      %scan3A_596 = arith.constant 32 : i32
      %scan3A_597 = arith.addi %scan3A_595, %scan3A_596 : i32
      %scan3A_598 = arith.constant 1 : i32
      scf.for %scan3A_728 = %scan3A_595 to %scan3A_597 step %scan3A_598  : i32 {
        %mul3A_729 = arith.constant 4 : i32
        %mul3A_730 = arith.muli %scan3A_728, %mul3A_729 : i32
        %mul3A_731 = arith.constant 32 : i32
        %mul3A_732 = arith.muli %mul3A_730, %mul3A_731 : i32
        %add3A_733 = arith.constant 4096 : i32
        %add3A_734 = arith.addi %add3A_733, %mul3A_732 : i32
        %add3A_735 = arith.constant 0 : i32
        %add3A_736 = arith.addi %add3A_734, %add3A_735 : i32
        %add3A_737 = arith.constant 0 : i32
        %add3A_738 = arith.addi %add3A_736, %add3A_737 : i32
        %get3A = arith.index_cast %add3A_738 : i32 to index
        %get3A_739 = tpu.vector_load %arg11[%get3A] {strides = array<i32>} : memref<32768xi32, #tpu.memory_space<vmem>>, vector<16xi32>,
        %gather3A = tpu.vector_load_idx %arg17[%get3A_739] : memref<8192xf32, #tpu.memory_space<vmem>>[vector<16xi32>], vector<16xf32>,
        %sub3A_740 = arith.constant 4096 : i32
        %sub3A_741 = arith.subi %add3A_738, %sub3A_740 : i32
        %swap3A = arith.index_cast %sub3A_741 : i32 to index
        %swap3A_742 = tpu.vector_load %arg12[%swap3A] {strides = array<i32>} : memref<4096xf32, #tpu.memory_space<vmem>>, vector<16xf32>,
        tpu.vector_store %arg12[%swap3A], %gather3A {strides = array<i32>} : memref<4096xf32, #tpu.memory_space<vmem>>, vector<16xf32>,
        %add3A_743 = arith.constant 0 : i32
        %add3A_744 = arith.addi %add3A_734, %add3A_743 : i32
        %add3A_745 = arith.constant 16 : i32
        %add3A_746 = arith.addi %add3A_744, %add3A_745 : i32
        %get3A_747 = arith.index_cast %add3A_746 : i32 to index
        %get3A_748 = tpu.vector_load %arg11[%get3A_747] {strides = array<i32>} : memref<32768xi32, #tpu.memory_space<vmem>>, vector<16xi32>,
        %gather3A_749 = tpu.vector_load_idx %arg17[%get3A_748] : memref<8192xf32, #tpu.memory_space<vmem>>[vector<16xi32>], vector<16xf32>,
        %sub3A_750 = arith.constant 4096 : i32
        %sub3A_751 = arith.subi %add3A_746, %sub3A_750 : i32
        %swap3A_752 = arith.index_cast %sub3A_751 : i32 to index
        %swap3A_753 = tpu.vector_load %arg12[%swap3A_752] {strides = array<i32>} : memref<4096xf32, #tpu.memory_space<vmem>>, vector<16xf32>,
        tpu.vector_store %arg12[%swap3A_752], %gather3A_749 {strides = array<i32>} : memref<4096xf32, #tpu.memory_space<vmem>>, vector<16xf32>,
        %add3A_754 = arith.constant 32 : i32
        %add3A_755 = arith.addi %add3A_734, %add3A_754 : i32
        %add3A_756 = arith.constant 0 : i32
        %add3A_757 = arith.addi %add3A_755, %add3A_756 : i32
        %get3A_758 = arith.index_cast %add3A_757 : i32 to index
        %get3A_759 = tpu.vector_load %arg11[%get3A_758] {strides = array<i32>} : memref<32768xi32, #tpu.memory_space<vmem>>, vector<16xi32>,
        %gather3A_760 = tpu.vector_load_idx %arg17[%get3A_759] : memref<8192xf32, #tpu.memory_space<vmem>>[vector<16xi32>], vector<16xf32>,
        %sub3A_761 = arith.constant 4096 : i32
        %sub3A_762 = arith.subi %add3A_757, %sub3A_761 : i32
        %swap3A_763 = arith.index_cast %sub3A_762 : i32 to index
        %swap3A_764 = tpu.vector_load %arg12[%swap3A_763] {strides = array<i32>} : memref<4096xf32, #tpu.memory_space<vmem>>, vector<16xf32>,
        tpu.vector_store %arg12[%swap3A_763], %gather3A_760 {strides = array<i32>} : memref<4096xf32, #tpu.memory_space<vmem>>, vector<16xf32>,
        %add3A_765 = arith.constant 32 : i32
        %add3A_766 = arith.addi %add3A_734, %add3A_765 : i32
        %add3A_767 = arith.constant 16 : i32
        %add3A_768 = arith.addi %add3A_766, %add3A_767 : i32
        %get3A_769 = arith.index_cast %add3A_768 : i32 to index
        %get3A_770 = tpu.vector_load %arg11[%get3A_769] {strides = array<i32>} : memref<32768xi32, #tpu.memory_space<vmem>>, vector<16xi32>,
        %gather3A_771 = tpu.vector_load_idx %arg17[%get3A_770] : memref<8192xf32, #tpu.memory_space<vmem>>[vector<16xi32>], vector<16xf32>,
        %sub3A_772 = arith.constant 4096 : i32
        %sub3A_773 = arith.subi %add3A_768, %sub3A_772 : i32
        %swap3A_774 = arith.index_cast %sub3A_773 : i32 to index
        %swap3A_775 = tpu.vector_load %arg12[%swap3A_774] {strides = array<i32>} : memref<4096xf32, #tpu.memory_space<vmem>>, vector<16xf32>,
        tpu.vector_store %arg12[%swap3A_774], %gather3A_771 {strides = array<i32>} : memref<4096xf32, #tpu.memory_space<vmem>>, vector<16xf32>,
        %add3A_776 = arith.constant 64 : i32
        %add3A_777 = arith.addi %add3A_734, %add3A_776 : i32
        %add3A_778 = arith.constant 0 : i32
        %add3A_779 = arith.addi %add3A_777, %add3A_778 : i32
        %get3A_780 = arith.index_cast %add3A_779 : i32 to index
        %get3A_781 = tpu.vector_load %arg11[%get3A_780] {strides = array<i32>} : memref<32768xi32, #tpu.memory_space<vmem>>, vector<16xi32>,
        %gather3A_782 = tpu.vector_load_idx %arg17[%get3A_781] : memref<8192xf32, #tpu.memory_space<vmem>>[vector<16xi32>], vector<16xf32>,
        %sub3A_783 = arith.constant 4096 : i32
        %sub3A_784 = arith.subi %add3A_779, %sub3A_783 : i32
        %swap3A_785 = arith.index_cast %sub3A_784 : i32 to index
        %swap3A_786 = tpu.vector_load %arg12[%swap3A_785] {strides = array<i32>} : memref<4096xf32, #tpu.memory_space<vmem>>, vector<16xf32>,
        tpu.vector_store %arg12[%swap3A_785], %gather3A_782 {strides = array<i32>} : memref<4096xf32, #tpu.memory_space<vmem>>, vector<16xf32>,
        %add3A_787 = arith.constant 64 : i32
        %add3A_788 = arith.addi %add3A_734, %add3A_787 : i32
        %add3A_789 = arith.constant 16 : i32
        %add3A_790 = arith.addi %add3A_788, %add3A_789 : i32
        %get3A_791 = arith.index_cast %add3A_790 : i32 to index
        %get3A_792 = tpu.vector_load %arg11[%get3A_791] {strides = array<i32>} : memref<32768xi32, #tpu.memory_space<vmem>>, vector<16xi32>,
        %gather3A_793 = tpu.vector_load_idx %arg17[%get3A_792] : memref<8192xf32, #tpu.memory_space<vmem>>[vector<16xi32>], vector<16xf32>,
        %sub3A_794 = arith.constant 4096 : i32
        %sub3A_795 = arith.subi %add3A_790, %sub3A_794 : i32
        %swap3A_796 = arith.index_cast %sub3A_795 : i32 to index
        %swap3A_797 = tpu.vector_load %arg12[%swap3A_796] {strides = array<i32>} : memref<4096xf32, #tpu.memory_space<vmem>>, vector<16xf32>,
        tpu.vector_store %arg12[%swap3A_796], %gather3A_793 {strides = array<i32>} : memref<4096xf32, #tpu.memory_space<vmem>>, vector<16xf32>,
        %add3A_798 = arith.constant 96 : i32
        %add3A_799 = arith.addi %add3A_734, %add3A_798 : i32
        %add3A_800 = arith.constant 0 : i32
        %add3A_801 = arith.addi %add3A_799, %add3A_800 : i32
        %get3A_802 = arith.index_cast %add3A_801 : i32 to index
        %get3A_803 = tpu.vector_load %arg11[%get3A_802] {strides = array<i32>} : memref<32768xi32, #tpu.memory_space<vmem>>, vector<16xi32>,
        %gather3A_804 = tpu.vector_load_idx %arg17[%get3A_803] : memref<8192xf32, #tpu.memory_space<vmem>>[vector<16xi32>], vector<16xf32>,
        %sub3A_805 = arith.constant 4096 : i32
        %sub3A_806 = arith.subi %add3A_801, %sub3A_805 : i32
        %swap3A_807 = arith.index_cast %sub3A_806 : i32 to index
        %swap3A_808 = tpu.vector_load %arg12[%swap3A_807] {strides = array<i32>} : memref<4096xf32, #tpu.memory_space<vmem>>, vector<16xf32>,
        tpu.vector_store %arg12[%swap3A_807], %gather3A_804 {strides = array<i32>} : memref<4096xf32, #tpu.memory_space<vmem>>, vector<16xf32>,
        %add3A_809 = arith.constant 96 : i32
        %add3A_810 = arith.addi %add3A_734, %add3A_809 : i32
        %add3A_811 = arith.constant 16 : i32
        %add3A_812 = arith.addi %add3A_810, %add3A_811 : i32
        %get3A_813 = arith.index_cast %add3A_812 : i32 to index
        %get3A_814 = tpu.vector_load %arg11[%get3A_813] {strides = array<i32>} : memref<32768xi32, #tpu.memory_space<vmem>>, vector<16xi32>,
        %gather3A_815 = tpu.vector_load_idx %arg17[%get3A_814] : memref<8192xf32, #tpu.memory_space<vmem>>[vector<16xi32>], vector<16xf32>,
        %sub3A_816 = arith.constant 4096 : i32
        %sub3A_817 = arith.subi %add3A_812, %sub3A_816 : i32
        %swap3A_818 = arith.index_cast %sub3A_817 : i32 to index
        %swap3A_819 = tpu.vector_load %arg12[%swap3A_818] {strides = array<i32>} : memref<4096xf32, #tpu.memory_space<vmem>>, vector<16xf32>,
        tpu.vector_store %arg12[%swap3A_818], %gather3A_815 {strides = array<i32>} : memref<4096xf32, #tpu.memory_space<vmem>>, vector<16xf32>,
      }
      %scan3A_599 = arith.constant 32 : i32
      %dma_start3A_600 = tpu.memref_slice %arg7[%mul3A_589] : memref<17170432xf32, #tpu.memory_space<hbm>> -> memref<4096xf32, #tpu.memory_space<hbm>>
      %dma_start3A_601 = tpu.memref_slice %arg7[%mul3A_589] : memref<17170432xf32, #tpu.memory_space<hbm>> -> memref<4096xf32, #tpu.memory_space<hbm>>
      tpu.enqueue_dma source(%arg12 : memref<4096xf32, #tpu.memory_space<vmem>>) target(%dma_start3A_601 : memref<4096xf32, #tpu.memory_space<hbm>>) target_semaphore(%arg21 : memref<!tpu.dma_semaphore, #tpu.memory_space<semaphore_mem>>)
      %mul3A_602 = arith.constant 131 : i32
      %mul3A_603 = arith.muli %add3A, %mul3A_602 : i32
      %add3A_604 = arith.constant 3 : i32
      %add3A_605 = arith.addi %mul3A_603, %add3A_604 : i32
      %add3A_606 = arith.addi %add3A_605, %add3A_352 : i32
      %mul3A_607 = arith.constant 1024 : i32
      %mul3A_608 = arith.muli %add3A_606, %mul3A_607 : i32
      %add3A_609 = arith.constant 256 : i32
      %add3A_610 = arith.addi %mul3A_608, %add3A_609 : i32
      %mul3A_611 = arith.constant 32 : i32
      %mul3A_612 = arith.muli %add3A_610, %mul3A_611 : i32
      %dma_wait3A_613 = tpu.memref_slice %arg7[%mul3A_612] : memref<17170432xf32, #tpu.memory_space<hbm>> -> memref<4096xf32, #tpu.memory_space<hbm>>
      %dma_wait3A_614 = tpu.memref_slice %arg7[%mul3A_612] : memref<17170432xf32, #tpu.memory_space<hbm>> -> memref<4096xf32, #tpu.memory_space<hbm>>
      tpu.wait_dma2 semaphore(%arg20 : memref<!tpu.dma_semaphore, #tpu.memory_space<semaphore_mem>>) src(%arg13 : memref<4096xf32, #tpu.memory_space<vmem>>) dst(%dma_wait3A_614 : memref<4096xf32, #tpu.memory_space<hbm>>)
      %scan3A_615 = arith.constant 0 : i32
      %scan3A_616 = arith.constant 0 : i32
      %scan3A_617 = arith.constant 32 : i32
      %scan3A_618 = arith.addi %scan3A_616, %scan3A_617 : i32
      %scan3A_619 = arith.constant 1 : i32
      scf.for %scan3A_728 = %scan3A_616 to %scan3A_618 step %scan3A_619  : i32 {
        %mul3A_729 = arith.constant 4 : i32
        %mul3A_730 = arith.muli %scan3A_728, %mul3A_729 : i32
        %mul3A_731 = arith.constant 32 : i32
        %mul3A_732 = arith.muli %mul3A_730, %mul3A_731 : i32
        %add3A_733 = arith.constant 8192 : i32
        %add3A_734 = arith.addi %add3A_733, %mul3A_732 : i32
        %add3A_735 = arith.constant 0 : i32
        %add3A_736 = arith.addi %add3A_734, %add3A_735 : i32
        %add3A_737 = arith.constant 0 : i32
        %add3A_738 = arith.addi %add3A_736, %add3A_737 : i32
        %get3A = arith.index_cast %add3A_738 : i32 to index
        %get3A_739 = tpu.vector_load %arg11[%get3A] {strides = array<i32>} : memref<32768xi32, #tpu.memory_space<vmem>>, vector<16xi32>,
        %gather3A = tpu.vector_load_idx %arg17[%get3A_739] : memref<8192xf32, #tpu.memory_space<vmem>>[vector<16xi32>], vector<16xf32>,
        %sub3A_740 = arith.constant 8192 : i32
        %sub3A_741 = arith.subi %add3A_738, %sub3A_740 : i32
        %swap3A = arith.index_cast %sub3A_741 : i32 to index
        %swap3A_742 = tpu.vector_load %arg13[%swap3A] {strides = array<i32>} : memref<4096xf32, #tpu.memory_space<vmem>>, vector<16xf32>,
        tpu.vector_store %arg13[%swap3A], %gather3A {strides = array<i32>} : memref<4096xf32, #tpu.memory_space<vmem>>, vector<16xf32>,
        %add3A_743 = arith.constant 0 : i32
        %add3A_744 = arith.addi %add3A_734, %add3A_743 : i32
        %add3A_745 = arith.constant 16 : i32
        %add3A_746 = arith.addi %add3A_744, %add3A_745 : i32
        %get3A_747 = arith.index_cast %add3A_746 : i32 to index
        %get3A_748 = tpu.vector_load %arg11[%get3A_747] {strides = array<i32>} : memref<32768xi32, #tpu.memory_space<vmem>>, vector<16xi32>,
        %gather3A_749 = tpu.vector_load_idx %arg17[%get3A_748] : memref<8192xf32, #tpu.memory_space<vmem>>[vector<16xi32>], vector<16xf32>,
        %sub3A_750 = arith.constant 8192 : i32
        %sub3A_751 = arith.subi %add3A_746, %sub3A_750 : i32
        %swap3A_752 = arith.index_cast %sub3A_751 : i32 to index
        %swap3A_753 = tpu.vector_load %arg13[%swap3A_752] {strides = array<i32>} : memref<4096xf32, #tpu.memory_space<vmem>>, vector<16xf32>,
        tpu.vector_store %arg13[%swap3A_752], %gather3A_749 {strides = array<i32>} : memref<4096xf32, #tpu.memory_space<vmem>>, vector<16xf32>,
        %add3A_754 = arith.constant 32 : i32
        %add3A_755 = arith.addi %add3A_734, %add3A_754 : i32
        %add3A_756 = arith.constant 0 : i32
        %add3A_757 = arith.addi %add3A_755, %add3A_756 : i32
        %get3A_758 = arith.index_cast %add3A_757 : i32 to index
        %get3A_759 = tpu.vector_load %arg11[%get3A_758] {strides = array<i32>} : memref<32768xi32, #tpu.memory_space<vmem>>, vector<16xi32>,
        %gather3A_760 = tpu.vector_load_idx %arg17[%get3A_759] : memref<8192xf32, #tpu.memory_space<vmem>>[vector<16xi32>], vector<16xf32>,
        %sub3A_761 = arith.constant 8192 : i32
        %sub3A_762 = arith.subi %add3A_757, %sub3A_761 : i32
        %swap3A_763 = arith.index_cast %sub3A_762 : i32 to index
        %swap3A_764 = tpu.vector_load %arg13[%swap3A_763] {strides = array<i32>} : memref<4096xf32, #tpu.memory_space<vmem>>, vector<16xf32>,
        tpu.vector_store %arg13[%swap3A_763], %gather3A_760 {strides = array<i32>} : memref<4096xf32, #tpu.memory_space<vmem>>, vector<16xf32>,
        %add3A_765 = arith.constant 32 : i32
        %add3A_766 = arith.addi %add3A_734, %add3A_765 : i32
        %add3A_767 = arith.constant 16 : i32
        %add3A_768 = arith.addi %add3A_766, %add3A_767 : i32
        %get3A_769 = arith.index_cast %add3A_768 : i32 to index
        %get3A_770 = tpu.vector_load %arg11[%get3A_769] {strides = array<i32>} : memref<32768xi32, #tpu.memory_space<vmem>>, vector<16xi32>,
        %gather3A_771 = tpu.vector_load_idx %arg17[%get3A_770] : memref<8192xf32, #tpu.memory_space<vmem>>[vector<16xi32>], vector<16xf32>,
        %sub3A_772 = arith.constant 8192 : i32
        %sub3A_773 = arith.subi %add3A_768, %sub3A_772 : i32
        %swap3A_774 = arith.index_cast %sub3A_773 : i32 to index
        %swap3A_775 = tpu.vector_load %arg13[%swap3A_774] {strides = array<i32>} : memref<4096xf32, #tpu.memory_space<vmem>>, vector<16xf32>,
        tpu.vector_store %arg13[%swap3A_774], %gather3A_771 {strides = array<i32>} : memref<4096xf32, #tpu.memory_space<vmem>>, vector<16xf32>,
        %add3A_776 = arith.constant 64 : i32
        %add3A_777 = arith.addi %add3A_734, %add3A_776 : i32
        %add3A_778 = arith.constant 0 : i32
        %add3A_779 = arith.addi %add3A_777, %add3A_778 : i32
        %get3A_780 = arith.index_cast %add3A_779 : i32 to index
        %get3A_781 = tpu.vector_load %arg11[%get3A_780] {strides = array<i32>} : memref<32768xi32, #tpu.memory_space<vmem>>, vector<16xi32>,
        %gather3A_782 = tpu.vector_load_idx %arg17[%get3A_781] : memref<8192xf32, #tpu.memory_space<vmem>>[vector<16xi32>], vector<16xf32>,
        %sub3A_783 = arith.constant 8192 : i32
        %sub3A_784 = arith.subi %add3A_779, %sub3A_783 : i32
        %swap3A_785 = arith.index_cast %sub3A_784 : i32 to index
        %swap3A_786 = tpu.vector_load %arg13[%swap3A_785] {strides = array<i32>} : memref<4096xf32, #tpu.memory_space<vmem>>, vector<16xf32>,
        tpu.vector_store %arg13[%swap3A_785], %gather3A_782 {strides = array<i32>} : memref<4096xf32, #tpu.memory_space<vmem>>, vector<16xf32>,
        %add3A_787 = arith.constant 64 : i32
        %add3A_788 = arith.addi %add3A_734, %add3A_787 : i32
        %add3A_789 = arith.constant 16 : i32
        %add3A_790 = arith.addi %add3A_788, %add3A_789 : i32
        %get3A_791 = arith.index_cast %add3A_790 : i32 to index
        %get3A_792 = tpu.vector_load %arg11[%get3A_791] {strides = array<i32>} : memref<32768xi32, #tpu.memory_space<vmem>>, vector<16xi32>,
        %gather3A_793 = tpu.vector_load_idx %arg17[%get3A_792] : memref<8192xf32, #tpu.memory_space<vmem>>[vector<16xi32>], vector<16xf32>,
        %sub3A_794 = arith.constant 8192 : i32
        %sub3A_795 = arith.subi %add3A_790, %sub3A_794 : i32
        %swap3A_796 = arith.index_cast %sub3A_795 : i32 to index
        %swap3A_797 = tpu.vector_load %arg13[%swap3A_796] {strides = array<i32>} : memref<4096xf32, #tpu.memory_space<vmem>>, vector<16xf32>,
        tpu.vector_store %arg13[%swap3A_796], %gather3A_793 {strides = array<i32>} : memref<4096xf32, #tpu.memory_space<vmem>>, vector<16xf32>,
        %add3A_798 = arith.constant 96 : i32
        %add3A_799 = arith.addi %add3A_734, %add3A_798 : i32
        %add3A_800 = arith.constant 0 : i32
        %add3A_801 = arith.addi %add3A_799, %add3A_800 : i32
        %get3A_802 = arith.index_cast %add3A_801 : i32 to index
        %get3A_803 = tpu.vector_load %arg11[%get3A_802] {strides = array<i32>} : memref<32768xi32, #tpu.memory_space<vmem>>, vector<16xi32>,
        %gather3A_804 = tpu.vector_load_idx %arg17[%get3A_803] : memref<8192xf32, #tpu.memory_space<vmem>>[vector<16xi32>], vector<16xf32>,
        %sub3A_805 = arith.constant 8192 : i32
        %sub3A_806 = arith.subi %add3A_801, %sub3A_805 : i32
        %swap3A_807 = arith.index_cast %sub3A_806 : i32 to index
        %swap3A_808 = tpu.vector_load %arg13[%swap3A_807] {strides = array<i32>} : memref<4096xf32, #tpu.memory_space<vmem>>, vector<16xf32>,
        tpu.vector_store %arg13[%swap3A_807], %gather3A_804 {strides = array<i32>} : memref<4096xf32, #tpu.memory_space<vmem>>, vector<16xf32>,
        %add3A_809 = arith.constant 96 : i32
        %add3A_810 = arith.addi %add3A_734, %add3A_809 : i32
        %add3A_811 = arith.constant 16 : i32
        %add3A_812 = arith.addi %add3A_810, %add3A_811 : i32
        %get3A_813 = arith.index_cast %add3A_812 : i32 to index
        %get3A_814 = tpu.vector_load %arg11[%get3A_813] {strides = array<i32>} : memref<32768xi32, #tpu.memory_space<vmem>>, vector<16xi32>,
        %gather3A_815 = tpu.vector_load_idx %arg17[%get3A_814] : memref<8192xf32, #tpu.memory_space<vmem>>[vector<16xi32>], vector<16xf32>,
        %sub3A_816 = arith.constant 8192 : i32
        %sub3A_817 = arith.subi %add3A_812, %sub3A_816 : i32
        %swap3A_818 = arith.index_cast %sub3A_817 : i32 to index
        %swap3A_819 = tpu.vector_load %arg13[%swap3A_818] {strides = array<i32>} : memref<4096xf32, #tpu.memory_space<vmem>>, vector<16xf32>,
        tpu.vector_store %arg13[%swap3A_818], %gather3A_815 {strides = array<i32>} : memref<4096xf32, #tpu.memory_space<vmem>>, vector<16xf32>,
      }
      %scan3A_620 = arith.constant 32 : i32
      %dma_start3A_621 = tpu.memref_slice %arg7[%mul3A_612] : memref<17170432xf32, #tpu.memory_space<hbm>> -> memref<4096xf32, #tpu.memory_space<hbm>>
      %dma_start3A_622 = tpu.memref_slice %arg7[%mul3A_612] : memref<17170432xf32, #tpu.memory_space<hbm>> -> memref<4096xf32, #tpu.memory_space<hbm>>
      tpu.enqueue_dma source(%arg13 : memref<4096xf32, #tpu.memory_space<vmem>>) target(%dma_start3A_622 : memref<4096xf32, #tpu.memory_space<hbm>>) target_semaphore(%arg20 : memref<!tpu.dma_semaphore, #tpu.memory_space<semaphore_mem>>)
      %mul3A_623 = arith.constant 131 : i32
      %mul3A_624 = arith.muli %add3A, %mul3A_623 : i32
      %add3A_625 = arith.constant 3 : i32
      %add3A_626 = arith.addi %mul3A_624, %add3A_625 : i32
      %add3A_627 = arith.addi %add3A_626, %add3A_352 : i32
      %mul3A_628 = arith.constant 1024 : i32
      %mul3A_629 = arith.muli %add3A_627, %mul3A_628 : i32
      %add3A_630 = arith.constant 384 : i32
      %add3A_631 = arith.addi %mul3A_629, %add3A_630 : i32
      %mul3A_632 = arith.constant 32 : i32
      %mul3A_633 = arith.muli %add3A_631, %mul3A_632 : i32
      %dma_wait3A_634 = tpu.memref_slice %arg7[%mul3A_633] : memref<17170432xf32, #tpu.memory_space<hbm>> -> memref<4096xf32, #tpu.memory_space<hbm>>
      %dma_wait3A_635 = tpu.memref_slice %arg7[%mul3A_633] : memref<17170432xf32, #tpu.memory_space<hbm>> -> memref<4096xf32, #tpu.memory_space<hbm>>
      tpu.wait_dma2 semaphore(%arg21 : memref<!tpu.dma_semaphore, #tpu.memory_space<semaphore_mem>>) src(%arg12 : memref<4096xf32, #tpu.memory_space<vmem>>) dst(%dma_wait3A_635 : memref<4096xf32, #tpu.memory_space<hbm>>)
      %scan3A_636 = arith.constant 0 : i32
      %scan3A_637 = arith.constant 0 : i32
      %scan3A_638 = arith.constant 32 : i32
      %scan3A_639 = arith.addi %scan3A_637, %scan3A_638 : i32
      %scan3A_640 = arith.constant 1 : i32
      scf.for %scan3A_728 = %scan3A_637 to %scan3A_639 step %scan3A_640  : i32 {
        %mul3A_729 = arith.constant 4 : i32
        %mul3A_730 = arith.muli %scan3A_728, %mul3A_729 : i32
        %mul3A_731 = arith.constant 32 : i32
        %mul3A_732 = arith.muli %mul3A_730, %mul3A_731 : i32
        %add3A_733 = arith.constant 12288 : i32
        %add3A_734 = arith.addi %add3A_733, %mul3A_732 : i32
        %add3A_735 = arith.constant 0 : i32
        %add3A_736 = arith.addi %add3A_734, %add3A_735 : i32
        %add3A_737 = arith.constant 0 : i32
        %add3A_738 = arith.addi %add3A_736, %add3A_737 : i32
        %get3A = arith.index_cast %add3A_738 : i32 to index
        %get3A_739 = tpu.vector_load %arg11[%get3A] {strides = array<i32>} : memref<32768xi32, #tpu.memory_space<vmem>>, vector<16xi32>,
        %gather3A = tpu.vector_load_idx %arg17[%get3A_739] : memref<8192xf32, #tpu.memory_space<vmem>>[vector<16xi32>], vector<16xf32>,
        %sub3A_740 = arith.constant 12288 : i32
        %sub3A_741 = arith.subi %add3A_738, %sub3A_740 : i32
        %swap3A = arith.index_cast %sub3A_741 : i32 to index
        %swap3A_742 = tpu.vector_load %arg12[%swap3A] {strides = array<i32>} : memref<4096xf32, #tpu.memory_space<vmem>>, vector<16xf32>,
        tpu.vector_store %arg12[%swap3A], %gather3A {strides = array<i32>} : memref<4096xf32, #tpu.memory_space<vmem>>, vector<16xf32>,
        %add3A_743 = arith.constant 0 : i32
        %add3A_744 = arith.addi %add3A_734, %add3A_743 : i32
        %add3A_745 = arith.constant 16 : i32
        %add3A_746 = arith.addi %add3A_744, %add3A_745 : i32
        %get3A_747 = arith.index_cast %add3A_746 : i32 to index
        %get3A_748 = tpu.vector_load %arg11[%get3A_747] {strides = array<i32>} : memref<32768xi32, #tpu.memory_space<vmem>>, vector<16xi32>,
        %gather3A_749 = tpu.vector_load_idx %arg17[%get3A_748] : memref<8192xf32, #tpu.memory_space<vmem>>[vector<16xi32>], vector<16xf32>,
        %sub3A_750 = arith.constant 12288 : i32
        %sub3A_751 = arith.subi %add3A_746, %sub3A_750 : i32
        %swap3A_752 = arith.index_cast %sub3A_751 : i32 to index
        %swap3A_753 = tpu.vector_load %arg12[%swap3A_752] {strides = array<i32>} : memref<4096xf32, #tpu.memory_space<vmem>>, vector<16xf32>,
        tpu.vector_store %arg12[%swap3A_752], %gather3A_749 {strides = array<i32>} : memref<4096xf32, #tpu.memory_space<vmem>>, vector<16xf32>,
        %add3A_754 = arith.constant 32 : i32
        %add3A_755 = arith.addi %add3A_734, %add3A_754 : i32
        %add3A_756 = arith.constant 0 : i32
        %add3A_757 = arith.addi %add3A_755, %add3A_756 : i32
        %get3A_758 = arith.index_cast %add3A_757 : i32 to index
        %get3A_759 = tpu.vector_load %arg11[%get3A_758] {strides = array<i32>} : memref<32768xi32, #tpu.memory_space<vmem>>, vector<16xi32>,
        %gather3A_760 = tpu.vector_load_idx %arg17[%get3A_759] : memref<8192xf32, #tpu.memory_space<vmem>>[vector<16xi32>], vector<16xf32>,
        %sub3A_761 = arith.constant 12288 : i32
        %sub3A_762 = arith.subi %add3A_757, %sub3A_761 : i32
        %swap3A_763 = arith.index_cast %sub3A_762 : i32 to index
        %swap3A_764 = tpu.vector_load %arg12[%swap3A_763] {strides = array<i32>} : memref<4096xf32, #tpu.memory_space<vmem>>, vector<16xf32>,
        tpu.vector_store %arg12[%swap3A_763], %gather3A_760 {strides = array<i32>} : memref<4096xf32, #tpu.memory_space<vmem>>, vector<16xf32>,
        %add3A_765 = arith.constant 32 : i32
        %add3A_766 = arith.addi %add3A_734, %add3A_765 : i32
        %add3A_767 = arith.constant 16 : i32
        %add3A_768 = arith.addi %add3A_766, %add3A_767 : i32
        %get3A_769 = arith.index_cast %add3A_768 : i32 to index
        %get3A_770 = tpu.vector_load %arg11[%get3A_769] {strides = array<i32>} : memref<32768xi32, #tpu.memory_space<vmem>>, vector<16xi32>,
        %gather3A_771 = tpu.vector_load_idx %arg17[%get3A_770] : memref<8192xf32, #tpu.memory_space<vmem>>[vector<16xi32>], vector<16xf32>,
        %sub3A_772 = arith.constant 12288 : i32
        %sub3A_773 = arith.subi %add3A_768, %sub3A_772 : i32
        %swap3A_774 = arith.index_cast %sub3A_773 : i32 to index
        %swap3A_775 = tpu.vector_load %arg12[%swap3A_774] {strides = array<i32>} : memref<4096xf32, #tpu.memory_space<vmem>>, vector<16xf32>,
        tpu.vector_store %arg12[%swap3A_774], %gather3A_771 {strides = array<i32>} : memref<4096xf32, #tpu.memory_space<vmem>>, vector<16xf32>,
        %add3A_776 = arith.constant 64 : i32
        %add3A_777 = arith.addi %add3A_734, %add3A_776 : i32
        %add3A_778 = arith.constant 0 : i32
        %add3A_779 = arith.addi %add3A_777, %add3A_778 : i32
        %get3A_780 = arith.index_cast %add3A_779 : i32 to index
        %get3A_781 = tpu.vector_load %arg11[%get3A_780] {strides = array<i32>} : memref<32768xi32, #tpu.memory_space<vmem>>, vector<16xi32>,
        %gather3A_782 = tpu.vector_load_idx %arg17[%get3A_781] : memref<8192xf32, #tpu.memory_space<vmem>>[vector<16xi32>], vector<16xf32>,
        %sub3A_783 = arith.constant 12288 : i32
        %sub3A_784 = arith.subi %add3A_779, %sub3A_783 : i32
        %swap3A_785 = arith.index_cast %sub3A_784 : i32 to index
        %swap3A_786 = tpu.vector_load %arg12[%swap3A_785] {strides = array<i32>} : memref<4096xf32, #tpu.memory_space<vmem>>, vector<16xf32>,
        tpu.vector_store %arg12[%swap3A_785], %gather3A_782 {strides = array<i32>} : memref<4096xf32, #tpu.memory_space<vmem>>, vector<16xf32>,
        %add3A_787 = arith.constant 64 : i32
        %add3A_788 = arith.addi %add3A_734, %add3A_787 : i32
        %add3A_789 = arith.constant 16 : i32
        %add3A_790 = arith.addi %add3A_788, %add3A_789 : i32
        %get3A_791 = arith.index_cast %add3A_790 : i32 to index
        %get3A_792 = tpu.vector_load %arg11[%get3A_791] {strides = array<i32>} : memref<32768xi32, #tpu.memory_space<vmem>>, vector<16xi32>,
        %gather3A_793 = tpu.vector_load_idx %arg17[%get3A_792] : memref<8192xf32, #tpu.memory_space<vmem>>[vector<16xi32>], vector<16xf32>,
        %sub3A_794 = arith.constant 12288 : i32
        %sub3A_795 = arith.subi %add3A_790, %sub3A_794 : i32
        %swap3A_796 = arith.index_cast %sub3A_795 : i32 to index
        %swap3A_797 = tpu.vector_load %arg12[%swap3A_796] {strides = array<i32>} : memref<4096xf32, #tpu.memory_space<vmem>>, vector<16xf32>,
        tpu.vector_store %arg12[%swap3A_796], %gather3A_793 {strides = array<i32>} : memref<4096xf32, #tpu.memory_space<vmem>>, vector<16xf32>,
        %add3A_798 = arith.constant 96 : i32
        %add3A_799 = arith.addi %add3A_734, %add3A_798 : i32
        %add3A_800 = arith.constant 0 : i32
        %add3A_801 = arith.addi %add3A_799, %add3A_800 : i32
        %get3A_802 = arith.index_cast %add3A_801 : i32 to index
        %get3A_803 = tpu.vector_load %arg11[%get3A_802] {strides = array<i32>} : memref<32768xi32, #tpu.memory_space<vmem>>, vector<16xi32>,
        %gather3A_804 = tpu.vector_load_idx %arg17[%get3A_803] : memref<8192xf32, #tpu.memory_space<vmem>>[vector<16xi32>], vector<16xf32>,
        %sub3A_805 = arith.constant 12288 : i32
        %sub3A_806 = arith.subi %add3A_801, %sub3A_805 : i32
        %swap3A_807 = arith.index_cast %sub3A_806 : i32 to index
        %swap3A_808 = tpu.vector_load %arg12[%swap3A_807] {strides = array<i32>} : memref<4096xf32, #tpu.memory_space<vmem>>, vector<16xf32>,
        tpu.vector_store %arg12[%swap3A_807], %gather3A_804 {strides = array<i32>} : memref<4096xf32, #tpu.memory_space<vmem>>, vector<16xf32>,
        %add3A_809 = arith.constant 96 : i32
        %add3A_810 = arith.addi %add3A_734, %add3A_809 : i32
        %add3A_811 = arith.constant 16 : i32
        %add3A_812 = arith.addi %add3A_810, %add3A_811 : i32
        %get3A_813 = arith.index_cast %add3A_812 : i32 to index
        %get3A_814 = tpu.vector_load %arg11[%get3A_813] {strides = array<i32>} : memref<32768xi32, #tpu.memory_space<vmem>>, vector<16xi32>,
        %gather3A_815 = tpu.vector_load_idx %arg17[%get3A_814] : memref<8192xf32, #tpu.memory_space<vmem>>[vector<16xi32>], vector<16xf32>,
        %sub3A_816 = arith.constant 12288 : i32
        %sub3A_817 = arith.subi %add3A_812, %sub3A_816 : i32
        %swap3A_818 = arith.index_cast %sub3A_817 : i32 to index
        %swap3A_819 = tpu.vector_load %arg12[%swap3A_818] {strides = array<i32>} : memref<4096xf32, #tpu.memory_space<vmem>>, vector<16xf32>,
        tpu.vector_store %arg12[%swap3A_818], %gather3A_815 {strides = array<i32>} : memref<4096xf32, #tpu.memory_space<vmem>>, vector<16xf32>,
      }
      %scan3A_641 = arith.constant 32 : i32
      %dma_start3A_642 = tpu.memref_slice %arg7[%mul3A_633] : memref<17170432xf32, #tpu.memory_space<hbm>> -> memref<4096xf32, #tpu.memory_space<hbm>>
      %dma_start3A_643 = tpu.memref_slice %arg7[%mul3A_633] : memref<17170432xf32, #tpu.memory_space<hbm>> -> memref<4096xf32, #tpu.memory_space<hbm>>
      tpu.enqueue_dma source(%arg12 : memref<4096xf32, #tpu.memory_space<vmem>>) target(%dma_start3A_643 : memref<4096xf32, #tpu.memory_space<hbm>>) target_semaphore(%arg21 : memref<!tpu.dma_semaphore, #tpu.memory_space<semaphore_mem>>)
      %mul3A_644 = arith.constant 131 : i32
      %mul3A_645 = arith.muli %add3A, %mul3A_644 : i32
      %add3A_646 = arith.constant 3 : i32
      %add3A_647 = arith.addi %mul3A_645, %add3A_646 : i32
      %add3A_648 = arith.addi %add3A_647, %add3A_352 : i32
      %mul3A_649 = arith.constant 1024 : i32
      %mul3A_650 = arith.muli %add3A_648, %mul3A_649 : i32
      %add3A_651 = arith.constant 512 : i32
      %add3A_652 = arith.addi %mul3A_650, %add3A_651 : i32
      %mul3A_653 = arith.constant 32 : i32
      %mul3A_654 = arith.muli %add3A_652, %mul3A_653 : i32
      %dma_wait3A_655 = tpu.memref_slice %arg7[%mul3A_654] : memref<17170432xf32, #tpu.memory_space<hbm>> -> memref<4096xf32, #tpu.memory_space<hbm>>
      %dma_wait3A_656 = tpu.memref_slice %arg7[%mul3A_654] : memref<17170432xf32, #tpu.memory_space<hbm>> -> memref<4096xf32, #tpu.memory_space<hbm>>
      tpu.wait_dma2 semaphore(%arg20 : memref<!tpu.dma_semaphore, #tpu.memory_space<semaphore_mem>>) src(%arg13 : memref<4096xf32, #tpu.memory_space<vmem>>) dst(%dma_wait3A_656 : memref<4096xf32, #tpu.memory_space<hbm>>)
      %scan3A_657 = arith.constant 0 : i32
      %scan3A_658 = arith.constant 0 : i32
      %scan3A_659 = arith.constant 32 : i32
      %scan3A_660 = arith.addi %scan3A_658, %scan3A_659 : i32
      %scan3A_661 = arith.constant 1 : i32
      scf.for %scan3A_728 = %scan3A_658 to %scan3A_660 step %scan3A_661  : i32 {
        %mul3A_729 = arith.constant 4 : i32
        %mul3A_730 = arith.muli %scan3A_728, %mul3A_729 : i32
        %mul3A_731 = arith.constant 32 : i32
        %mul3A_732 = arith.muli %mul3A_730, %mul3A_731 : i32
        %add3A_733 = arith.constant 16384 : i32
        %add3A_734 = arith.addi %add3A_733, %mul3A_732 : i32
        %add3A_735 = arith.constant 0 : i32
        %add3A_736 = arith.addi %add3A_734, %add3A_735 : i32
        %add3A_737 = arith.constant 0 : i32
        %add3A_738 = arith.addi %add3A_736, %add3A_737 : i32
        %get3A = arith.index_cast %add3A_738 : i32 to index
        %get3A_739 = tpu.vector_load %arg11[%get3A] {strides = array<i32>} : memref<32768xi32, #tpu.memory_space<vmem>>, vector<16xi32>,
        %gather3A = tpu.vector_load_idx %arg17[%get3A_739] : memref<8192xf32, #tpu.memory_space<vmem>>[vector<16xi32>], vector<16xf32>,
        %sub3A_740 = arith.constant 16384 : i32
        %sub3A_741 = arith.subi %add3A_738, %sub3A_740 : i32
        %swap3A = arith.index_cast %sub3A_741 : i32 to index
        %swap3A_742 = tpu.vector_load %arg13[%swap3A] {strides = array<i32>} : memref<4096xf32, #tpu.memory_space<vmem>>, vector<16xf32>,
        tpu.vector_store %arg13[%swap3A], %gather3A {strides = array<i32>} : memref<4096xf32, #tpu.memory_space<vmem>>, vector<16xf32>,
        %add3A_743 = arith.constant 0 : i32
        %add3A_744 = arith.addi %add3A_734, %add3A_743 : i32
        %add3A_745 = arith.constant 16 : i32
        %add3A_746 = arith.addi %add3A_744, %add3A_745 : i32
        %get3A_747 = arith.index_cast %add3A_746 : i32 to index
        %get3A_748 = tpu.vector_load %arg11[%get3A_747] {strides = array<i32>} : memref<32768xi32, #tpu.memory_space<vmem>>, vector<16xi32>,
        %gather3A_749 = tpu.vector_load_idx %arg17[%get3A_748] : memref<8192xf32, #tpu.memory_space<vmem>>[vector<16xi32>], vector<16xf32>,
        %sub3A_750 = arith.constant 16384 : i32
        %sub3A_751 = arith.subi %add3A_746, %sub3A_750 : i32
        %swap3A_752 = arith.index_cast %sub3A_751 : i32 to index
        %swap3A_753 = tpu.vector_load %arg13[%swap3A_752] {strides = array<i32>} : memref<4096xf32, #tpu.memory_space<vmem>>, vector<16xf32>,
        tpu.vector_store %arg13[%swap3A_752], %gather3A_749 {strides = array<i32>} : memref<4096xf32, #tpu.memory_space<vmem>>, vector<16xf32>,
        %add3A_754 = arith.constant 32 : i32
        %add3A_755 = arith.addi %add3A_734, %add3A_754 : i32
        %add3A_756 = arith.constant 0 : i32
        %add3A_757 = arith.addi %add3A_755, %add3A_756 : i32
        %get3A_758 = arith.index_cast %add3A_757 : i32 to index
        %get3A_759 = tpu.vector_load %arg11[%get3A_758] {strides = array<i32>} : memref<32768xi32, #tpu.memory_space<vmem>>, vector<16xi32>,
        %gather3A_760 = tpu.vector_load_idx %arg17[%get3A_759] : memref<8192xf32, #tpu.memory_space<vmem>>[vector<16xi32>], vector<16xf32>,
        %sub3A_761 = arith.constant 16384 : i32
        %sub3A_762 = arith.subi %add3A_757, %sub3A_761 : i32
        %swap3A_763 = arith.index_cast %sub3A_762 : i32 to index
        %swap3A_764 = tpu.vector_load %arg13[%swap3A_763] {strides = array<i32>} : memref<4096xf32, #tpu.memory_space<vmem>>, vector<16xf32>,
        tpu.vector_store %arg13[%swap3A_763], %gather3A_760 {strides = array<i32>} : memref<4096xf32, #tpu.memory_space<vmem>>, vector<16xf32>,
        %add3A_765 = arith.constant 32 : i32
        %add3A_766 = arith.addi %add3A_734, %add3A_765 : i32
        %add3A_767 = arith.constant 16 : i32
        %add3A_768 = arith.addi %add3A_766, %add3A_767 : i32
        %get3A_769 = arith.index_cast %add3A_768 : i32 to index
        %get3A_770 = tpu.vector_load %arg11[%get3A_769] {strides = array<i32>} : memref<32768xi32, #tpu.memory_space<vmem>>, vector<16xi32>,
        %gather3A_771 = tpu.vector_load_idx %arg17[%get3A_770] : memref<8192xf32, #tpu.memory_space<vmem>>[vector<16xi32>], vector<16xf32>,
        %sub3A_772 = arith.constant 16384 : i32
        %sub3A_773 = arith.subi %add3A_768, %sub3A_772 : i32
        %swap3A_774 = arith.index_cast %sub3A_773 : i32 to index
        %swap3A_775 = tpu.vector_load %arg13[%swap3A_774] {strides = array<i32>} : memref<4096xf32, #tpu.memory_space<vmem>>, vector<16xf32>,
        tpu.vector_store %arg13[%swap3A_774], %gather3A_771 {strides = array<i32>} : memref<4096xf32, #tpu.memory_space<vmem>>, vector<16xf32>,
        %add3A_776 = arith.constant 64 : i32
        %add3A_777 = arith.addi %add3A_734, %add3A_776 : i32
        %add3A_778 = arith.constant 0 : i32
        %add3A_779 = arith.addi %add3A_777, %add3A_778 : i32
        %get3A_780 = arith.index_cast %add3A_779 : i32 to index
        %get3A_781 = tpu.vector_load %arg11[%get3A_780] {strides = array<i32>} : memref<32768xi32, #tpu.memory_space<vmem>>, vector<16xi32>,
        %gather3A_782 = tpu.vector_load_idx %arg17[%get3A_781] : memref<8192xf32, #tpu.memory_space<vmem>>[vector<16xi32>], vector<16xf32>,
        %sub3A_783 = arith.constant 16384 : i32
        %sub3A_784 = arith.subi %add3A_779, %sub3A_783 : i32
        %swap3A_785 = arith.index_cast %sub3A_784 : i32 to index
        %swap3A_786 = tpu.vector_load %arg13[%swap3A_785] {strides = array<i32>} : memref<4096xf32, #tpu.memory_space<vmem>>, vector<16xf32>,
        tpu.vector_store %arg13[%swap3A_785], %gather3A_782 {strides = array<i32>} : memref<4096xf32, #tpu.memory_space<vmem>>, vector<16xf32>,
        %add3A_787 = arith.constant 64 : i32
        %add3A_788 = arith.addi %add3A_734, %add3A_787 : i32
        %add3A_789 = arith.constant 16 : i32
        %add3A_790 = arith.addi %add3A_788, %add3A_789 : i32
        %get3A_791 = arith.index_cast %add3A_790 : i32 to index
        %get3A_792 = tpu.vector_load %arg11[%get3A_791] {strides = array<i32>} : memref<32768xi32, #tpu.memory_space<vmem>>, vector<16xi32>,
        %gather3A_793 = tpu.vector_load_idx %arg17[%get3A_792] : memref<8192xf32, #tpu.memory_space<vmem>>[vector<16xi32>], vector<16xf32>,
        %sub3A_794 = arith.constant 16384 : i32
        %sub3A_795 = arith.subi %add3A_790, %sub3A_794 : i32
        %swap3A_796 = arith.index_cast %sub3A_795 : i32 to index
        %swap3A_797 = tpu.vector_load %arg13[%swap3A_796] {strides = array<i32>} : memref<4096xf32, #tpu.memory_space<vmem>>, vector<16xf32>,
        tpu.vector_store %arg13[%swap3A_796], %gather3A_793 {strides = array<i32>} : memref<4096xf32, #tpu.memory_space<vmem>>, vector<16xf32>,
        %add3A_798 = arith.constant 96 : i32
        %add3A_799 = arith.addi %add3A_734, %add3A_798 : i32
        %add3A_800 = arith.constant 0 : i32
        %add3A_801 = arith.addi %add3A_799, %add3A_800 : i32
        %get3A_802 = arith.index_cast %add3A_801 : i32 to index
        %get3A_803 = tpu.vector_load %arg11[%get3A_802] {strides = array<i32>} : memref<32768xi32, #tpu.memory_space<vmem>>, vector<16xi32>,
        %gather3A_804 = tpu.vector_load_idx %arg17[%get3A_803] : memref<8192xf32, #tpu.memory_space<vmem>>[vector<16xi32>], vector<16xf32>,
        %sub3A_805 = arith.constant 16384 : i32
        %sub3A_806 = arith.subi %add3A_801, %sub3A_805 : i32
        %swap3A_807 = arith.index_cast %sub3A_806 : i32 to index
        %swap3A_808 = tpu.vector_load %arg13[%swap3A_807] {strides = array<i32>} : memref<4096xf32, #tpu.memory_space<vmem>>, vector<16xf32>,
        tpu.vector_store %arg13[%swap3A_807], %gather3A_804 {strides = array<i32>} : memref<4096xf32, #tpu.memory_space<vmem>>, vector<16xf32>,
        %add3A_809 = arith.constant 96 : i32
        %add3A_810 = arith.addi %add3A_734, %add3A_809 : i32
        %add3A_811 = arith.constant 16 : i32
        %add3A_812 = arith.addi %add3A_810, %add3A_811 : i32
        %get3A_813 = arith.index_cast %add3A_812 : i32 to index
        %get3A_814 = tpu.vector_load %arg11[%get3A_813] {strides = array<i32>} : memref<32768xi32, #tpu.memory_space<vmem>>, vector<16xi32>,
        %gather3A_815 = tpu.vector_load_idx %arg17[%get3A_814] : memref<8192xf32, #tpu.memory_space<vmem>>[vector<16xi32>], vector<16xf32>,
        %sub3A_816 = arith.constant 16384 : i32
        %sub3A_817 = arith.subi %add3A_812, %sub3A_816 : i32
        %swap3A_818 = arith.index_cast %sub3A_817 : i32 to index
        %swap3A_819 = tpu.vector_load %arg13[%swap3A_818] {strides = array<i32>} : memref<4096xf32, #tpu.memory_space<vmem>>, vector<16xf32>,
        tpu.vector_store %arg13[%swap3A_818], %gather3A_815 {strides = array<i32>} : memref<4096xf32, #tpu.memory_space<vmem>>, vector<16xf32>,
      }
      %scan3A_662 = arith.constant 32 : i32
      %dma_start3A_663 = tpu.memref_slice %arg7[%mul3A_654] : memref<17170432xf32, #tpu.memory_space<hbm>> -> memref<4096xf32, #tpu.memory_space<hbm>>
      %dma_start3A_664 = tpu.memref_slice %arg7[%mul3A_654] : memref<17170432xf32, #tpu.memory_space<hbm>> -> memref<4096xf32, #tpu.memory_space<hbm>>
      tpu.enqueue_dma source(%arg13 : memref<4096xf32, #tpu.memory_space<vmem>>) target(%dma_start3A_664 : memref<4096xf32, #tpu.memory_space<hbm>>) target_semaphore(%arg20 : memref<!tpu.dma_semaphore, #tpu.memory_space<semaphore_mem>>)
      %mul3A_665 = arith.constant 131 : i32
      %mul3A_666 = arith.muli %add3A, %mul3A_665 : i32
      %add3A_667 = arith.constant 3 : i32
      %add3A_668 = arith.addi %mul3A_666, %add3A_667 : i32
      %add3A_669 = arith.addi %add3A_668, %add3A_352 : i32
      %mul3A_670 = arith.constant 1024 : i32
      %mul3A_671 = arith.muli %add3A_669, %mul3A_670 : i32
      %add3A_672 = arith.constant 640 : i32
      %add3A_673 = arith.addi %mul3A_671, %add3A_672 : i32
      %mul3A_674 = arith.constant 32 : i32
      %mul3A_675 = arith.muli %add3A_673, %mul3A_674 : i32
      %dma_wait3A_676 = tpu.memref_slice %arg7[%mul3A_675] : memref<17170432xf32, #tpu.memory_space<hbm>> -> memref<4096xf32, #tpu.memory_space<hbm>>
      %dma_wait3A_677 = tpu.memref_slice %arg7[%mul3A_675] : memref<17170432xf32, #tpu.memory_space<hbm>> -> memref<4096xf32, #tpu.memory_space<hbm>>
      tpu.wait_dma2 semaphore(%arg21 : memref<!tpu.dma_semaphore, #tpu.memory_space<semaphore_mem>>) src(%arg12 : memref<4096xf32, #tpu.memory_space<vmem>>) dst(%dma_wait3A_677 : memref<4096xf32, #tpu.memory_space<hbm>>)
      %scan3A_678 = arith.constant 0 : i32
      %scan3A_679 = arith.constant 0 : i32
      %scan3A_680 = arith.constant 32 : i32
      %scan3A_681 = arith.addi %scan3A_679, %scan3A_680 : i32
      %scan3A_682 = arith.constant 1 : i32
      scf.for %scan3A_728 = %scan3A_679 to %scan3A_681 step %scan3A_682  : i32 {
        %mul3A_729 = arith.constant 4 : i32
        %mul3A_730 = arith.muli %scan3A_728, %mul3A_729 : i32
        %mul3A_731 = arith.constant 32 : i32
        %mul3A_732 = arith.muli %mul3A_730, %mul3A_731 : i32
        %add3A_733 = arith.constant 20480 : i32
        %add3A_734 = arith.addi %add3A_733, %mul3A_732 : i32
        %add3A_735 = arith.constant 0 : i32
        %add3A_736 = arith.addi %add3A_734, %add3A_735 : i32
        %add3A_737 = arith.constant 0 : i32
        %add3A_738 = arith.addi %add3A_736, %add3A_737 : i32
        %get3A = arith.index_cast %add3A_738 : i32 to index
        %get3A_739 = tpu.vector_load %arg11[%get3A] {strides = array<i32>} : memref<32768xi32, #tpu.memory_space<vmem>>, vector<16xi32>,
        %gather3A = tpu.vector_load_idx %arg17[%get3A_739] : memref<8192xf32, #tpu.memory_space<vmem>>[vector<16xi32>], vector<16xf32>,
        %sub3A_740 = arith.constant 20480 : i32
        %sub3A_741 = arith.subi %add3A_738, %sub3A_740 : i32
        %swap3A = arith.index_cast %sub3A_741 : i32 to index
        %swap3A_742 = tpu.vector_load %arg12[%swap3A] {strides = array<i32>} : memref<4096xf32, #tpu.memory_space<vmem>>, vector<16xf32>,
        tpu.vector_store %arg12[%swap3A], %gather3A {strides = array<i32>} : memref<4096xf32, #tpu.memory_space<vmem>>, vector<16xf32>,
        %add3A_743 = arith.constant 0 : i32
        %add3A_744 = arith.addi %add3A_734, %add3A_743 : i32
        %add3A_745 = arith.constant 16 : i32
        %add3A_746 = arith.addi %add3A_744, %add3A_745 : i32
        %get3A_747 = arith.index_cast %add3A_746 : i32 to index
        %get3A_748 = tpu.vector_load %arg11[%get3A_747] {strides = array<i32>} : memref<32768xi32, #tpu.memory_space<vmem>>, vector<16xi32>,
        %gather3A_749 = tpu.vector_load_idx %arg17[%get3A_748] : memref<8192xf32, #tpu.memory_space<vmem>>[vector<16xi32>], vector<16xf32>,
        %sub3A_750 = arith.constant 20480 : i32
        %sub3A_751 = arith.subi %add3A_746, %sub3A_750 : i32
        %swap3A_752 = arith.index_cast %sub3A_751 : i32 to index
        %swap3A_753 = tpu.vector_load %arg12[%swap3A_752] {strides = array<i32>} : memref<4096xf32, #tpu.memory_space<vmem>>, vector<16xf32>,
        tpu.vector_store %arg12[%swap3A_752], %gather3A_749 {strides = array<i32>} : memref<4096xf32, #tpu.memory_space<vmem>>, vector<16xf32>,
        %add3A_754 = arith.constant 32 : i32
        %add3A_755 = arith.addi %add3A_734, %add3A_754 : i32
        %add3A_756 = arith.constant 0 : i32
        %add3A_757 = arith.addi %add3A_755, %add3A_756 : i32
        %get3A_758 = arith.index_cast %add3A_757 : i32 to index
        %get3A_759 = tpu.vector_load %arg11[%get3A_758] {strides = array<i32>} : memref<32768xi32, #tpu.memory_space<vmem>>, vector<16xi32>,
        %gather3A_760 = tpu.vector_load_idx %arg17[%get3A_759] : memref<8192xf32, #tpu.memory_space<vmem>>[vector<16xi32>], vector<16xf32>,
        %sub3A_761 = arith.constant 20480 : i32
        %sub3A_762 = arith.subi %add3A_757, %sub3A_761 : i32
        %swap3A_763 = arith.index_cast %sub3A_762 : i32 to index
        %swap3A_764 = tpu.vector_load %arg12[%swap3A_763] {strides = array<i32>} : memref<4096xf32, #tpu.memory_space<vmem>>, vector<16xf32>,
        tpu.vector_store %arg12[%swap3A_763], %gather3A_760 {strides = array<i32>} : memref<4096xf32, #tpu.memory_space<vmem>>, vector<16xf32>,
        %add3A_765 = arith.constant 32 : i32
        %add3A_766 = arith.addi %add3A_734, %add3A_765 : i32
        %add3A_767 = arith.constant 16 : i32
        %add3A_768 = arith.addi %add3A_766, %add3A_767 : i32
        %get3A_769 = arith.index_cast %add3A_768 : i32 to index
        %get3A_770 = tpu.vector_load %arg11[%get3A_769] {strides = array<i32>} : memref<32768xi32, #tpu.memory_space<vmem>>, vector<16xi32>,
        %gather3A_771 = tpu.vector_load_idx %arg17[%get3A_770] : memref<8192xf32, #tpu.memory_space<vmem>>[vector<16xi32>], vector<16xf32>,
        %sub3A_772 = arith.constant 20480 : i32
        %sub3A_773 = arith.subi %add3A_768, %sub3A_772 : i32
        %swap3A_774 = arith.index_cast %sub3A_773 : i32 to index
        %swap3A_775 = tpu.vector_load %arg12[%swap3A_774] {strides = array<i32>} : memref<4096xf32, #tpu.memory_space<vmem>>, vector<16xf32>,
        tpu.vector_store %arg12[%swap3A_774], %gather3A_771 {strides = array<i32>} : memref<4096xf32, #tpu.memory_space<vmem>>, vector<16xf32>,
        %add3A_776 = arith.constant 64 : i32
        %add3A_777 = arith.addi %add3A_734, %add3A_776 : i32
        %add3A_778 = arith.constant 0 : i32
        %add3A_779 = arith.addi %add3A_777, %add3A_778 : i32
        %get3A_780 = arith.index_cast %add3A_779 : i32 to index
        %get3A_781 = tpu.vector_load %arg11[%get3A_780] {strides = array<i32>} : memref<32768xi32, #tpu.memory_space<vmem>>, vector<16xi32>,
        %gather3A_782 = tpu.vector_load_idx %arg17[%get3A_781] : memref<8192xf32, #tpu.memory_space<vmem>>[vector<16xi32>], vector<16xf32>,
        %sub3A_783 = arith.constant 20480 : i32
        %sub3A_784 = arith.subi %add3A_779, %sub3A_783 : i32
        %swap3A_785 = arith.index_cast %sub3A_784 : i32 to index
        %swap3A_786 = tpu.vector_load %arg12[%swap3A_785] {strides = array<i32>} : memref<4096xf32, #tpu.memory_space<vmem>>, vector<16xf32>,
        tpu.vector_store %arg12[%swap3A_785], %gather3A_782 {strides = array<i32>} : memref<4096xf32, #tpu.memory_space<vmem>>, vector<16xf32>,
        %add3A_787 = arith.constant 64 : i32
        %add3A_788 = arith.addi %add3A_734, %add3A_787 : i32
        %add3A_789 = arith.constant 16 : i32
        %add3A_790 = arith.addi %add3A_788, %add3A_789 : i32
        %get3A_791 = arith.index_cast %add3A_790 : i32 to index
        %get3A_792 = tpu.vector_load %arg11[%get3A_791] {strides = array<i32>} : memref<32768xi32, #tpu.memory_space<vmem>>, vector<16xi32>,
        %gather3A_793 = tpu.vector_load_idx %arg17[%get3A_792] : memref<8192xf32, #tpu.memory_space<vmem>>[vector<16xi32>], vector<16xf32>,
        %sub3A_794 = arith.constant 20480 : i32
        %sub3A_795 = arith.subi %add3A_790, %sub3A_794 : i32
        %swap3A_796 = arith.index_cast %sub3A_795 : i32 to index
        %swap3A_797 = tpu.vector_load %arg12[%swap3A_796] {strides = array<i32>} : memref<4096xf32, #tpu.memory_space<vmem>>, vector<16xf32>,
        tpu.vector_store %arg12[%swap3A_796], %gather3A_793 {strides = array<i32>} : memref<4096xf32, #tpu.memory_space<vmem>>, vector<16xf32>,
        %add3A_798 = arith.constant 96 : i32
        %add3A_799 = arith.addi %add3A_734, %add3A_798 : i32
        %add3A_800 = arith.constant 0 : i32
        %add3A_801 = arith.addi %add3A_799, %add3A_800 : i32
        %get3A_802 = arith.index_cast %add3A_801 : i32 to index
        %get3A_803 = tpu.vector_load %arg11[%get3A_802] {strides = array<i32>} : memref<32768xi32, #tpu.memory_space<vmem>>, vector<16xi32>,
        %gather3A_804 = tpu.vector_load_idx %arg17[%get3A_803] : memref<8192xf32, #tpu.memory_space<vmem>>[vector<16xi32>], vector<16xf32>,
        %sub3A_805 = arith.constant 20480 : i32
        %sub3A_806 = arith.subi %add3A_801, %sub3A_805 : i32
        %swap3A_807 = arith.index_cast %sub3A_806 : i32 to index
        %swap3A_808 = tpu.vector_load %arg12[%swap3A_807] {strides = array<i32>} : memref<4096xf32, #tpu.memory_space<vmem>>, vector<16xf32>,
        tpu.vector_store %arg12[%swap3A_807], %gather3A_804 {strides = array<i32>} : memref<4096xf32, #tpu.memory_space<vmem>>, vector<16xf32>,
        %add3A_809 = arith.constant 96 : i32
        %add3A_810 = arith.addi %add3A_734, %add3A_809 : i32
        %add3A_811 = arith.constant 16 : i32
        %add3A_812 = arith.addi %add3A_810, %add3A_811 : i32
        %get3A_813 = arith.index_cast %add3A_812 : i32 to index
        %get3A_814 = tpu.vector_load %arg11[%get3A_813] {strides = array<i32>} : memref<32768xi32, #tpu.memory_space<vmem>>, vector<16xi32>,
        %gather3A_815 = tpu.vector_load_idx %arg17[%get3A_814] : memref<8192xf32, #tpu.memory_space<vmem>>[vector<16xi32>], vector<16xf32>,
        %sub3A_816 = arith.constant 20480 : i32
        %sub3A_817 = arith.subi %add3A_812, %sub3A_816 : i32
        %swap3A_818 = arith.index_cast %sub3A_817 : i32 to index
        %swap3A_819 = tpu.vector_load %arg12[%swap3A_818] {strides = array<i32>} : memref<4096xf32, #tpu.memory_space<vmem>>, vector<16xf32>,
        tpu.vector_store %arg12[%swap3A_818], %gather3A_815 {strides = array<i32>} : memref<4096xf32, #tpu.memory_space<vmem>>, vector<16xf32>,
      }
      %scan3A_683 = arith.constant 32 : i32
      %dma_start3A_684 = tpu.memref_slice %arg7[%mul3A_675] : memref<17170432xf32, #tpu.memory_space<hbm>> -> memref<4096xf32, #tpu.memory_space<hbm>>
      %dma_start3A_685 = tpu.memref_slice %arg7[%mul3A_675] : memref<17170432xf32, #tpu.memory_space<hbm>> -> memref<4096xf32, #tpu.memory_space<hbm>>
      tpu.enqueue_dma source(%arg12 : memref<4096xf32, #tpu.memory_space<vmem>>) target(%dma_start3A_685 : memref<4096xf32, #tpu.memory_space<hbm>>) target_semaphore(%arg21 : memref<!tpu.dma_semaphore, #tpu.memory_space<semaphore_mem>>)
      %mul3A_686 = arith.constant 131 : i32
      %mul3A_687 = arith.muli %add3A, %mul3A_686 : i32
      %add3A_688 = arith.constant 3 : i32
      %add3A_689 = arith.addi %mul3A_687, %add3A_688 : i32
      %add3A_690 = arith.addi %add3A_689, %add3A_352 : i32
      %mul3A_691 = arith.constant 1024 : i32
      %mul3A_692 = arith.muli %add3A_690, %mul3A_691 : i32
      %add3A_693 = arith.constant 768 : i32
      %add3A_694 = arith.addi %mul3A_692, %add3A_693 : i32
      %mul3A_695 = arith.constant 32 : i32
      %mul3A_696 = arith.muli %add3A_694, %mul3A_695 : i32
      %dma_wait3A_697 = tpu.memref_slice %arg7[%mul3A_696] : memref<17170432xf32, #tpu.memory_space<hbm>> -> memref<4096xf32, #tpu.memory_space<hbm>>
      %dma_wait3A_698 = tpu.memref_slice %arg7[%mul3A_696] : memref<17170432xf32, #tpu.memory_space<hbm>> -> memref<4096xf32, #tpu.memory_space<hbm>>
      tpu.wait_dma2 semaphore(%arg20 : memref<!tpu.dma_semaphore, #tpu.memory_space<semaphore_mem>>) src(%arg13 : memref<4096xf32, #tpu.memory_space<vmem>>) dst(%dma_wait3A_698 : memref<4096xf32, #tpu.memory_space<hbm>>)
      %scan3A_699 = arith.constant 0 : i32
      %scan3A_700 = arith.constant 0 : i32
      %scan3A_701 = arith.constant 32 : i32
      %scan3A_702 = arith.addi %scan3A_700, %scan3A_701 : i32
      %scan3A_703 = arith.constant 1 : i32
      scf.for %scan3A_728 = %scan3A_700 to %scan3A_702 step %scan3A_703  : i32 {
        %mul3A_729 = arith.constant 4 : i32
        %mul3A_730 = arith.muli %scan3A_728, %mul3A_729 : i32
        %mul3A_731 = arith.constant 32 : i32
        %mul3A_732 = arith.muli %mul3A_730, %mul3A_731 : i32
        %add3A_733 = arith.constant 24576 : i32
        %add3A_734 = arith.addi %add3A_733, %mul3A_732 : i32
        %add3A_735 = arith.constant 0 : i32
        %add3A_736 = arith.addi %add3A_734, %add3A_735 : i32
        %add3A_737 = arith.constant 0 : i32
        %add3A_738 = arith.addi %add3A_736, %add3A_737 : i32
        %get3A = arith.index_cast %add3A_738 : i32 to index
        %get3A_739 = tpu.vector_load %arg11[%get3A] {strides = array<i32>} : memref<32768xi32, #tpu.memory_space<vmem>>, vector<16xi32>,
        %gather3A = tpu.vector_load_idx %arg17[%get3A_739] : memref<8192xf32, #tpu.memory_space<vmem>>[vector<16xi32>], vector<16xf32>,
        %sub3A_740 = arith.constant 24576 : i32
        %sub3A_741 = arith.subi %add3A_738, %sub3A_740 : i32
        %swap3A = arith.index_cast %sub3A_741 : i32 to index
        %swap3A_742 = tpu.vector_load %arg13[%swap3A] {strides = array<i32>} : memref<4096xf32, #tpu.memory_space<vmem>>, vector<16xf32>,
        tpu.vector_store %arg13[%swap3A], %gather3A {strides = array<i32>} : memref<4096xf32, #tpu.memory_space<vmem>>, vector<16xf32>,
        %add3A_743 = arith.constant 0 : i32
        %add3A_744 = arith.addi %add3A_734, %add3A_743 : i32
        %add3A_745 = arith.constant 16 : i32
        %add3A_746 = arith.addi %add3A_744, %add3A_745 : i32
        %get3A_747 = arith.index_cast %add3A_746 : i32 to index
        %get3A_748 = tpu.vector_load %arg11[%get3A_747] {strides = array<i32>} : memref<32768xi32, #tpu.memory_space<vmem>>, vector<16xi32>,
        %gather3A_749 = tpu.vector_load_idx %arg17[%get3A_748] : memref<8192xf32, #tpu.memory_space<vmem>>[vector<16xi32>], vector<16xf32>,
        %sub3A_750 = arith.constant 24576 : i32
        %sub3A_751 = arith.subi %add3A_746, %sub3A_750 : i32
        %swap3A_752 = arith.index_cast %sub3A_751 : i32 to index
        %swap3A_753 = tpu.vector_load %arg13[%swap3A_752] {strides = array<i32>} : memref<4096xf32, #tpu.memory_space<vmem>>, vector<16xf32>,
        tpu.vector_store %arg13[%swap3A_752], %gather3A_749 {strides = array<i32>} : memref<4096xf32, #tpu.memory_space<vmem>>, vector<16xf32>,
        %add3A_754 = arith.constant 32 : i32
        %add3A_755 = arith.addi %add3A_734, %add3A_754 : i32
        %add3A_756 = arith.constant 0 : i32
        %add3A_757 = arith.addi %add3A_755, %add3A_756 : i32
        %get3A_758 = arith.index_cast %add3A_757 : i32 to index
        %get3A_759 = tpu.vector_load %arg11[%get3A_758] {strides = array<i32>} : memref<32768xi32, #tpu.memory_space<vmem>>, vector<16xi32>,
        %gather3A_760 = tpu.vector_load_idx %arg17[%get3A_759] : memref<8192xf32, #tpu.memory_space<vmem>>[vector<16xi32>], vector<16xf32>,
        %sub3A_761 = arith.constant 24576 : i32
        %sub3A_762 = arith.subi %add3A_757, %sub3A_761 : i32
        %swap3A_763 = arith.index_cast %sub3A_762 : i32 to index
        %swap3A_764 = tpu.vector_load %arg13[%swap3A_763] {strides = array<i32>} : memref<4096xf32, #tpu.memory_space<vmem>>, vector<16xf32>,
        tpu.vector_store %arg13[%swap3A_763], %gather3A_760 {strides = array<i32>} : memref<4096xf32, #tpu.memory_space<vmem>>, vector<16xf32>,
        %add3A_765 = arith.constant 32 : i32
        %add3A_766 = arith.addi %add3A_734, %add3A_765 : i32
        %add3A_767 = arith.constant 16 : i32
        %add3A_768 = arith.addi %add3A_766, %add3A_767 : i32
        %get3A_769 = arith.index_cast %add3A_768 : i32 to index
        %get3A_770 = tpu.vector_load %arg11[%get3A_769] {strides = array<i32>} : memref<32768xi32, #tpu.memory_space<vmem>>, vector<16xi32>,
        %gather3A_771 = tpu.vector_load_idx %arg17[%get3A_770] : memref<8192xf32, #tpu.memory_space<vmem>>[vector<16xi32>], vector<16xf32>,
        %sub3A_772 = arith.constant 24576 : i32
        %sub3A_773 = arith.subi %add3A_768, %sub3A_772 : i32
        %swap3A_774 = arith.index_cast %sub3A_773 : i32 to index
        %swap3A_775 = tpu.vector_load %arg13[%swap3A_774] {strides = array<i32>} : memref<4096xf32, #tpu.memory_space<vmem>>, vector<16xf32>,
        tpu.vector_store %arg13[%swap3A_774], %gather3A_771 {strides = array<i32>} : memref<4096xf32, #tpu.memory_space<vmem>>, vector<16xf32>,
        %add3A_776 = arith.constant 64 : i32
        %add3A_777 = arith.addi %add3A_734, %add3A_776 : i32
        %add3A_778 = arith.constant 0 : i32
        %add3A_779 = arith.addi %add3A_777, %add3A_778 : i32
        %get3A_780 = arith.index_cast %add3A_779 : i32 to index
        %get3A_781 = tpu.vector_load %arg11[%get3A_780] {strides = array<i32>} : memref<32768xi32, #tpu.memory_space<vmem>>, vector<16xi32>,
        %gather3A_782 = tpu.vector_load_idx %arg17[%get3A_781] : memref<8192xf32, #tpu.memory_space<vmem>>[vector<16xi32>], vector<16xf32>,
        %sub3A_783 = arith.constant 24576 : i32
        %sub3A_784 = arith.subi %add3A_779, %sub3A_783 : i32
        %swap3A_785 = arith.index_cast %sub3A_784 : i32 to index
        %swap3A_786 = tpu.vector_load %arg13[%swap3A_785] {strides = array<i32>} : memref<4096xf32, #tpu.memory_space<vmem>>, vector<16xf32>,
        tpu.vector_store %arg13[%swap3A_785], %gather3A_782 {strides = array<i32>} : memref<4096xf32, #tpu.memory_space<vmem>>, vector<16xf32>,
        %add3A_787 = arith.constant 64 : i32
        %add3A_788 = arith.addi %add3A_734, %add3A_787 : i32
        %add3A_789 = arith.constant 16 : i32
        %add3A_790 = arith.addi %add3A_788, %add3A_789 : i32
        %get3A_791 = arith.index_cast %add3A_790 : i32 to index
        %get3A_792 = tpu.vector_load %arg11[%get3A_791] {strides = array<i32>} : memref<32768xi32, #tpu.memory_space<vmem>>, vector<16xi32>,
        %gather3A_793 = tpu.vector_load_idx %arg17[%get3A_792] : memref<8192xf32, #tpu.memory_space<vmem>>[vector<16xi32>], vector<16xf32>,
        %sub3A_794 = arith.constant 24576 : i32
        %sub3A_795 = arith.subi %add3A_790, %sub3A_794 : i32
        %swap3A_796 = arith.index_cast %sub3A_795 : i32 to index
        %swap3A_797 = tpu.vector_load %arg13[%swap3A_796] {strides = array<i32>} : memref<4096xf32, #tpu.memory_space<vmem>>, vector<16xf32>,
        tpu.vector_store %arg13[%swap3A_796], %gather3A_793 {strides = array<i32>} : memref<4096xf32, #tpu.memory_space<vmem>>, vector<16xf32>,
        %add3A_798 = arith.constant 96 : i32
        %add3A_799 = arith.addi %add3A_734, %add3A_798 : i32
        %add3A_800 = arith.constant 0 : i32
        %add3A_801 = arith.addi %add3A_799, %add3A_800 : i32
        %get3A_802 = arith.index_cast %add3A_801 : i32 to index
        %get3A_803 = tpu.vector_load %arg11[%get3A_802] {strides = array<i32>} : memref<32768xi32, #tpu.memory_space<vmem>>, vector<16xi32>,
        %gather3A_804 = tpu.vector_load_idx %arg17[%get3A_803] : memref<8192xf32, #tpu.memory_space<vmem>>[vector<16xi32>], vector<16xf32>,
        %sub3A_805 = arith.constant 24576 : i32
        %sub3A_806 = arith.subi %add3A_801, %sub3A_805 : i32
        %swap3A_807 = arith.index_cast %sub3A_806 : i32 to index
        %swap3A_808 = tpu.vector_load %arg13[%swap3A_807] {strides = array<i32>} : memref<4096xf32, #tpu.memory_space<vmem>>, vector<16xf32>,
        tpu.vector_store %arg13[%swap3A_807], %gather3A_804 {strides = array<i32>} : memref<4096xf32, #tpu.memory_space<vmem>>, vector<16xf32>,
        %add3A_809 = arith.constant 96 : i32
        %add3A_810 = arith.addi %add3A_734, %add3A_809 : i32
        %add3A_811 = arith.constant 16 : i32
        %add3A_812 = arith.addi %add3A_810, %add3A_811 : i32
        %get3A_813 = arith.index_cast %add3A_812 : i32 to index
        %get3A_814 = tpu.vector_load %arg11[%get3A_813] {strides = array<i32>} : memref<32768xi32, #tpu.memory_space<vmem>>, vector<16xi32>,
        %gather3A_815 = tpu.vector_load_idx %arg17[%get3A_814] : memref<8192xf32, #tpu.memory_space<vmem>>[vector<16xi32>], vector<16xf32>,
        %sub3A_816 = arith.constant 24576 : i32
        %sub3A_817 = arith.subi %add3A_812, %sub3A_816 : i32
        %swap3A_818 = arith.index_cast %sub3A_817 : i32 to index
        %swap3A_819 = tpu.vector_load %arg13[%swap3A_818] {strides = array<i32>} : memref<4096xf32, #tpu.memory_space<vmem>>, vector<16xf32>,
        tpu.vector_store %arg13[%swap3A_818], %gather3A_815 {strides = array<i32>} : memref<4096xf32, #tpu.memory_space<vmem>>, vector<16xf32>,
      }
      %scan3A_704 = arith.constant 32 : i32
      %dma_start3A_705 = tpu.memref_slice %arg7[%mul3A_696] : memref<17170432xf32, #tpu.memory_space<hbm>> -> memref<4096xf32, #tpu.memory_space<hbm>>
      %dma_start3A_706 = tpu.memref_slice %arg7[%mul3A_696] : memref<17170432xf32, #tpu.memory_space<hbm>> -> memref<4096xf32, #tpu.memory_space<hbm>>
      tpu.enqueue_dma source(%arg13 : memref<4096xf32, #tpu.memory_space<vmem>>) target(%dma_start3A_706 : memref<4096xf32, #tpu.memory_space<hbm>>) target_semaphore(%arg20 : memref<!tpu.dma_semaphore, #tpu.memory_space<semaphore_mem>>)
      %mul3A_707 = arith.constant 131 : i32
      %mul3A_708 = arith.muli %add3A, %mul3A_707 : i32
      %add3A_709 = arith.constant 3 : i32
      %add3A_710 = arith.addi %mul3A_708, %add3A_709 : i32
      %add3A_711 = arith.addi %add3A_710, %add3A_352 : i32
      %mul3A_712 = arith.constant 1024 : i32
      %mul3A_713 = arith.muli %add3A_711, %mul3A_712 : i32
      %add3A_714 = arith.constant 896 : i32
      %add3A_715 = arith.addi %mul3A_713, %add3A_714 : i32
      %mul3A_716 = arith.constant 32 : i32
      %mul3A_717 = arith.muli %add3A_715, %mul3A_716 : i32
      %dma_wait3A_718 = tpu.memref_slice %arg7[%mul3A_717] : memref<17170432xf32, #tpu.memory_space<hbm>> -> memref<4096xf32, #tpu.memory_space<hbm>>
      %dma_wait3A_719 = tpu.memref_slice %arg7[%mul3A_717] : memref<17170432xf32, #tpu.memory_space<hbm>> -> memref<4096xf32, #tpu.memory_space<hbm>>
      tpu.wait_dma2 semaphore(%arg21 : memref<!tpu.dma_semaphore, #tpu.memory_space<semaphore_mem>>) src(%arg12 : memref<4096xf32, #tpu.memory_space<vmem>>) dst(%dma_wait3A_719 : memref<4096xf32, #tpu.memory_space<hbm>>)
      %scan3A_720 = arith.constant 0 : i32
      %scan3A_721 = arith.constant 0 : i32
      %scan3A_722 = arith.constant 32 : i32
      %scan3A_723 = arith.addi %scan3A_721, %scan3A_722 : i32
      %scan3A_724 = arith.constant 1 : i32
      scf.for %scan3A_728 = %scan3A_721 to %scan3A_723 step %scan3A_724  : i32 {
        %mul3A_729 = arith.constant 4 : i32
        %mul3A_730 = arith.muli %scan3A_728, %mul3A_729 : i32
        %mul3A_731 = arith.constant 32 : i32
        %mul3A_732 = arith.muli %mul3A_730, %mul3A_731 : i32
        %add3A_733 = arith.constant 28672 : i32
        %add3A_734 = arith.addi %add3A_733, %mul3A_732 : i32
        %add3A_735 = arith.constant 0 : i32
        %add3A_736 = arith.addi %add3A_734, %add3A_735 : i32
        %add3A_737 = arith.constant 0 : i32
        %add3A_738 = arith.addi %add3A_736, %add3A_737 : i32
        %get3A = arith.index_cast %add3A_738 : i32 to index
        %get3A_739 = tpu.vector_load %arg11[%get3A] {strides = array<i32>} : memref<32768xi32, #tpu.memory_space<vmem>>, vector<16xi32>,
        %gather3A = tpu.vector_load_idx %arg17[%get3A_739] : memref<8192xf32, #tpu.memory_space<vmem>>[vector<16xi32>], vector<16xf32>,
        %sub3A_740 = arith.constant 28672 : i32
        %sub3A_741 = arith.subi %add3A_738, %sub3A_740 : i32
        %swap3A = arith.index_cast %sub3A_741 : i32 to index
        %swap3A_742 = tpu.vector_load %arg12[%swap3A] {strides = array<i32>} : memref<4096xf32, #tpu.memory_space<vmem>>, vector<16xf32>,
        tpu.vector_store %arg12[%swap3A], %gather3A {strides = array<i32>} : memref<4096xf32, #tpu.memory_space<vmem>>, vector<16xf32>,
        %add3A_743 = arith.constant 0 : i32
        %add3A_744 = arith.addi %add3A_734, %add3A_743 : i32
        %add3A_745 = arith.constant 16 : i32
        %add3A_746 = arith.addi %add3A_744, %add3A_745 : i32
        %get3A_747 = arith.index_cast %add3A_746 : i32 to index
        %get3A_748 = tpu.vector_load %arg11[%get3A_747] {strides = array<i32>} : memref<32768xi32, #tpu.memory_space<vmem>>, vector<16xi32>,
        %gather3A_749 = tpu.vector_load_idx %arg17[%get3A_748] : memref<8192xf32, #tpu.memory_space<vmem>>[vector<16xi32>], vector<16xf32>,
        %sub3A_750 = arith.constant 28672 : i32
        %sub3A_751 = arith.subi %add3A_746, %sub3A_750 : i32
        %swap3A_752 = arith.index_cast %sub3A_751 : i32 to index
        %swap3A_753 = tpu.vector_load %arg12[%swap3A_752] {strides = array<i32>} : memref<4096xf32, #tpu.memory_space<vmem>>, vector<16xf32>,
        tpu.vector_store %arg12[%swap3A_752], %gather3A_749 {strides = array<i32>} : memref<4096xf32, #tpu.memory_space<vmem>>, vector<16xf32>,
        %add3A_754 = arith.constant 32 : i32
        %add3A_755 = arith.addi %add3A_734, %add3A_754 : i32
        %add3A_756 = arith.constant 0 : i32
        %add3A_757 = arith.addi %add3A_755, %add3A_756 : i32
        %get3A_758 = arith.index_cast %add3A_757 : i32 to index
        %get3A_759 = tpu.vector_load %arg11[%get3A_758] {strides = array<i32>} : memref<32768xi32, #tpu.memory_space<vmem>>, vector<16xi32>,
        %gather3A_760 = tpu.vector_load_idx %arg17[%get3A_759] : memref<8192xf32, #tpu.memory_space<vmem>>[vector<16xi32>], vector<16xf32>,
        %sub3A_761 = arith.constant 28672 : i32
        %sub3A_762 = arith.subi %add3A_757, %sub3A_761 : i32
        %swap3A_763 = arith.index_cast %sub3A_762 : i32 to index
        %swap3A_764 = tpu.vector_load %arg12[%swap3A_763] {strides = array<i32>} : memref<4096xf32, #tpu.memory_space<vmem>>, vector<16xf32>,
        tpu.vector_store %arg12[%swap3A_763], %gather3A_760 {strides = array<i32>} : memref<4096xf32, #tpu.memory_space<vmem>>, vector<16xf32>,
        %add3A_765 = arith.constant 32 : i32
        %add3A_766 = arith.addi %add3A_734, %add3A_765 : i32
        %add3A_767 = arith.constant 16 : i32
        %add3A_768 = arith.addi %add3A_766, %add3A_767 : i32
        %get3A_769 = arith.index_cast %add3A_768 : i32 to index
        %get3A_770 = tpu.vector_load %arg11[%get3A_769] {strides = array<i32>} : memref<32768xi32, #tpu.memory_space<vmem>>, vector<16xi32>,
        %gather3A_771 = tpu.vector_load_idx %arg17[%get3A_770] : memref<8192xf32, #tpu.memory_space<vmem>>[vector<16xi32>], vector<16xf32>,
        %sub3A_772 = arith.constant 28672 : i32
        %sub3A_773 = arith.subi %add3A_768, %sub3A_772 : i32
        %swap3A_774 = arith.index_cast %sub3A_773 : i32 to index
        %swap3A_775 = tpu.vector_load %arg12[%swap3A_774] {strides = array<i32>} : memref<4096xf32, #tpu.memory_space<vmem>>, vector<16xf32>,
        tpu.vector_store %arg12[%swap3A_774], %gather3A_771 {strides = array<i32>} : memref<4096xf32, #tpu.memory_space<vmem>>, vector<16xf32>,
        %add3A_776 = arith.constant 64 : i32
        %add3A_777 = arith.addi %add3A_734, %add3A_776 : i32
        %add3A_778 = arith.constant 0 : i32
        %add3A_779 = arith.addi %add3A_777, %add3A_778 : i32
        %get3A_780 = arith.index_cast %add3A_779 : i32 to index
        %get3A_781 = tpu.vector_load %arg11[%get3A_780] {strides = array<i32>} : memref<32768xi32, #tpu.memory_space<vmem>>, vector<16xi32>,
        %gather3A_782 = tpu.vector_load_idx %arg17[%get3A_781] : memref<8192xf32, #tpu.memory_space<vmem>>[vector<16xi32>], vector<16xf32>,
        %sub3A_783 = arith.constant 28672 : i32
        %sub3A_784 = arith.subi %add3A_779, %sub3A_783 : i32
        %swap3A_785 = arith.index_cast %sub3A_784 : i32 to index
        %swap3A_786 = tpu.vector_load %arg12[%swap3A_785] {strides = array<i32>} : memref<4096xf32, #tpu.memory_space<vmem>>, vector<16xf32>,
        tpu.vector_store %arg12[%swap3A_785], %gather3A_782 {strides = array<i32>} : memref<4096xf32, #tpu.memory_space<vmem>>, vector<16xf32>,
        %add3A_787 = arith.constant 64 : i32
        %add3A_788 = arith.addi %add3A_734, %add3A_787 : i32
        %add3A_789 = arith.constant 16 : i32
        %add3A_790 = arith.addi %add3A_788, %add3A_789 : i32
        %get3A_791 = arith.index_cast %add3A_790 : i32 to index
        %get3A_792 = tpu.vector_load %arg11[%get3A_791] {strides = array<i32>} : memref<32768xi32, #tpu.memory_space<vmem>>, vector<16xi32>,
        %gather3A_793 = tpu.vector_load_idx %arg17[%get3A_792] : memref<8192xf32, #tpu.memory_space<vmem>>[vector<16xi32>], vector<16xf32>,
        %sub3A_794 = arith.constant 28672 : i32
        %sub3A_795 = arith.subi %add3A_790, %sub3A_794 : i32
        %swap3A_796 = arith.index_cast %sub3A_795 : i32 to index
        %swap3A_797 = tpu.vector_load %arg12[%swap3A_796] {strides = array<i32>} : memref<4096xf32, #tpu.memory_space<vmem>>, vector<16xf32>,
        tpu.vector_store %arg12[%swap3A_796], %gather3A_793 {strides = array<i32>} : memref<4096xf32, #tpu.memory_space<vmem>>, vector<16xf32>,
        %add3A_798 = arith.constant 96 : i32
        %add3A_799 = arith.addi %add3A_734, %add3A_798 : i32
        %add3A_800 = arith.constant 0 : i32
        %add3A_801 = arith.addi %add3A_799, %add3A_800 : i32
        %get3A_802 = arith.index_cast %add3A_801 : i32 to index
        %get3A_803 = tpu.vector_load %arg11[%get3A_802] {strides = array<i32>} : memref<32768xi32, #tpu.memory_space<vmem>>, vector<16xi32>,
        %gather3A_804 = tpu.vector_load_idx %arg17[%get3A_803] : memref<8192xf32, #tpu.memory_space<vmem>>[vector<16xi32>], vector<16xf32>,
        %sub3A_805 = arith.constant 28672 : i32
        %sub3A_806 = arith.subi %add3A_801, %sub3A_805 : i32
        %swap3A_807 = arith.index_cast %sub3A_806 : i32 to index
        %swap3A_808 = tpu.vector_load %arg12[%swap3A_807] {strides = array<i32>} : memref<4096xf32, #tpu.memory_space<vmem>>, vector<16xf32>,
        tpu.vector_store %arg12[%swap3A_807], %gather3A_804 {strides = array<i32>} : memref<4096xf32, #tpu.memory_space<vmem>>, vector<16xf32>,
        %add3A_809 = arith.constant 96 : i32
        %add3A_810 = arith.addi %add3A_734, %add3A_809 : i32
        %add3A_811 = arith.constant 16 : i32
        %add3A_812 = arith.addi %add3A_810, %add3A_811 : i32
        %get3A_813 = arith.index_cast %add3A_812 : i32 to index
        %get3A_814 = tpu.vector_load %arg11[%get3A_813] {strides = array<i32>} : memref<32768xi32, #tpu.memory_space<vmem>>, vector<16xi32>,
        %gather3A_815 = tpu.vector_load_idx %arg17[%get3A_814] : memref<8192xf32, #tpu.memory_space<vmem>>[vector<16xi32>], vector<16xf32>,
        %sub3A_816 = arith.constant 28672 : i32
        %sub3A_817 = arith.subi %add3A_812, %sub3A_816 : i32
        %swap3A_818 = arith.index_cast %sub3A_817 : i32 to index
        %swap3A_819 = tpu.vector_load %arg12[%swap3A_818] {strides = array<i32>} : memref<4096xf32, #tpu.memory_space<vmem>>, vector<16xf32>,
        tpu.vector_store %arg12[%swap3A_818], %gather3A_815 {strides = array<i32>} : memref<4096xf32, #tpu.memory_space<vmem>>, vector<16xf32>,
      }
      %scan3A_725 = arith.constant 32 : i32
      %dma_start3A_726 = tpu.memref_slice %arg7[%mul3A_717] : memref<17170432xf32, #tpu.memory_space<hbm>> -> memref<4096xf32, #tpu.memory_space<hbm>>
      %dma_start3A_727 = tpu.memref_slice %arg7[%mul3A_717] : memref<17170432xf32, #tpu.memory_space<hbm>> -> memref<4096xf32, #tpu.memory_space<hbm>>
      tpu.enqueue_dma source(%arg12 : memref<4096xf32, #tpu.memory_space<vmem>>) target(%dma_start3A_727 : memref<4096xf32, #tpu.memory_space<hbm>>) target_semaphore(%arg21 : memref<!tpu.dma_semaphore, #tpu.memory_space<semaphore_mem>>)
    }
    %scan3A_255 = arith.constant 8 : i32
    %add3A_256 = arith.constant 16 : i32
    %add3A_257 = arith.addi %mul3A_50, %add3A_256 : i32
    %sub3A_258 = arith.constant 1 : i32
    %sub3A_259 = arith.subi %add3A_257, %sub3A_258 : i32
    %mul3A_260 = arith.constant 128 : i32
    %mul3A_261 = arith.muli %add3A, %mul3A_260 : i32
    %add3A_262 = arith.addi %mul3A_261, %sub3A_259 : i32
    %mul3A_263 = arith.constant 8192 : i32
    %mul3A_264 = arith.muli %add3A_262, %mul3A_263 : i32
    %dma_wait3A_265 = tpu.memref_slice %arg6[%mul3A_264] : memref<4194304xf32, #tpu.memory_space<hbm>> -> memref<8192xf32, #tpu.memory_space<hbm>>
    %dma_wait3A_266 = tpu.memref_slice %arg6[%mul3A_264] : memref<4194304xf32, #tpu.memory_space<hbm>> -> memref<8192xf32, #tpu.memory_space<hbm>>
    tpu.wait_dma2 semaphore(%arg23 : memref<!tpu.dma_semaphore, #tpu.memory_space<semaphore_mem>>) src(%dma_wait3A_266 : memref<8192xf32, #tpu.memory_space<hbm>>) dst(%arg18 : memref<8192xf32, #tpu.memory_space<vmem>>)
    %mul3A_267 = arith.constant 131 : i32
    %mul3A_268 = arith.muli %add3A, %mul3A_267 : i32
    %add3A_269 = arith.constant 3 : i32
    %add3A_270 = arith.addi %mul3A_268, %add3A_269 : i32
    %add3A_271 = arith.addi %add3A_270, %sub3A_259 : i32
    %mul3A_272 = arith.constant 1024 : i32
    %mul3A_273 = arith.muli %add3A_271, %mul3A_272 : i32
    %add3A_274 = arith.constant 256 : i32
    %add3A_275 = arith.addi %mul3A_273, %add3A_274 : i32
    %mul3A_276 = arith.constant 32 : i32
    %mul3A_277 = arith.muli %add3A_275, %mul3A_276 : i32
    %dma_wait3A_278 = tpu.memref_slice %arg7[%mul3A_277] : memref<17170432xf32, #tpu.memory_space<hbm>> -> memref<4096xf32, #tpu.memory_space<hbm>>
    %dma_wait3A_279 = tpu.memref_slice %arg7[%mul3A_277] : memref<17170432xf32, #tpu.memory_space<hbm>> -> memref<4096xf32, #tpu.memory_space<hbm>>
    tpu.wait_dma2 semaphore(%arg20 : memref<!tpu.dma_semaphore, #tpu.memory_space<semaphore_mem>>) src(%arg13 : memref<4096xf32, #tpu.memory_space<vmem>>) dst(%dma_wait3A_279 : memref<4096xf32, #tpu.memory_space<hbm>>)
    %mul3A_280 = arith.constant 131 : i32
    %mul3A_281 = arith.muli %add3A, %mul3A_280 : i32
    %add3A_282 = arith.constant 3 : i32
    %add3A_283 = arith.addi %mul3A_281, %add3A_282 : i32
    %add3A_284 = arith.addi %add3A_283, %sub3A_259 : i32
    %mul3A_285 = arith.constant 1024 : i32
    %mul3A_286 = arith.muli %add3A_284, %mul3A_285 : i32
    %add3A_287 = arith.constant 384 : i32
    %add3A_288 = arith.addi %mul3A_286, %add3A_287 : i32
    %mul3A_289 = arith.constant 32 : i32
    %mul3A_290 = arith.muli %add3A_288, %mul3A_289 : i32
    %dma_wait3A_291 = tpu.memref_slice %arg7[%mul3A_290] : memref<17170432xf32, #tpu.memory_space<hbm>> -> memref<4096xf32, #tpu.memory_space<hbm>>
    %dma_wait3A_292 = tpu.memref_slice %arg7[%mul3A_290] : memref<17170432xf32, #tpu.memory_space<hbm>> -> memref<4096xf32, #tpu.memory_space<hbm>>
    tpu.wait_dma2 semaphore(%arg21 : memref<!tpu.dma_semaphore, #tpu.memory_space<semaphore_mem>>) src(%arg12 : memref<4096xf32, #tpu.memory_space<vmem>>) dst(%dma_wait3A_292 : memref<4096xf32, #tpu.memory_space<hbm>>)
    %mul3A_293 = arith.constant 131 : i32
    %mul3A_294 = arith.muli %add3A, %mul3A_293 : i32
    %add3A_295 = arith.constant 0 : i32
    %add3A_296 = arith.addi %mul3A_294, %add3A_295 : i32
    %mul3A_297 = arith.constant 1024 : i32
    %mul3A_298 = arith.muli %add3A_296, %mul3A_297 : i32
    %add3A_299 = arith.addi %mul3A_298, %mul3A_32 : i32
    %mul3A_300 = arith.constant 32 : i32
    %mul3A_301 = arith.muli %add3A_299, %mul3A_300 : i32
    %dma_wait3A_302 = arith.constant 0 : i32
    %dma_wait3A_303 = arith.constant 0 : i32
    %dma_wait3A_304 = tpu.memref_slice %arg14[%dma_wait3A_302, %dma_wait3A_303] : memref<3x4096xf32, #tpu.memory_space<vmem>> -> memref<1x4096xf32, #tpu.memory_space<vmem>>
    %dma_wait3A_305 = tpu.memref_squeeze %dma_wait3A_304 : memref<1x4096xf32, #tpu.memory_space<vmem>> -> memref<4096xf32, #tpu.memory_space<vmem>>
    %dma_wait3A_306 = tpu.memref_slice %arg7[%mul3A_301] : memref<17170432xf32, #tpu.memory_space<hbm>> -> memref<4096xf32, #tpu.memory_space<hbm>>
    %dma_wait3A_307 = tpu.memref_slice %arg7[%mul3A_301] : memref<17170432xf32, #tpu.memory_space<hbm>> -> memref<4096xf32, #tpu.memory_space<hbm>>
    %dma_wait3A_308 = arith.constant 0 : i32
    %dma_wait3A_309 = tpu.memref_slice %arg14[%dma_wait3A_302, %dma_wait3A_308] : memref<3x4096xf32, #tpu.memory_space<vmem>> -> memref<1x4096xf32, #tpu.memory_space<vmem>>
    %dma_wait3A_310 = tpu.memref_squeeze %dma_wait3A_309 : memref<1x4096xf32, #tpu.memory_space<vmem>> -> memref<4096xf32, #tpu.memory_space<vmem>>
    tpu.wait_dma2 semaphore(%arg22 : memref<!tpu.dma_semaphore, #tpu.memory_space<semaphore_mem>>) src(%dma_wait3A_310 : memref<4096xf32, #tpu.memory_space<vmem>>) dst(%dma_wait3A_307 : memref<4096xf32, #tpu.memory_space<hbm>>)
    %mul3A_311 = arith.constant 131 : i32
    %mul3A_312 = arith.muli %add3A, %mul3A_311 : i32
    %add3A_313 = arith.constant 1 : i32
    %add3A_314 = arith.addi %mul3A_312, %add3A_313 : i32
    %mul3A_315 = arith.constant 1024 : i32
    %mul3A_316 = arith.muli %add3A_314, %mul3A_315 : i32
    %add3A_317 = arith.addi %mul3A_316, %mul3A_32 : i32
    %mul3A_318 = arith.constant 32 : i32
    %mul3A_319 = arith.muli %add3A_317, %mul3A_318 : i32
    %dma_wait3A_320 = arith.constant 1 : i32
    %dma_wait3A_321 = arith.constant 0 : i32
    %dma_wait3A_322 = tpu.memref_slice %arg14[%dma_wait3A_320, %dma_wait3A_321] : memref<3x4096xf32, #tpu.memory_space<vmem>> -> memref<1x4096xf32, #tpu.memory_space<vmem>>
    %dma_wait3A_323 = tpu.memref_squeeze %dma_wait3A_322 : memref<1x4096xf32, #tpu.memory_space<vmem>> -> memref<4096xf32, #tpu.memory_space<vmem>>
    %dma_wait3A_324 = tpu.memref_slice %arg7[%mul3A_319] : memref<17170432xf32, #tpu.memory_space<hbm>> -> memref<4096xf32, #tpu.memory_space<hbm>>
    %dma_wait3A_325 = tpu.memref_slice %arg7[%mul3A_319] : memref<17170432xf32, #tpu.memory_space<hbm>> -> memref<4096xf32, #tpu.memory_space<hbm>>
    %dma_wait3A_326 = arith.constant 0 : i32
    %dma_wait3A_327 = tpu.memref_slice %arg14[%dma_wait3A_320, %dma_wait3A_326] : memref<3x4096xf32, #tpu.memory_space<vmem>> -> memref<1x4096xf32, #tpu.memory_space<vmem>>
    %dma_wait3A_328 = tpu.memref_squeeze %dma_wait3A_327 : memref<1x4096xf32, #tpu.memory_space<vmem>> -> memref<4096xf32, #tpu.memory_space<vmem>>
    tpu.wait_dma2 semaphore(%arg22 : memref<!tpu.dma_semaphore, #tpu.memory_space<semaphore_mem>>) src(%dma_wait3A_328 : memref<4096xf32, #tpu.memory_space<vmem>>) dst(%dma_wait3A_325 : memref<4096xf32, #tpu.memory_space<hbm>>)
    %mul3A_329 = arith.constant 131 : i32
    %mul3A_330 = arith.muli %add3A, %mul3A_329 : i32
    %add3A_331 = arith.constant 2 : i32
    %add3A_332 = arith.addi %mul3A_330, %add3A_331 : i32
    %mul3A_333 = arith.constant 1024 : i32
    %mul3A_334 = arith.muli %add3A_332, %mul3A_333 : i32
    %add3A_335 = arith.addi %mul3A_334, %mul3A_32 : i32
    %mul3A_336 = arith.constant 32 : i32
    %mul3A_337 = arith.muli %add3A_335, %mul3A_336 : i32
    %dma_wait3A_338 = arith.constant 2 : i32
    %dma_wait3A_339 = arith.constant 0 : i32
    %dma_wait3A_340 = tpu.memref_slice %arg14[%dma_wait3A_338, %dma_wait3A_339] : memref<3x4096xf32, #tpu.memory_space<vmem>> -> memref<1x4096xf32, #tpu.memory_space<vmem>>
    %dma_wait3A_341 = tpu.memref_squeeze %dma_wait3A_340 : memref<1x4096xf32, #tpu.memory_space<vmem>> -> memref<4096xf32, #tpu.memory_space<vmem>>
    %dma_wait3A_342 = tpu.memref_slice %arg7[%mul3A_337] : memref<17170432xf32, #tpu.memory_space<hbm>> -> memref<4096xf32, #tpu.memory_space<hbm>>
    %dma_wait3A_343 = tpu.memref_slice %arg7[%mul3A_337] : memref<17170432xf32, #tpu.memory_space<hbm>> -> memref<4096xf32, #tpu.memory_space<hbm>>
    %dma_wait3A_344 = arith.constant 0 : i32
    %dma_wait3A_345 = tpu.memref_slice %arg14[%dma_wait3A_338, %dma_wait3A_344] : memref<3x4096xf32, #tpu.memory_space<vmem>> -> memref<1x4096xf32, #tpu.memory_space<vmem>>
    %dma_wait3A_346 = tpu.memref_squeeze %dma_wait3A_345 : memref<1x4096xf32, #tpu.memory_space<vmem>> -> memref<4096xf32, #tpu.memory_space<vmem>>
    tpu.wait_dma2 semaphore(%arg22 : memref<!tpu.dma_semaphore, #tpu.memory_space<semaphore_mem>>) src(%dma_wait3A_346 : memref<4096xf32, #tpu.memory_space<vmem>>) dst(%dma_wait3A_343 : memref<4096xf32, #tpu.memory_space<hbm>>)
    return
  }
}

</mosaic_0001>

<sc_bundles>
// kernel: kernel.3.cloned.1.call-start
scs
__scs_entry_jumppad:
0x0: {  	(pc) =	sbr.rel $0x88, $3  }
0x1: {  	(tag) =	ssettag $0x0;
	lr =	simm.s32 $0x1  }
0x2: {  	[smem:$0x3F9E] =	sst lr;
	_ =	strace $0xD0000000  }
0x3: {  	_ = 	snop  }
0x4: {  	_ = 	snop  }
0x5: {  	_ = 	snop  }
0x6: {  	_ = 	snop  }
0x7: {  	_ = 	snop  }
__scs_overlays_trampoline_lowered:
0x8: {  	[smem:$0x3FAD] =	sst s0  }
0x9: {  	[smem:$0x3FAE] =	sst s1  }
0xa: {  	[smem:$0x3FAF] =	sst s2  }
0xb: {  	[smem:$0x3FB0] =	sst s3  }
0xc: {  	[smem:$0x3FB1] =	sst s4  }
0xd: {  	[smem:$0x3FB2] =	sst s5  }
0xe: {  	[smem:$0x3FB3] =	sst s6  }
0xf: {  	[smem:$0x3FB4] =	sst s7  }
0x10: {  	[smem:$0x3FB5] =	sst s8  }
0x11: {  	[smem:$0x3FB6] =	sst s9;
	s0 =	simm.s32 @!p0 $0x0  }
0x12: {  	s1 =	sld [smem:$0x3F9C];
	s0 =	simm.s32 @p0 $0x1  }
0x13: {  	[smem:$0x3FB7] =	sst s0;
	s0 =	simm.s32 @!p1 $0x0  }
0x14: {  	s2 =	sld [smem:$0x3F9B];
	s0 =	simm.s32 @p1 $0x1  }
0x15: {  	[smem:$0x3FB8] =	sst s0;
	s0 =	simm.s32 @!p2 $0x0  }
0x16: {  	s3 =	sld [smem:$0x3FDB];
	s0 =	simm.s32 @p2 $0x1  }
0x17: {  	s4 =	simm.s32 $0x1BF5;
	[smem:$0x3FBA] =	sst s0  }
0x18: {  	s0 =	sld [smem:$0x3F9D];
	_ =	swait.ge [sflag:s4], $0x0  }
0x19: {  	s7 =	sld [smem:$0x3F9E]  }
0x1a: {  	s8 =	sadd.s32 $0xFFFFE003, lr  }
0x1b: {  	s9 =	sadd.s32 $0xFFFFFEF7, lr;
	s5 =	simm.s32 $0xFFFFFFFF;
	p2 =	slt.u32 s8, $0xFFFFF086  }
0x1c: {  	p1 =	slt.u32 s9, $0xF7A;
	s5 =	simm.s32 @!p2 $0x0  }
0x1d: {  	s5 =	simm.s32 @p1 $0x1;
	p0 =	seq.s32 s7, s2  }
0x1e: {  	s7 =	smul.u32 @!p0 $0xF7A, s2;
	p2 =	seq.s32 @!p0 s5, $0x0  }
0x1f: {  	s9 =	smul.u32 $0xF7A, s1;
	s8 =	simm.s32 @!p0 $0x1BF5;
	p2 =	por !p2, p0  }
0x20: {  	[sflag:s8] =	ssyncset.s32 @!p0 $0xFFFFF086;
	s6 =	sadd.s32 @!p0 s3, s7;
	s7 =	simm.s32 @!p0 $0x108  }
0x21: {  	s3 =	sadd.s32 s3, s9;
	s6 =	sadd.s32 @!p0 $0x88, s6;
	s7 =	simm.s32 @p2 $0x1082  }
0x22: {  	[simem:s7], [sflag:s8] =	dma.local @!p0 [hbm:s6], $0xF7A  }
0x23: {  	s9 =	sor.u32 $0xD0000000, s2;
	s6 =	simm.s32 $0x108;
	_ =	swait.ge @!p0 [sflag:s8], $0x0  }
0x24: {  	s3 =	sadd.s32 $0x88, s3;
	s6 =	simm.s32 @!p1 $0x1082;
	[sflag:s4] =	ssyncset.s32 $0xFFFFF086  }
0x25: {  	[simem:s6], [sflag:s4] =	dma.local [hbm:s3], $0xF7A  }
0x26: {  	[smem:$0x3F9E] =	sst s1;
	(tag) =	ssettag s2;
	_ =	strace s9  }
0x27: {  	s1 =	sld [smem:$0x3FAE]  }
0x28: {  	s2 =	sld [smem:$0x3FAF]  }
0x29: {  	s4 =	sld [smem:$0x3FB1]  }
0x2a: {  	p0 =	seq.s32 s5, $0x0;
	s5 =	sld [smem:$0x3FB2]  }
0x2b: {  	s6 =	sld [smem:$0x3FB3]  }
0x2c: {  	s7 =	sld [smem:$0x3FB4]  }
0x2d: {  	s3 =	simm.s32 $0x108;
	s8 =	sld [smem:$0x3FB5]  }
0x2e: {  	s3 =	simm.s32 @!p0 $0x1082;
	s9 =	sld [smem:$0x3FB6]  }
0x2f: {  	lr =	sadd.s32 s0, s3;
	s0 =	sld [smem:$0x3FAD]  }
0x30: {  	s3 =	sld [smem:$0x3FB0]  }
0x31: {  	[smem:$0x3FB9] =	sst s10  }
0x32: {  	s10 =	sld [smem:$0x3FB7];
	_ =	sdelay $0x3  }
0x33: {  	p0 =	seq.s32 s10, $0x1;
	s10 =	sld [smem:$0x3FB9];
	_ =	sdelay $0x3  }
0x34: {  	[smem:$0x3FB9] =	sst s10  }
0x35: {  	s10 =	sld [smem:$0x3FB8];
	_ =	sdelay $0x3  }
0x36: {  	p1 =	seq.s32 s10, $0x1;
	s10 =	sld [smem:$0x3FB9];
	_ =	sdelay $0x3  }
0x37: {  	[smem:$0x3FB9] =	sst s10  }
0x38: {  	s10 =	sld [smem:$0x3FBA]  }
0x39: {  	_ = 	snop;
	(pc) =	sbr.ind lr, $3  }
0x3a: {  	_ = 	snop  }
0x3b: {  	_ = 	snop  }
0x3c: {  	p2 =	seq.s32 s10, $0x1;
	s10 =	sld [smem:$0x3FB9]  }
0x3d: {  	_ =	shalt  }
0x3e: {  	_ =	shalt  }
0x3f: {  	_ =	shalt  }
0x40: {  	_ =	shalt  }
0x41: {  	_ =	shalt  }
0x42: {  	_ =	shalt  }
0x43: {  	_ =	shalt  }
0x44: {  	_ =	shalt  }
0x45: {  	_ =	shalt  }
0x46: {  	_ =	shalt  }
0x47: {  	_ =	shalt  }
0x48: {  	_ =	shalt  }
0x49: {  	_ =	shalt  }
0x4a: {  	_ =	shalt  }
0x4b: {  	_ =	shalt  }
0x4c: {  	_ =	shalt  }
0x4d: {  	_ =	shalt  }
0x4e: {  	_ =	shalt  }
0x4f: {  	_ =	shalt  }
0x50: {  	_ =	shalt  }
0x51: {  	_ =	shalt  }
0x52: {  	_ =	shalt  }
0x53: {  	_ =	shalt  }
0x54: {  	_ =	shalt  }
0x55: {  	_ =	shalt  }
0x56: {  	_ =	shalt  }
0x57: {  	_ =	shalt  }
0x58: {  	_ =	shalt  }
0x59: {  	_ =	shalt  }
0x5a: {  	_ =	shalt  }
0x5b: {  	_ =	shalt  }
0x5c: {  	_ =	shalt  }
0x5d: {  	_ =	shalt  }
0x5e: {  	_ =	shalt  }
0x5f: {  	_ =	shalt  }
0x60: {  	_ =	shalt  }
0x61: {  	_ =	shalt  }
0x62: {  	_ =	shalt  }
0x63: {  	_ =	shalt  }
0x64: {  	_ =	shalt  }
0x65: {  	_ =	shalt  }
0x66: {  	_ =	shalt  }
0x67: {  	_ =	shalt  }
0x68: {  	_ =	shalt  }
0x69: {  	_ =	shalt  }
0x6a: {  	_ =	shalt  }
0x6b: {  	_ =	shalt  }
0x6c: {  	_ =	shalt  }
0x6d: {  	_ =	shalt  }
0x6e: {  	_ =	shalt  }
0x6f: {  	_ =	shalt  }
0x70: {  	_ =	shalt  }
0x71: {  	_ =	shalt  }
0x72: {  	_ =	shalt  }
0x73: {  	_ =	shalt  }
0x74: {  	_ =	shalt  }
0x75: {  	_ =	shalt  }
0x76: {  	_ =	shalt  }
0x77: {  	_ =	shalt  }
0x78: {  	_ =	shalt  }
0x79: {  	_ =	shalt  }
0x7a: {  	_ =	shalt  }
0x7b: {  	_ =	shalt  }
0x7c: {  	_ =	shalt  }
0x7d: {  	_ =	shalt  }
0x7e: {  	_ =	shalt  }
0x7f: {  	_ =	shalt  }
0x80: {  	_ =	shalt  }
0x81: {  	_ =	shalt  }
0x82: {  	_ =	shalt  }
0x83: {  	_ =	shalt  }
0x84: {  	_ =	shalt  }
0x85: {  	_ =	shalt  }
0x86: {  	_ =	shalt  }
0x87: {  	_ =	shalt  }
.Lfunc_end0:
.L_simem_size_0:
called_computation.1_lowered:
.L_overlay_start_0:
0x88: {  	s2 =	sld [smem:$0x3FD9]  }
0x89: {  	s3 =	sld [smem:$0x3FFE];
	_ =	sdelay $0x1  }
0x8a: {  	s1 =	srdreg.scid  }
0x8b: {  	s0 =	sand.u32 $0x1, s1  }
0x8c: {  	s17 =	sshll.u32 s0, $0xA;
	s2 =	sadd.s32 s3, s2  }
0x8d: {  	s2 =	sadd.s32 s2, s17  }
0x8e: {  	[smem:$0x3FC5] =	sst s2  }
0x8f: {  	_ = 	snop  }
0x90: {  	s2 =	sld [smem:$0x3FD0];
	(tm) =	ssettm $0x1  }
0x91: {  	s18 =	sld [smem:$0x3FFB];
	_ =	sdelay $0x3  }
0x92: {  	_ =	strace s18  }
0x93: {  	s3 =	sld [smem:$0x3FFC];
	_ =	sdelay $0x3  }
0x94: {  	_ =	strace s3  }
0x95: {  	s3 =	sld [smem:$0x3FFD];
	_ =	sdelay $0x3  }
0x96: {  	_ =	strace s3  }
0x97: {  	_ =	strace $0x8FFFFFFF  }
0x98: {  	s19 =	sld [smem:$0x3FDB];
	_ =	sdelay $0x1  }
0x99: {  	s4 =	simm.s32 $_scs_section_size  }
0x9a: {  	s5 =	simm.s32 $_size__tile_overlayer_lowered;
	s6 =	simm.s32 $_tile_overlayer_lowered  }
0x9b: {  	s22 =	simm.s32 $0x1BFF;
	s21 =	sshll.u32 s6, $0x1;
	s3 =	sadd.s32 s4, s19  }
0x9c: {  	s7 =	simm.s32 $0x0;
	s20 =	sshll.u32 s5, $0x1;
	s5 =	sadd.s32 s21, s3  }
0x9d: {  	[timem:s7], [sflag:s22] =	dma.local [hbm:s5], s20  }
0x9e: {  	_ =	swait.ge [sflag:s22], s20  }
0x9f: {  	s4 =	ssub.s32 $0x0, s20;
	[sflag:s22] =	ssyncset.done $0x0  }
0xa0: {  	[sflag:s22] =	ssyncadd.s32 s4;
	_ =	sdelay $0x1  }
0xa1: {  	s23 =	simm.s32 $0x1B8B  }
0xa2: {  	_ =	swait.ge [sflag:s23], $0x1  }
0xa3: {  	[sflag:s23] =	ssyncset.done $0x0  }
0xa4: {  	s25 =	simm.s32 $0x1B8E;
	s24 =	sld [smem:$0x3FFE];
	[sflag:s23] =	ssyncadd.s32 $0xFFFFFFFF  }
0xa5: {  	s26 =	simm.s32 $execute0_lowered;
	[smem:$0x3FD2] =	sst s25  }
0xa6: {  	s5 =	sshll.u32 s26, $0x1;
	_ =	strace $0x80000046;
	[dreg:$0x1] =	wrdreg $0xFFFFFFFF  }
0xa7: {  	s28 =	simm.s32 $_size_execute0_lowered;
	s3 =	sadd.s32 s3, s5;
	[dreg:$0x0] =	wrdreg $0x0  }
0xa8: {  	s5 =	sshll.u32 s28, $0x1;
	[dreg:$0x2] =	wrdreg s3  }
0xa9: {  	[dreg:$0x3] =	wrdreg s5  }
0xaa: {  	[dreg:$0x4] =	wrdreg $0xC0  }
0xab: {  	_ =	task [dreg:s7], $0x5FFFF  }
0xac: {  	[dreg:$0x1] =	wrdreg $0xFFFFFFFF  }
0xad: {  	[dreg:$0x0] =	wrdreg $0x60  }
0xae: {  	[dreg:$0x2] =	wrdreg s24  }
0xaf: {  	[dreg:$0x3] =	wrdreg s2  }
0xb0: {  	[dreg:$0x4] =	wrdreg $0x143700  }
0xb1: {  	[dreg:$0x5] =	wrdreg $0x9  }
0xb2: {  	_ =	task.clear_ibuf [dreg:s7], $0x6FFFF;
	_ =	strace $0x90000046  }
0xb3: {  	s29 =	simm.s32 $0x9;
	_ =	strace $0x80000048  }
0xb4: {  	_ =	swait.ge [sflag:s29], $0x1  }
0xb5: {  	[sflag:s29] =	ssyncadd.s32 $0xFFFFFFFF  }
0xb6: {  	_ =	strace $0x90000048  }
0xb7: {  	_ =	sfence  }
0xb8: {  	s30 =	sld [smem:$0x0];
	_ =	sdelay $0x2  }
0xb9: {  	s31 =	sshll.u32 s1, $0xD;
	s1 =	sshrl.u32 s1, $0x2  }
0xba: {  	s3 =	sand.u32 $0x4000, s31;
	s1 =	sadd.s32 s1, s30  }
0xbb: {  	s0 =	sor.u32 s3, s0;
	s1 =	sshll.u32 s1, $0x11  }
0xbc: {  	s0 =	sor.u32 s1, s0  }
0xbd: {  	s0 =	sadd.s32 $0x8F2B, s0  }
0xbe: {  	[sflag:s0] =	ssyncadd.remote.s32 $0x1  }
0xbf: {  	_ =	sfence.sel $0xFFFF  }
0xc0: {  	[dreg:$0x0] =	wrdreg $0xFFFFFFFF;
	(pc) =	sbr.abs _section_cstart, $3  }
0xc1: {  	[dreg:$0x1] =	wrdreg $0xFFFFFFFF  }
0xc2: {  	_ =	task.clear_ibuf [dreg:s7], $0x2FFFF;
	_ =	strace $0x9FFFFFFF  }
0xc3: {  	(tm) =	ssettm $0x7FFFFFFF  }
tec
execute0_lowered:
.L_overlay_start_1:
0x0: {  	(tag) =	ssettag $0x1  }
0x1: {  	s0 =	rddreg [dreg:$0x0]  }
0x2: {  	s17 =	rddreg [dreg:$0x1]  }
0x3: {  	s1 =	rddreg [dreg:$0x2];
	s2 =	srdreg.scid  }
0x4: {  	s12 =	stileid.u32;
	s3 =	simm.s32 $0x0;
	s2 =	sand.u32 $0x1, s2  }
0x5: {  	s6 =	sshrl.u32 s12, $0x3;
	[smem:$0x7FF] =	sst s3;
	s8 =	sadd.s32 $0x1800, s0  }
0x6: {  	s10 =	sadd.s32 $0x200, s0;
	s12 =	sand.u32 $0x7, s12;
	s28 =	sadd.s32 $0x800, s17  }
0x7: {  	s29 =	sadd.s32 $0xA00, s17;
	s30 =	sadd.s32 $0xC00, s17;
	s31 =	sadd.s32 $0xE00, s17  }
0x8: {  	s4 =	sshll.u32 s2, $0x1;
	_ =	strace $0x80000047;
	s2 =	ssub.s32 $0x2, s2  }
0x9: {  	s14 =	sshll.u32 s12, $0x7;
	s22 =	sshll.u32 s12, $0x4;
	s7 =	sor.u32 s6, s4  }
0xa: {  	s5 =	sshrl.u32 s2, $0x1;
	s4 =	sadd.s32 $0x4800, s0;
	[dreg:$0x4] =	wrdreg s22  }
0xb: {  	s6 =	sshll.u32 s6, $0xF;
	s9 =	sshll.u32 s7, $0xA;
	s13 =	smul.u32 $0xC00, s7  }
0xc: {  	s2 =	ssub.s32 s2, s5;
	s11 =	sadd.s32 s9, s0;
	s9 =	sor.u32 s14, s9  }
0xd: {  	s15 =	sadd.s32 s8, s13;
	s23 =	sadd.s32 $0x400, s13;
	s24 =	sadd.s32 $0x800, s13  }
0xe: {  	s25 =	sadd.s32 $0x800, s11;
	s26 =	sshrl.u32 s9, $0x3;
	[dreg:$0x5] =	wrdreg s15  }
0xf: {  	s11 =	smul.u32 $0x20C00, s7;
	s16 =	sadd.s32 s8, s23;
	[dreg:$0x8] =	wrdreg s25  }
0x10: {  	s8 =	sadd.s32 s8, s24;
	s0 =	sadd.s32 s0, s26;
	[dreg:$0x6] =	wrdreg s16  }
0x11: {  	s9 =	sor.u32 s14, s23;
	s15 =	sor.u32 s14, s24;
	[dreg:$0x7] =	wrdreg s8  }
0x12: {  	s23 =	sshll.u32 s12, $0xC;
	s25 =	sshllo.u32 s12, $0x4;
	[dreg:$0x9] =	wrdreg s0  }
0x13: {  	s26 =	smax.u32 s2, $0x1;
	s12 =	simm.s32 $0xA2E0;
	[dreg:$0x13] =	wrdreg s25  }
0x14: {  	s8 =	sor.u32 s14, s13;
	[dreg:$0x14] =	wrdreg s26;
	s26 =	sadd.s32 $0x600, s17  }
0x15: {  	s0 =	sshrl.u32 s8, $0x3;
	s8 =	sshrl.u32 s9, $0x3;
	s9 =	sor.u32 s14, s11  }
0x16: {  	s11 =	simm.s32 $0x10370;
	s14 =	simm.s32 $0x92E0;
	s0 =	sadd.s32 s10, s0  }
0x17: {  	s13 =	sadd.s32 s10, s8;
	s9 =	sshll.u32 s9, $0x2;
	[dreg:$0xa] =	wrdreg s0  }
0x18: {  	[dreg:$0xb] =	wrdreg s13;
	s13 =	sshll.u32 s7, $0x7;
	s0 =	sshrl.u32 s15, $0x3  }
0x19: {  	s19 =	sadd.s32 $0x1000, s9;
	s20 =	sadd.s32 s17, s9;
	s7 =	smul.u32 $0x83, s7  }
0x1a: {  	s21 =	sadd.s32 $0x2000, s9;
	s15 =	simm.s32 $0x2;
	s16 =	sor.u32 s22, s13  }
0x1b: {  	s0 =	sadd.s32 s10, s0;
	[dreg:$0xe] =	wrdreg s20;
	s22 =	sadd.s32 s6, s1  }
0x1c: {  	s1 =	simm.s32 $0x18370;
	s6 =	simm.s32 $0x1B370;
	s10 =	simm.s32 $0x5  }
0x1d: {  	s8 =	sshll.u32 s16, $0xA;
	[dreg:$0xc] =	wrdreg s0;
	s0 =	sand.u32 $0x1FFFFE00, s19  }
0x1e: {  	[dreg:$0x10] =	wrdreg s22;
	s24 =	sadd.s32 s23, s22;
	s22 =	sadd.s32 $0x200, s17  }
0x1f: {  	s23 =	sadd.s32 $0x400, s17;
	s16 =	simm.s32 $0x3;
	s18 =	sadd.s32 s4, s8  }
0x20: {  	s0 =	sadd.s32 s17, s0;
	[dreg:$0x12] =	wrdreg s24;
	s24 =	smov.u32 s17  }
0x21: {  	s8 =	simm.s32 $0x0;
	[dreg:$0xf] =	wrdreg s0;
	s0 =	sand.u32 $0x1FFFFE00, s21  }
0x22: {  	v0 =	vlaneseq.u32;
	[dreg:$0xd] =	wrdreg s18;
	s21 =	sadd.s32 $0x3, s7;
	s0 =	sadd.s32 s17, s0  }
0x23: {  	v1 =	vor.u32 $0x10, v0;
	s7 =	simm.s32 $0x12370;
	[dreg:$0x11] =	wrdreg s0;
	s0 =	simm.s32 $0x15370  }
.LBB2_1:
0x24: {  	s2 =	rddreg [dreg:$0x5]  }
0x25: {  	[tilespmem:s0], [sflag:$0x1] =	stream.linear.gather [hbm4b:s2+s3], $0x2000, $0x38;
	[tilespmem:$0x1E370] =	vst v63  }
0x26: {  	s5 =	rddreg [dreg:$0x6]  }
0x27: {  	[tilespmem:s1], [sflag:$0x1] =	stream.linear.gather [hbm4b:s5+s3], $0x2000, $0x38;
	[tilespmem:$0x1E370] =	vst v63  }
0x28: {  	s9 =	rddreg [dreg:$0x7]  }
0x29: {  	[tilespmem:s6], [sflag:$0x1] =	stream.linear.gather [hbm4b:s9+s3], $0x2000, $0x38;
	[tilespmem:$0x1E370] =	vst v63  }
0x2a: {  	s17 =	rddreg [dreg:$0x8];
	s5 =	simm.s32 $0xE2E0  }
0x2b: {  	[tilespmem:s5], [sflag:$0x1] =	stream.linear.gather [hbm4b:s17+s3], $0x2000, $0x38;
	[tilespmem:$0x1E370] =	vst v63  }
0x2c: {  	s18 =	rddreg [dreg:$0x9];
	s19 =	simm.s32 $0x102E0  }
0x2d: {  	[tilespmem:s19], [sflag:$0x1] =	stream.linear.gather [hbm4b:s18+s3], $0x80, $0x38;
	[tilespmem:$0x1E370] =	vst v63  }
0x2e: {  	s20 =	rddreg [dreg:$0xa];
	s25 =	simm.s32 $0x130  }
0x2f: {  	[tilespmem:s25], [sflag:$0x1] =	stream.linear.gather [hbm4b:s20+s3], $0x80, $0x38;
	[tilespmem:$0x1E370] =	vst v63  }
0x30: {  	s9 =	rddreg [dreg:$0xb];
	s17 =	simm.s32 $0x1C0  }
0x31: {  	[tilespmem:s17], [sflag:$0x1] =	stream.linear.gather [hbm4b:s9+s3], $0x80, $0x38;
	[tilespmem:$0x1E370] =	vst v63  }
0x32: {  	s18 =	rddreg [dreg:$0xc];
	s19 =	simm.s32 $0x250  }
0x33: {  	[tilespmem:s19], [sflag:$0x1] =	stream.linear.gather [hbm4b:s18+s3], $0x80, $0x38;
	[tilespmem:$0x1E370] =	vst v63  }
0x34: {  	s20 =	rddreg [dreg:$0xd];
	s25 =	simm.s32 $0x1  }
0x35: {  	[tilespmem:s7], [sflag:$0x5] =	stream.linear.gather [hbm4b:s20+s3], $0x2000, $0x38;
	[tilespmem:$0x1E370] =	vst v63  }
0x36: {  	_ =	swait.ge [sflag:s25], $0x2000  }
0x37: {  	[sflag:s25] =	ssyncset.done $0x0  }
0x38: {  	[sflag:s25] =	ssyncadd.s32 $0xFFFFE000  }
0x39: {  	_ =	swait.ge [sflag:s25], $0x2000  }
0x3a: {  	[sflag:s25] =	ssyncset.done $0x0  }
0x3b: {  	[sflag:s25] =	ssyncadd.s32 $0xFFFFE000  }
0x3c: {  	_ =	swait.ge [sflag:s25], $0x2000  }
0x3d: {  	[sflag:s25] =	ssyncset.done $0x0  }
0x3e: {  	[sflag:s25] =	ssyncadd.s32 $0xFFFFE000  }
0x3f: {  	_ =	swait.ge [sflag:s25], $0x2000  }
0x40: {  	[sflag:s25] =	ssyncset.done $0x0  }
0x41: {  	[sflag:s25] =	ssyncadd.s32 $0xFFFFE000  }
0x42: {  	_ =	swait.ge [sflag:s25], $0x80  }
0x43: {  	[sflag:s25] =	ssyncset.done $0x0  }
0x44: {  	[sflag:s25] =	ssyncadd.s32 $0xFFFFFF80  }
0x45: {  	_ =	swait.ge [sflag:s25], $0x80  }
0x46: {  	[sflag:s25] =	ssyncset.done $0x0  }
0x47: {  	[sflag:s25] =	ssyncadd.s32 $0xFFFFFF80  }
0x48: {  	_ =	swait.ge [sflag:s25], $0x80  }
0x49: {  	[sflag:s25] =	ssyncset.done $0x0  }
0x4a: {  	[sflag:s25] =	ssyncadd.s32 $0xFFFFFF80  }
0x4b: {  	_ =	swait.ge [sflag:s25], $0x80  }
0x4c: {  	[sflag:s25] =	ssyncset.done $0x0  }
0x4d: {  	s17 =	simm.s32 $0x15380;
	[sflag:s25] =	ssyncadd.s32 $0xFFFFFF80  }
0x4e: {  	v2 =	vld [tilespmem:s17+$0xFFFFFFF0]  }
0x4f: {  	v3 =	vld [tilespmem:s17+$0x0];
	_ =	sdelay $0x4  }
0x50: {  	v4 =	vshrl.u32 v2, $0x10;
	v5 =	vshrl.u32 v3, $0x10  }
0x51: {  	v4 =	vand.u32 $0x1, v4;
	v5 =	vand.u32 $0x1, v5  }
0x52: {  	v2 =	vadd.s32 v4, v2;
	v3 =	vadd.s32 v5, v3  }
0x53: {  	v2 =	vadd.s32 $0x7FFF, v2;
	v3 =	vadd.s32 $0x7FFF, v3  }
0x54: {  	v2 =	vand.u32 $0xFFFF0000, v2;
	v3 =	vand.u32 $0xFFFF0000, v3  }
0x55: {  	s20 =	simm.s32 $0x0;
	v2 =	vpack.i.f32.bf16 v3, v2  }
0x56: {  	s18 =	simm.s32 $0x18380;
	[tilespmem:s20+$0x17370] =	vst v2  }
0x57: {  	v2 =	vld [tilespmem:s18+$0x0]  }
0x58: {  	v3 =	vld [tilespmem:s18+$0xFFFFFFF0];
	_ =	sdelay $0x4  }
0x59: {  	v4 =	vshrl.u32 v2, $0x10;
	v5 =	vshrl.u32 v3, $0x10  }
0x5a: {  	v4 =	vand.u32 $0x1, v4;
	v5 =	vand.u32 $0x1, v5  }
0x5b: {  	v2 =	vadd.s32 v4, v2;
	v3 =	vadd.s32 v5, v3  }
0x5c: {  	v2 =	vadd.s32 $0x7FFF, v2;
	v3 =	vadd.s32 $0x7FFF, v3  }
0x5d: {  	v2 =	vand.u32 $0xFFFF0000, v2;
	v3 =	vand.u32 $0xFFFF0000, v3  }
0x5e: {  	v2 =	vpack.i.f32.bf16 v2, v3  }
0x5f: {  	s19 =	simm.s32 $0x1B380;
	[tilespmem:s20+$0x1A370] =	vst v2  }
0x60: {  	v2 =	vld [tilespmem:s19+$0xFFFFFFF0]  }
0x61: {  	v3 =	vld [tilespmem:s19+$0x0];
	_ =	sdelay $0x3  }
0x62: {  	v4 =	vshrl.u32 v2, $0x10  }
0x63: {  	v5 =	vshrl.u32 v3, $0x10;
	v4 =	vand.u32 $0x1, v4  }
0x64: {  	v2 =	vadd.s32 v4, v2;
	v4 =	vand.u32 $0x1, v5  }
0x65: {  	v2 =	vadd.s32 $0x7FFF, v2;
	v3 =	vadd.s32 v4, v3  }
0x66: {  	s25 =	simm.s32 $0x40;
	v2 =	vand.u32 $0xFFFF0000, v2;
	v3 =	vadd.s32 $0x7FFF, v3  }
.LBB2_2:
0x67: {  	v3 =	vand.u32 $0xFFFF0000, v3;
	s17 =	sadd.s32 $0x20, s17;
	s18 =	sadd.s32 $0x20, s18;
	s19 =	sadd.s32 $0x20, s19  }
0x68: {  	p0 =	sne.s32 s25, $0x3FC0;
	s2 =	smov.u32 s25;
	s25 =	sadd.s32 $0x40, s25;
	v2 =	vpack.i.f32.bf16 v3, v2  }
0x69: {  	[tilespmem:s20+$0x1D370] =	vst v2  }
0x6a: {  	v2 =	vld [tilespmem:s17+$0xFFFFFFF0]  }
0x6b: {  	v3 =	vld [tilespmem:s17+$0x0];
	_ =	sdelay $0x3  }
0x6c: {  	v4 =	vshrl.u32 v2, $0x10  }
0x6d: {  	v4 =	vand.u32 $0x1, v4;
	v5 =	vshrl.u32 v3, $0x10  }
0x6e: {  	v2 =	vadd.s32 v4, v2;
	v4 =	vand.u32 $0x1, v5  }
0x6f: {  	v2 =	vadd.s32 $0x7FFF, v2;
	v3 =	vadd.s32 v4, v3  }
0x70: {  	v3 =	vadd.s32 $0x7FFF, v3  }
0x71: {  	v2 =	vand.u32 $0xFFFF0000, v2;
	v3 =	vand.u32 $0xFFFF0000, v3  }
0x72: {  	s20 =	sshra.s32 s2, $0x2;
	v2 =	vpack.i.f32.bf16 v3, v2  }
0x73: {  	[tilespmem:s20+$0x17370] =	vst v2  }
0x74: {  	v2 =	vld [tilespmem:s18+$0x0]  }
0x75: {  	v3 =	vld [tilespmem:s18+$0xFFFFFFF0];
	_ =	sdelay $0x3  }
0x76: {  	v4 =	vshrl.u32 v2, $0x10  }
0x77: {  	v5 =	vshrl.u32 v3, $0x10;
	v4 =	vand.u32 $0x1, v4  }
0x78: {  	v5 =	vand.u32 $0x1, v5;
	v2 =	vadd.s32 v4, v2  }
0x79: {  	v3 =	vadd.s32 v5, v3;
	v2 =	vadd.s32 $0x7FFF, v2  }
0x7a: {  	v3 =	vadd.s32 $0x7FFF, v3;
	v2 =	vand.u32 $0xFFFF0000, v2  }
0x7b: {  	v3 =	vand.u32 $0xFFFF0000, v3  }
0x7c: {  	v2 =	vpack.i.f32.bf16 v2, v3  }
0x7d: {  	[tilespmem:s20+$0x1A370] =	vst v2  }
0x7e: {  	v2 =	vld [tilespmem:s19+$0xFFFFFFF0]  }
0x7f: {  	v3 =	vld [tilespmem:s19+$0x0];
	_ =	sdelay $0x3  }
.Ltmp0:
0x80: {  	v4 =	vshrl.u32 v2, $0x10;
	(pc) =	sbr.rel @p0 .LBB2_2-.Ltmp0, $4  }
0x81: {  	v4 =	vand.u32 $0x1, v4;
	v5 =	vshrl.u32 v3, $0x10  }
0x82: {  	v2 =	vadd.s32 v4, v2;
	v4 =	vand.u32 $0x1, v5  }
0x83: {  	v2 =	vadd.s32 $0x7FFF, v2;
	v3 =	vadd.s32 v4, v3  }
0x84: {  	s9 =	simm.s32 $0x0;
	v2 =	vand.u32 $0xFFFF0000, v2;
	v3 =	vadd.s32 $0x7FFF, v3  }
.Ltmp1:
0x85: {  	(pc) =	sbr.rel .LBB2_4-.Ltmp1, $4  }
0x86: {  	_ = 	snop  }
0x87: {  	v3 =	vand.u32 $0xFFFF0000, v3  }
0x88: {  	v2 =	vpack.i.f32.bf16 v3, v2  }
0x89: {  	[dreg:$0x15] =	wrdreg s8;
	[tilespmem:s20+$0x1D370] =	vst v2  }
.LBB2_8:
0x8a: {  	v5 =	vld [tilespmem:$0x0];
	_ =	sdelay $0x4  }
0x8b: {  	v7 =	vmov s8;
	v6 =	vbroadcast v5, $0x0  }
0x8c: {  	vm0 =	vgt.s32 v7, v0  }
0x8d: {  	vm1 =	vgt.s32 v7, $0x0;
	v5 =	vsel vm0, v5, v6  }
0x8e: {  	v5 =	vnsel vm1, $0x0, v5;
	_ =	sdelay $0x2  }
0x8f: {  	s2 =	sshll.u32 s9, $0x5  }
0x90: {  	v8 =	vld [tilespmem:$0x10];
	[tilespmem:s2+$0x2E0] =	vst v5  }
0x91: {  	v9 =	vld.idx.msk [tilespmem:v5+s0+$0x0], $0xffff;
	_ =	sdelay $0x4  }
0x92: {  	v9 =	vsub.f32 v9, v4;
	_ =	sdelay $0x1  }
0x93: {  	[tilespmem:s2+$0xB2E0] =	vst v9  }
0x94: {  	v9 =	vld.idx.msk [tilespmem:v5+s1+$0x0], $0xffff;
	_ =	sdelay $0x4  }
0x95: {  	v9 =	vsub.f32 v9, v3;
	_ =	sdelay $0x1  }
0x96: {  	[tilespmem:s2+$0xC2E0] =	vst v9  }
0x97: {  	v5 =	vld.idx.msk [tilespmem:v5+s6+$0x0], $0xffff  }
0x98: {  	vm15 =	vgt.s32 v7, v1  }
0x99: {  	v6 =	vsel vm15, v8, v6  }
0x9a: {  	v6 =	vnsel vm1, $0x0, v6;
	_ =	sdelay $0x1  }
0x9b: {  	v5 =	vsub.f32 v5, v2  }
0x9c: {  	[tilespmem:s2+$0x2F0] =	vst v6  }
0x9d: {  	[tilespmem:s2+$0xD2E0] =	vst v5  }
0x9e: {  	v5 =	vld.idx.msk [tilespmem:v6+s0+$0x0], $0xffff;
	_ =	sdelay $0x4  }
0x9f: {  	v63 =	vsub.f32 v5, v4;
	_ =	sdelay $0x1  }
0xa0: {  	[tilespmem:s2+$0xB2F0] =	vst v63  }
0xa1: {  	v4 =	vld.idx.msk [tilespmem:v6+s1+$0x0], $0xffff;
	_ =	sdelay $0x4  }
0xa2: {  	v3 =	vsub.f32 v4, v3;
	_ =	sdelay $0x1  }
0xa3: {  	[tilespmem:s2+$0xC2F0] =	vst v3  }
0xa4: {  	v3 =	vld.idx.msk [tilespmem:v6+s6+$0x0], $0xffff  }
0xa5: {  	s9 =	sadd.s32 $0x1, s9  }
0xa6: {  	p0 =	sne.s32 s9, $0x80  }
.Ltmp2:
0xa7: {  	_ = 	snop;
	(pc) =	sbr.rel @!p0 .LBB2_9-.Ltmp2, $3  }
0xa8: {  	_ = 	snop  }
0xa9: {  	v2 =	vsub.f32 v3, v2;
	_ =	sdelay $0x1  }
0xaa: {  	[tilespmem:s2+$0xD2F0] =	vst v2  }
.LBB2_4:
0xab: {  	s2 =	sand.u32 $0x7F, s9;
	v4 =	vld.msk [tilespmem:s9+$0x130 ss:$0x0], $0xffff  }
0xac: {  	v3 =	vld.msk [tilespmem:s2+$0x1C0 ss:$0x0], $0xffff  }
0xad: {  	v2 =	vld.msk [tilespmem:s2+$0x250 ss:$0x0], $0xffff;
	_ =	sdelay $0x4  }
.Ltmp3:
0xae: {  	v5 =	vshrl.u32 v4, $0x10;
	v6 =	vshrl.u32 v3, $0x10;
	v7 =	vshrl.u32 v2, $0x10;
	(pc) =	sbr.rel .LBB2_5-.Ltmp3, $4  }
0xaf: {  	v5 =	vand.u32 $0x1, v5;
	v6 =	vand.u32 $0x1, v6;
	v7 =	vand.u32 $0x1, v7  }
0xb0: {  	v5 =	vadd.s32 v5, v4;
	v6 =	vadd.s32 v6, v3;
	v7 =	vadd.s32 v7, v2  }
0xb1: {  	s18 =	simm.s32 $0xF0;
	s20 =	simm.s32 $0x1D3B0;
	s25 =	simm.s32 $0x1A3B0;
	v5 =	vadd.s32 $0x7FFF, v5;
	v6 =	vadd.s32 $0x7FFF, v6;
	v7 =	vadd.s32 $0x7FFF, v7  }
0xb2: {  	v8 =	vld.msk [tilespmem:s9+$0x102E0 ss:$0x0], $0xffff;
	s17 =	simm.s32 $0x173B0;
	s19 =	simm.s32 $0xE360;
	s8 =	simm.s32 $0x0;
	v5 =	vand.u32 $0xFFFF0000, v5;
	v6 =	vand.u32 $0xFFFF0000, v6;
	v7 =	vand.u32 $0xFFFF0000, v7  }
.LBB2_7:
0xb3: {  	s18 =	sadd.s32 $0x100, s18  }
0xb4: {  	p0 =	sne.s32 s18, $0x20F0  }
.Ltmp4:
0xb5: {  	_ = 	snop;
	(pc) =	sbr.rel @!p0 .LBB2_8-.Ltmp4, $3  }
0xb6: {  	_ =	sdelay $0x1  }
0xb7: {  	s20 =	sadd.s32 $0x80, s20  }
0xb8: {  	s25 =	sadd.s32 $0x80, s25;
	s17 =	sadd.s32 $0x80, s17;
	s19 =	sadd.s32 $0x100, s19  }
.LBB2_5:
0xb9: {  	p0 =	sgt.s32 s8, $0x1F  }
.Ltmp5:
0xba: {  	_ = 	snop;
	(pc) =	sbr.rel @p0 .LBB2_7-.Ltmp5, $1  }
0xbb: {  	_ =	sdelay $0x3  }
0xbc: {  	v9 =	vld [tilespmem:s17+$0xFFFFFFC0]  }
0xbd: {  	v10 =	vld [tilespmem:s25+$0xFFFFFFC0];
	_ =	sdelay $0x1  }
0xbe: {  	v11 =	vld [tilespmem:s20+$0xFFFFFFC0];
	_ =	sdelay $0x2  }
0xbf: {  	v12 =	vunpack.i.l.bf16.f32 v9;
	v13 =	vunpack.i.l.bf16.f32 v10  }
0xc0: {  	v12 =	vmul.f32 v5, v12;
	v13 =	vmul.f32 v6, v13  }
0xc1: {  	v15 =	vld [tilespmem:s19+$0xFFFFFF80];
	v14 =	vunpack.i.l.bf16.f32 v11  }
0xc2: {  	v14 =	vmul.f32 v7, v14;
	v12 =	vadd.f32 v13, v12;
	_ =	sdelay $0x1  }
0xc3: {  	v12 =	vadd.f32 v14, v12;
	_ =	sdelay $0x1  }
0xc4: {  	v54 =	vadd.f32 v15, v8;
	v12 =	vadd.f32 v12, v12;
	_ =	sdelay $0x1  }
0xc5: {  	v12 =	vsub.f32 v54, v12;
	_ =	sdelay $0x1  }
0xc6: {  	vm0 =	vlt.f32 v12, $3.999999910e-02  }
0xc7: {  	v12 =	vmpcnt.ones.xlane vm0;
	_ =	sdelay $0x1  }
0xc8: {  	(v2sf) =	vpush v12, $0x0;
	_ =	sdelay $0x3  }
0xc9: {  	s2 =	sadd.s32 $0xFFFFFF10, s18  }
0xca: {  	v55 =	vor.u32 s2, v0;
	v9 =	vunpack.i.u.bf16.f32 v9;
	v10 =	vunpack.i.u.bf16.f32 v10  }
0xcb: {  	v9 =	vmul.f32 v5, v9;
	v10 =	vmul.f32 v6, v10;
	[tilespmem:s8+$0x0] =	vst.msk vm0, v55  }
0xcc: {  	v11 =	vunpack.i.u.bf16.f32 v11;
	v12 =	vld [tilespmem:s19+$0xFFFFFF90]  }
0xcd: {  	v11 =	vmul.f32 v7, v11;
	v9 =	vadd.f32 v10, v9;
	_ =	sdelay $0x1  }
0xce: {  	v9 =	vadd.f32 v11, v9;
	_ =	sdelay $0x1  }
0xcf: {  	v9 =	vadd.f32 v9, v9;
	v10 =	vadd.f32 v12, v8;
	_ =	sdelay $0x1  }
0xd0: {  	v9 =	vsub.f32 v10, v9  }
0xd1: {  	s5 =	sadd.s32 $0xFFFFFF20, s18;
	s2 =	spop (v2sf)  }
0xd2: {  	vm13 =	vlt.f32 v9, $3.999999910e-02;
	v9 =	vor.u32 s5, v0;
	s2 =	sadd.s32 s8, s2  }
0xd3: {  	[tilespmem:s2+$0x0] =	vst.msk vm13, v9  }
0xd4: {  	v9 =	vld [tilespmem:s17+$0xFFFFFFD0]  }
0xd5: {  	v10 =	vld [tilespmem:s25+$0xFFFFFFD0];
	_ =	sdelay $0x1  }
0xd6: {  	v11 =	vld [tilespmem:s20+$0xFFFFFFD0];
	_ =	sdelay $0x2  }
0xd7: {  	v56 =	vmpcnt.ones.xlane vm13;
	v57 =	vunpack.i.l.bf16.f32 v9;
	v58 =	vunpack.i.l.bf16.f32 v10  }
0xd8: {  	v13 =	vmul.f32 v5, v57;
	v14 =	vmul.f32 v6, v58  }
0xd9: {  	v16 =	vld [tilespmem:s19+$0xFFFFFFA0];
	v59 =	vunpack.i.l.bf16.f32 v11  }
0xda: {  	(v2sf) =	vpush v56, $0x0;
	v60 =	vmul.f32 v7, v59;
	v13 =	vadd.f32 v14, v13;
	_ =	sdelay $0x1  }
0xdb: {  	v12 =	vadd.f32 v60, v13;
	_ =	sdelay $0x1  }
0xdc: {  	v61 =	vadd.f32 v16, v8;
	v12 =	vadd.f32 v12, v12;
	_ =	sdelay $0x1  }
0xdd: {  	v12 =	vsub.f32 v61, v12;
	_ =	sdelay $0x1  }
0xde: {  	vm14 =	vlt.f32 v12, $3.999999910e-02  }
0xdf: {  	v12 =	vmpcnt.ones.xlane vm14;
	_ =	sdelay $0x1  }
0xe0: {  	(v2sf) =	vpush v12, $0x0;
	_ =	sdelay $0x3  }
0xe1: {  	s8 =	sadd.s32 $0xFFFFFF30, s18;
	s5 =	spop (v2sf)  }
0xe2: {  	v62 =	vor.u32 s8, v0;
	v9 =	vunpack.i.u.bf16.f32 v9;
	v10 =	vunpack.i.u.bf16.f32 v10;
	s2 =	sadd.s32 s2, s5  }
0xe3: {  	v9 =	vmul.f32 v5, v9;
	v10 =	vmul.f32 v6, v10;
	[tilespmem:s2+$0x0] =	vst.msk vm14, v62  }
0xe4: {  	v11 =	vunpack.i.u.bf16.f32 v11;
	v12 =	vld [tilespmem:s19+$0xFFFFFFB0]  }
0xe5: {  	v11 =	vmul.f32 v7, v11;
	v9 =	vadd.f32 v10, v9;
	_ =	sdelay $0x1  }
0xe6: {  	v9 =	vadd.f32 v11, v9;
	_ =	sdelay $0x1  }
0xe7: {  	v9 =	vadd.f32 v9, v9;
	v10 =	vadd.f32 v12, v8;
	_ =	sdelay $0x1  }
0xe8: {  	v9 =	vsub.f32 v10, v9  }
0xe9: {  	s8 =	sadd.s32 $0xFFFFFF40, s18;
	s5 =	spop (v2sf)  }
0xea: {  	vm15 =	vlt.f32 v9, $3.999999910e-02;
	v9 =	vor.u32 s8, v0;
	s2 =	sadd.s32 s2, s5  }
0xeb: {  	[tilespmem:s2+$0x0] =	vst.msk vm15, v9  }
0xec: {  	v9 =	vld [tilespmem:s17+$0xFFFFFFE0]  }
0xed: {  	v10 =	vld [tilespmem:s25+$0xFFFFFFE0];
	_ =	sdelay $0x1  }
0xee: {  	v11 =	vld [tilespmem:s20+$0xFFFFFFE0];
	_ =	sdelay $0x2  }
0xef: {  	v63 =	vmpcnt.ones.xlane vm15;
	v19 =	vunpack.i.l.bf16.f32 v9;
	v20 =	vunpack.i.l.bf16.f32 v10  }
0xf0: {  	v13 =	vmul.f32 v5, v19;
	v14 =	vmul.f32 v6, v20  }
0xf1: {  	v22 =	vld [tilespmem:s19+$0xFFFFFFC0];
	v21 =	vunpack.i.l.bf16.f32 v11  }
0xf2: {  	(v2sf) =	vpush v63, $0x0;
	v23 =	vmul.f32 v7, v21;
	v13 =	vadd.f32 v14, v13;
	_ =	sdelay $0x1  }
0xf3: {  	v12 =	vadd.f32 v23, v13;
	_ =	sdelay $0x1  }
0xf4: {  	v24 =	vadd.f32 v22, v8;
	v12 =	vadd.f32 v12, v12;
	_ =	sdelay $0x1  }
0xf5: {  	v12 =	vsub.f32 v24, v12;
	_ =	sdelay $0x1  }
0xf6: {  	vm4 =	vlt.f32 v12, $3.999999910e-02  }
0xf7: {  	v12 =	vmpcnt.ones.xlane vm4;
	_ =	sdelay $0x1  }
0xf8: {  	(v2sf) =	vpush v12, $0x0;
	_ =	sdelay $0x3  }
0xf9: {  	s8 =	sadd.s32 $0xFFFFFF50, s18;
	s5 =	spop (v2sf)  }
0xfa: {  	v25 =	vor.u32 s8, v0;
	v9 =	vunpack.i.u.bf16.f32 v9;
	v10 =	vunpack.i.u.bf16.f32 v10;
	s2 =	sadd.s32 s2, s5  }
0xfb: {  	v9 =	vmul.f32 v5, v9;
	v10 =	vmul.f32 v6, v10;
	[tilespmem:s2+$0x0] =	vst.msk vm4, v25  }
0xfc: {  	v11 =	vunpack.i.u.bf16.f32 v11;
	v12 =	vld [tilespmem:s19+$0xFFFFFFD0]  }
0xfd: {  	v11 =	vmul.f32 v7, v11;
	v9 =	vadd.f32 v10, v9;
	_ =	sdelay $0x1  }
0xfe: {  	v9 =	vadd.f32 v11, v9;
	_ =	sdelay $0x1  }
0xff: {  	v9 =	vadd.f32 v9, v9;
	v10 =	vadd.f32 v12, v8;
	_ =	sdelay $0x1  }
0x100: {  	v9 =	vsub.f32 v10, v9  }
0x101: {  	s8 =	sadd.s32 $0xFFFFFF60, s18;
	s5 =	spop (v2sf)  }
0x102: {  	vm5 =	vlt.f32 v9, $3.999999910e-02;
	v9 =	vor.u32 s8, v0;
	s2 =	sadd.s32 s2, s5  }
0x103: {  	[tilespmem:s2+$0x0] =	vst.msk vm5, v9  }
0x104: {  	v9 =	vld [tilespmem:s17+$0xFFFFFFF0]  }
0x105: {  	v10 =	vld [tilespmem:s25+$0xFFFFFFF0];
	_ =	sdelay $0x1  }
0x106: {  	v11 =	vld [tilespmem:s20+$0xFFFFFFF0];
	_ =	sdelay $0x2  }
0x107: {  	v26 =	vmpcnt.ones.xlane vm5;
	v27 =	vunpack.i.l.bf16.f32 v9;
	v28 =	vunpack.i.l.bf16.f32 v10  }
0x108: {  	v13 =	vmul.f32 v5, v27;
	v14 =	vmul.f32 v6, v28  }
0x109: {  	v30 =	vld [tilespmem:s19+$0xFFFFFFE0];
	v29 =	vunpack.i.l.bf16.f32 v11  }
0x10a: {  	(v2sf) =	vpush v26, $0x0;
	v31 =	vmul.f32 v7, v29;
	v13 =	vadd.f32 v14, v13;
	_ =	sdelay $0x1  }
0x10b: {  	v12 =	vadd.f32 v31, v13;
	_ =	sdelay $0x1  }
0x10c: {  	v32 =	vadd.f32 v30, v8;
	v12 =	vadd.f32 v12, v12;
	_ =	sdelay $0x1  }
0x10d: {  	v12 =	vsub.f32 v32, v12;
	_ =	sdelay $0x1  }
0x10e: {  	vm6 =	vlt.f32 v12, $3.999999910e-02  }
0x10f: {  	v12 =	vmpcnt.ones.xlane vm6;
	_ =	sdelay $0x1  }
0x110: {  	(v2sf) =	vpush v12, $0x0;
	_ =	sdelay $0x3  }
0x111: {  	s8 =	sadd.s32 $0xFFFFFF70, s18;
	s5 =	spop (v2sf)  }
0x112: {  	v33 =	vor.u32 s8, v0;
	v9 =	vunpack.i.u.bf16.f32 v9;
	v10 =	vunpack.i.u.bf16.f32 v10;
	s2 =	sadd.s32 s2, s5  }
0x113: {  	v9 =	vmul.f32 v5, v9;
	v10 =	vmul.f32 v6, v10;
	[tilespmem:s2+$0x0] =	vst.msk vm6, v33  }
0x114: {  	v11 =	vunpack.i.u.bf16.f32 v11;
	v12 =	vld [tilespmem:s19+$0xFFFFFFF0]  }
0x115: {  	v11 =	vmul.f32 v7, v11;
	v9 =	vadd.f32 v10, v9;
	_ =	sdelay $0x1  }
0x116: {  	v9 =	vadd.f32 v11, v9;
	_ =	sdelay $0x1  }
0x117: {  	v9 =	vadd.f32 v9, v9;
	v10 =	vadd.f32 v12, v8;
	_ =	sdelay $0x1  }
0x118: {  	v9 =	vsub.f32 v10, v9  }
0x119: {  	s8 =	sadd.s32 $0xFFFFFF80, s18;
	s5 =	spop (v2sf)  }
0x11a: {  	vm7 =	vlt.f32 v9, $3.999999910e-02;
	v9 =	vor.u32 s8, v0;
	s2 =	sadd.s32 s2, s5  }
0x11b: {  	[tilespmem:s2+$0x0] =	vst.msk vm7, v9  }
0x11c: {  	v9 =	vld [tilespmem:s17+$0x0]  }
0x11d: {  	v10 =	vld [tilespmem:s25+$0x0];
	_ =	sdelay $0x1  }
0x11e: {  	v11 =	vld [tilespmem:s20+$0x0];
	_ =	sdelay $0x2  }
0x11f: {  	v34 =	vmpcnt.ones.xlane vm7;
	v35 =	vunpack.i.l.bf16.f32 v9;
	v36 =	vunpack.i.l.bf16.f32 v10  }
0x120: {  	v13 =	vmul.f32 v5, v35;
	v14 =	vmul.f32 v6, v36  }
0x121: {  	v38 =	vld [tilespmem:s19+$0x0];
	v37 =	vunpack.i.l.bf16.f32 v11  }
0x122: {  	(v2sf) =	vpush v34, $0x0;
	v39 =	vmul.f32 v7, v37;
	v13 =	vadd.f32 v14, v13;
	_ =	sdelay $0x1  }
0x123: {  	v12 =	vadd.f32 v39, v13;
	_ =	sdelay $0x1  }
0x124: {  	v40 =	vadd.f32 v38, v8;
	v12 =	vadd.f32 v12, v12;
	_ =	sdelay $0x1  }
0x125: {  	v12 =	vsub.f32 v40, v12;
	_ =	sdelay $0x1  }
0x126: {  	vm8 =	vlt.f32 v12, $3.999999910e-02  }
0x127: {  	v12 =	vmpcnt.ones.xlane vm8;
	_ =	sdelay $0x1  }
0x128: {  	(v2sf) =	vpush v12, $0x0;
	_ =	sdelay $0x3  }
0x129: {  	s8 =	sadd.s32 $0xFFFFFF90, s18;
	s5 =	spop (v2sf)  }
0x12a: {  	v41 =	vor.u32 s8, v0;
	v9 =	vunpack.i.u.bf16.f32 v9;
	v10 =	vunpack.i.u.bf16.f32 v10;
	s2 =	sadd.s32 s2, s5  }
0x12b: {  	v9 =	vmul.f32 v5, v9;
	v10 =	vmul.f32 v6, v10;
	[tilespmem:s2+$0x0] =	vst.msk vm8, v41  }
0x12c: {  	v11 =	vunpack.i.u.bf16.f32 v11;
	v12 =	vld [tilespmem:s19+$0x10]  }
0x12d: {  	v11 =	vmul.f32 v7, v11;
	v9 =	vadd.f32 v10, v9;
	_ =	sdelay $0x1  }
0x12e: {  	v9 =	vadd.f32 v11, v9;
	_ =	sdelay $0x1  }
0x12f: {  	v9 =	vadd.f32 v9, v9;
	v10 =	vadd.f32 v12, v8;
	_ =	sdelay $0x1  }
0x130: {  	v9 =	vsub.f32 v10, v9  }
0x131: {  	s8 =	sadd.s32 $0xFFFFFFA0, s18;
	s5 =	spop (v2sf)  }
0x132: {  	vm9 =	vlt.f32 v9, $3.999999910e-02;
	v9 =	vor.u32 s8, v0;
	s2 =	sadd.s32 s2, s5  }
0x133: {  	[tilespmem:s2+$0x0] =	vst.msk vm9, v9  }
0x134: {  	v9 =	vld [tilespmem:s17+$0x10]  }
0x135: {  	v10 =	vld [tilespmem:s25+$0x10];
	_ =	sdelay $0x1  }
0x136: {  	v11 =	vld [tilespmem:s20+$0x10];
	_ =	sdelay $0x2  }
0x137: {  	v42 =	vmpcnt.ones.xlane vm9;
	v43 =	vunpack.i.l.bf16.f32 v9;
	v44 =	vunpack.i.l.bf16.f32 v10  }
0x138: {  	v13 =	vmul.f32 v5, v43;
	v14 =	vmul.f32 v6, v44  }
0x139: {  	v46 =	vld [tilespmem:s19+$0x20];
	v45 =	vunpack.i.l.bf16.f32 v11  }
0x13a: {  	(v2sf) =	vpush v42, $0x0;
	v47 =	vmul.f32 v7, v45;
	v13 =	vadd.f32 v14, v13;
	_ =	sdelay $0x1  }
0x13b: {  	v12 =	vadd.f32 v47, v13;
	_ =	sdelay $0x1  }
0x13c: {  	v48 =	vadd.f32 v46, v8;
	v12 =	vadd.f32 v12, v12;
	_ =	sdelay $0x1  }
0x13d: {  	v12 =	vsub.f32 v48, v12;
	_ =	sdelay $0x1  }
0x13e: {  	vm10 =	vlt.f32 v12, $3.999999910e-02  }
0x13f: {  	v12 =	vmpcnt.ones.xlane vm10;
	_ =	sdelay $0x1  }
0x140: {  	(v2sf) =	vpush v12, $0x0;
	_ =	sdelay $0x3  }
0x141: {  	s8 =	sadd.s32 $0xFFFFFFB0, s18;
	s5 =	spop (v2sf)  }
0x142: {  	v49 =	vor.u32 s8, v0;
	v9 =	vunpack.i.u.bf16.f32 v9;
	v10 =	vunpack.i.u.bf16.f32 v10;
	s2 =	sadd.s32 s2, s5  }
0x143: {  	v9 =	vmul.f32 v5, v9;
	v10 =	vmul.f32 v6, v10;
	[tilespmem:s2+$0x0] =	vst.msk vm10, v49  }
0x144: {  	v11 =	vunpack.i.u.bf16.f32 v11;
	v12 =	vld [tilespmem:s19+$0x30]  }
0x145: {  	v11 =	vmul.f32 v7, v11;
	v9 =	vadd.f32 v10, v9;
	_ =	sdelay $0x1  }
0x146: {  	v9 =	vadd.f32 v11, v9;
	_ =	sdelay $0x1  }
0x147: {  	v9 =	vadd.f32 v9, v9;
	v10 =	vadd.f32 v12, v8;
	_ =	sdelay $0x1  }
0x148: {  	v9 =	vsub.f32 v10, v9  }
0x149: {  	s8 =	sadd.s32 $0xFFFFFFC0, s18;
	s5 =	spop (v2sf)  }
0x14a: {  	vm11 =	vlt.f32 v9, $3.999999910e-02;
	v9 =	vor.u32 s8, v0;
	s2 =	sadd.s32 s2, s5  }
0x14b: {  	[tilespmem:s2+$0x0] =	vst.msk vm11, v9  }
0x14c: {  	v9 =	vld [tilespmem:s17+$0x20]  }
0x14d: {  	v10 =	vld [tilespmem:s25+$0x20];
	_ =	sdelay $0x1  }
0x14e: {  	v11 =	vld [tilespmem:s20+$0x20];
	_ =	sdelay $0x2  }
0x14f: {  	v50 =	vmpcnt.ones.xlane vm11;
	v51 =	vunpack.i.l.bf16.f32 v9;
	v52 =	vunpack.i.l.bf16.f32 v10  }
0x150: {  	v13 =	vmul.f32 v5, v51;
	v14 =	vmul.f32 v6, v52  }
0x151: {  	v54 =	vld [tilespmem:s19+$0x40];
	v53 =	vunpack.i.l.bf16.f32 v11  }
0x152: {  	(v2sf) =	vpush v50, $0x0;
	v55 =	vmul.f32 v7, v53;
	v13 =	vadd.f32 v14, v13;
	_ =	sdelay $0x1  }
0x153: {  	v12 =	vadd.f32 v55, v13;
	_ =	sdelay $0x1  }
0x154: {  	v56 =	vadd.f32 v54, v8;
	v12 =	vadd.f32 v12, v12;
	_ =	sdelay $0x1  }
0x155: {  	v12 =	vsub.f32 v56, v12;
	_ =	sdelay $0x1  }
0x156: {  	vm12 =	vlt.f32 v12, $3.999999910e-02  }
0x157: {  	v12 =	vmpcnt.ones.xlane vm12;
	_ =	sdelay $0x1  }
0x158: {  	(v2sf) =	vpush v12, $0x0;
	_ =	sdelay $0x3  }
0x159: {  	s8 =	sadd.s32 $0xFFFFFFD0, s18;
	s5 =	spop (v2sf)  }
0x15a: {  	v57 =	vor.u32 s8, v0;
	v9 =	vunpack.i.u.bf16.f32 v9;
	v10 =	vunpack.i.u.bf16.f32 v10;
	s2 =	sadd.s32 s2, s5  }
0x15b: {  	v9 =	vmul.f32 v5, v9;
	v10 =	vmul.f32 v6, v10;
	[tilespmem:s2+$0x0] =	vst.msk vm12, v57  }
0x15c: {  	v11 =	vunpack.i.u.bf16.f32 v11;
	v12 =	vld [tilespmem:s19+$0x50]  }
0x15d: {  	v11 =	vmul.f32 v7, v11;
	v9 =	vadd.f32 v10, v9;
	_ =	sdelay $0x1  }
0x15e: {  	v9 =	vadd.f32 v11, v9;
	_ =	sdelay $0x1  }
0x15f: {  	v9 =	vadd.f32 v9, v9;
	v10 =	vadd.f32 v12, v8;
	_ =	sdelay $0x1  }
0x160: {  	v9 =	vsub.f32 v10, v9  }
0x161: {  	s8 =	sadd.s32 $0xFFFFFFE0, s18;
	s5 =	spop (v2sf)  }
0x162: {  	vm13 =	vlt.f32 v9, $3.999999910e-02;
	v9 =	vor.u32 s8, v0;
	s2 =	sadd.s32 s2, s5  }
0x163: {  	[tilespmem:s2+$0x0] =	vst.msk vm13, v9;
	v9 =	vmpcnt.ones.xlane vm13  }
0x164: {  	v10 =	vld [tilespmem:s17+$0x30]  }
0x165: {  	(v2sf) =	vpush v9, $0x0;
	v9 =	vld [tilespmem:s25+$0x30];
	_ =	sdelay $0x1  }
0x166: {  	v11 =	vld [tilespmem:s20+$0x30];
	_ =	sdelay $0x2  }
0x167: {  	v58 =	vunpack.i.l.bf16.f32 v10;
	v59 =	vunpack.i.l.bf16.f32 v9  }
0x168: {  	v12 =	vmul.f32 v5, v58;
	v13 =	vmul.f32 v6, v59  }
0x169: {  	v61 =	vld [tilespmem:s19+$0x60];
	v60 =	vunpack.i.l.bf16.f32 v11  }
0x16a: {  	v14 =	vmul.f32 v7, v60;
	v12 =	vadd.f32 v13, v12;
	_ =	sdelay $0x1  }
0x16b: {  	v12 =	vadd.f32 v14, v12;
	_ =	sdelay $0x1  }
0x16c: {  	v62 =	vadd.f32 v61, v8;
	v12 =	vadd.f32 v12, v12;
	_ =	sdelay $0x1  }
0x16d: {  	s8 =	sadd.s32 $0xFFFFFFF0, s18;
	v12 =	vsub.f32 v62, v12  }
0x16e: {  	v63 =	vor.u32 s8, v0;
	s5 =	spop (v2sf)  }
0x16f: {  	v10 =	vunpack.i.u.bf16.f32 v10;
	v9 =	vunpack.i.u.bf16.f32 v9;
	s2 =	sadd.s32 s2, s5;
	vm14 =	vlt.f32 v12, $3.999999910e-02  }
0x170: {  	v10 =	vmul.f32 v5, v10;
	v9 =	vmul.f32 v6, v9;
	[tilespmem:s2+$0x0] =	vst.msk vm14, v63  }
0x171: {  	v11 =	vunpack.i.u.bf16.f32 v11;
	v12 =	vld [tilespmem:s19+$0x70]  }
0x172: {  	v11 =	vmul.f32 v7, v11;
	v9 =	vadd.f32 v9, v10;
	_ =	sdelay $0x1  }
0x173: {  	v9 =	vadd.f32 v11, v9;
	_ =	sdelay $0x1  }
0x174: {  	v9 =	vadd.f32 v9, v9;
	v10 =	vadd.f32 v12, v8;
	_ =	sdelay $0x1  }
0x175: {  	v9 =	vsub.f32 v10, v9;
	_ =	sdelay $0x1  }
0x176: {  	v10 =	vmpcnt.ones.xlane vm14;
	vm15 =	vlt.f32 v9, $3.999999910e-02  }
0x177: {  	v9 =	vmpcnt.ones.xlane vm15  }
0x178: {  	(v2sf) =	vpush v10, $0x0  }
0x179: {  	(v2sf) =	vpush v9, $0x0;
	_ =	sdelay $0xb  }
.Ltmp6:
0x17a: {  	_ = 	snop;
	(pc) =	sbr.rel .LBB2_7-.Ltmp6, $4  }
0x17b: {  	_ = 	snop  }
0x17c: {  	s8 =	spop (v2sf)  }
0x17d: {  	v9 =	vor.u32 s18, v0;
	s2 =	sadd.s32 s2, s8;
	s8 =	spop (v2sf)  }
0x17e: {  	[tilespmem:s2+$0x0] =	vst.msk vm15, v9;
	s8 =	sadd.s32 s2, s8  }
.LBB2_9:
0x17f: {  	s20 =	simm.s32 $0x0;
	s2 =	rddreg [dreg:$0xe];
	s5 =	simm.s32 $0xB2E0  }
0x180: {  	[hbm4b:s2+s20] =	stream.linear.scatter [tilespmem:s5], [sflag:$0x4], $0x1000, $0x38;
	[tilespmem:$0x1E370] =	vst v63  }
0x181: {  	s19 =	rddreg [dreg:$0xf];
	s25 =	simm.s32 $0xC2E0  }
0x182: {  	[hbm4b:s19+s20] =	stream.linear.scatter [tilespmem:s25], [sflag:$0x4], $0x1000, $0x38;
	[tilespmem:$0x1E370] =	vst v63  }
0x183: {  	s8 =	rddreg [dreg:$0x11];
	s9 =	simm.s32 $0xD2E0  }
0x184: {  	[hbm4b:s8+s20] =	stream.linear.scatter [tilespmem:s9], [sflag:$0x4], $0x1000, $0x38;
	[tilespmem:$0x1E370] =	vst v63  }
0x185: {  	s17 =	rddreg [dreg:$0x12];
	s18 =	simm.s32 $0x2E0;
	s19 =	simm.s32 $0x6  }
0x186: {  	[spmem:s17] =	stream.linear.scatter [tilespmem:s18], [sflag:$0x6], $0x1000, $0x38;
	[tilespmem:$0x1E370] =	vst v63  }
0x187: {  	_ =	swait.ge [sflag:s19], $0x1000  }
0x188: {  	[sflag:s19] =	ssyncset.done $0x0  }
0x189: {  	[sflag:s19] =	ssyncadd.s32 $0xFFFFF000  }
0x18a: {  	[bflag:$0x0] =	sbarrier.arrive $0xFFFF  }
0x18b: {  	s8 =	simm.s32 $0x12E0;
	s25 =	rddreg [dreg:$0x10]  }
0x18c: {  	[tilespmem:s8], [sflag:$0x6] =	stream.linear.gather [spmem:s25], $0x8000, $0x38;
	[tilespmem:$0x1E370] =	vst v63  }
0x18d: {  	_ =	swait.ge [sflag:s19], $0x8000  }
0x18e: {  	[sflag:s19] =	ssyncset.done $0x0  }
0x18f: {  	[sflag:s19] =	ssyncadd.s32 $0xFFFF8000  }
.LBB2_10:
0x190: {  	s2 =	sshll.u32 s20, $0x1;
	s5 =	rddreg [dreg:$0x4]  }
0x191: {  	s18 =	sadd.s32 s5, s2  }
0x192: {  	s25 =	sor.u32 $0x1, s18  }
0x193: {  	s19 =	sadd.s32 s13, s25  }
0x194: {  	_ =	swait.ge [sflag:s10], $0x2000;
	s2 =	sshll.u32 s19, $0xA  }
0x195: {  	[sflag:s10] =	ssyncset.done $0x0;
	s2 =	sand.u32 $0x1FFFFC00, s2  }
0x196: {  	p0 =	seq.s32 s20, $0x0;
	[sflag:s10] =	ssyncadd.s32 $0xFFFFE000;
	s2 =	sadd.s32 s4, s2  }
0x197: {  	[tilespmem:s11], [sflag:$0x5] =	stream.linear.gather [hbm4b:s2+s3], $0x2000, $0x38;
	[tilespmem:$0x1E370] =	vst v63  }
0x198: {  	s2 =	simm.s32 @!p0 $0x2  }
0x199: {  	_ =	swait.ge @!p0 [sflag:s2], $0x1000  }
0x19a: {  	[sflag:s2] =	ssyncset.done @!p0 $0x0  }
0x19b: {  	s17 =	simm.s32 $0x0;
	[sflag:s2] =	ssyncadd.s32 @!p0 $0xFFFFF000  }
0x19c: {  	v2 =	vld [tilespmem:s17+$0x12E0];
	_ =	sdelay $0x5  }
0x19d: {  	v3 =	vld [tilespmem:s17+$0x12F0];
	_ =	sdelay $0x1  }
0x19e: {  	v2 =	vld.idx.msk [tilespmem:v2+s7+$0x0], $0xffff;
	_ =	sdelay $0x4  }
0x19f: {  	[tilespmem:s17+$0xA2E0] =	vst v2;
	v2 =	vld [tilespmem:s17+$0x1300]  }
0x1a0: {  	v3 =	vld.idx.msk [tilespmem:v3+s7+$0x0], $0xffff;
	_ =	sdelay $0x4  }
0x1a1: {  	[tilespmem:s17+$0xA2F0] =	vst v3;
	v3 =	vld [tilespmem:s17+$0x1310];
	_ =	sdelay $0x1  }
0x1a2: {  	v2 =	vld.idx.msk [tilespmem:v2+s7+$0x0], $0xffff;
	_ =	sdelay $0x4  }
0x1a3: {  	[tilespmem:s17+$0xA300] =	vst v2;
	v2 =	vld [tilespmem:s17+$0x1320]  }
0x1a4: {  	v3 =	vld.idx.msk [tilespmem:v3+s7+$0x0], $0xffff;
	_ =	sdelay $0x4  }
0x1a5: {  	[tilespmem:s17+$0xA310] =	vst v3;
	v3 =	vld [tilespmem:s17+$0x1330];
	_ =	sdelay $0x1  }
0x1a6: {  	v2 =	vld.idx.msk [tilespmem:v2+s7+$0x0], $0xffff;
	_ =	sdelay $0x4  }
0x1a7: {  	v4 =	vld [tilespmem:s17+$0x1340];
	[tilespmem:s17+$0xA320] =	vst v2  }
0x1a8: {  	v2 =	vld.idx.msk [tilespmem:v3+s7+$0x0], $0xffff;
	_ =	sdelay $0x4  }
0x1a9: {  	[tilespmem:s17+$0xA330] =	vst v2;
	v2 =	vld [tilespmem:s17+$0x1350];
	_ =	sdelay $0x1  }
0x1aa: {  	v3 =	vld.idx.msk [tilespmem:v4+s7+$0x0], $0xffff;
	_ =	sdelay $0x3  }
0x1ab: {  	s8 =	simm.s32 $0x80;
	s9 =	sadd.s32 s21, s18;
	s19 =	simm.s32 $0x400  }
.LBB2_11:
0x1ac: {  	p1 =	sne.s32 s19, $0x3E00;
	v4 =	vld [tilespmem:s8+$0x12E0];
	[tilespmem:s17+$0xA340] =	vst v3  }
0x1ad: {  	v2 =	vld.idx.msk [tilespmem:v2+s7+$0x0], $0xffff;
	_ =	sdelay $0x5  }
0x1ae: {  	v3 =	vld [tilespmem:s8+$0x12F0];
	[tilespmem:s17+$0xA350] =	vst v2;
	s17 =	smov.u32 s8  }
0x1af: {  	v2 =	vld.idx.msk [tilespmem:v4+s7+$0x0], $0xffff;
	_ =	sdelay $0x5  }
0x1b0: {  	[tilespmem:s17+$0xA2E0] =	vst v2;
	v2 =	vld [tilespmem:s17+$0x1300]  }
0x1b1: {  	v3 =	vld.idx.msk [tilespmem:v3+s7+$0x0], $0xffff;
	_ =	sdelay $0x5  }
0x1b2: {  	[tilespmem:s17+$0xA2F0] =	vst v3;
	v3 =	vld [tilespmem:s17+$0x1310]  }
0x1b3: {  	v2 =	vld.idx.msk [tilespmem:v2+s7+$0x0], $0xffff;
	_ =	sdelay $0x5  }
0x1b4: {  	[tilespmem:s17+$0xA300] =	vst v2;
	v2 =	vld [tilespmem:s17+$0x1320]  }
0x1b5: {  	v3 =	vld.idx.msk [tilespmem:v3+s7+$0x0], $0xffff;
	_ =	sdelay $0x5  }
0x1b6: {  	[tilespmem:s17+$0xA310] =	vst v3;
	v3 =	vld [tilespmem:s17+$0x1330]  }
0x1b7: {  	v2 =	vld.idx.msk [tilespmem:v2+s7+$0x0], $0xffff;
	_ =	sdelay $0x5  }
0x1b8: {  	[tilespmem:s17+$0xA320] =	vst v2;
	v4 =	vld [tilespmem:s17+$0x1340]  }
0x1b9: {  	v2 =	vld.idx.msk [tilespmem:v3+s7+$0x0], $0xffff;
	_ =	sdelay $0x5  }
0x1ba: {  	[tilespmem:s17+$0xA330] =	vst v2;
	v2 =	vld [tilespmem:s17+$0x1350]  }
0x1bb: {  	v3 =	vld.idx.msk [tilespmem:v4+s7+$0x0], $0xffff  }
.Ltmp7:
0x1bc: {  	(pc) =	sbr.rel @p1 .LBB2_11-.Ltmp7, $2  }
0x1bd: {  	_ =	sdelay $0x2  }
0x1be: {  	s8 =	sshra.s32 s19, $0x2;
	s19 =	sadd.s32 $0x200, s19  }
0x1bf: {  	_ =	sdelay $0x1  }
0x1c0: {  	v4 =	vld [tilespmem:s8+$0x12E0]  }
0x1c1: {  	[tilespmem:s17+$0xA340] =	vst v3  }
0x1c2: {  	v2 =	vld.idx.msk [tilespmem:v2+s7+$0x0], $0xffff;
	_ =	sdelay $0x3  }
0x1c3: {  	v3 =	vld [tilespmem:s8+$0x12F0]  }
0x1c4: {  	[tilespmem:s17+$0xA350] =	vst v2  }
0x1c5: {  	v2 =	vld.idx.msk [tilespmem:v4+s7+$0x0], $0xffff;
	_ =	sdelay $0x4  }
0x1c6: {  	[tilespmem:s8+$0xA2E0] =	vst v2;
	v2 =	vld [tilespmem:s8+$0x1300]  }
0x1c7: {  	v3 =	vld.idx.msk [tilespmem:v3+s7+$0x0], $0xffff;
	_ =	sdelay $0x4  }
0x1c8: {  	[tilespmem:s8+$0xA2F0] =	vst v3;
	v3 =	vld [tilespmem:s8+$0x1310];
	_ =	sdelay $0x1  }
0x1c9: {  	v2 =	vld.idx.msk [tilespmem:v2+s7+$0x0], $0xffff;
	_ =	sdelay $0x4  }
0x1ca: {  	[tilespmem:s8+$0xA300] =	vst v2;
	v2 =	vld [tilespmem:s8+$0x1320]  }
0x1cb: {  	v3 =	vld.idx.msk [tilespmem:v3+s7+$0x0], $0xffff;
	_ =	sdelay $0x4  }
0x1cc: {  	[tilespmem:s8+$0xA310] =	vst v3;
	v3 =	vld [tilespmem:s8+$0x1330];
	_ =	sdelay $0x1  }
0x1cd: {  	v2 =	vld.idx.msk [tilespmem:v2+s7+$0x0], $0xffff;
	_ =	sdelay $0x4  }
0x1ce: {  	[tilespmem:s8+$0xA320] =	vst v2;
	v2 =	vld [tilespmem:s8+$0x1340]  }
0x1cf: {  	v3 =	vld.idx.msk [tilespmem:v3+s7+$0x0], $0xffff;
	_ =	sdelay $0x4  }
0x1d0: {  	[tilespmem:s8+$0xA330] =	vst v3;
	v3 =	vld [tilespmem:s8+$0x1350];
	_ =	sdelay $0x1  }
0x1d1: {  	v2 =	vld.idx.msk [tilespmem:v2+s7+$0x0], $0xffff;
	_ =	sdelay $0x4  }
0x1d2: {  	[tilespmem:s8+$0xA340] =	vst v2  }
0x1d3: {  	v2 =	vld.idx.msk [tilespmem:v3+s7+$0x0], $0xffff;
	_ =	sdelay $0x2  }
0x1d4: {  	s2 =	sshll.u32 s9, $0xC  }
0x1d5: {  	s9 =	sand.u32 $0x1FFFF000, s2  }
0x1d6: {  	s2 =	sadd.s32 s24, s9;
	[tilespmem:s8+$0xA350] =	vst v2  }
0x1d7: {  	[hbm4b:s2+s3] =	stream.linear.scatter [tilespmem:s12], [sflag:$0x2], $0x1000, $0x38;
	[tilespmem:$0x1E370] =	vst v63  }
0x1d8: {  	s2 =	simm.s32 @!p0 $0x3  }
0x1d9: {  	_ =	swait.ge @!p0 [sflag:s2], $0x1000  }
0x1da: {  	[sflag:s2] =	ssyncset.done @!p0 $0x0  }
0x1db: {  	s17 =	simm.s32 $0x0;
	[sflag:s2] =	ssyncadd.s32 @!p0 $0xFFFFF000  }
0x1dc: {  	v2 =	vld [tilespmem:s17+$0x22E0];
	_ =	sdelay $0x5  }
0x1dd: {  	v3 =	vld [tilespmem:s17+$0x22F0];
	_ =	sdelay $0x1  }
0x1de: {  	v2 =	vld.idx.msk [tilespmem:v2+s7+$0x0], $0xffff;
	_ =	sdelay $0x4  }
0x1df: {  	[tilespmem:s17+$0x92E0] =	vst v2;
	v2 =	vld [tilespmem:s17+$0x2300]  }
0x1e0: {  	v3 =	vld.idx.msk [tilespmem:v3+s7+$0x0], $0xffff;
	_ =	sdelay $0x4  }
0x1e1: {  	[tilespmem:s17+$0x92F0] =	vst v3;
	v3 =	vld [tilespmem:s17+$0x2310];
	_ =	sdelay $0x1  }
0x1e2: {  	v2 =	vld.idx.msk [tilespmem:v2+s7+$0x0], $0xffff;
	_ =	sdelay $0x4  }
0x1e3: {  	[tilespmem:s17+$0x9300] =	vst v2;
	v2 =	vld [tilespmem:s17+$0x2320]  }
0x1e4: {  	v3 =	vld.idx.msk [tilespmem:v3+s7+$0x0], $0xffff;
	_ =	sdelay $0x4  }
0x1e5: {  	[tilespmem:s17+$0x9310] =	vst v3;
	v3 =	vld [tilespmem:s17+$0x2330];
	_ =	sdelay $0x1  }
0x1e6: {  	v2 =	vld.idx.msk [tilespmem:v2+s7+$0x0], $0xffff;
	_ =	sdelay $0x4  }
0x1e7: {  	v4 =	vld [tilespmem:s17+$0x2340];
	[tilespmem:s17+$0x9320] =	vst v2  }
0x1e8: {  	v2 =	vld.idx.msk [tilespmem:v3+s7+$0x0], $0xffff;
	_ =	sdelay $0x4  }
0x1e9: {  	[tilespmem:s17+$0x9330] =	vst v2;
	v2 =	vld [tilespmem:s17+$0x2350];
	_ =	sdelay $0x1  }
0x1ea: {  	v3 =	vld.idx.msk [tilespmem:v4+s7+$0x0], $0xffff;
	_ =	sdelay $0x3  }
0x1eb: {  	s19 =	simm.s32 $0x400;
	s8 =	simm.s32 $0x80  }
.LBB2_13:
0x1ec: {  	p0 =	sne.s32 s19, $0x3E00;
	v4 =	vld [tilespmem:s8+$0x22E0];
	[tilespmem:s17+$0x9340] =	vst v3  }
0x1ed: {  	v2 =	vld.idx.msk [tilespmem:v2+s7+$0x0], $0xffff;
	_ =	sdelay $0x5  }
0x1ee: {  	v3 =	vld [tilespmem:s8+$0x22F0];
	[tilespmem:s17+$0x9350] =	vst v2;
	s17 =	smov.u32 s8  }
0x1ef: {  	v2 =	vld.idx.msk [tilespmem:v4+s7+$0x0], $0xffff;
	_ =	sdelay $0x5  }
0x1f0: {  	[tilespmem:s17+$0x92E0] =	vst v2;
	v2 =	vld [tilespmem:s17+$0x2300]  }
0x1f1: {  	v3 =	vld.idx.msk [tilespmem:v3+s7+$0x0], $0xffff;
	_ =	sdelay $0x5  }
0x1f2: {  	[tilespmem:s17+$0x92F0] =	vst v3;
	v3 =	vld [tilespmem:s17+$0x2310]  }
0x1f3: {  	v2 =	vld.idx.msk [tilespmem:v2+s7+$0x0], $0xffff;
	_ =	sdelay $0x5  }
0x1f4: {  	[tilespmem:s17+$0x9300] =	vst v2;
	v2 =	vld [tilespmem:s17+$0x2320]  }
0x1f5: {  	v3 =	vld.idx.msk [tilespmem:v3+s7+$0x0], $0xffff;
	_ =	sdelay $0x5  }
0x1f6: {  	[tilespmem:s17+$0x9310] =	vst v3;
	v3 =	vld [tilespmem:s17+$0x2330]  }
0x1f7: {  	v2 =	vld.idx.msk [tilespmem:v2+s7+$0x0], $0xffff;
	_ =	sdelay $0x5  }
0x1f8: {  	[tilespmem:s17+$0x9320] =	vst v2;
	v4 =	vld [tilespmem:s17+$0x2340]  }
0x1f9: {  	v2 =	vld.idx.msk [tilespmem:v3+s7+$0x0], $0xffff;
	_ =	sdelay $0x5  }
0x1fa: {  	[tilespmem:s17+$0x9330] =	vst v2;
	v2 =	vld [tilespmem:s17+$0x2350]  }
0x1fb: {  	v3 =	vld.idx.msk [tilespmem:v4+s7+$0x0], $0xffff  }
.Ltmp8:
0x1fc: {  	(pc) =	sbr.rel @p0 .LBB2_13-.Ltmp8, $2  }
0x1fd: {  	_ =	sdelay $0x2  }
0x1fe: {  	s8 =	sshra.s32 s19, $0x2;
	s19 =	sadd.s32 $0x200, s19  }
0x1ff: {  	_ =	sdelay $0x1  }
0x200: {  	v4 =	vld [tilespmem:s8+$0x22E0]  }
0x201: {  	[tilespmem:s17+$0x9340] =	vst v3  }
0x202: {  	v2 =	vld.idx.msk [tilespmem:v2+s7+$0x0], $0xffff;
	_ =	sdelay $0x3  }
0x203: {  	v3 =	vld [tilespmem:s8+$0x22F0]  }
0x204: {  	[tilespmem:s17+$0x9350] =	vst v2  }
0x205: {  	v2 =	vld.idx.msk [tilespmem:v4+s7+$0x0], $0xffff;
	_ =	sdelay $0x4  }
0x206: {  	[tilespmem:s8+$0x92E0] =	vst v2;
	v2 =	vld [tilespmem:s8+$0x2300]  }
0x207: {  	v3 =	vld.idx.msk [tilespmem:v3+s7+$0x0], $0xffff;
	_ =	sdelay $0x4  }
0x208: {  	[tilespmem:s8+$0x92F0] =	vst v3;
	v3 =	vld [tilespmem:s8+$0x2310];
	_ =	sdelay $0x1  }
0x209: {  	v2 =	vld.idx.msk [tilespmem:v2+s7+$0x0], $0xffff;
	_ =	sdelay $0x4  }
0x20a: {  	[tilespmem:s8+$0x9300] =	vst v2;
	v2 =	vld [tilespmem:s8+$0x2320]  }
0x20b: {  	v3 =	vld.idx.msk [tilespmem:v3+s7+$0x0], $0xffff;
	_ =	sdelay $0x4  }
0x20c: {  	[tilespmem:s8+$0x9310] =	vst v3;
	v3 =	vld [tilespmem:s8+$0x2330];
	_ =	sdelay $0x1  }
0x20d: {  	v2 =	vld.idx.msk [tilespmem:v2+s7+$0x0], $0xffff;
	_ =	sdelay $0x4  }
0x20e: {  	[tilespmem:s8+$0x9320] =	vst v2;
	v2 =	vld [tilespmem:s8+$0x2340]  }
0x20f: {  	v3 =	vld.idx.msk [tilespmem:v3+s7+$0x0], $0xffff;
	_ =	sdelay $0x4  }
0x210: {  	[tilespmem:s8+$0x9330] =	vst v3;
	v3 =	vld [tilespmem:s8+$0x2350];
	_ =	sdelay $0x1  }
0x211: {  	v2 =	vld.idx.msk [tilespmem:v2+s7+$0x0], $0xffff;
	_ =	sdelay $0x4  }
0x212: {  	[tilespmem:s8+$0x9340] =	vst v2  }
0x213: {  	v2 =	vld.idx.msk [tilespmem:v3+s7+$0x0], $0xffff;
	_ =	sdelay $0x4  }
0x214: {  	s2 =	sadd.s32 s9, s22;
	s5 =	simm.s32 $0x0;
	[tilespmem:s8+$0x9350] =	vst v2  }
0x215: {  	[hbm4b:s2+s5] =	stream.linear.scatter [tilespmem:s14], [sflag:$0x3], $0x1000, $0x38;
	[tilespmem:$0x1E370] =	vst v63  }
0x216: {  	_ =	swait.ge [sflag:s15], $0x1000  }
0x217: {  	[sflag:s15] =	ssyncset.done $0x0  }
0x218: {  	s19 =	simm.s32 $0x0;
	[sflag:s15] =	ssyncadd.s32 $0xFFFFF000  }
0x219: {  	v2 =	vld [tilespmem:s19+$0x32E0];
	_ =	sdelay $0x5  }
0x21a: {  	v3 =	vld [tilespmem:s19+$0x32F0];
	_ =	sdelay $0x1  }
0x21b: {  	v2 =	vld.idx.msk [tilespmem:v2+s7+$0x0], $0xffff;
	_ =	sdelay $0x4  }
0x21c: {  	[tilespmem:s19+$0xA2E0] =	vst v2;
	v2 =	vld [tilespmem:s19+$0x3300]  }
0x21d: {  	v3 =	vld.idx.msk [tilespmem:v3+s7+$0x0], $0xffff;
	_ =	sdelay $0x4  }
0x21e: {  	[tilespmem:s19+$0xA2F0] =	vst v3;
	v3 =	vld [tilespmem:s19+$0x3310];
	_ =	sdelay $0x1  }
0x21f: {  	v2 =	vld.idx.msk [tilespmem:v2+s7+$0x0], $0xffff;
	_ =	sdelay $0x4  }
0x220: {  	[tilespmem:s19+$0xA300] =	vst v2;
	v2 =	vld [tilespmem:s19+$0x3320]  }
0x221: {  	v3 =	vld.idx.msk [tilespmem:v3+s7+$0x0], $0xffff;
	_ =	sdelay $0x4  }
0x222: {  	[tilespmem:s19+$0xA310] =	vst v3;
	v3 =	vld [tilespmem:s19+$0x3330];
	_ =	sdelay $0x1  }
0x223: {  	v2 =	vld.idx.msk [tilespmem:v2+s7+$0x0], $0xffff;
	_ =	sdelay $0x4  }
0x224: {  	v4 =	vld [tilespmem:s19+$0x3340];
	[tilespmem:s19+$0xA320] =	vst v2  }
0x225: {  	v2 =	vld.idx.msk [tilespmem:v3+s7+$0x0], $0xffff;
	_ =	sdelay $0x4  }
0x226: {  	[tilespmem:s19+$0xA330] =	vst v2;
	v2 =	vld [tilespmem:s19+$0x3350];
	_ =	sdelay $0x1  }
0x227: {  	v3 =	vld.idx.msk [tilespmem:v4+s7+$0x0], $0xffff;
	_ =	sdelay $0x3  }
0x228: {  	s17 =	sadd.s32 s9, s23;
	s8 =	simm.s32 $0x400;
	s2 =	simm.s32 $0x80  }
.LBB2_15:
0x229: {  	p0 =	sne.s32 s8, $0x3E00;
	v4 =	vld [tilespmem:s2+$0x32E0];
	[tilespmem:s19+$0xA340] =	vst v3  }
0x22a: {  	v2 =	vld.idx.msk [tilespmem:v2+s7+$0x0], $0xffff;
	_ =	sdelay $0x5  }
0x22b: {  	v3 =	vld [tilespmem:s2+$0x32F0];
	[tilespmem:s19+$0xA350] =	vst v2;
	s19 =	smov.u32 s2  }
0x22c: {  	v2 =	vld.idx.msk [tilespmem:v4+s7+$0x0], $0xffff;
	_ =	sdelay $0x5  }
0x22d: {  	[tilespmem:s19+$0xA2E0] =	vst v2;
	v2 =	vld [tilespmem:s19+$0x3300]  }
0x22e: {  	v3 =	vld.idx.msk [tilespmem:v3+s7+$0x0], $0xffff;
	_ =	sdelay $0x5  }
0x22f: {  	[tilespmem:s19+$0xA2F0] =	vst v3;
	v3 =	vld [tilespmem:s19+$0x3310]  }
0x230: {  	v2 =	vld.idx.msk [tilespmem:v2+s7+$0x0], $0xffff;
	_ =	sdelay $0x5  }
0x231: {  	[tilespmem:s19+$0xA300] =	vst v2;
	v2 =	vld [tilespmem:s19+$0x3320]  }
0x232: {  	v3 =	vld.idx.msk [tilespmem:v3+s7+$0x0], $0xffff;
	_ =	sdelay $0x5  }
0x233: {  	[tilespmem:s19+$0xA310] =	vst v3;
	v3 =	vld [tilespmem:s19+$0x3330]  }
0x234: {  	v2 =	vld.idx.msk [tilespmem:v2+s7+$0x0], $0xffff;
	_ =	sdelay $0x5  }
0x235: {  	[tilespmem:s19+$0xA320] =	vst v2;
	v4 =	vld [tilespmem:s19+$0x3340]  }
0x236: {  	v2 =	vld.idx.msk [tilespmem:v3+s7+$0x0], $0xffff;
	_ =	sdelay $0x5  }
0x237: {  	[tilespmem:s19+$0xA330] =	vst v2;
	v2 =	vld [tilespmem:s19+$0x3350]  }
0x238: {  	v3 =	vld.idx.msk [tilespmem:v4+s7+$0x0], $0xffff  }
.Ltmp9:
0x239: {  	(pc) =	sbr.rel @p0 .LBB2_15-.Ltmp9, $2  }
0x23a: {  	_ =	sdelay $0x2  }
0x23b: {  	s2 =	sshra.s32 s8, $0x2;
	s8 =	sadd.s32 $0x200, s8  }
0x23c: {  	_ =	sdelay $0x1  }
0x23d: {  	v4 =	vld [tilespmem:s2+$0x32E0]  }
0x23e: {  	[tilespmem:s19+$0xA340] =	vst v3  }
0x23f: {  	v2 =	vld.idx.msk [tilespmem:v2+s7+$0x0], $0xffff;
	_ =	sdelay $0x3  }
0x240: {  	v3 =	vld [tilespmem:s2+$0x32F0]  }
0x241: {  	[tilespmem:s19+$0xA350] =	vst v2  }
0x242: {  	v2 =	vld.idx.msk [tilespmem:v4+s7+$0x0], $0xffff;
	_ =	sdelay $0x4  }
0x243: {  	[tilespmem:s2+$0xA2E0] =	vst v2;
	v2 =	vld [tilespmem:s2+$0x3300]  }
0x244: {  	v3 =	vld.idx.msk [tilespmem:v3+s7+$0x0], $0xffff;
	_ =	sdelay $0x4  }
0x245: {  	[tilespmem:s2+$0xA2F0] =	vst v3;
	v3 =	vld [tilespmem:s2+$0x3310];
	_ =	sdelay $0x1  }
0x246: {  	v2 =	vld.idx.msk [tilespmem:v2+s7+$0x0], $0xffff;
	_ =	sdelay $0x4  }
0x247: {  	[tilespmem:s2+$0xA300] =	vst v2;
	v2 =	vld [tilespmem:s2+$0x3320]  }
0x248: {  	v3 =	vld.idx.msk [tilespmem:v3+s7+$0x0], $0xffff;
	_ =	sdelay $0x4  }
0x249: {  	[tilespmem:s2+$0xA310] =	vst v3;
	v3 =	vld [tilespmem:s2+$0x3330];
	_ =	sdelay $0x1  }
0x24a: {  	v2 =	vld.idx.msk [tilespmem:v2+s7+$0x0], $0xffff;
	_ =	sdelay $0x4  }
0x24b: {  	[tilespmem:s2+$0xA320] =	vst v2;
	v2 =	vld [tilespmem:s2+$0x3340]  }
0x24c: {  	v3 =	vld.idx.msk [tilespmem:v3+s7+$0x0], $0xffff;
	_ =	sdelay $0x4  }
0x24d: {  	[tilespmem:s2+$0xA330] =	vst v3;
	v3 =	vld [tilespmem:s2+$0x3350];
	_ =	sdelay $0x1  }
0x24e: {  	v2 =	vld.idx.msk [tilespmem:v2+s7+$0x0], $0xffff;
	_ =	sdelay $0x4  }
0x24f: {  	[tilespmem:s2+$0xA340] =	vst v2  }
0x250: {  	v2 =	vld.idx.msk [tilespmem:v3+s7+$0x0], $0xffff;
	_ =	sdelay $0x4  }
0x251: {  	s19 =	simm.s32 $0x0;
	[tilespmem:s2+$0xA350] =	vst v2  }
0x252: {  	[hbm4b:s17+s19] =	stream.linear.scatter [tilespmem:s12], [sflag:$0x2], $0x1000, $0x38;
	[tilespmem:$0x1E370] =	vst v63  }
0x253: {  	_ =	swait.ge [sflag:s16], $0x1000  }
0x254: {  	[sflag:s16] =	ssyncset.done $0x0  }
0x255: {  	s19 =	simm.s32 $0x0;
	[sflag:s16] =	ssyncadd.s32 $0xFFFFF000  }
0x256: {  	v2 =	vld [tilespmem:s19+$0x42E0];
	_ =	sdelay $0x5  }
0x257: {  	v3 =	vld [tilespmem:s19+$0x42F0];
	_ =	sdelay $0x1  }
0x258: {  	v2 =	vld.idx.msk [tilespmem:v2+s7+$0x0], $0xffff;
	_ =	sdelay $0x4  }
0x259: {  	[tilespmem:s19+$0x92E0] =	vst v2;
	v2 =	vld [tilespmem:s19+$0x4300]  }
0x25a: {  	v3 =	vld.idx.msk [tilespmem:v3+s7+$0x0], $0xffff;
	_ =	sdelay $0x4  }
0x25b: {  	[tilespmem:s19+$0x92F0] =	vst v3;
	v3 =	vld [tilespmem:s19+$0x4310];
	_ =	sdelay $0x1  }
0x25c: {  	v2 =	vld.idx.msk [tilespmem:v2+s7+$0x0], $0xffff;
	_ =	sdelay $0x4  }
0x25d: {  	[tilespmem:s19+$0x9300] =	vst v2;
	v2 =	vld [tilespmem:s19+$0x4320]  }
0x25e: {  	v3 =	vld.idx.msk [tilespmem:v3+s7+$0x0], $0xffff;
	_ =	sdelay $0x4  }
0x25f: {  	[tilespmem:s19+$0x9310] =	vst v3;
	v3 =	vld [tilespmem:s19+$0x4330];
	_ =	sdelay $0x1  }
0x260: {  	v2 =	vld.idx.msk [tilespmem:v2+s7+$0x0], $0xffff;
	_ =	sdelay $0x4  }
0x261: {  	v4 =	vld [tilespmem:s19+$0x4340];
	[tilespmem:s19+$0x9320] =	vst v2  }
0x262: {  	v2 =	vld.idx.msk [tilespmem:v3+s7+$0x0], $0xffff;
	_ =	sdelay $0x4  }
0x263: {  	[tilespmem:s19+$0x9330] =	vst v2;
	v2 =	vld [tilespmem:s19+$0x4350];
	_ =	sdelay $0x1  }
0x264: {  	v3 =	vld.idx.msk [tilespmem:v4+s7+$0x0], $0xffff;
	_ =	sdelay $0x3  }
0x265: {  	s8 =	simm.s32 $0x400;
	s2 =	simm.s32 $0x80;
	s17 =	sadd.s32 s9, s26  }
.LBB2_17:
0x266: {  	p0 =	sne.s32 s8, $0x3E00;
	v4 =	vld [tilespmem:s2+$0x42E0];
	[tilespmem:s19+$0x9340] =	vst v3  }
0x267: {  	v2 =	vld.idx.msk [tilespmem:v2+s7+$0x0], $0xffff;
	_ =	sdelay $0x5  }
0x268: {  	v3 =	vld [tilespmem:s2+$0x42F0];
	[tilespmem:s19+$0x9350] =	vst v2;
	s19 =	smov.u32 s2  }
0x269: {  	v2 =	vld.idx.msk [tilespmem:v4+s7+$0x0], $0xffff;
	_ =	sdelay $0x5  }
0x26a: {  	[tilespmem:s19+$0x92E0] =	vst v2;
	v2 =	vld [tilespmem:s19+$0x4300]  }
0x26b: {  	v3 =	vld.idx.msk [tilespmem:v3+s7+$0x0], $0xffff;
	_ =	sdelay $0x5  }
0x26c: {  	[tilespmem:s19+$0x92F0] =	vst v3;
	v3 =	vld [tilespmem:s19+$0x4310]  }
0x26d: {  	v2 =	vld.idx.msk [tilespmem:v2+s7+$0x0], $0xffff;
	_ =	sdelay $0x5  }
0x26e: {  	[tilespmem:s19+$0x9300] =	vst v2;
	v2 =	vld [tilespmem:s19+$0x4320]  }
0x26f: {  	v3 =	vld.idx.msk [tilespmem:v3+s7+$0x0], $0xffff;
	_ =	sdelay $0x5  }
0x270: {  	[tilespmem:s19+$0x9310] =	vst v3;
	v3 =	vld [tilespmem:s19+$0x4330]  }
0x271: {  	v2 =	vld.idx.msk [tilespmem:v2+s7+$0x0], $0xffff;
	_ =	sdelay $0x5  }
0x272: {  	[tilespmem:s19+$0x9320] =	vst v2;
	v4 =	vld [tilespmem:s19+$0x4340]  }
0x273: {  	v2 =	vld.idx.msk [tilespmem:v3+s7+$0x0], $0xffff;
	_ =	sdelay $0x5  }
0x274: {  	[tilespmem:s19+$0x9330] =	vst v2;
	v2 =	vld [tilespmem:s19+$0x4350]  }
0x275: {  	v3 =	vld.idx.msk [tilespmem:v4+s7+$0x0], $0xffff  }
.Ltmp10:
0x276: {  	(pc) =	sbr.rel @p0 .LBB2_17-.Ltmp10, $2  }
0x277: {  	_ =	sdelay $0x2  }
0x278: {  	s2 =	sshra.s32 s8, $0x2;
	s8 =	sadd.s32 $0x200, s8  }
0x279: {  	_ =	sdelay $0x1  }
0x27a: {  	v4 =	vld [tilespmem:s2+$0x42E0]  }
0x27b: {  	[tilespmem:s19+$0x9340] =	vst v3  }
0x27c: {  	v2 =	vld.idx.msk [tilespmem:v2+s7+$0x0], $0xffff;
	_ =	sdelay $0x3  }
0x27d: {  	v3 =	vld [tilespmem:s2+$0x42F0]  }
0x27e: {  	[tilespmem:s19+$0x9350] =	vst v2  }
0x27f: {  	v2 =	vld.idx.msk [tilespmem:v4+s7+$0x0], $0xffff;
	_ =	sdelay $0x4  }
0x280: {  	[tilespmem:s2+$0x92E0] =	vst v2;
	v2 =	vld [tilespmem:s2+$0x4300]  }
0x281: {  	v3 =	vld.idx.msk [tilespmem:v3+s7+$0x0], $0xffff;
	_ =	sdelay $0x4  }
0x282: {  	[tilespmem:s2+$0x92F0] =	vst v3;
	v3 =	vld [tilespmem:s2+$0x4310];
	_ =	sdelay $0x1  }
0x283: {  	v2 =	vld.idx.msk [tilespmem:v2+s7+$0x0], $0xffff;
	_ =	sdelay $0x4  }
0x284: {  	[tilespmem:s2+$0x9300] =	vst v2;
	v2 =	vld [tilespmem:s2+$0x4320]  }
0x285: {  	v3 =	vld.idx.msk [tilespmem:v3+s7+$0x0], $0xffff;
	_ =	sdelay $0x4  }
0x286: {  	[tilespmem:s2+$0x9310] =	vst v3;
	v3 =	vld [tilespmem:s2+$0x4330];
	_ =	sdelay $0x1  }
0x287: {  	v2 =	vld.idx.msk [tilespmem:v2+s7+$0x0], $0xffff;
	_ =	sdelay $0x4  }
0x288: {  	[tilespmem:s2+$0x9320] =	vst v2;
	v2 =	vld [tilespmem:s2+$0x4340]  }
0x289: {  	v3 =	vld.idx.msk [tilespmem:v3+s7+$0x0], $0xffff;
	_ =	sdelay $0x4  }
0x28a: {  	[tilespmem:s2+$0x9330] =	vst v3;
	v3 =	vld [tilespmem:s2+$0x4350];
	_ =	sdelay $0x1  }
0x28b: {  	v2 =	vld.idx.msk [tilespmem:v2+s7+$0x0], $0xffff;
	_ =	sdelay $0x4  }
0x28c: {  	[tilespmem:s2+$0x9340] =	vst v2  }
0x28d: {  	v2 =	vld.idx.msk [tilespmem:v3+s7+$0x0], $0xffff;
	_ =	sdelay $0x4  }
0x28e: {  	s19 =	simm.s32 $0x0;
	[tilespmem:s2+$0x9350] =	vst v2  }
0x28f: {  	[hbm4b:s17+s19] =	stream.linear.scatter [tilespmem:s14], [sflag:$0x3], $0x1000, $0x38;
	[tilespmem:$0x1E370] =	vst v63  }
0x290: {  	_ =	swait.ge [sflag:s15], $0x1000  }
0x291: {  	[sflag:s15] =	ssyncset.done $0x0  }
0x292: {  	s19 =	simm.s32 $0x0;
	[sflag:s15] =	ssyncadd.s32 $0xFFFFF000  }
0x293: {  	v2 =	vld [tilespmem:s19+$0x52E0];
	_ =	sdelay $0x5  }
0x294: {  	v3 =	vld [tilespmem:s19+$0x52F0];
	_ =	sdelay $0x1  }
0x295: {  	v2 =	vld.idx.msk [tilespmem:v2+s7+$0x0], $0xffff;
	_ =	sdelay $0x4  }
0x296: {  	[tilespmem:s19+$0xA2E0] =	vst v2;
	v2 =	vld [tilespmem:s19+$0x5300]  }
0x297: {  	v3 =	vld.idx.msk [tilespmem:v3+s7+$0x0], $0xffff;
	_ =	sdelay $0x4  }
0x298: {  	[tilespmem:s19+$0xA2F0] =	vst v3;
	v3 =	vld [tilespmem:s19+$0x5310];
	_ =	sdelay $0x1  }
0x299: {  	v2 =	vld.idx.msk [tilespmem:v2+s7+$0x0], $0xffff;
	_ =	sdelay $0x4  }
0x29a: {  	[tilespmem:s19+$0xA300] =	vst v2;
	v2 =	vld [tilespmem:s19+$0x5320]  }
0x29b: {  	v3 =	vld.idx.msk [tilespmem:v3+s7+$0x0], $0xffff;
	_ =	sdelay $0x4  }
0x29c: {  	[tilespmem:s19+$0xA310] =	vst v3;
	v3 =	vld [tilespmem:s19+$0x5330];
	_ =	sdelay $0x1  }
0x29d: {  	v2 =	vld.idx.msk [tilespmem:v2+s7+$0x0], $0xffff;
	_ =	sdelay $0x4  }
0x29e: {  	v4 =	vld [tilespmem:s19+$0x5340];
	[tilespmem:s19+$0xA320] =	vst v2  }
0x29f: {  	v2 =	vld.idx.msk [tilespmem:v3+s7+$0x0], $0xffff;
	_ =	sdelay $0x4  }
0x2a0: {  	[tilespmem:s19+$0xA330] =	vst v2;
	v2 =	vld [tilespmem:s19+$0x5350];
	_ =	sdelay $0x1  }
0x2a1: {  	v3 =	vld.idx.msk [tilespmem:v4+s7+$0x0], $0xffff;
	_ =	sdelay $0x3  }
0x2a2: {  	s8 =	simm.s32 $0x400;
	s2 =	simm.s32 $0x80;
	s17 =	sadd.s32 s9, s28  }
.LBB2_19:
0x2a3: {  	p0 =	sne.s32 s8, $0x3E00;
	v4 =	vld [tilespmem:s2+$0x52E0];
	[tilespmem:s19+$0xA340] =	vst v3  }
0x2a4: {  	v2 =	vld.idx.msk [tilespmem:v2+s7+$0x0], $0xffff;
	_ =	sdelay $0x5  }
0x2a5: {  	v3 =	vld [tilespmem:s2+$0x52F0];
	[tilespmem:s19+$0xA350] =	vst v2;
	s19 =	smov.u32 s2  }
0x2a6: {  	v2 =	vld.idx.msk [tilespmem:v4+s7+$0x0], $0xffff;
	_ =	sdelay $0x5  }
0x2a7: {  	[tilespmem:s19+$0xA2E0] =	vst v2;
	v2 =	vld [tilespmem:s19+$0x5300]  }
0x2a8: {  	v3 =	vld.idx.msk [tilespmem:v3+s7+$0x0], $0xffff;
	_ =	sdelay $0x5  }
0x2a9: {  	[tilespmem:s19+$0xA2F0] =	vst v3;
	v3 =	vld [tilespmem:s19+$0x5310]  }
0x2aa: {  	v2 =	vld.idx.msk [tilespmem:v2+s7+$0x0], $0xffff;
	_ =	sdelay $0x5  }
0x2ab: {  	[tilespmem:s19+$0xA300] =	vst v2;
	v2 =	vld [tilespmem:s19+$0x5320]  }
0x2ac: {  	v3 =	vld.idx.msk [tilespmem:v3+s7+$0x0], $0xffff;
	_ =	sdelay $0x5  }
0x2ad: {  	[tilespmem:s19+$0xA310] =	vst v3;
	v3 =	vld [tilespmem:s19+$0x5330]  }
0x2ae: {  	v2 =	vld.idx.msk [tilespmem:v2+s7+$0x0], $0xffff;
	_ =	sdelay $0x5  }
0x2af: {  	[tilespmem:s19+$0xA320] =	vst v2;
	v4 =	vld [tilespmem:s19+$0x5340]  }
0x2b0: {  	v2 =	vld.idx.msk [tilespmem:v3+s7+$0x0], $0xffff;
	_ =	sdelay $0x5  }
0x2b1: {  	[tilespmem:s19+$0xA330] =	vst v2;
	v2 =	vld [tilespmem:s19+$0x5350]  }
0x2b2: {  	v3 =	vld.idx.msk [tilespmem:v4+s7+$0x0], $0xffff  }
.Ltmp11:
0x2b3: {  	(pc) =	sbr.rel @p0 .LBB2_19-.Ltmp11, $2  }
0x2b4: {  	_ =	sdelay $0x2  }
0x2b5: {  	s2 =	sshra.s32 s8, $0x2;
	s8 =	sadd.s32 $0x200, s8  }
0x2b6: {  	_ =	sdelay $0x1  }
0x2b7: {  	v4 =	vld [tilespmem:s2+$0x52E0]  }
0x2b8: {  	[tilespmem:s19+$0xA340] =	vst v3  }
0x2b9: {  	v2 =	vld.idx.msk [tilespmem:v2+s7+$0x0], $0xffff;
	_ =	sdelay $0x3  }
0x2ba: {  	v3 =	vld [tilespmem:s2+$0x52F0]  }
0x2bb: {  	[tilespmem:s19+$0xA350] =	vst v2  }
0x2bc: {  	v2 =	vld.idx.msk [tilespmem:v4+s7+$0x0], $0xffff;
	_ =	sdelay $0x4  }
0x2bd: {  	[tilespmem:s2+$0xA2E0] =	vst v2;
	v2 =	vld [tilespmem:s2+$0x5300]  }
0x2be: {  	v3 =	vld.idx.msk [tilespmem:v3+s7+$0x0], $0xffff;
	_ =	sdelay $0x4  }
0x2bf: {  	[tilespmem:s2+$0xA2F0] =	vst v3;
	v3 =	vld [tilespmem:s2+$0x5310];
	_ =	sdelay $0x1  }
0x2c0: {  	v2 =	vld.idx.msk [tilespmem:v2+s7+$0x0], $0xffff;
	_ =	sdelay $0x4  }
0x2c1: {  	[tilespmem:s2+$0xA300] =	vst v2;
	v2 =	vld [tilespmem:s2+$0x5320]  }
0x2c2: {  	v3 =	vld.idx.msk [tilespmem:v3+s7+$0x0], $0xffff;
	_ =	sdelay $0x4  }
0x2c3: {  	[tilespmem:s2+$0xA310] =	vst v3;
	v3 =	vld [tilespmem:s2+$0x5330];
	_ =	sdelay $0x1  }
0x2c4: {  	v2 =	vld.idx.msk [tilespmem:v2+s7+$0x0], $0xffff;
	_ =	sdelay $0x4  }
0x2c5: {  	[tilespmem:s2+$0xA320] =	vst v2;
	v2 =	vld [tilespmem:s2+$0x5340]  }
0x2c6: {  	v3 =	vld.idx.msk [tilespmem:v3+s7+$0x0], $0xffff;
	_ =	sdelay $0x4  }
0x2c7: {  	[tilespmem:s2+$0xA330] =	vst v3;
	v3 =	vld [tilespmem:s2+$0x5350];
	_ =	sdelay $0x1  }
0x2c8: {  	v2 =	vld.idx.msk [tilespmem:v2+s7+$0x0], $0xffff;
	_ =	sdelay $0x4  }
0x2c9: {  	[tilespmem:s2+$0xA340] =	vst v2  }
0x2ca: {  	v2 =	vld.idx.msk [tilespmem:v3+s7+$0x0], $0xffff;
	_ =	sdelay $0x4  }
0x2cb: {  	s19 =	simm.s32 $0x0;
	[tilespmem:s2+$0xA350] =	vst v2  }
0x2cc: {  	[hbm4b:s17+s19] =	stream.linear.scatter [tilespmem:s12], [sflag:$0x2], $0x1000, $0x38;
	[tilespmem:$0x1E370] =	vst v63  }
0x2cd: {  	_ =	swait.ge [sflag:s16], $0x1000  }
0x2ce: {  	[sflag:s16] =	ssyncset.done $0x0  }
0x2cf: {  	s19 =	simm.s32 $0x0;
	[sflag:s16] =	ssyncadd.s32 $0xFFFFF000  }
0x2d0: {  	v2 =	vld [tilespmem:s19+$0x62E0];
	_ =	sdelay $0x5  }
0x2d1: {  	v3 =	vld [tilespmem:s19+$0x62F0];
	_ =	sdelay $0x1  }
0x2d2: {  	v2 =	vld.idx.msk [tilespmem:v2+s7+$0x0], $0xffff;
	_ =	sdelay $0x4  }
0x2d3: {  	[tilespmem:s19+$0x92E0] =	vst v2;
	v2 =	vld [tilespmem:s19+$0x6300]  }
0x2d4: {  	v3 =	vld.idx.msk [tilespmem:v3+s7+$0x0], $0xffff;
	_ =	sdelay $0x4  }
0x2d5: {  	[tilespmem:s19+$0x92F0] =	vst v3;
	v3 =	vld [tilespmem:s19+$0x6310];
	_ =	sdelay $0x1  }
0x2d6: {  	v2 =	vld.idx.msk [tilespmem:v2+s7+$0x0], $0xffff;
	_ =	sdelay $0x4  }
0x2d7: {  	[tilespmem:s19+$0x9300] =	vst v2;
	v2 =	vld [tilespmem:s19+$0x6320]  }
0x2d8: {  	v3 =	vld.idx.msk [tilespmem:v3+s7+$0x0], $0xffff;
	_ =	sdelay $0x4  }
0x2d9: {  	[tilespmem:s19+$0x9310] =	vst v3;
	v3 =	vld [tilespmem:s19+$0x6330];
	_ =	sdelay $0x1  }
0x2da: {  	v2 =	vld.idx.msk [tilespmem:v2+s7+$0x0], $0xffff;
	_ =	sdelay $0x4  }
0x2db: {  	v4 =	vld [tilespmem:s19+$0x6340];
	[tilespmem:s19+$0x9320] =	vst v2  }
0x2dc: {  	v2 =	vld.idx.msk [tilespmem:v3+s7+$0x0], $0xffff;
	_ =	sdelay $0x4  }
0x2dd: {  	[tilespmem:s19+$0x9330] =	vst v2;
	v2 =	vld [tilespmem:s19+$0x6350];
	_ =	sdelay $0x1  }
0x2de: {  	v3 =	vld.idx.msk [tilespmem:v4+s7+$0x0], $0xffff;
	_ =	sdelay $0x3  }
0x2df: {  	s8 =	simm.s32 $0x400;
	s2 =	simm.s32 $0x80;
	s17 =	sadd.s32 s9, s29  }
.LBB2_21:
0x2e0: {  	p0 =	sne.s32 s8, $0x3E00;
	v4 =	vld [tilespmem:s2+$0x62E0];
	[tilespmem:s19+$0x9340] =	vst v3  }
0x2e1: {  	v2 =	vld.idx.msk [tilespmem:v2+s7+$0x0], $0xffff;
	_ =	sdelay $0x5  }
0x2e2: {  	v3 =	vld [tilespmem:s2+$0x62F0];
	[tilespmem:s19+$0x9350] =	vst v2;
	s19 =	smov.u32 s2  }
0x2e3: {  	v2 =	vld.idx.msk [tilespmem:v4+s7+$0x0], $0xffff;
	_ =	sdelay $0x5  }
0x2e4: {  	[tilespmem:s19+$0x92E0] =	vst v2;
	v2 =	vld [tilespmem:s19+$0x6300]  }
0x2e5: {  	v3 =	vld.idx.msk [tilespmem:v3+s7+$0x0], $0xffff;
	_ =	sdelay $0x5  }
0x2e6: {  	[tilespmem:s19+$0x92F0] =	vst v3;
	v3 =	vld [tilespmem:s19+$0x6310]  }
0x2e7: {  	v2 =	vld.idx.msk [tilespmem:v2+s7+$0x0], $0xffff;
	_ =	sdelay $0x5  }
0x2e8: {  	[tilespmem:s19+$0x9300] =	vst v2;
	v2 =	vld [tilespmem:s19+$0x6320]  }
0x2e9: {  	v3 =	vld.idx.msk [tilespmem:v3+s7+$0x0], $0xffff;
	_ =	sdelay $0x5  }
0x2ea: {  	[tilespmem:s19+$0x9310] =	vst v3;
	v3 =	vld [tilespmem:s19+$0x6330]  }
0x2eb: {  	v2 =	vld.idx.msk [tilespmem:v2+s7+$0x0], $0xffff;
	_ =	sdelay $0x5  }
0x2ec: {  	[tilespmem:s19+$0x9320] =	vst v2;
	v4 =	vld [tilespmem:s19+$0x6340]  }
0x2ed: {  	v2 =	vld.idx.msk [tilespmem:v3+s7+$0x0], $0xffff;
	_ =	sdelay $0x5  }
0x2ee: {  	[tilespmem:s19+$0x9330] =	vst v2;
	v2 =	vld [tilespmem:s19+$0x6350]  }
0x2ef: {  	v3 =	vld.idx.msk [tilespmem:v4+s7+$0x0], $0xffff  }
.Ltmp12:
0x2f0: {  	(pc) =	sbr.rel @p0 .LBB2_21-.Ltmp12, $2  }
0x2f1: {  	_ =	sdelay $0x2  }
0x2f2: {  	s2 =	sshra.s32 s8, $0x2;
	s8 =	sadd.s32 $0x200, s8  }
0x2f3: {  	_ =	sdelay $0x1  }
0x2f4: {  	v4 =	vld [tilespmem:s2+$0x62E0]  }
0x2f5: {  	[tilespmem:s19+$0x9340] =	vst v3  }
0x2f6: {  	v2 =	vld.idx.msk [tilespmem:v2+s7+$0x0], $0xffff;
	_ =	sdelay $0x3  }
0x2f7: {  	v3 =	vld [tilespmem:s2+$0x62F0]  }
0x2f8: {  	[tilespmem:s19+$0x9350] =	vst v2  }
0x2f9: {  	v2 =	vld.idx.msk [tilespmem:v4+s7+$0x0], $0xffff;
	_ =	sdelay $0x4  }
0x2fa: {  	[tilespmem:s2+$0x92E0] =	vst v2;
	v2 =	vld [tilespmem:s2+$0x6300]  }
0x2fb: {  	v3 =	vld.idx.msk [tilespmem:v3+s7+$0x0], $0xffff;
	_ =	sdelay $0x4  }
0x2fc: {  	[tilespmem:s2+$0x92F0] =	vst v3;
	v3 =	vld [tilespmem:s2+$0x6310];
	_ =	sdelay $0x1  }
0x2fd: {  	v2 =	vld.idx.msk [tilespmem:v2+s7+$0x0], $0xffff;
	_ =	sdelay $0x4  }
0x2fe: {  	[tilespmem:s2+$0x9300] =	vst v2;
	v2 =	vld [tilespmem:s2+$0x6320]  }
0x2ff: {  	v3 =	vld.idx.msk [tilespmem:v3+s7+$0x0], $0xffff;
	_ =	sdelay $0x4  }
0x300: {  	[tilespmem:s2+$0x9310] =	vst v3;
	v3 =	vld [tilespmem:s2+$0x6330];
	_ =	sdelay $0x1  }
0x301: {  	v2 =	vld.idx.msk [tilespmem:v2+s7+$0x0], $0xffff;
	_ =	sdelay $0x4  }
0x302: {  	[tilespmem:s2+$0x9320] =	vst v2;
	v2 =	vld [tilespmem:s2+$0x6340]  }
0x303: {  	v3 =	vld.idx.msk [tilespmem:v3+s7+$0x0], $0xffff;
	_ =	sdelay $0x4  }
0x304: {  	[tilespmem:s2+$0x9330] =	vst v3;
	v3 =	vld [tilespmem:s2+$0x6350];
	_ =	sdelay $0x1  }
0x305: {  	v2 =	vld.idx.msk [tilespmem:v2+s7+$0x0], $0xffff;
	_ =	sdelay $0x4  }
0x306: {  	[tilespmem:s2+$0x9340] =	vst v2  }
0x307: {  	v2 =	vld.idx.msk [tilespmem:v3+s7+$0x0], $0xffff;
	_ =	sdelay $0x4  }
0x308: {  	s19 =	simm.s32 $0x0;
	[tilespmem:s2+$0x9350] =	vst v2  }
0x309: {  	[hbm4b:s17+s19] =	stream.linear.scatter [tilespmem:s14], [sflag:$0x3], $0x1000, $0x38;
	[tilespmem:$0x1E370] =	vst v63  }
0x30a: {  	_ =	swait.ge [sflag:s15], $0x1000  }
0x30b: {  	[sflag:s15] =	ssyncset.done $0x0  }
0x30c: {  	s19 =	simm.s32 $0x0;
	[sflag:s15] =	ssyncadd.s32 $0xFFFFF000  }
0x30d: {  	v2 =	vld [tilespmem:s19+$0x72E0];
	_ =	sdelay $0x5  }
0x30e: {  	v3 =	vld [tilespmem:s19+$0x72F0];
	_ =	sdelay $0x1  }
0x30f: {  	v2 =	vld.idx.msk [tilespmem:v2+s7+$0x0], $0xffff;
	_ =	sdelay $0x4  }
0x310: {  	[tilespmem:s19+$0xA2E0] =	vst v2;
	v2 =	vld [tilespmem:s19+$0x7300]  }
0x311: {  	v3 =	vld.idx.msk [tilespmem:v3+s7+$0x0], $0xffff;
	_ =	sdelay $0x4  }
0x312: {  	[tilespmem:s19+$0xA2F0] =	vst v3;
	v3 =	vld [tilespmem:s19+$0x7310];
	_ =	sdelay $0x1  }
0x313: {  	v2 =	vld.idx.msk [tilespmem:v2+s7+$0x0], $0xffff;
	_ =	sdelay $0x4  }
0x314: {  	[tilespmem:s19+$0xA300] =	vst v2;
	v2 =	vld [tilespmem:s19+$0x7320]  }
0x315: {  	v3 =	vld.idx.msk [tilespmem:v3+s7+$0x0], $0xffff;
	_ =	sdelay $0x4  }
0x316: {  	[tilespmem:s19+$0xA310] =	vst v3;
	v3 =	vld [tilespmem:s19+$0x7330];
	_ =	sdelay $0x1  }
0x317: {  	v2 =	vld.idx.msk [tilespmem:v2+s7+$0x0], $0xffff;
	_ =	sdelay $0x4  }
0x318: {  	v4 =	vld [tilespmem:s19+$0x7340];
	[tilespmem:s19+$0xA320] =	vst v2  }
0x319: {  	v2 =	vld.idx.msk [tilespmem:v3+s7+$0x0], $0xffff;
	_ =	sdelay $0x4  }
0x31a: {  	[tilespmem:s19+$0xA330] =	vst v2;
	v2 =	vld [tilespmem:s19+$0x7350];
	_ =	sdelay $0x1  }
0x31b: {  	v3 =	vld.idx.msk [tilespmem:v4+s7+$0x0], $0xffff;
	_ =	sdelay $0x3  }
0x31c: {  	s8 =	simm.s32 $0x400;
	s2 =	simm.s32 $0x80;
	s17 =	sadd.s32 s9, s30  }
.LBB2_23:
0x31d: {  	p0 =	sne.s32 s8, $0x3E00;
	v4 =	vld [tilespmem:s2+$0x72E0];
	[tilespmem:s19+$0xA340] =	vst v3  }
0x31e: {  	v2 =	vld.idx.msk [tilespmem:v2+s7+$0x0], $0xffff;
	_ =	sdelay $0x5  }
0x31f: {  	v3 =	vld [tilespmem:s2+$0x72F0];
	[tilespmem:s19+$0xA350] =	vst v2;
	s19 =	smov.u32 s2  }
0x320: {  	v2 =	vld.idx.msk [tilespmem:v4+s7+$0x0], $0xffff;
	_ =	sdelay $0x5  }
0x321: {  	[tilespmem:s19+$0xA2E0] =	vst v2;
	v2 =	vld [tilespmem:s19+$0x7300]  }
0x322: {  	v3 =	vld.idx.msk [tilespmem:v3+s7+$0x0], $0xffff;
	_ =	sdelay $0x5  }
0x323: {  	[tilespmem:s19+$0xA2F0] =	vst v3;
	v3 =	vld [tilespmem:s19+$0x7310]  }
0x324: {  	v2 =	vld.idx.msk [tilespmem:v2+s7+$0x0], $0xffff;
	_ =	sdelay $0x5  }
0x325: {  	[tilespmem:s19+$0xA300] =	vst v2;
	v2 =	vld [tilespmem:s19+$0x7320]  }
0x326: {  	v3 =	vld.idx.msk [tilespmem:v3+s7+$0x0], $0xffff;
	_ =	sdelay $0x5  }
0x327: {  	[tilespmem:s19+$0xA310] =	vst v3;
	v3 =	vld [tilespmem:s19+$0x7330]  }
0x328: {  	v2 =	vld.idx.msk [tilespmem:v2+s7+$0x0], $0xffff;
	_ =	sdelay $0x5  }
0x329: {  	[tilespmem:s19+$0xA320] =	vst v2;
	v4 =	vld [tilespmem:s19+$0x7340]  }
0x32a: {  	v2 =	vld.idx.msk [tilespmem:v3+s7+$0x0], $0xffff;
	_ =	sdelay $0x5  }
0x32b: {  	[tilespmem:s19+$0xA330] =	vst v2;
	v2 =	vld [tilespmem:s19+$0x7350]  }
0x32c: {  	v3 =	vld.idx.msk [tilespmem:v4+s7+$0x0], $0xffff  }
.Ltmp13:
0x32d: {  	(pc) =	sbr.rel @p0 .LBB2_23-.Ltmp13, $2  }
0x32e: {  	_ =	sdelay $0x2  }
0x32f: {  	s2 =	sshra.s32 s8, $0x2;
	s8 =	sadd.s32 $0x200, s8  }
0x330: {  	_ =	sdelay $0x1  }
0x331: {  	v4 =	vld [tilespmem:s2+$0x72E0]  }
0x332: {  	[tilespmem:s19+$0xA340] =	vst v3  }
0x333: {  	v2 =	vld.idx.msk [tilespmem:v2+s7+$0x0], $0xffff;
	_ =	sdelay $0x3  }
0x334: {  	v3 =	vld [tilespmem:s2+$0x72F0]  }
0x335: {  	[tilespmem:s19+$0xA350] =	vst v2  }
0x336: {  	v2 =	vld.idx.msk [tilespmem:v4+s7+$0x0], $0xffff;
	_ =	sdelay $0x4  }
0x337: {  	[tilespmem:s2+$0xA2E0] =	vst v2;
	v2 =	vld [tilespmem:s2+$0x7300]  }
0x338: {  	v3 =	vld.idx.msk [tilespmem:v3+s7+$0x0], $0xffff;
	_ =	sdelay $0x4  }
0x339: {  	[tilespmem:s2+$0xA2F0] =	vst v3;
	v3 =	vld [tilespmem:s2+$0x7310];
	_ =	sdelay $0x1  }
0x33a: {  	v2 =	vld.idx.msk [tilespmem:v2+s7+$0x0], $0xffff;
	_ =	sdelay $0x4  }
0x33b: {  	[tilespmem:s2+$0xA300] =	vst v2;
	v2 =	vld [tilespmem:s2+$0x7320]  }
0x33c: {  	v3 =	vld.idx.msk [tilespmem:v3+s7+$0x0], $0xffff;
	_ =	sdelay $0x4  }
0x33d: {  	[tilespmem:s2+$0xA310] =	vst v3;
	v3 =	vld [tilespmem:s2+$0x7330];
	_ =	sdelay $0x1  }
0x33e: {  	v2 =	vld.idx.msk [tilespmem:v2+s7+$0x0], $0xffff;
	_ =	sdelay $0x4  }
0x33f: {  	[tilespmem:s2+$0xA320] =	vst v2;
	v2 =	vld [tilespmem:s2+$0x7340]  }
0x340: {  	v3 =	vld.idx.msk [tilespmem:v3+s7+$0x0], $0xffff;
	_ =	sdelay $0x4  }
0x341: {  	[tilespmem:s2+$0xA330] =	vst v3;
	v3 =	vld [tilespmem:s2+$0x7350];
	_ =	sdelay $0x1  }
0x342: {  	v2 =	vld.idx.msk [tilespmem:v2+s7+$0x0], $0xffff;
	_ =	sdelay $0x4  }
0x343: {  	[tilespmem:s2+$0xA340] =	vst v2  }
0x344: {  	v2 =	vld.idx.msk [tilespmem:v3+s7+$0x0], $0xffff;
	_ =	sdelay $0x4  }
0x345: {  	s19 =	simm.s32 $0x0;
	[tilespmem:s2+$0xA350] =	vst v2  }
0x346: {  	[hbm4b:s17+s19] =	stream.linear.scatter [tilespmem:s12], [sflag:$0x2], $0x1000, $0x38;
	[tilespmem:$0x1E370] =	vst v63  }
0x347: {  	_ =	swait.ge [sflag:s16], $0x1000  }
0x348: {  	[sflag:s16] =	ssyncset.done $0x0  }
0x349: {  	s17 =	simm.s32 $0x0;
	[sflag:s16] =	ssyncadd.s32 $0xFFFFF000  }
0x34a: {  	v2 =	vld [tilespmem:s17+$0x82E0];
	_ =	sdelay $0x5  }
0x34b: {  	v3 =	vld [tilespmem:s17+$0x82F0];
	_ =	sdelay $0x1  }
0x34c: {  	v2 =	vld.idx.msk [tilespmem:v2+s7+$0x0], $0xffff;
	_ =	sdelay $0x4  }
0x34d: {  	[tilespmem:s17+$0x92E0] =	vst v2;
	v2 =	vld [tilespmem:s17+$0x8300]  }
0x34e: {  	v3 =	vld.idx.msk [tilespmem:v3+s7+$0x0], $0xffff;
	_ =	sdelay $0x4  }
0x34f: {  	[tilespmem:s17+$0x92F0] =	vst v3;
	v3 =	vld [tilespmem:s17+$0x8310];
	_ =	sdelay $0x1  }
0x350: {  	v2 =	vld.idx.msk [tilespmem:v2+s7+$0x0], $0xffff;
	_ =	sdelay $0x4  }
0x351: {  	[tilespmem:s17+$0x9300] =	vst v2;
	v2 =	vld [tilespmem:s17+$0x8320]  }
0x352: {  	v3 =	vld.idx.msk [tilespmem:v3+s7+$0x0], $0xffff;
	_ =	sdelay $0x4  }
0x353: {  	[tilespmem:s17+$0x9310] =	vst v3;
	v3 =	vld [tilespmem:s17+$0x8330];
	_ =	sdelay $0x1  }
0x354: {  	v2 =	vld.idx.msk [tilespmem:v2+s7+$0x0], $0xffff;
	_ =	sdelay $0x4  }
0x355: {  	v4 =	vld [tilespmem:s17+$0x8340];
	[tilespmem:s17+$0x9320] =	vst v2  }
0x356: {  	v2 =	vld.idx.msk [tilespmem:v3+s7+$0x0], $0xffff;
	_ =	sdelay $0x4  }
0x357: {  	[tilespmem:s17+$0x9330] =	vst v2;
	v2 =	vld [tilespmem:s17+$0x8350];
	_ =	sdelay $0x1  }
0x358: {  	v3 =	vld.idx.msk [tilespmem:v4+s7+$0x0], $0xffff;
	_ =	sdelay $0x3  }
0x359: {  	s9 =	sadd.s32 s9, s31;
	s8 =	simm.s32 $0x400;
	s2 =	simm.s32 $0x80  }
.LBB2_25:
0x35a: {  	p0 =	sne.s32 s8, $0x3E00;
	v4 =	vld [tilespmem:s2+$0x82E0];
	[tilespmem:s17+$0x9340] =	vst v3  }
0x35b: {  	v2 =	vld.idx.msk [tilespmem:v2+s7+$0x0], $0xffff;
	_ =	sdelay $0x5  }
0x35c: {  	v3 =	vld [tilespmem:s2+$0x82F0];
	[tilespmem:s17+$0x9350] =	vst v2;
	s17 =	smov.u32 s2  }
0x35d: {  	v2 =	vld.idx.msk [tilespmem:v4+s7+$0x0], $0xffff;
	_ =	sdelay $0x5  }
0x35e: {  	[tilespmem:s17+$0x92E0] =	vst v2;
	v2 =	vld [tilespmem:s17+$0x8300]  }
0x35f: {  	v3 =	vld.idx.msk [tilespmem:v3+s7+$0x0], $0xffff;
	_ =	sdelay $0x5  }
0x360: {  	[tilespmem:s17+$0x92F0] =	vst v3;
	v3 =	vld [tilespmem:s17+$0x8310]  }
0x361: {  	v2 =	vld.idx.msk [tilespmem:v2+s7+$0x0], $0xffff;
	_ =	sdelay $0x5  }
0x362: {  	[tilespmem:s17+$0x9300] =	vst v2;
	v2 =	vld [tilespmem:s17+$0x8320]  }
0x363: {  	v3 =	vld.idx.msk [tilespmem:v3+s7+$0x0], $0xffff;
	_ =	sdelay $0x5  }
0x364: {  	[tilespmem:s17+$0x9310] =	vst v3;
	v3 =	vld [tilespmem:s17+$0x8330]  }
0x365: {  	v2 =	vld.idx.msk [tilespmem:v2+s7+$0x0], $0xffff;
	_ =	sdelay $0x5  }
0x366: {  	[tilespmem:s17+$0x9320] =	vst v2;
	v4 =	vld [tilespmem:s17+$0x8340]  }
0x367: {  	v2 =	vld.idx.msk [tilespmem:v3+s7+$0x0], $0xffff;
	_ =	sdelay $0x5  }
0x368: {  	[tilespmem:s17+$0x9330] =	vst v2;
	v2 =	vld [tilespmem:s17+$0x8350]  }
0x369: {  	v3 =	vld.idx.msk [tilespmem:v4+s7+$0x0], $0xffff  }
.Ltmp14:
0x36a: {  	(pc) =	sbr.rel @p0 .LBB2_25-.Ltmp14, $2  }
0x36b: {  	_ =	sdelay $0x2  }
0x36c: {  	s2 =	sshra.s32 s8, $0x2;
	s8 =	sadd.s32 $0x200, s8  }
0x36d: {  	_ =	sdelay $0x1  }
0x36e: {  	v4 =	vld [tilespmem:s2+$0x82E0]  }
0x36f: {  	[tilespmem:s17+$0x9340] =	vst v3  }
0x370: {  	v2 =	vld.idx.msk [tilespmem:v2+s7+$0x0], $0xffff;
	_ =	sdelay $0x3  }
0x371: {  	v3 =	vld [tilespmem:s2+$0x82F0]  }
0x372: {  	[tilespmem:s17+$0x9350] =	vst v2  }
0x373: {  	v2 =	vld.idx.msk [tilespmem:v4+s7+$0x0], $0xffff;
	_ =	sdelay $0x4  }
0x374: {  	[tilespmem:s2+$0x92E0] =	vst v2;
	v2 =	vld [tilespmem:s2+$0x8300]  }
0x375: {  	v3 =	vld.idx.msk [tilespmem:v3+s7+$0x0], $0xffff;
	_ =	sdelay $0x4  }
0x376: {  	[tilespmem:s2+$0x92F0] =	vst v3;
	v3 =	vld [tilespmem:s2+$0x8310];
	_ =	sdelay $0x1  }
0x377: {  	v2 =	vld.idx.msk [tilespmem:v2+s7+$0x0], $0xffff;
	_ =	sdelay $0x4  }
0x378: {  	[tilespmem:s2+$0x9300] =	vst v2;
	v2 =	vld [tilespmem:s2+$0x8320]  }
0x379: {  	v3 =	vld.idx.msk [tilespmem:v3+s7+$0x0], $0xffff;
	_ =	sdelay $0x4  }
0x37a: {  	[tilespmem:s2+$0x9310] =	vst v3;
	v3 =	vld [tilespmem:s2+$0x8330];
	_ =	sdelay $0x1  }
0x37b: {  	v2 =	vld.idx.msk [tilespmem:v2+s7+$0x0], $0xffff;
	_ =	sdelay $0x4  }
0x37c: {  	[tilespmem:s2+$0x9320] =	vst v2;
	v2 =	vld [tilespmem:s2+$0x8340]  }
0x37d: {  	v3 =	vld.idx.msk [tilespmem:v3+s7+$0x0], $0xffff;
	_ =	sdelay $0x4  }
0x37e: {  	[tilespmem:s2+$0x9330] =	vst v3;
	v3 =	vld [tilespmem:s2+$0x8350];
	_ =	sdelay $0x1  }
0x37f: {  	v2 =	vld.idx.msk [tilespmem:v2+s7+$0x0], $0xffff;
	_ =	sdelay $0x4  }
0x380: {  	[tilespmem:s2+$0x9340] =	vst v2  }
0x381: {  	v2 =	vld.idx.msk [tilespmem:v3+s7+$0x0], $0xffff;
	_ =	sdelay $0x3  }
0x382: {  	s5 =	sadd.s32 $0x2, s18;
	s8 =	rddreg [dreg:$0x13]  }
0x383: {  	s19 =	simm.s32 $0x0;
	s5 =	smin.u32 s5, s8;
	[tilespmem:s2+$0x9350] =	vst v2  }
0x384: {  	[hbm4b:s9+s19] =	stream.linear.scatter [tilespmem:s14], [sflag:$0x3], $0x1000, $0x38;
	[tilespmem:$0x1E370] =	vst v63  }
0x385: {  	s5 =	sor.u32 s13, s5;
	_ =	swait.ge [sflag:s10], $0x2000  }
0x386: {  	s5 =	sshll.u32 s5, $0xA;
	[sflag:s10] =	ssyncset.done $0x0  }
0x387: {  	s5 =	sadd.s32 s4, s5;
	[sflag:s10] =	ssyncadd.s32 $0xFFFFE000  }
0x388: {  	[tilespmem:s7], [sflag:$0x5] =	stream.linear.gather [hbm4b:s5+s19], $0x2000, $0x38;
	[tilespmem:$0x1E370] =	vst v63  }
0x389: {  	_ =	swait.ge [sflag:s15], $0x1000  }
0x38a: {  	[sflag:s15] =	ssyncset.done $0x0  }
0x38b: {  	s9 =	simm.s32 $0x0;
	[sflag:s15] =	ssyncadd.s32 $0xFFFFF000  }
0x38c: {  	v2 =	vld [tilespmem:s9+$0x12E0];
	_ =	sdelay $0x5  }
0x38d: {  	v3 =	vld [tilespmem:s9+$0x12F0];
	_ =	sdelay $0x1  }
0x38e: {  	v2 =	vld.idx.msk [tilespmem:v2+s11+$0x0], $0xffff;
	_ =	sdelay $0x4  }
0x38f: {  	[tilespmem:s9+$0xA2E0] =	vst v2;
	v2 =	vld [tilespmem:s9+$0x1300]  }
0x390: {  	v3 =	vld.idx.msk [tilespmem:v3+s11+$0x0], $0xffff;
	_ =	sdelay $0x4  }
0x391: {  	[tilespmem:s9+$0xA2F0] =	vst v3;
	v3 =	vld [tilespmem:s9+$0x1310];
	_ =	sdelay $0x1  }
0x392: {  	v2 =	vld.idx.msk [tilespmem:v2+s11+$0x0], $0xffff;
	_ =	sdelay $0x4  }
0x393: {  	[tilespmem:s9+$0xA300] =	vst v2;
	v2 =	vld [tilespmem:s9+$0x1320]  }
0x394: {  	v3 =	vld.idx.msk [tilespmem:v3+s11+$0x0], $0xffff;
	_ =	sdelay $0x4  }
0x395: {  	[tilespmem:s9+$0xA310] =	vst v3;
	v3 =	vld [tilespmem:s9+$0x1330];
	_ =	sdelay $0x1  }
0x396: {  	v2 =	vld.idx.msk [tilespmem:v2+s11+$0x0], $0xffff;
	_ =	sdelay $0x4  }
0x397: {  	v4 =	vld [tilespmem:s9+$0x1340];
	[tilespmem:s9+$0xA320] =	vst v2  }
0x398: {  	v2 =	vld.idx.msk [tilespmem:v3+s11+$0x0], $0xffff;
	_ =	sdelay $0x4  }
0x399: {  	[tilespmem:s9+$0xA330] =	vst v2;
	v2 =	vld [tilespmem:s9+$0x1350];
	_ =	sdelay $0x1  }
0x39a: {  	v3 =	vld.idx.msk [tilespmem:v4+s11+$0x0], $0xffff;
	_ =	sdelay $0x3  }
0x39b: {  	s8 =	simm.s32 $0x400;
	s17 =	simm.s32 $0x80  }
.LBB2_27:
0x39c: {  	p0 =	sne.s32 s8, $0x3E00;
	v4 =	vld [tilespmem:s17+$0x12E0];
	[tilespmem:s9+$0xA340] =	vst v3  }
0x39d: {  	v2 =	vld.idx.msk [tilespmem:v2+s11+$0x0], $0xffff;
	_ =	sdelay $0x5  }
0x39e: {  	v3 =	vld [tilespmem:s17+$0x12F0];
	[tilespmem:s9+$0xA350] =	vst v2;
	s9 =	smov.u32 s17  }
0x39f: {  	v2 =	vld.idx.msk [tilespmem:v4+s11+$0x0], $0xffff;
	_ =	sdelay $0x5  }
0x3a0: {  	[tilespmem:s9+$0xA2E0] =	vst v2;
	v2 =	vld [tilespmem:s9+$0x1300]  }
0x3a1: {  	v3 =	vld.idx.msk [tilespmem:v3+s11+$0x0], $0xffff;
	_ =	sdelay $0x5  }
0x3a2: {  	[tilespmem:s9+$0xA2F0] =	vst v3;
	v3 =	vld [tilespmem:s9+$0x1310]  }
0x3a3: {  	v2 =	vld.idx.msk [tilespmem:v2+s11+$0x0], $0xffff;
	_ =	sdelay $0x5  }
0x3a4: {  	[tilespmem:s9+$0xA300] =	vst v2;
	v2 =	vld [tilespmem:s9+$0x1320]  }
0x3a5: {  	v3 =	vld.idx.msk [tilespmem:v3+s11+$0x0], $0xffff;
	_ =	sdelay $0x5  }
0x3a6: {  	[tilespmem:s9+$0xA310] =	vst v3;
	v3 =	vld [tilespmem:s9+$0x1330]  }
0x3a7: {  	v2 =	vld.idx.msk [tilespmem:v2+s11+$0x0], $0xffff;
	_ =	sdelay $0x5  }
0x3a8: {  	[tilespmem:s9+$0xA320] =	vst v2;
	v4 =	vld [tilespmem:s9+$0x1340]  }
0x3a9: {  	v2 =	vld.idx.msk [tilespmem:v3+s11+$0x0], $0xffff;
	_ =	sdelay $0x5  }
0x3aa: {  	[tilespmem:s9+$0xA330] =	vst v2;
	v2 =	vld [tilespmem:s9+$0x1350]  }
0x3ab: {  	v3 =	vld.idx.msk [tilespmem:v4+s11+$0x0], $0xffff  }
.Ltmp15:
0x3ac: {  	(pc) =	sbr.rel @p0 .LBB2_27-.Ltmp15, $2  }
0x3ad: {  	_ =	sdelay $0x2  }
0x3ae: {  	s17 =	sshra.s32 s8, $0x2;
	s8 =	sadd.s32 $0x200, s8  }
0x3af: {  	_ =	sdelay $0x1  }
0x3b0: {  	v4 =	vld [tilespmem:s17+$0x12E0]  }
0x3b1: {  	[tilespmem:s9+$0xA340] =	vst v3  }
0x3b2: {  	v2 =	vld.idx.msk [tilespmem:v2+s11+$0x0], $0xffff;
	_ =	sdelay $0x3  }
0x3b3: {  	v3 =	vld [tilespmem:s17+$0x12F0]  }
0x3b4: {  	[tilespmem:s9+$0xA350] =	vst v2  }
0x3b5: {  	v2 =	vld.idx.msk [tilespmem:v4+s11+$0x0], $0xffff;
	_ =	sdelay $0x4  }
0x3b6: {  	[tilespmem:s17+$0xA2E0] =	vst v2;
	v2 =	vld [tilespmem:s17+$0x1300]  }
0x3b7: {  	v3 =	vld.idx.msk [tilespmem:v3+s11+$0x0], $0xffff;
	_ =	sdelay $0x4  }
0x3b8: {  	[tilespmem:s17+$0xA2F0] =	vst v3;
	v3 =	vld [tilespmem:s17+$0x1310];
	_ =	sdelay $0x1  }
0x3b9: {  	v2 =	vld.idx.msk [tilespmem:v2+s11+$0x0], $0xffff;
	_ =	sdelay $0x4  }
0x3ba: {  	[tilespmem:s17+$0xA300] =	vst v2;
	v2 =	vld [tilespmem:s17+$0x1320]  }
0x3bb: {  	v3 =	vld.idx.msk [tilespmem:v3+s11+$0x0], $0xffff;
	_ =	sdelay $0x4  }
0x3bc: {  	[tilespmem:s17+$0xA310] =	vst v3;
	v3 =	vld [tilespmem:s17+$0x1330];
	_ =	sdelay $0x1  }
0x3bd: {  	v2 =	vld.idx.msk [tilespmem:v2+s11+$0x0], $0xffff;
	_ =	sdelay $0x4  }
0x3be: {  	[tilespmem:s17+$0xA320] =	vst v2;
	v2 =	vld [tilespmem:s17+$0x1340]  }
0x3bf: {  	v3 =	vld.idx.msk [tilespmem:v3+s11+$0x0], $0xffff;
	_ =	sdelay $0x4  }
0x3c0: {  	[tilespmem:s17+$0xA330] =	vst v3;
	v3 =	vld [tilespmem:s17+$0x1350];
	_ =	sdelay $0x1  }
0x3c1: {  	v2 =	vld.idx.msk [tilespmem:v2+s11+$0x0], $0xffff;
	_ =	sdelay $0x4  }
0x3c2: {  	[tilespmem:s17+$0xA340] =	vst v2  }
0x3c3: {  	v2 =	vld.idx.msk [tilespmem:v3+s11+$0x0], $0xffff;
	_ =	sdelay $0x1  }
0x3c4: {  	s2 =	sadd.s32 s21, s25  }
0x3c5: {  	s2 =	sshll.u32 s2, $0xC  }
0x3c6: {  	s9 =	sand.u32 $0x1FFFF000, s2  }
0x3c7: {  	s5 =	simm.s32 $0x0;
	s2 =	sadd.s32 s24, s9;
	[tilespmem:s17+$0xA350] =	vst v2  }
0x3c8: {  	[hbm4b:s2+s5] =	stream.linear.scatter [tilespmem:s12], [sflag:$0x2], $0x1000, $0x38;
	[tilespmem:$0x1E370] =	vst v63  }
0x3c9: {  	_ =	swait.ge [sflag:s16], $0x1000  }
0x3ca: {  	[sflag:s16] =	ssyncset.done $0x0  }
0x3cb: {  	s17 =	simm.s32 $0x0;
	[sflag:s16] =	ssyncadd.s32 $0xFFFFF000  }
0x3cc: {  	v2 =	vld [tilespmem:s17+$0x22E0];
	_ =	sdelay $0x5  }
0x3cd: {  	v3 =	vld [tilespmem:s17+$0x22F0];
	_ =	sdelay $0x1  }
0x3ce: {  	v2 =	vld.idx.msk [tilespmem:v2+s11+$0x0], $0xffff;
	_ =	sdelay $0x4  }
0x3cf: {  	[tilespmem:s17+$0x92E0] =	vst v2;
	v2 =	vld [tilespmem:s17+$0x2300]  }
0x3d0: {  	v3 =	vld.idx.msk [tilespmem:v3+s11+$0x0], $0xffff;
	_ =	sdelay $0x4  }
0x3d1: {  	[tilespmem:s17+$0x92F0] =	vst v3;
	v3 =	vld [tilespmem:s17+$0x2310];
	_ =	sdelay $0x1  }
0x3d2: {  	v2 =	vld.idx.msk [tilespmem:v2+s11+$0x0], $0xffff;
	_ =	sdelay $0x4  }
0x3d3: {  	[tilespmem:s17+$0x9300] =	vst v2;
	v2 =	vld [tilespmem:s17+$0x2320]  }
0x3d4: {  	v3 =	vld.idx.msk [tilespmem:v3+s11+$0x0], $0xffff;
	_ =	sdelay $0x4  }
0x3d5: {  	[tilespmem:s17+$0x9310] =	vst v3;
	v3 =	vld [tilespmem:s17+$0x2330];
	_ =	sdelay $0x1  }
0x3d6: {  	v2 =	vld.idx.msk [tilespmem:v2+s11+$0x0], $0xffff;
	_ =	sdelay $0x4  }
0x3d7: {  	v4 =	vld [tilespmem:s17+$0x2340];
	[tilespmem:s17+$0x9320] =	vst v2  }
0x3d8: {  	v2 =	vld.idx.msk [tilespmem:v3+s11+$0x0], $0xffff;
	_ =	sdelay $0x4  }
0x3d9: {  	[tilespmem:s17+$0x9330] =	vst v2;
	v2 =	vld [tilespmem:s17+$0x2350];
	_ =	sdelay $0x1  }
0x3da: {  	v3 =	vld.idx.msk [tilespmem:v4+s11+$0x0], $0xffff;
	_ =	sdelay $0x3  }
0x3db: {  	s8 =	simm.s32 $0x400;
	s2 =	simm.s32 $0x80  }
.LBB2_29:
0x3dc: {  	p0 =	sne.s32 s8, $0x3E00;
	v4 =	vld [tilespmem:s2+$0x22E0];
	[tilespmem:s17+$0x9340] =	vst v3  }
0x3dd: {  	v2 =	vld.idx.msk [tilespmem:v2+s11+$0x0], $0xffff;
	_ =	sdelay $0x5  }
0x3de: {  	v3 =	vld [tilespmem:s2+$0x22F0];
	[tilespmem:s17+$0x9350] =	vst v2;
	s17 =	smov.u32 s2  }
0x3df: {  	v2 =	vld.idx.msk [tilespmem:v4+s11+$0x0], $0xffff;
	_ =	sdelay $0x5  }
0x3e0: {  	[tilespmem:s17+$0x92E0] =	vst v2;
	v2 =	vld [tilespmem:s17+$0x2300]  }
0x3e1: {  	v3 =	vld.idx.msk [tilespmem:v3+s11+$0x0], $0xffff;
	_ =	sdelay $0x5  }
0x3e2: {  	[tilespmem:s17+$0x92F0] =	vst v3;
	v3 =	vld [tilespmem:s17+$0x2310]  }
0x3e3: {  	v2 =	vld.idx.msk [tilespmem:v2+s11+$0x0], $0xffff;
	_ =	sdelay $0x5  }
0x3e4: {  	[tilespmem:s17+$0x9300] =	vst v2;
	v2 =	vld [tilespmem:s17+$0x2320]  }
0x3e5: {  	v3 =	vld.idx.msk [tilespmem:v3+s11+$0x0], $0xffff;
	_ =	sdelay $0x5  }
0x3e6: {  	[tilespmem:s17+$0x9310] =	vst v3;
	v3 =	vld [tilespmem:s17+$0x2330]  }
0x3e7: {  	v2 =	vld.idx.msk [tilespmem:v2+s11+$0x0], $0xffff;
	_ =	sdelay $0x5  }
0x3e8: {  	[tilespmem:s17+$0x9320] =	vst v2;
	v4 =	vld [tilespmem:s17+$0x2340]  }
0x3e9: {  	v2 =	vld.idx.msk [tilespmem:v3+s11+$0x0], $0xffff;
	_ =	sdelay $0x5  }
0x3ea: {  	[tilespmem:s17+$0x9330] =	vst v2;
	v2 =	vld [tilespmem:s17+$0x2350]  }
0x3eb: {  	v3 =	vld.idx.msk [tilespmem:v4+s11+$0x0], $0xffff  }
.Ltmp16:
0x3ec: {  	(pc) =	sbr.rel @p0 .LBB2_29-.Ltmp16, $2  }
0x3ed: {  	_ =	sdelay $0x2  }
0x3ee: {  	s2 =	sshra.s32 s8, $0x2;
	s8 =	sadd.s32 $0x200, s8  }
0x3ef: {  	_ =	sdelay $0x1  }
0x3f0: {  	v4 =	vld [tilespmem:s2+$0x22E0]  }
0x3f1: {  	[tilespmem:s17+$0x9340] =	vst v3  }
0x3f2: {  	v2 =	vld.idx.msk [tilespmem:v2+s11+$0x0], $0xffff;
	_ =	sdelay $0x3  }
0x3f3: {  	v3 =	vld [tilespmem:s2+$0x22F0]  }
0x3f4: {  	[tilespmem:s17+$0x9350] =	vst v2  }
0x3f5: {  	v2 =	vld.idx.msk [tilespmem:v4+s11+$0x0], $0xffff;
	_ =	sdelay $0x4  }
0x3f6: {  	[tilespmem:s2+$0x92E0] =	vst v2;
	v2 =	vld [tilespmem:s2+$0x2300]  }
0x3f7: {  	v3 =	vld.idx.msk [tilespmem:v3+s11+$0x0], $0xffff;
	_ =	sdelay $0x4  }
0x3f8: {  	[tilespmem:s2+$0x92F0] =	vst v3;
	v3 =	vld [tilespmem:s2+$0x2310];
	_ =	sdelay $0x1  }
0x3f9: {  	v2 =	vld.idx.msk [tilespmem:v2+s11+$0x0], $0xffff;
	_ =	sdelay $0x4  }
0x3fa: {  	[tilespmem:s2+$0x9300] =	vst v2;
	v2 =	vld [tilespmem:s2+$0x2320]  }
0x3fb: {  	v3 =	vld.idx.msk [tilespmem:v3+s11+$0x0], $0xffff;
	_ =	sdelay $0x4  }
0x3fc: {  	[tilespmem:s2+$0x9310] =	vst v3;
	v3 =	vld [tilespmem:s2+$0x2330];
	_ =	sdelay $0x1  }
0x3fd: {  	v2 =	vld.idx.msk [tilespmem:v2+s11+$0x0], $0xffff;
	_ =	sdelay $0x4  }
0x3fe: {  	[tilespmem:s2+$0x9320] =	vst v2;
	v2 =	vld [tilespmem:s2+$0x2340]  }
0x3ff: {  	v3 =	vld.idx.msk [tilespmem:v3+s11+$0x0], $0xffff;
	_ =	sdelay $0x4  }
0x400: {  	[tilespmem:s2+$0x9330] =	vst v3;
	v3 =	vld [tilespmem:s2+$0x2350];
	_ =	sdelay $0x1  }
0x401: {  	v2 =	vld.idx.msk [tilespmem:v2+s11+$0x0], $0xffff;
	_ =	sdelay $0x4  }
0x402: {  	[tilespmem:s2+$0x9340] =	vst v2  }
0x403: {  	v2 =	vld.idx.msk [tilespmem:v3+s11+$0x0], $0xffff;
	_ =	sdelay $0x4  }
0x404: {  	s25 =	sadd.s32 s9, s22;
	s5 =	simm.s32 $0x0;
	[tilespmem:s2+$0x9350] =	vst v2  }
0x405: {  	[hbm4b:s25+s5] =	stream.linear.scatter [tilespmem:s14], [sflag:$0x3], $0x1000, $0x38;
	[tilespmem:$0x1E370] =	vst v63  }
0x406: {  	_ =	swait.ge [sflag:s15], $0x1000  }
0x407: {  	[sflag:s15] =	ssyncset.done $0x0  }
0x408: {  	s18 =	simm.s32 $0x0;
	[sflag:s15] =	ssyncadd.s32 $0xFFFFF000  }
0x409: {  	v2 =	vld [tilespmem:s18+$0x32E0];
	_ =	sdelay $0x5  }
0x40a: {  	v3 =	vld [tilespmem:s18+$0x32F0];
	_ =	sdelay $0x1  }
0x40b: {  	v2 =	vld.idx.msk [tilespmem:v2+s11+$0x0], $0xffff;
	_ =	sdelay $0x4  }
0x40c: {  	[tilespmem:s18+$0xA2E0] =	vst v2;
	v2 =	vld [tilespmem:s18+$0x3300]  }
0x40d: {  	v3 =	vld.idx.msk [tilespmem:v3+s11+$0x0], $0xffff;
	_ =	sdelay $0x4  }
0x40e: {  	[tilespmem:s18+$0xA2F0] =	vst v3;
	v3 =	vld [tilespmem:s18+$0x3310];
	_ =	sdelay $0x1  }
0x40f: {  	v2 =	vld.idx.msk [tilespmem:v2+s11+$0x0], $0xffff;
	_ =	sdelay $0x4  }
0x410: {  	[tilespmem:s18+$0xA300] =	vst v2;
	v2 =	vld [tilespmem:s18+$0x3320]  }
0x411: {  	v3 =	vld.idx.msk [tilespmem:v3+s11+$0x0], $0xffff;
	_ =	sdelay $0x4  }
0x412: {  	[tilespmem:s18+$0xA310] =	vst v3;
	v3 =	vld [tilespmem:s18+$0x3330];
	_ =	sdelay $0x1  }
0x413: {  	v2 =	vld.idx.msk [tilespmem:v2+s11+$0x0], $0xffff;
	_ =	sdelay $0x4  }
0x414: {  	v4 =	vld [tilespmem:s18+$0x3340];
	[tilespmem:s18+$0xA320] =	vst v2  }
0x415: {  	v2 =	vld.idx.msk [tilespmem:v3+s11+$0x0], $0xffff;
	_ =	sdelay $0x4  }
0x416: {  	[tilespmem:s18+$0xA330] =	vst v2;
	v2 =	vld [tilespmem:s18+$0x3350];
	_ =	sdelay $0x1  }
0x417: {  	v3 =	vld.idx.msk [tilespmem:v4+s11+$0x0], $0xffff;
	_ =	sdelay $0x3  }
0x418: {  	s8 =	simm.s32 $0x400;
	s17 =	sadd.s32 s9, s23;
	s2 =	simm.s32 $0x80  }
.LBB2_31:
0x419: {  	p0 =	sne.s32 s8, $0x3E00;
	v4 =	vld [tilespmem:s2+$0x32E0];
	[tilespmem:s18+$0xA340] =	vst v3  }
0x41a: {  	v2 =	vld.idx.msk [tilespmem:v2+s11+$0x0], $0xffff;
	_ =	sdelay $0x5  }
0x41b: {  	v3 =	vld [tilespmem:s2+$0x32F0];
	[tilespmem:s18+$0xA350] =	vst v2;
	s18 =	smov.u32 s2  }
0x41c: {  	v2 =	vld.idx.msk [tilespmem:v4+s11+$0x0], $0xffff;
	_ =	sdelay $0x5  }
0x41d: {  	[tilespmem:s18+$0xA2E0] =	vst v2;
	v2 =	vld [tilespmem:s18+$0x3300]  }
0x41e: {  	v3 =	vld.idx.msk [tilespmem:v3+s11+$0x0], $0xffff;
	_ =	sdelay $0x5  }
0x41f: {  	[tilespmem:s18+$0xA2F0] =	vst v3;
	v3 =	vld [tilespmem:s18+$0x3310]  }
0x420: {  	v2 =	vld.idx.msk [tilespmem:v2+s11+$0x0], $0xffff;
	_ =	sdelay $0x5  }
0x421: {  	[tilespmem:s18+$0xA300] =	vst v2;
	v2 =	vld [tilespmem:s18+$0x3320]  }
0x422: {  	v3 =	vld.idx.msk [tilespmem:v3+s11+$0x0], $0xffff;
	_ =	sdelay $0x5  }
0x423: {  	[tilespmem:s18+$0xA310] =	vst v3;
	v3 =	vld [tilespmem:s18+$0x3330]  }
0x424: {  	v2 =	vld.idx.msk [tilespmem:v2+s11+$0x0], $0xffff;
	_ =	sdelay $0x5  }
0x425: {  	[tilespmem:s18+$0xA320] =	vst v2;
	v4 =	vld [tilespmem:s18+$0x3340]  }
0x426: {  	v2 =	vld.idx.msk [tilespmem:v3+s11+$0x0], $0xffff;
	_ =	sdelay $0x5  }
0x427: {  	[tilespmem:s18+$0xA330] =	vst v2;
	v2 =	vld [tilespmem:s18+$0x3350]  }
0x428: {  	v3 =	vld.idx.msk [tilespmem:v4+s11+$0x0], $0xffff  }
.Ltmp17:
0x429: {  	(pc) =	sbr.rel @p0 .LBB2_31-.Ltmp17, $2  }
0x42a: {  	_ =	sdelay $0x2  }
0x42b: {  	s2 =	sshra.s32 s8, $0x2;
	s8 =	sadd.s32 $0x200, s8  }
0x42c: {  	_ =	sdelay $0x1  }
0x42d: {  	v4 =	vld [tilespmem:s2+$0x32E0]  }
0x42e: {  	[tilespmem:s18+$0xA340] =	vst v3  }
0x42f: {  	v2 =	vld.idx.msk [tilespmem:v2+s11+$0x0], $0xffff;
	_ =	sdelay $0x3  }
0x430: {  	v3 =	vld [tilespmem:s2+$0x32F0]  }
0x431: {  	[tilespmem:s18+$0xA350] =	vst v2  }
0x432: {  	v2 =	vld.idx.msk [tilespmem:v4+s11+$0x0], $0xffff;
	_ =	sdelay $0x4  }
0x433: {  	[tilespmem:s2+$0xA2E0] =	vst v2;
	v2 =	vld [tilespmem:s2+$0x3300]  }
0x434: {  	v3 =	vld.idx.msk [tilespmem:v3+s11+$0x0], $0xffff;
	_ =	sdelay $0x4  }
0x435: {  	[tilespmem:s2+$0xA2F0] =	vst v3;
	v3 =	vld [tilespmem:s2+$0x3310];
	_ =	sdelay $0x1  }
0x436: {  	v2 =	vld.idx.msk [tilespmem:v2+s11+$0x0], $0xffff;
	_ =	sdelay $0x4  }
0x437: {  	[tilespmem:s2+$0xA300] =	vst v2;
	v2 =	vld [tilespmem:s2+$0x3320]  }
0x438: {  	v3 =	vld.idx.msk [tilespmem:v3+s11+$0x0], $0xffff;
	_ =	sdelay $0x4  }
0x439: {  	[tilespmem:s2+$0xA310] =	vst v3;
	v3 =	vld [tilespmem:s2+$0x3330];
	_ =	sdelay $0x1  }
0x43a: {  	v2 =	vld.idx.msk [tilespmem:v2+s11+$0x0], $0xffff;
	_ =	sdelay $0x4  }
0x43b: {  	[tilespmem:s2+$0xA320] =	vst v2;
	v2 =	vld [tilespmem:s2+$0x3340]  }
0x43c: {  	v3 =	vld.idx.msk [tilespmem:v3+s11+$0x0], $0xffff;
	_ =	sdelay $0x4  }
0x43d: {  	[tilespmem:s2+$0xA330] =	vst v3;
	v3 =	vld [tilespmem:s2+$0x3350];
	_ =	sdelay $0x1  }
0x43e: {  	v2 =	vld.idx.msk [tilespmem:v2+s11+$0x0], $0xffff;
	_ =	sdelay $0x4  }
0x43f: {  	[tilespmem:s2+$0xA340] =	vst v2  }
0x440: {  	v2 =	vld.idx.msk [tilespmem:v3+s11+$0x0], $0xffff;
	_ =	sdelay $0x4  }
0x441: {  	s25 =	simm.s32 $0x0;
	[tilespmem:s2+$0xA350] =	vst v2  }
0x442: {  	[hbm4b:s17+s25] =	stream.linear.scatter [tilespmem:s12], [sflag:$0x2], $0x1000, $0x38;
	[tilespmem:$0x1E370] =	vst v63  }
0x443: {  	_ =	swait.ge [sflag:s16], $0x1000  }
0x444: {  	[sflag:s16] =	ssyncset.done $0x0  }
0x445: {  	s18 =	simm.s32 $0x0;
	[sflag:s16] =	ssyncadd.s32 $0xFFFFF000  }
0x446: {  	v2 =	vld [tilespmem:s18+$0x42E0];
	_ =	sdelay $0x5  }
0x447: {  	v3 =	vld [tilespmem:s18+$0x42F0];
	_ =	sdelay $0x1  }
0x448: {  	v2 =	vld.idx.msk [tilespmem:v2+s11+$0x0], $0xffff;
	_ =	sdelay $0x4  }
0x449: {  	[tilespmem:s18+$0x92E0] =	vst v2;
	v2 =	vld [tilespmem:s18+$0x4300]  }
0x44a: {  	v3 =	vld.idx.msk [tilespmem:v3+s11+$0x0], $0xffff;
	_ =	sdelay $0x4  }
0x44b: {  	[tilespmem:s18+$0x92F0] =	vst v3;
	v3 =	vld [tilespmem:s18+$0x4310];
	_ =	sdelay $0x1  }
0x44c: {  	v2 =	vld.idx.msk [tilespmem:v2+s11+$0x0], $0xffff;
	_ =	sdelay $0x4  }
0x44d: {  	[tilespmem:s18+$0x9300] =	vst v2;
	v2 =	vld [tilespmem:s18+$0x4320]  }
0x44e: {  	v3 =	vld.idx.msk [tilespmem:v3+s11+$0x0], $0xffff;
	_ =	sdelay $0x4  }
0x44f: {  	[tilespmem:s18+$0x9310] =	vst v3;
	v3 =	vld [tilespmem:s18+$0x4330];
	_ =	sdelay $0x1  }
0x450: {  	v2 =	vld.idx.msk [tilespmem:v2+s11+$0x0], $0xffff;
	_ =	sdelay $0x4  }
0x451: {  	v4 =	vld [tilespmem:s18+$0x4340];
	[tilespmem:s18+$0x9320] =	vst v2  }
0x452: {  	v2 =	vld.idx.msk [tilespmem:v3+s11+$0x0], $0xffff;
	_ =	sdelay $0x4  }
0x453: {  	[tilespmem:s18+$0x9330] =	vst v2;
	v2 =	vld [tilespmem:s18+$0x4350];
	_ =	sdelay $0x1  }
0x454: {  	v3 =	vld.idx.msk [tilespmem:v4+s11+$0x0], $0xffff;
	_ =	sdelay $0x3  }
0x455: {  	s8 =	simm.s32 $0x400;
	s2 =	simm.s32 $0x80;
	s17 =	sadd.s32 s9, s26  }
.LBB2_33:
0x456: {  	p0 =	sne.s32 s8, $0x3E00;
	v4 =	vld [tilespmem:s2+$0x42E0];
	[tilespmem:s18+$0x9340] =	vst v3  }
0x457: {  	v2 =	vld.idx.msk [tilespmem:v2+s11+$0x0], $0xffff;
	_ =	sdelay $0x5  }
0x458: {  	v3 =	vld [tilespmem:s2+$0x42F0];
	[tilespmem:s18+$0x9350] =	vst v2;
	s18 =	smov.u32 s2  }
0x459: {  	v2 =	vld.idx.msk [tilespmem:v4+s11+$0x0], $0xffff;
	_ =	sdelay $0x5  }
0x45a: {  	[tilespmem:s18+$0x92E0] =	vst v2;
	v2 =	vld [tilespmem:s18+$0x4300]  }
0x45b: {  	v3 =	vld.idx.msk [tilespmem:v3+s11+$0x0], $0xffff;
	_ =	sdelay $0x5  }
0x45c: {  	[tilespmem:s18+$0x92F0] =	vst v3;
	v3 =	vld [tilespmem:s18+$0x4310]  }
0x45d: {  	v2 =	vld.idx.msk [tilespmem:v2+s11+$0x0], $0xffff;
	_ =	sdelay $0x5  }
0x45e: {  	[tilespmem:s18+$0x9300] =	vst v2;
	v2 =	vld [tilespmem:s18+$0x4320]  }
0x45f: {  	v3 =	vld.idx.msk [tilespmem:v3+s11+$0x0], $0xffff;
	_ =	sdelay $0x5  }
0x460: {  	[tilespmem:s18+$0x9310] =	vst v3;
	v3 =	vld [tilespmem:s18+$0x4330]  }
0x461: {  	v2 =	vld.idx.msk [tilespmem:v2+s11+$0x0], $0xffff;
	_ =	sdelay $0x5  }
0x462: {  	[tilespmem:s18+$0x9320] =	vst v2;
	v4 =	vld [tilespmem:s18+$0x4340]  }
0x463: {  	v2 =	vld.idx.msk [tilespmem:v3+s11+$0x0], $0xffff;
	_ =	sdelay $0x5  }
0x464: {  	[tilespmem:s18+$0x9330] =	vst v2;
	v2 =	vld [tilespmem:s18+$0x4350]  }
0x465: {  	v3 =	vld.idx.msk [tilespmem:v4+s11+$0x0], $0xffff  }
.Ltmp18:
0x466: {  	(pc) =	sbr.rel @p0 .LBB2_33-.Ltmp18, $2  }
0x467: {  	_ =	sdelay $0x2  }
0x468: {  	s2 =	sshra.s32 s8, $0x2;
	s8 =	sadd.s32 $0x200, s8  }
0x469: {  	_ =	sdelay $0x1  }
0x46a: {  	v4 =	vld [tilespmem:s2+$0x42E0]  }
0x46b: {  	[tilespmem:s18+$0x9340] =	vst v3  }
0x46c: {  	v2 =	vld.idx.msk [tilespmem:v2+s11+$0x0], $0xffff;
	_ =	sdelay $0x3  }
0x46d: {  	v3 =	vld [tilespmem:s2+$0x42F0]  }
0x46e: {  	[tilespmem:s18+$0x9350] =	vst v2  }
0x46f: {  	v2 =	vld.idx.msk [tilespmem:v4+s11+$0x0], $0xffff;
	_ =	sdelay $0x4  }
0x470: {  	[tilespmem:s2+$0x92E0] =	vst v2;
	v2 =	vld [tilespmem:s2+$0x4300]  }
0x471: {  	v3 =	vld.idx.msk [tilespmem:v3+s11+$0x0], $0xffff;
	_ =	sdelay $0x4  }
0x472: {  	[tilespmem:s2+$0x92F0] =	vst v3;
	v3 =	vld [tilespmem:s2+$0x4310];
	_ =	sdelay $0x1  }
0x473: {  	v2 =	vld.idx.msk [tilespmem:v2+s11+$0x0], $0xffff;
	_ =	sdelay $0x4  }
0x474: {  	[tilespmem:s2+$0x9300] =	vst v2;
	v2 =	vld [tilespmem:s2+$0x4320]  }
0x475: {  	v3 =	vld.idx.msk [tilespmem:v3+s11+$0x0], $0xffff;
	_ =	sdelay $0x4  }
0x476: {  	[tilespmem:s2+$0x9310] =	vst v3;
	v3 =	vld [tilespmem:s2+$0x4330];
	_ =	sdelay $0x1  }
0x477: {  	v2 =	vld.idx.msk [tilespmem:v2+s11+$0x0], $0xffff;
	_ =	sdelay $0x4  }
0x478: {  	[tilespmem:s2+$0x9320] =	vst v2;
	v2 =	vld [tilespmem:s2+$0x4340]  }
0x479: {  	v3 =	vld.idx.msk [tilespmem:v3+s11+$0x0], $0xffff;
	_ =	sdelay $0x4  }
0x47a: {  	[tilespmem:s2+$0x9330] =	vst v3;
	v3 =	vld [tilespmem:s2+$0x4350];
	_ =	sdelay $0x1  }
0x47b: {  	v2 =	vld.idx.msk [tilespmem:v2+s11+$0x0], $0xffff;
	_ =	sdelay $0x4  }
0x47c: {  	[tilespmem:s2+$0x9340] =	vst v2  }
0x47d: {  	v2 =	vld.idx.msk [tilespmem:v3+s11+$0x0], $0xffff;
	_ =	sdelay $0x4  }
0x47e: {  	s25 =	simm.s32 $0x0;
	[tilespmem:s2+$0x9350] =	vst v2  }
0x47f: {  	[hbm4b:s17+s25] =	stream.linear.scatter [tilespmem:s14], [sflag:$0x3], $0x1000, $0x38;
	[tilespmem:$0x1E370] =	vst v63  }
0x480: {  	_ =	swait.ge [sflag:s15], $0x1000  }
0x481: {  	[sflag:s15] =	ssyncset.done $0x0  }
0x482: {  	s18 =	simm.s32 $0x0;
	[sflag:s15] =	ssyncadd.s32 $0xFFFFF000  }
0x483: {  	v2 =	vld [tilespmem:s18+$0x52E0];
	_ =	sdelay $0x5  }
0x484: {  	v3 =	vld [tilespmem:s18+$0x52F0];
	_ =	sdelay $0x1  }
0x485: {  	v2 =	vld.idx.msk [tilespmem:v2+s11+$0x0], $0xffff;
	_ =	sdelay $0x4  }
0x486: {  	[tilespmem:s18+$0xA2E0] =	vst v2;
	v2 =	vld [tilespmem:s18+$0x5300]  }
0x487: {  	v3 =	vld.idx.msk [tilespmem:v3+s11+$0x0], $0xffff;
	_ =	sdelay $0x4  }
0x488: {  	[tilespmem:s18+$0xA2F0] =	vst v3;
	v3 =	vld [tilespmem:s18+$0x5310];
	_ =	sdelay $0x1  }
0x489: {  	v2 =	vld.idx.msk [tilespmem:v2+s11+$0x0], $0xffff;
	_ =	sdelay $0x4  }
0x48a: {  	[tilespmem:s18+$0xA300] =	vst v2;
	v2 =	vld [tilespmem:s18+$0x5320]  }
0x48b: {  	v3 =	vld.idx.msk [tilespmem:v3+s11+$0x0], $0xffff;
	_ =	sdelay $0x4  }
0x48c: {  	[tilespmem:s18+$0xA310] =	vst v3;
	v3 =	vld [tilespmem:s18+$0x5330];
	_ =	sdelay $0x1  }
0x48d: {  	v2 =	vld.idx.msk [tilespmem:v2+s11+$0x0], $0xffff;
	_ =	sdelay $0x4  }
0x48e: {  	v4 =	vld [tilespmem:s18+$0x5340];
	[tilespmem:s18+$0xA320] =	vst v2  }
0x48f: {  	v2 =	vld.idx.msk [tilespmem:v3+s11+$0x0], $0xffff;
	_ =	sdelay $0x4  }
0x490: {  	[tilespmem:s18+$0xA330] =	vst v2;
	v2 =	vld [tilespmem:s18+$0x5350];
	_ =	sdelay $0x1  }
0x491: {  	v3 =	vld.idx.msk [tilespmem:v4+s11+$0x0], $0xffff;
	_ =	sdelay $0x3  }
0x492: {  	s8 =	simm.s32 $0x400;
	s2 =	simm.s32 $0x80;
	s17 =	sadd.s32 s9, s28  }
.LBB2_35:
0x493: {  	p0 =	sne.s32 s8, $0x3E00;
	v4 =	vld [tilespmem:s2+$0x52E0];
	[tilespmem:s18+$0xA340] =	vst v3  }
0x494: {  	v2 =	vld.idx.msk [tilespmem:v2+s11+$0x0], $0xffff;
	_ =	sdelay $0x5  }
0x495: {  	v3 =	vld [tilespmem:s2+$0x52F0];
	[tilespmem:s18+$0xA350] =	vst v2;
	s18 =	smov.u32 s2  }
0x496: {  	v2 =	vld.idx.msk [tilespmem:v4+s11+$0x0], $0xffff;
	_ =	sdelay $0x5  }
0x497: {  	[tilespmem:s18+$0xA2E0] =	vst v2;
	v2 =	vld [tilespmem:s18+$0x5300]  }
0x498: {  	v3 =	vld.idx.msk [tilespmem:v3+s11+$0x0], $0xffff;
	_ =	sdelay $0x5  }
0x499: {  	[tilespmem:s18+$0xA2F0] =	vst v3;
	v3 =	vld [tilespmem:s18+$0x5310]  }
0x49a: {  	v2 =	vld.idx.msk [tilespmem:v2+s11+$0x0], $0xffff;
	_ =	sdelay $0x5  }
0x49b: {  	[tilespmem:s18+$0xA300] =	vst v2;
	v2 =	vld [tilespmem:s18+$0x5320]  }
0x49c: {  	v3 =	vld.idx.msk [tilespmem:v3+s11+$0x0], $0xffff;
	_ =	sdelay $0x5  }
0x49d: {  	[tilespmem:s18+$0xA310] =	vst v3;
	v3 =	vld [tilespmem:s18+$0x5330]  }
0x49e: {  	v2 =	vld.idx.msk [tilespmem:v2+s11+$0x0], $0xffff;
	_ =	sdelay $0x5  }
0x49f: {  	[tilespmem:s18+$0xA320] =	vst v2;
	v4 =	vld [tilespmem:s18+$0x5340]  }
0x4a0: {  	v2 =	vld.idx.msk [tilespmem:v3+s11+$0x0], $0xffff;
	_ =	sdelay $0x5  }
0x4a1: {  	[tilespmem:s18+$0xA330] =	vst v2;
	v2 =	vld [tilespmem:s18+$0x5350]  }
0x4a2: {  	v3 =	vld.idx.msk [tilespmem:v4+s11+$0x0], $0xffff  }
.Ltmp19:
0x4a3: {  	(pc) =	sbr.rel @p0 .LBB2_35-.Ltmp19, $2  }
0x4a4: {  	_ =	sdelay $0x2  }
0x4a5: {  	s2 =	sshra.s32 s8, $0x2;
	s8 =	sadd.s32 $0x200, s8  }
0x4a6: {  	_ =	sdelay $0x1  }
0x4a7: {  	v4 =	vld [tilespmem:s2+$0x52E0]  }
0x4a8: {  	[tilespmem:s18+$0xA340] =	vst v3  }
0x4a9: {  	v2 =	vld.idx.msk [tilespmem:v2+s11+$0x0], $0xffff;
	_ =	sdelay $0x3  }
0x4aa: {  	v3 =	vld [tilespmem:s2+$0x52F0]  }
0x4ab: {  	[tilespmem:s18+$0xA350] =	vst v2  }
0x4ac: {  	v2 =	vld.idx.msk [tilespmem:v4+s11+$0x0], $0xffff;
	_ =	sdelay $0x4  }
0x4ad: {  	[tilespmem:s2+$0xA2E0] =	vst v2;
	v2 =	vld [tilespmem:s2+$0x5300]  }
0x4ae: {  	v3 =	vld.idx.msk [tilespmem:v3+s11+$0x0], $0xffff;
	_ =	sdelay $0x4  }
0x4af: {  	[tilespmem:s2+$0xA2F0] =	vst v3;
	v3 =	vld [tilespmem:s2+$0x5310];
	_ =	sdelay $0x1  }
0x4b0: {  	v2 =	vld.idx.msk [tilespmem:v2+s11+$0x0], $0xffff;
	_ =	sdelay $0x4  }
0x4b1: {  	[tilespmem:s2+$0xA300] =	vst v2;
	v2 =	vld [tilespmem:s2+$0x5320]  }
0x4b2: {  	v3 =	vld.idx.msk [tilespmem:v3+s11+$0x0], $0xffff;
	_ =	sdelay $0x4  }
0x4b3: {  	[tilespmem:s2+$0xA310] =	vst v3;
	v3 =	vld [tilespmem:s2+$0x5330];
	_ =	sdelay $0x1  }
0x4b4: {  	v2 =	vld.idx.msk [tilespmem:v2+s11+$0x0], $0xffff;
	_ =	sdelay $0x4  }
0x4b5: {  	[tilespmem:s2+$0xA320] =	vst v2;
	v2 =	vld [tilespmem:s2+$0x5340]  }
0x4b6: {  	v3 =	vld.idx.msk [tilespmem:v3+s11+$0x0], $0xffff;
	_ =	sdelay $0x4  }
0x4b7: {  	[tilespmem:s2+$0xA330] =	vst v3;
	v3 =	vld [tilespmem:s2+$0x5350];
	_ =	sdelay $0x1  }
0x4b8: {  	v2 =	vld.idx.msk [tilespmem:v2+s11+$0x0], $0xffff;
	_ =	sdelay $0x4  }
0x4b9: {  	[tilespmem:s2+$0xA340] =	vst v2  }
0x4ba: {  	v2 =	vld.idx.msk [tilespmem:v3+s11+$0x0], $0xffff;
	_ =	sdelay $0x4  }
0x4bb: {  	s25 =	simm.s32 $0x0;
	[tilespmem:s2+$0xA350] =	vst v2  }
0x4bc: {  	[hbm4b:s17+s25] =	stream.linear.scatter [tilespmem:s12], [sflag:$0x2], $0x1000, $0x38;
	[tilespmem:$0x1E370] =	vst v63  }
0x4bd: {  	_ =	swait.ge [sflag:s16], $0x1000  }
0x4be: {  	[sflag:s16] =	ssyncset.done $0x0  }
0x4bf: {  	s18 =	simm.s32 $0x0;
	[sflag:s16] =	ssyncadd.s32 $0xFFFFF000  }
0x4c0: {  	v2 =	vld [tilespmem:s18+$0x62E0];
	_ =	sdelay $0x5  }
0x4c1: {  	v3 =	vld [tilespmem:s18+$0x62F0];
	_ =	sdelay $0x1  }
0x4c2: {  	v2 =	vld.idx.msk [tilespmem:v2+s11+$0x0], $0xffff;
	_ =	sdelay $0x4  }
0x4c3: {  	[tilespmem:s18+$0x92E0] =	vst v2;
	v2 =	vld [tilespmem:s18+$0x6300]  }
0x4c4: {  	v3 =	vld.idx.msk [tilespmem:v3+s11+$0x0], $0xffff;
	_ =	sdelay $0x4  }
0x4c5: {  	[tilespmem:s18+$0x92F0] =	vst v3;
	v3 =	vld [tilespmem:s18+$0x6310];
	_ =	sdelay $0x1  }
0x4c6: {  	v2 =	vld.idx.msk [tilespmem:v2+s11+$0x0], $0xffff;
	_ =	sdelay $0x4  }
0x4c7: {  	[tilespmem:s18+$0x9300] =	vst v2;
	v2 =	vld [tilespmem:s18+$0x6320]  }
0x4c8: {  	v3 =	vld.idx.msk [tilespmem:v3+s11+$0x0], $0xffff;
	_ =	sdelay $0x4  }
0x4c9: {  	[tilespmem:s18+$0x9310] =	vst v3;
	v3 =	vld [tilespmem:s18+$0x6330];
	_ =	sdelay $0x1  }
0x4ca: {  	v2 =	vld.idx.msk [tilespmem:v2+s11+$0x0], $0xffff;
	_ =	sdelay $0x4  }
0x4cb: {  	v4 =	vld [tilespmem:s18+$0x6340];
	[tilespmem:s18+$0x9320] =	vst v2  }
0x4cc: {  	v2 =	vld.idx.msk [tilespmem:v3+s11+$0x0], $0xffff;
	_ =	sdelay $0x4  }
0x4cd: {  	[tilespmem:s18+$0x9330] =	vst v2;
	v2 =	vld [tilespmem:s18+$0x6350];
	_ =	sdelay $0x1  }
0x4ce: {  	v3 =	vld.idx.msk [tilespmem:v4+s11+$0x0], $0xffff;
	_ =	sdelay $0x3  }
0x4cf: {  	s8 =	simm.s32 $0x400;
	s2 =	simm.s32 $0x80;
	s17 =	sadd.s32 s9, s29  }
.LBB2_37:
0x4d0: {  	p0 =	sne.s32 s8, $0x3E00;
	v4 =	vld [tilespmem:s2+$0x62E0];
	[tilespmem:s18+$0x9340] =	vst v3  }
0x4d1: {  	v2 =	vld.idx.msk [tilespmem:v2+s11+$0x0], $0xffff;
	_ =	sdelay $0x5  }
0x4d2: {  	v3 =	vld [tilespmem:s2+$0x62F0];
	[tilespmem:s18+$0x9350] =	vst v2;
	s18 =	smov.u32 s2  }
0x4d3: {  	v2 =	vld.idx.msk [tilespmem:v4+s11+$0x0], $0xffff;
	_ =	sdelay $0x5  }
0x4d4: {  	[tilespmem:s18+$0x92E0] =	vst v2;
	v2 =	vld [tilespmem:s18+$0x6300]  }
0x4d5: {  	v3 =	vld.idx.msk [tilespmem:v3+s11+$0x0], $0xffff;
	_ =	sdelay $0x5  }
0x4d6: {  	[tilespmem:s18+$0x92F0] =	vst v3;
	v3 =	vld [tilespmem:s18+$0x6310]  }
0x4d7: {  	v2 =	vld.idx.msk [tilespmem:v2+s11+$0x0], $0xffff;
	_ =	sdelay $0x5  }
0x4d8: {  	[tilespmem:s18+$0x9300] =	vst v2;
	v2 =	vld [tilespmem:s18+$0x6320]  }
0x4d9: {  	v3 =	vld.idx.msk [tilespmem:v3+s11+$0x0], $0xffff;
	_ =	sdelay $0x5  }
0x4da: {  	[tilespmem:s18+$0x9310] =	vst v3;
	v3 =	vld [tilespmem:s18+$0x6330]  }
0x4db: {  	v2 =	vld.idx.msk [tilespmem:v2+s11+$0x0], $0xffff;
	_ =	sdelay $0x5  }
0x4dc: {  	[tilespmem:s18+$0x9320] =	vst v2;
	v4 =	vld [tilespmem:s18+$0x6340]  }
0x4dd: {  	v2 =	vld.idx.msk [tilespmem:v3+s11+$0x0], $0xffff;
	_ =	sdelay $0x5  }
0x4de: {  	[tilespmem:s18+$0x9330] =	vst v2;
	v2 =	vld [tilespmem:s18+$0x6350]  }
0x4df: {  	v3 =	vld.idx.msk [tilespmem:v4+s11+$0x0], $0xffff  }
.Ltmp20:
0x4e0: {  	(pc) =	sbr.rel @p0 .LBB2_37-.Ltmp20, $2  }
0x4e1: {  	_ =	sdelay $0x2  }
0x4e2: {  	s2 =	sshra.s32 s8, $0x2;
	s8 =	sadd.s32 $0x200, s8  }
0x4e3: {  	_ =	sdelay $0x1  }
0x4e4: {  	v4 =	vld [tilespmem:s2+$0x62E0]  }
0x4e5: {  	[tilespmem:s18+$0x9340] =	vst v3  }
0x4e6: {  	v2 =	vld.idx.msk [tilespmem:v2+s11+$0x0], $0xffff;
	_ =	sdelay $0x3  }
0x4e7: {  	v3 =	vld [tilespmem:s2+$0x62F0]  }
0x4e8: {  	[tilespmem:s18+$0x9350] =	vst v2  }
0x4e9: {  	v2 =	vld.idx.msk [tilespmem:v4+s11+$0x0], $0xffff;
	_ =	sdelay $0x4  }
0x4ea: {  	[tilespmem:s2+$0x92E0] =	vst v2;
	v2 =	vld [tilespmem:s2+$0x6300]  }
0x4eb: {  	v3 =	vld.idx.msk [tilespmem:v3+s11+$0x0], $0xffff;
	_ =	sdelay $0x4  }
0x4ec: {  	[tilespmem:s2+$0x92F0] =	vst v3;
	v3 =	vld [tilespmem:s2+$0x6310];
	_ =	sdelay $0x1  }
0x4ed: {  	v2 =	vld.idx.msk [tilespmem:v2+s11+$0x0], $0xffff;
	_ =	sdelay $0x4  }
0x4ee: {  	[tilespmem:s2+$0x9300] =	vst v2;
	v2 =	vld [tilespmem:s2+$0x6320]  }
0x4ef: {  	v3 =	vld.idx.msk [tilespmem:v3+s11+$0x0], $0xffff;
	_ =	sdelay $0x4  }
0x4f0: {  	[tilespmem:s2+$0x9310] =	vst v3;
	v3 =	vld [tilespmem:s2+$0x6330];
	_ =	sdelay $0x1  }
0x4f1: {  	v2 =	vld.idx.msk [tilespmem:v2+s11+$0x0], $0xffff;
	_ =	sdelay $0x4  }
0x4f2: {  	[tilespmem:s2+$0x9320] =	vst v2;
	v2 =	vld [tilespmem:s2+$0x6340]  }
0x4f3: {  	v3 =	vld.idx.msk [tilespmem:v3+s11+$0x0], $0xffff;
	_ =	sdelay $0x4  }
0x4f4: {  	[tilespmem:s2+$0x9330] =	vst v3;
	v3 =	vld [tilespmem:s2+$0x6350];
	_ =	sdelay $0x1  }
0x4f5: {  	v2 =	vld.idx.msk [tilespmem:v2+s11+$0x0], $0xffff;
	_ =	sdelay $0x4  }
0x4f6: {  	[tilespmem:s2+$0x9340] =	vst v2  }
0x4f7: {  	v2 =	vld.idx.msk [tilespmem:v3+s11+$0x0], $0xffff;
	_ =	sdelay $0x4  }
0x4f8: {  	s25 =	simm.s32 $0x0;
	[tilespmem:s2+$0x9350] =	vst v2  }
0x4f9: {  	[hbm4b:s17+s25] =	stream.linear.scatter [tilespmem:s14], [sflag:$0x3], $0x1000, $0x38;
	[tilespmem:$0x1E370] =	vst v63  }
0x4fa: {  	_ =	swait.ge [sflag:s15], $0x1000  }
0x4fb: {  	[sflag:s15] =	ssyncset.done $0x0  }
0x4fc: {  	s18 =	simm.s32 $0x0;
	[sflag:s15] =	ssyncadd.s32 $0xFFFFF000  }
0x4fd: {  	v2 =	vld [tilespmem:s18+$0x72E0];
	_ =	sdelay $0x5  }
0x4fe: {  	v3 =	vld [tilespmem:s18+$0x72F0];
	_ =	sdelay $0x1  }
0x4ff: {  	v2 =	vld.idx.msk [tilespmem:v2+s11+$0x0], $0xffff;
	_ =	sdelay $0x4  }
0x500: {  	[tilespmem:s18+$0xA2E0] =	vst v2;
	v2 =	vld [tilespmem:s18+$0x7300]  }
0x501: {  	v3 =	vld.idx.msk [tilespmem:v3+s11+$0x0], $0xffff;
	_ =	sdelay $0x4  }
0x502: {  	[tilespmem:s18+$0xA2F0] =	vst v3;
	v3 =	vld [tilespmem:s18+$0x7310];
	_ =	sdelay $0x1  }
0x503: {  	v2 =	vld.idx.msk [tilespmem:v2+s11+$0x0], $0xffff;
	_ =	sdelay $0x4  }
0x504: {  	[tilespmem:s18+$0xA300] =	vst v2;
	v2 =	vld [tilespmem:s18+$0x7320]  }
0x505: {  	v3 =	vld.idx.msk [tilespmem:v3+s11+$0x0], $0xffff;
	_ =	sdelay $0x4  }
0x506: {  	[tilespmem:s18+$0xA310] =	vst v3;
	v3 =	vld [tilespmem:s18+$0x7330];
	_ =	sdelay $0x1  }
0x507: {  	v2 =	vld.idx.msk [tilespmem:v2+s11+$0x0], $0xffff;
	_ =	sdelay $0x4  }
0x508: {  	v4 =	vld [tilespmem:s18+$0x7340];
	[tilespmem:s18+$0xA320] =	vst v2  }
0x509: {  	v2 =	vld.idx.msk [tilespmem:v3+s11+$0x0], $0xffff;
	_ =	sdelay $0x4  }
0x50a: {  	[tilespmem:s18+$0xA330] =	vst v2;
	v2 =	vld [tilespmem:s18+$0x7350];
	_ =	sdelay $0x1  }
0x50b: {  	v3 =	vld.idx.msk [tilespmem:v4+s11+$0x0], $0xffff;
	_ =	sdelay $0x3  }
0x50c: {  	s8 =	simm.s32 $0x400;
	s2 =	simm.s32 $0x80;
	s17 =	sadd.s32 s9, s30  }
.LBB2_39:
0x50d: {  	p0 =	sne.s32 s8, $0x3E00;
	v4 =	vld [tilespmem:s2+$0x72E0];
	[tilespmem:s18+$0xA340] =	vst v3  }
0x50e: {  	v2 =	vld.idx.msk [tilespmem:v2+s11+$0x0], $0xffff;
	_ =	sdelay $0x5  }
0x50f: {  	v3 =	vld [tilespmem:s2+$0x72F0];
	[tilespmem:s18+$0xA350] =	vst v2;
	s18 =	smov.u32 s2  }
0x510: {  	v2 =	vld.idx.msk [tilespmem:v4+s11+$0x0], $0xffff;
	_ =	sdelay $0x5  }
0x511: {  	[tilespmem:s18+$0xA2E0] =	vst v2;
	v2 =	vld [tilespmem:s18+$0x7300]  }
0x512: {  	v3 =	vld.idx.msk [tilespmem:v3+s11+$0x0], $0xffff;
	_ =	sdelay $0x5  }
0x513: {  	[tilespmem:s18+$0xA2F0] =	vst v3;
	v3 =	vld [tilespmem:s18+$0x7310]  }
0x514: {  	v2 =	vld.idx.msk [tilespmem:v2+s11+$0x0], $0xffff;
	_ =	sdelay $0x5  }
0x515: {  	[tilespmem:s18+$0xA300] =	vst v2;
	v2 =	vld [tilespmem:s18+$0x7320]  }
0x516: {  	v3 =	vld.idx.msk [tilespmem:v3+s11+$0x0], $0xffff;
	_ =	sdelay $0x5  }
0x517: {  	[tilespmem:s18+$0xA310] =	vst v3;
	v3 =	vld [tilespmem:s18+$0x7330]  }
0x518: {  	v2 =	vld.idx.msk [tilespmem:v2+s11+$0x0], $0xffff;
	_ =	sdelay $0x5  }
0x519: {  	[tilespmem:s18+$0xA320] =	vst v2;
	v4 =	vld [tilespmem:s18+$0x7340]  }
0x51a: {  	v2 =	vld.idx.msk [tilespmem:v3+s11+$0x0], $0xffff;
	_ =	sdelay $0x5  }
0x51b: {  	[tilespmem:s18+$0xA330] =	vst v2;
	v2 =	vld [tilespmem:s18+$0x7350]  }
0x51c: {  	v3 =	vld.idx.msk [tilespmem:v4+s11+$0x0], $0xffff  }
.Ltmp21:
0x51d: {  	(pc) =	sbr.rel @p0 .LBB2_39-.Ltmp21, $2  }
0x51e: {  	_ =	sdelay $0x2  }
0x51f: {  	s2 =	sshra.s32 s8, $0x2;
	s8 =	sadd.s32 $0x200, s8  }
0x520: {  	_ =	sdelay $0x1  }
0x521: {  	v4 =	vld [tilespmem:s2+$0x72E0]  }
0x522: {  	[tilespmem:s18+$0xA340] =	vst v3  }
0x523: {  	v2 =	vld.idx.msk [tilespmem:v2+s11+$0x0], $0xffff;
	_ =	sdelay $0x3  }
0x524: {  	v3 =	vld [tilespmem:s2+$0x72F0]  }
0x525: {  	[tilespmem:s18+$0xA350] =	vst v2  }
0x526: {  	v2 =	vld.idx.msk [tilespmem:v4+s11+$0x0], $0xffff;
	_ =	sdelay $0x4  }
0x527: {  	[tilespmem:s2+$0xA2E0] =	vst v2;
	v2 =	vld [tilespmem:s2+$0x7300]  }
0x528: {  	v3 =	vld.idx.msk [tilespmem:v3+s11+$0x0], $0xffff;
	_ =	sdelay $0x4  }
0x529: {  	[tilespmem:s2+$0xA2F0] =	vst v3;
	v3 =	vld [tilespmem:s2+$0x7310];
	_ =	sdelay $0x1  }
0x52a: {  	v2 =	vld.idx.msk [tilespmem:v2+s11+$0x0], $0xffff;
	_ =	sdelay $0x4  }
0x52b: {  	[tilespmem:s2+$0xA300] =	vst v2;
	v2 =	vld [tilespmem:s2+$0x7320]  }
0x52c: {  	v3 =	vld.idx.msk [tilespmem:v3+s11+$0x0], $0xffff;
	_ =	sdelay $0x4  }
0x52d: {  	[tilespmem:s2+$0xA310] =	vst v3;
	v3 =	vld [tilespmem:s2+$0x7330];
	_ =	sdelay $0x1  }
0x52e: {  	v2 =	vld.idx.msk [tilespmem:v2+s11+$0x0], $0xffff;
	_ =	sdelay $0x4  }
0x52f: {  	[tilespmem:s2+$0xA320] =	vst v2;
	v2 =	vld [tilespmem:s2+$0x7340]  }
0x530: {  	v3 =	vld.idx.msk [tilespmem:v3+s11+$0x0], $0xffff;
	_ =	sdelay $0x4  }
0x531: {  	[tilespmem:s2+$0xA330] =	vst v3;
	v3 =	vld [tilespmem:s2+$0x7350];
	_ =	sdelay $0x1  }
0x532: {  	v2 =	vld.idx.msk [tilespmem:v2+s11+$0x0], $0xffff;
	_ =	sdelay $0x4  }
0x533: {  	[tilespmem:s2+$0xA340] =	vst v2  }
0x534: {  	v2 =	vld.idx.msk [tilespmem:v3+s11+$0x0], $0xffff;
	_ =	sdelay $0x4  }
0x535: {  	s25 =	simm.s32 $0x0;
	[tilespmem:s2+$0xA350] =	vst v2  }
0x536: {  	[hbm4b:s17+s25] =	stream.linear.scatter [tilespmem:s12], [sflag:$0x2], $0x1000, $0x38;
	[tilespmem:$0x1E370] =	vst v63  }
0x537: {  	_ =	swait.ge [sflag:s16], $0x1000  }
0x538: {  	[sflag:s16] =	ssyncset.done $0x0  }
0x539: {  	s17 =	simm.s32 $0x0;
	[sflag:s16] =	ssyncadd.s32 $0xFFFFF000  }
0x53a: {  	v2 =	vld [tilespmem:s17+$0x82E0];
	_ =	sdelay $0x5  }
0x53b: {  	v3 =	vld [tilespmem:s17+$0x82F0];
	_ =	sdelay $0x1  }
0x53c: {  	v2 =	vld.idx.msk [tilespmem:v2+s11+$0x0], $0xffff;
	_ =	sdelay $0x4  }
0x53d: {  	[tilespmem:s17+$0x92E0] =	vst v2;
	v2 =	vld [tilespmem:s17+$0x8300]  }
0x53e: {  	v3 =	vld.idx.msk [tilespmem:v3+s11+$0x0], $0xffff;
	_ =	sdelay $0x4  }
0x53f: {  	[tilespmem:s17+$0x92F0] =	vst v3;
	v3 =	vld [tilespmem:s17+$0x8310];
	_ =	sdelay $0x1  }
0x540: {  	v2 =	vld.idx.msk [tilespmem:v2+s11+$0x0], $0xffff;
	_ =	sdelay $0x4  }
0x541: {  	[tilespmem:s17+$0x9300] =	vst v2;
	v2 =	vld [tilespmem:s17+$0x8320]  }
0x542: {  	v3 =	vld.idx.msk [tilespmem:v3+s11+$0x0], $0xffff;
	_ =	sdelay $0x4  }
0x543: {  	[tilespmem:s17+$0x9310] =	vst v3;
	v3 =	vld [tilespmem:s17+$0x8330];
	_ =	sdelay $0x1  }
0x544: {  	v2 =	vld.idx.msk [tilespmem:v2+s11+$0x0], $0xffff;
	_ =	sdelay $0x4  }
0x545: {  	v4 =	vld [tilespmem:s17+$0x8340];
	[tilespmem:s17+$0x9320] =	vst v2  }
0x546: {  	v2 =	vld.idx.msk [tilespmem:v3+s11+$0x0], $0xffff;
	_ =	sdelay $0x4  }
0x547: {  	[tilespmem:s17+$0x9330] =	vst v2;
	v2 =	vld [tilespmem:s17+$0x8350];
	_ =	sdelay $0x1  }
0x548: {  	v3 =	vld.idx.msk [tilespmem:v4+s11+$0x0], $0xffff;
	_ =	sdelay $0x3  }
0x549: {  	s9 =	sadd.s32 s9, s31;
	s8 =	simm.s32 $0x400;
	s2 =	simm.s32 $0x80  }
.LBB2_41:
0x54a: {  	p0 =	sne.s32 s8, $0x3E00;
	v4 =	vld [tilespmem:s2+$0x82E0];
	[tilespmem:s17+$0x9340] =	vst v3  }
0x54b: {  	v2 =	vld.idx.msk [tilespmem:v2+s11+$0x0], $0xffff;
	_ =	sdelay $0x5  }
0x54c: {  	v3 =	vld [tilespmem:s2+$0x82F0];
	[tilespmem:s17+$0x9350] =	vst v2;
	s17 =	smov.u32 s2  }
0x54d: {  	v2 =	vld.idx.msk [tilespmem:v4+s11+$0x0], $0xffff;
	_ =	sdelay $0x5  }
0x54e: {  	[tilespmem:s17+$0x92E0] =	vst v2;
	v2 =	vld [tilespmem:s17+$0x8300]  }
0x54f: {  	v3 =	vld.idx.msk [tilespmem:v3+s11+$0x0], $0xffff;
	_ =	sdelay $0x5  }
0x550: {  	[tilespmem:s17+$0x92F0] =	vst v3;
	v3 =	vld [tilespmem:s17+$0x8310]  }
0x551: {  	v2 =	vld.idx.msk [tilespmem:v2+s11+$0x0], $0xffff;
	_ =	sdelay $0x5  }
0x552: {  	[tilespmem:s17+$0x9300] =	vst v2;
	v2 =	vld [tilespmem:s17+$0x8320]  }
0x553: {  	v3 =	vld.idx.msk [tilespmem:v3+s11+$0x0], $0xffff;
	_ =	sdelay $0x5  }
0x554: {  	[tilespmem:s17+$0x9310] =	vst v3;
	v3 =	vld [tilespmem:s17+$0x8330]  }
0x555: {  	v2 =	vld.idx.msk [tilespmem:v2+s11+$0x0], $0xffff;
	_ =	sdelay $0x5  }
0x556: {  	[tilespmem:s17+$0x9320] =	vst v2;
	v4 =	vld [tilespmem:s17+$0x8340]  }
0x557: {  	v2 =	vld.idx.msk [tilespmem:v3+s11+$0x0], $0xffff;
	_ =	sdelay $0x5  }
0x558: {  	[tilespmem:s17+$0x9330] =	vst v2;
	v2 =	vld [tilespmem:s17+$0x8350]  }
0x559: {  	v3 =	vld.idx.msk [tilespmem:v4+s11+$0x0], $0xffff  }
.Ltmp22:
0x55a: {  	(pc) =	sbr.rel @p0 .LBB2_41-.Ltmp22, $2  }
0x55b: {  	_ =	sdelay $0x2  }
0x55c: {  	s2 =	sshra.s32 s8, $0x2;
	s8 =	sadd.s32 $0x200, s8  }
0x55d: {  	_ =	sdelay $0x1  }
0x55e: {  	v4 =	vld [tilespmem:s2+$0x82E0]  }
0x55f: {  	[tilespmem:s17+$0x9340] =	vst v3  }
0x560: {  	v2 =	vld.idx.msk [tilespmem:v2+s11+$0x0], $0xffff;
	_ =	sdelay $0x3  }
0x561: {  	v3 =	vld [tilespmem:s2+$0x82F0]  }
0x562: {  	[tilespmem:s17+$0x9350] =	vst v2  }
0x563: {  	v2 =	vld.idx.msk [tilespmem:v4+s11+$0x0], $0xffff;
	_ =	sdelay $0x4  }
0x564: {  	[tilespmem:s2+$0x92E0] =	vst v2;
	v2 =	vld [tilespmem:s2+$0x8300]  }
0x565: {  	v3 =	vld.idx.msk [tilespmem:v3+s11+$0x0], $0xffff;
	_ =	sdelay $0x4  }
0x566: {  	[tilespmem:s2+$0x92F0] =	vst v3;
	v3 =	vld [tilespmem:s2+$0x8310];
	_ =	sdelay $0x1  }
0x567: {  	v2 =	vld.idx.msk [tilespmem:v2+s11+$0x0], $0xffff;
	_ =	sdelay $0x4  }
0x568: {  	[tilespmem:s2+$0x9300] =	vst v2;
	v2 =	vld [tilespmem:s2+$0x8320]  }
0x569: {  	v3 =	vld.idx.msk [tilespmem:v3+s11+$0x0], $0xffff;
	_ =	sdelay $0x4  }
0x56a: {  	[tilespmem:s2+$0x9310] =	vst v3;
	v3 =	vld [tilespmem:s2+$0x8330];
	_ =	sdelay $0x1  }
0x56b: {  	v2 =	vld.idx.msk [tilespmem:v2+s11+$0x0], $0xffff;
	_ =	sdelay $0x4  }
0x56c: {  	[tilespmem:s2+$0x9320] =	vst v2;
	v2 =	vld [tilespmem:s2+$0x8340]  }
0x56d: {  	v3 =	vld.idx.msk [tilespmem:v3+s11+$0x0], $0xffff;
	_ =	sdelay $0x4  }
0x56e: {  	[tilespmem:s2+$0x9330] =	vst v3;
	v3 =	vld [tilespmem:s2+$0x8350];
	_ =	sdelay $0x1  }
0x56f: {  	v2 =	vld.idx.msk [tilespmem:v2+s11+$0x0], $0xffff;
	_ =	sdelay $0x4  }
0x570: {  	[tilespmem:s2+$0x9340] =	vst v2  }
0x571: {  	s20 =	sadd.s32 $0x1, s20;
	v2 =	vld.idx.msk [tilespmem:v3+s11+$0x0], $0xffff  }
0x572: {  	p0 =	sne.s32 s20, $0x8  }
.Ltmp23:
0x573: {  	_ = 	snop;
	(pc) =	sbr.rel @p0 .LBB2_10-.Ltmp23, $3  }
0x574: {  	_ =	sdelay $0x1  }
0x575: {  	[tilespmem:s2+$0x9350] =	vst v2  }
0x576: {  	[hbm4b:s9+s3] =	stream.linear.scatter [tilespmem:s14], [sflag:$0x3], $0x1000, $0x38;
	[tilespmem:$0x1E370] =	vst v63  }
0x577: {  	_ =	swait.ge [sflag:s10], $0x2000  }
0x578: {  	[sflag:s10] =	ssyncset.done $0x0  }
0x579: {  	[sflag:s10] =	ssyncadd.s32 $0xFFFFE000  }
0x57a: {  	_ =	swait.ge [sflag:s15], $0x1000  }
0x57b: {  	[sflag:s15] =	ssyncset.done $0x0  }
0x57c: {  	[sflag:s15] =	ssyncadd.s32 $0xFFFFF000  }
0x57d: {  	_ =	swait.ge [sflag:s16], $0x1000  }
0x57e: {  	[sflag:s16] =	ssyncset.done $0x0  }
0x57f: {  	s5 =	simm.s32 $0x4;
	[sflag:s16] =	ssyncadd.s32 $0xFFFFF000  }
0x580: {  	_ =	swait.ge [sflag:s5], $0x1000  }
0x581: {  	[sflag:s5] =	ssyncset.done $0x0  }
0x582: {  	[sflag:s5] =	ssyncadd.s32 $0xFFFFF000  }
0x583: {  	_ =	swait.ge [sflag:s5], $0x1000  }
0x584: {  	[sflag:s5] =	ssyncset.done $0x0  }
0x585: {  	[sflag:s5] =	ssyncadd.s32 $0xFFFFF000  }
0x586: {  	_ =	swait.ge [sflag:s5], $0x1000  }
0x587: {  	s8 =	rddreg [dreg:$0x15]  }
0x588: {  	s2 =	rddreg [dreg:$0x14];
	s8 =	sadd.s32 $0x1, s8  }
0x589: {  	p0 =	sne.s32 s8, s2  }
.Ltmp24:
0x58a: {  	_ = 	snop;
	(pc) =	sbr.rel @p0 .LBB2_1-.Ltmp24, $3  }
0x58b: {  	_ =	sdelay $0x1  }
0x58c: {  	[sflag:s5] =	ssyncset.done $0x0  }
0x58d: {  	[sflag:s5] =	ssyncadd.s32 $0xFFFFF000  }
0x58e: {  	_ =	sfence.sel $0x180000  }
0x58f: {  	[bflag:$0x0] =	sbarrier.arrive $0xFFFF  }
0x590: {  	_ =	strace $0x90000047  }
0x591: {  	s0 =	stileid.u32;
	[bflag:$0x2] =	sbarrier.arrive $0xFFFF  }
0x592: {  	p0 =	sne.s32 s0, $0x0;
	s0 =	rddreg [dreg:$0x3]  }
0x593: {  	s0 =	sadd.s32 @!p0 $0x100000, s0  }
0x594: {  	[sflag:s0] =	ssyncadd.tile.s32 @!p0 $0x1;
	_ =	shalt  }
.Lfunc_end2:
_tile_overlayer_lowered:
.L_overlay_start_2:
0x595: {  	(tag) =	ssettag $0x2  }
0x596: {  	s0 =	rddreg [dreg:$0x0];
	s2 =	stileid.u32  }
0x597: {  	s1 =	rddreg [dreg:$0x1];
	p0 =	sne.s32 s2, $0x0  }
0x598: {  	s3 =	rddreg [dreg:$0x2];
	[bflag:$0x3] =	sbarrier.arrive $0xFFFF;
	s2 =	simm.s32 @!p0 $0x1C06  }
0x599: {  	[timem:s3], [sflag:s2] =	dma.local @!p0 [hbm:s0], s1  }
0x59a: {  	s0 =	simm.s32 @!p0 $0x6  }
0x59b: {  	_ =	swait.ge @!p0 [sflag:s0], s1  }
0x59c: {  	s1 =	ssub.s32 @!p0 $0x0, s1;
	[sflag:s0] =	ssyncset.done @!p0 $0x0  }
0x59d: {  	[sflag:s0] =	ssyncadd.s32 @!p0 s1  }
0x59e: {  	[bflag:$0x3] =	sbarrier.arrive $0xFFFF  }
0x59f: {  	_ =	shalt  }

// kernel: sparse-core-data-format-call.cloned.1.call-start
scs
called_computation_lowered:
.L_overlay_start_0:
0x0: {  	s2 =	sld [smem:$0x3FD9]  }
0x1: {  	s3 =	sld [smem:$0x3FFE];
	_ =	sdelay $0x1  }
0x2: {  	s1 =	srdreg.scid  }
0x3: {  	s0 =	sand.u32 $0x1, s1  }
0x4: {  	s18 =	sshll.u32 s0, $0xA;
	s2 =	sadd.s32 s3, s2  }
0x5: {  	s2 =	sadd.s32 s2, s18  }
0x6: {  	[smem:$0x3FC5] =	sst s2  }
0x7: {  	_ = 	snop  }
0x8: {  	s2 =	sld [smem:$0x3FD0];
	(tm) =	ssettm $0x1  }
0x9: {  	s19 =	sld [smem:$0x3FFB];
	_ =	sdelay $0x3  }
0xa: {  	_ =	strace s19  }
0xb: {  	s3 =	sld [smem:$0x3FFC];
	_ =	sdelay $0x3  }
0xc: {  	_ =	strace s3  }
0xd: {  	s3 =	sld [smem:$0x3FFD];
	_ =	sdelay $0x3  }
0xe: {  	_ =	strace s3  }
0xf: {  	_ =	strace $0x8FFFFFFF  }
0x10: {  	s20 =	sld [smem:$0x3FDB];
	_ =	sdelay $0x1  }
0x11: {  	s4 =	simm.s32 $_scs_section_size  }
0x12: {  	s5 =	simm.s32 $_size__tile_overlayer_lowered;
	s6 =	simm.s32 $_tile_overlayer_lowered  }
0x13: {  	s23 =	simm.s32 $0x1BFF;
	s22 =	sshll.u32 s6, $0x1;
	s3 =	sadd.s32 s4, s20  }
0x14: {  	s7 =	simm.s32 $0x0;
	s21 =	sshll.u32 s5, $0x1;
	s5 =	sadd.s32 s22, s3  }
0x15: {  	[timem:s7], [sflag:s23] =	dma.local [hbm:s5], s21  }
0x16: {  	_ =	swait.ge [sflag:s23], s21  }
0x17: {  	s4 =	ssub.s32 $0x0, s21;
	[sflag:s23] =	ssyncset.done $0x0  }
0x18: {  	[sflag:s23] =	ssyncadd.s32 s4;
	_ =	sdelay $0x1  }
0x19: {  	s24 =	simm.s32 $0x1B8B  }
0x1a: {  	_ =	swait.ge [sflag:s24], $0x1  }
0x1b: {  	[sflag:s24] =	ssyncset.done $0x0  }
0x1c: {  	s26 =	simm.s32 $0x1B8E;
	s25 =	sld [smem:$0x3FFE];
	[sflag:s24] =	ssyncadd.s32 $0xFFFFFFFF  }
0x1d: {  	s27 =	simm.s32 $execute0_lowered;
	[smem:$0x3FD2] =	sst s26  }
0x1e: {  	s5 =	sshll.u32 s27, $0x1;
	_ =	strace $0x80000049;
	[dreg:$0x1] =	wrdreg $0xFFFFFFFF  }
0x1f: {  	s28 =	simm.s32 $_size_execute0_lowered;
	s3 =	sadd.s32 s3, s5;
	[dreg:$0x0] =	wrdreg $0x0  }
0x20: {  	s5 =	sshll.u32 s28, $0x1;
	[dreg:$0x2] =	wrdreg s3  }
0x21: {  	[dreg:$0x3] =	wrdreg s5  }
0x22: {  	[dreg:$0x4] =	wrdreg $0xC0  }
0x23: {  	_ =	task [dreg:s7], $0x5FFFF  }
0x24: {  	[dreg:$0x1] =	wrdreg $0xFFFFFFFF  }
0x25: {  	[dreg:$0x0] =	wrdreg $0x60  }
0x26: {  	[dreg:$0x2] =	wrdreg s25  }
0x27: {  	[dreg:$0x3] =	wrdreg s2  }
0x28: {  	[dreg:$0x4] =	wrdreg $0x9  }
0x29: {  	_ =	task.clear_ibuf [dreg:s7], $0x5FFFF;
	_ =	strace $0x90000049  }
0x2a: {  	s29 =	simm.s32 $0x9;
	_ =	strace $0x8000004B  }
0x2b: {  	_ =	swait.ge [sflag:s29], $0x1  }
0x2c: {  	[sflag:s29] =	ssyncadd.s32 $0xFFFFFFFF  }
0x2d: {  	_ =	strace $0x9000004B  }
0x2e: {  	_ =	sfence  }
0x2f: {  	s30 =	sld [smem:$0x0];
	_ =	sdelay $0x2  }
0x30: {  	s31 =	sshll.u32 s1, $0xD;
	s1 =	sshrl.u32 s1, $0x2  }
0x31: {  	s3 =	sand.u32 $0x4000, s31;
	s1 =	sadd.s32 s1, s30  }
0x32: {  	s0 =	sor.u32 s3, s0;
	s1 =	sshll.u32 s1, $0x11  }
0x33: {  	s0 =	sor.u32 s1, s0  }
0x34: {  	s0 =	sadd.s32 $0x8F2B, s0  }
0x35: {  	[sflag:s0] =	ssyncadd.remote.s32 $0x1  }
0x36: {  	_ =	sfence.sel $0xFFFF  }
0x37: {  	[dreg:$0x0] =	wrdreg $0xFFFFFFFF;
	(pc) =	sbr.abs _section_cstart, $3  }
0x38: {  	[dreg:$0x1] =	wrdreg $0xFFFFFFFF  }
0x39: {  	_ =	task.clear_ibuf [dreg:s7], $0x2FFFF;
	_ =	strace $0x9FFFFFFF  }
0x3a: {  	(tm) =	ssettm $0x7FFFFFFF  }
0x3b: {  	_ =	shalt  }
tec
execute0_lowered:
.L_overlay_start_1:
0x0: {  	(tag) =	ssettag $0x1  }
0x1: {  	s0 =	stileid.u32  }
0x2: {  	s1 =	srdreg.scid;
	s7 =	rddreg [dreg:$0x0]  }
0x3: {  	s3 =	rddreg [dreg:$0x1];
	s2 =	sshll.u32 s0, $0x5;
	s1 =	sshll.u32 s1, $0x9  }
0x4: {  	s6 =	simm.s32 $0x1;
	s8 =	simm.s32 $0x2;
	s1 =	sor.u32 s2, s1  }
0x5: {  	s14 =	simm.s32 $0x0;
	s10 =	simm.s32 $0x2000;
	s2 =	sand.u32 $0x380, s1  }
0x6: {  	s15 =	simm.s32 $0x0;
	s16 =	simm.s32 $0x0;
	s5 =	ssub.s32 $0x400, s2  }
0x7: {  	s11 =	simm.s32 $0x0;
	s13 =	simm.s32 $0x0;
	s4 =	sand.u32 $0x380, s5  }
0x8: {  	s1 =	rddreg [dreg:$0x2];
	s9 =	sshll.u32 s2, $0x4;
	p0 =	sne.s32 s4, $0x0  }
.Ltmp0:
0x9: {  	s5 =	sshrl.u32 s5, $0xA;
	s6 =	simm.s32 @!p0 $0x0;
	(pc) =	sbr.rel .LBB1_1-.Ltmp0, $4  }
0xa: {  	_ =	strace $0x8000004A;
	s7 =	sadd.s32 s7, s9;
	s5 =	sadd.s32 s6, s5  }
0xb: {  	s9 =	simm.s32 $0x400;
	s4 =	simm.s32 $0x1;
	s5 =	smul.u32 $0x83, s5  }
0xc: {  	[sflag:s4] =	ssyncpa.u1 $0x0;
	p0 =	por $0x0, $0x0;
	s6 =	sand.u32 $0x3, s0  }
0xd: {  	[sflag:s8] =	ssyncpa.u1 $0x0;
	s12 =	smov.u32 s6;
	s8 =	sadd.s32 $0x1, s5  }
.LBB1_4:
0xe: {  	s16 =	smul.u32 $0x83000, s16;
	_ =	sdelay $0x1  }
0xf: {  	s15 =	sshll.u32 s15, $0xC;
	s16 =	sadd.s32 s3, s16  }
0x10: {  	s15 =	sadd.s32 s15, s16  }
0x11: {  	[tilespmem:s20+$0x0 ss:$0x81] =	vst.msk $0xffff, v0;
	s14 =	sadd.s32 s14, s15  }
0x12: {  	[hbm4b:s14+s9] =	stream.strided.scatter [tilespmem:s17], [sflag:$0x2], $0x1000, s10, s9, $0x20;
	[tilespmem:$0x4040] =	vst v63  }
.LBB1_5:
0x13: {  	s17 =	sadd.s32 $0x1, s11  }
0x14: {  	s15 =	sadd.s32 $0x4, s12;
	s18 =	smov.u32 s12;
	p2 =	sgt.s32 s17, $0x82  }
0x15: {  	s18 =	smov.u32 @p2 s15  }
0x16: {  	s17 =	simm.s32 @p2 $0x0;
	p2 =	sgt.s32 s18, $0x3  }
0x17: {  	s18 =	smov.u32 @p2 s6;
	p2 =	sne.s32 s13, s8  }
.Ltmp1:
0x18: {  	p1 =	slt.u32 s13, $0x2;
	(pc) =	sbr.rel @!p2 .LBB1_6-.Ltmp1, $4  }
0x19: {  	s16 =	smov.u32 s12;
	s14 =	simm.s32 @!p1 $0x2  }
0x1a: {  	p0 =	por !p0, !p0;
	_ =	swait.ge @!p1 [sflag:s14], $0x1000;
	s15 =	smov.u32 s11  }
0x1b: {  	[sflag:s14] =	ssyncset.done @!p1 $0x0;
	s11 =	smov.u32 s17;
	s13 =	sadd.s32 $0x1, s13  }
0x1c: {  	[sflag:s14] =	ssyncadd.s32 @!p1 $0xFFFFF000;
	s14 =	smov.u32 s2;
	s12 =	smov.u32 s18  }
.LBB1_1:
0x1d: {  	p1 =	sge.u32 s13, s5  }
0x1e: {  	s18 =	smul.u32 @!p1 $0x20C000, s12  }
0x1f: {  	s31 =	sadd.s32 $0xFFFFFFFF, s13;
	s17 =	sxor.u32 @!p1 $0xFFFFFFFF, s13;
	s19 =	sshll.u32 @!p1 s11, $0xE  }
0x20: {  	s20 =	simm.s32 @!p1 $0x80;
	s17 =	sshll.u32 @!p1 s17, $0xC;
	s18 =	sadd.s32 @!p1 s18, s7  }
0x21: {  	s17 =	sand.u32 @!p1 $0x1000, s17;
	s18 =	sadd.s32 @!p1 s19, s18;
	s19 =	simm.s32 @!p1 $0x20  }
0x22: {  	[tilespmem:s17], [sflag:$0x1] =	stream.strided.gather @!p1 [hbm4b:s18+s19], $0x1000, s20, s19, $0x38;
	[tilespmem:$0x4040] =	vst v63  }
0x23: {  	p1 =	sge.u32 s31, s5  }
.Ltmp2:
0x24: {  	_ = 	snop;
	(pc) =	sbr.rel @p1 .LBB1_5-.Ltmp2, $1  }
0x25: {  	_ =	sdelay $0x3  }
0x26: {  	s17 =	simm.s32 $0x1  }
0x27: {  	_ =	swait.ge [sflag:s4], $0x1000;
	s17 =	simm.s32 @!p0 $0x0  }
0x28: {  	[sflag:s4] =	ssyncset.done $0x0;
	s18 =	sshll.u32 s17, $0xC  }
0x29: {  	[sflag:s4] =	ssyncadd.s32 $0xFFFFF000;
	s21 =	sor.u32 $0x10, s18  }
0x2a: {  	s17 =	smul.u32 $0x4080, s17;
	v1 =	vld [tilespmem:s21+$0x0]  }
0x2b: {  	s30 =	sand.u32 $0x1, s13;
	v0 =	vld [tilespmem:s21+$0xFFFFFFF0]  }
0x2c: {  	s19 =	smul.u32 $0x4080, s30;
	s17 =	sshrl.u32 s17, $0x2  }
0x2d: {  	s18 =	sor.u32 $0x2000, s17  }
0x2e: {  	s31 =	sshrl.u32 s19, $0x2;
	s20 =	sadd.s32 $0x0, s18  }
0x2f: {  	s19 =	simm.s32 $0x4;
	s21 =	sadd.s32 $0x20, s21;
	s17 =	sor.u32 $0x2000, s31;
	[tilespmem:s20+$0x810 ss:$0x81] =	vst.msk $0xffff, v1  }
.LBB1_3:
0x30: {  	v1 =	vld [tilespmem:s21+$0x0];
	p1 =	sne.s32 s19, $0x1FC;
	[tilespmem:s20+$0x0 ss:$0x81] =	vst.msk $0xffff, v0;
	s20 =	smov.u32 s19;
	s19 =	sadd.s32 $0x4, s19  }
.Ltmp3:
0x31: {  	v0 =	vld [tilespmem:s21+$0xFFFFFFF0];
	(pc) =	sbr.rel @p1 .LBB1_3-.Ltmp3, $4  }
0x32: {  	_ = 	snop  }
0x33: {  	s20 =	sshra.s32 s20, $0x2  }
0x34: {  	s20 =	sadd.s32 s20, s18  }
0x35: {  	s21 =	sadd.s32 $0x20, s21;
	[tilespmem:s20+$0x810 ss:$0x81] =	vst.msk $0xffff, v1  }
.Ltmp4:
0x36: {  	_ = 	snop;
	(pc) =	sbr.rel .LBB1_4-.Ltmp4, $1  }
0x37: {  	_ =	sdelay $0x3  }
.LBB1_6:
0x38: {  	_ =	sfence.sel $0x180000  }
0x39: {  	s2 =	simm.s32 $0x1;
	[bflag:$0x0] =	sbarrier.arrive $0xFFFF  }
0x3a: {  	s31 =	simm.s32 $0x2;
	[sflag:s2] =	ssyncpa.u1 $0x1  }
0x3b: {  	[sflag:s31] =	ssyncpa.u1 $0x1  }
0x3c: {  	p0 =	sne.s32 s0, $0x0;
	_ =	strace $0x9000004A  }
0x3d: {  	s0 =	sadd.s32 @!p0 $0x100000, s1;
	[bflag:$0x2] =	sbarrier.arrive $0xFFFF  }
0x3e: {  	[sflag:s0] =	ssyncadd.tile.s32 @!p0 $0x1;
	_ =	shalt  }
.Lfunc_end1:
_tile_overlayer_lowered:
.L_overlay_start_2:
0x3f: {  	(tag) =	ssettag $0x2  }
0x40: {  	s0 =	rddreg [dreg:$0x0];
	s2 =	stileid.u32  }
0x41: {  	s1 =	rddreg [dreg:$0x1];
	p0 =	sne.s32 s2, $0x0  }
0x42: {  	s3 =	rddreg [dreg:$0x2];
	[bflag:$0x3] =	sbarrier.arrive $0xFFFF;
	s2 =	simm.s32 @!p0 $0x1C01  }
0x43: {  	[timem:s3], [sflag:s2] =	dma.local @!p0 [hbm:s0], s1  }
0x44: {  	s0 =	simm.s32 @!p0 $0x1  }
0x45: {  	_ =	swait.ge @!p0 [sflag:s0], s1  }
0x46: {  	s1 =	ssub.s32 @!p0 $0x0, s1;
	[sflag:s0] =	ssyncset.done @!p0 $0x0  }
0x47: {  	[sflag:s0] =	ssyncadd.s32 @!p0 s1  }
0x48: {  	[bflag:$0x3] =	sbarrier.arrive $0xFFFF  }
0x49: {  	_ =	shalt  }

</sc_bundles>
